<compile_context>
chip_gen: v7x
topology: tpu7x:2x2x1
jax: 0.10.2.dev20260603
libtpu: 0.0.44.dev20260713+nightly
codegen_flags: <defaults>
</compile_context>

<pallas_src>
import functools

import jax
import jax.numpy as jnp
from jax import lax
from jax.experimental import pallas as pl
from jax.experimental.pallas import tpu as pltpu
from jax.experimental.pallas import tpu_sc as plsc

MAX_IDX = 62
DLEV = 8
NDIM = 768
VPAD = 64
LANES = 16


def _fuse_body(table_ref, w_ref, b_ref, out_ref):
    t = table_ref[...]
    w = w_ref[...]
    acc = lax.dot_general(t, w, (((1,), (1,)), ((), ())),
                          preferred_element_type=jnp.float32)
    z = acc + b_ref[...][None, :]
    out_ref[...] = 0.5 * z * (1.0 + lax.erf(z * (2.0 ** -0.5)))


def _fused_table(table, w, b):
    tpad = jnp.zeros((VPAD, DLEV), jnp.float32).at[:table.shape[0]].set(table)
    return pl.pallas_call(
        _fuse_body,
        out_shape=jax.ShapeDtypeStruct((VPAD, NDIM), jnp.float32),
    )(tpad, w, b)


def _make_gather(n_rows):
    info = plsc.get_sparse_core_info()
    nw = info.num_cores * info.num_subcores
    chunk = 32
    nbuf = 4
    assert n_rows % (nw * chunk) == 0
    rows_per_w = n_rows // nw
    n_chunks = rows_per_w // chunk
    mesh = plsc.VectorSubcoreMesh(core_axis_name="c", subcore_axis_name="s")

    @functools.partial(
        pl.kernel,
        out_type=jax.ShapeDtypeStruct((n_rows, NDIM), jnp.float32),
        mesh=mesh,
        scratch_types=[
            pltpu.VMEM_SHARED((VPAD, NDIM), jnp.float32),
            pltpu.VMEM((rows_per_w,), jnp.int32),
            pltpu.VMEM((nbuf, chunk, NDIM), jnp.float32),
            pltpu.SemaphoreType.DMA,
            pltpu.SemaphoreType.DMA((nbuf,)),
        ],
    )
    def gather(fused_hbm, idx_hbm, out_hbm, table_sp, idx_v, rows_v,
               sem_b, sem_w):
        sid = lax.axis_index("s")
        wid = sid * info.num_cores + lax.axis_index("c")
        w_base = wid * rows_per_w

        @pl.when(sid == 0)
        def _():
            pltpu.sync_copy(fused_hbm, table_sp)

        pltpu.sync_copy(idx_hbm.at[pl.ds(w_base, rows_per_w)], idx_v)
        plsc.subcore_barrier()

        def w_desc(i, p):
            return pltpu.make_async_copy(
                rows_v.at[p], out_hbm.at[pl.ds(w_base + i * chunk, chunk)],
                sem_w.at[p])

        def body(i, carry):
            p = lax.rem(i, nbuf)

            @pl.when(i >= nbuf)
            def _():
                w_desc(i - nbuf, p).wait()

            descs = []
            for s in range(chunk // LANES):
                xv = idx_v[pl.ds(i * chunk + s * LANES, LANES)]
                for r in range(LANES):
                    d = pltpu.make_async_copy(
                        table_sp.at[xv[r]], rows_v.at[p, s * LANES + r], sem_b)
                    d.start()
                    descs.append(d)
            for d in descs:
                d.wait()

            w_desc(i, p).start()
            return carry

        lax.fori_loop(0, n_chunks, body, 0)

        def drain(i, carry):
            w_desc(i, lax.rem(i, nbuf)).wait()
            return carry

        lax.fori_loop(n_chunks - nbuf, n_chunks, drain, 0)

    return gather


def kernel(x, table, W, b):
    bsz, seq = x.shape
    fused = _fused_table(table, W, b)
    idx = x.reshape(-1).astype(jnp.int32)
    out = _make_gather(idx.shape[0])(fused, idx)
    return out.reshape(bsz, seq, NDIM)

# --- scband reference (transcript-rebuilt; emitter-appended) ---
"""Pipeline reference for scband-embedding-rst-pos-45758581571825 (READ-ONLY COPY).

The authoritative reference and input builder live on the scoring server;
editing this copy changes nothing except your own understanding.
"""

import jax, jax.numpy as jnp
import numpy as np
import math

MAX_RST_INDEX = 62
MAX_RST_LEVEL = 8
RST_NDIM = 768
INIT_VAL = 0.05
STD = 0.02


def _left_right_seq_from_root_to_edu_pos(edukp_pos):
    li = []
    while edukp_pos > 0:
        parent_pos = math.floor((edukp_pos - 1) / 2) if edukp_pos > 0 else 0
        if edukp_pos % 2 == 0:
            li = ['R'] + li
        else:
            li = ['L'] + li
        edukp_pos = math.floor(parent_pos)
    return li


def _make_rst_encoding_table():
    w = np.zeros((MAX_RST_INDEX, MAX_RST_LEVEL), dtype=np.float32)
    split_dir_numb = {'L': -INIT_VAL, 'R': INIT_VAL}
    for idx in range(MAX_RST_INDEX):
        seq = _left_right_seq_from_root_to_edu_pos(idx)
        for idx1, val in enumerate(seq):
            w[idx, idx1] = split_dir_numb[val]
    return w


def setup_inputs(seed: int = 0) -> dict:
    key = jax.random.key(seed)
    k1, k2 = jax.random.split(key)
    x = jax.random.randint(k1, (4096, 50), 0, MAX_RST_INDEX, dtype=jnp.int64) if jax.config.read('jax_enable_x64') else jax.random.randint(k1, (4096, 50), 0, MAX_RST_INDEX, dtype=jnp.int32)
    table = jnp.asarray(_make_rst_encoding_table())
    W = jax.random.normal(k2, (RST_NDIM, MAX_RST_LEVEL), dtype=jnp.float32) * STD
    b = jnp.zeros((RST_NDIM,), dtype=jnp.float32)
    return {"x": x, "table": table, "W": W, "b": b}


def reference(x, table, W, b):
    # clamp loop: while x.max() >= max_rst_index, map to parent-ish index.
    # Inputs are generated < MAX_RST_INDEX, so a fixed number of applications
    # (each a no-op for in-range values) is faithful.
    for _ in range(6):
        x = jnp.where(x >= MAX_RST_INDEX,
                      jnp.ceil((x - 2) / 2.0).astype(x.dtype), x)
    emb = jnp.take(table, x, axis=0)          # [B, L, max_rst_level]
    out = jnp.einsum('bld,nd->bln', emb, W) + b  # Linear(max_rst_level -> ndim)
    out = jax.nn.gelu(out, approximate=False)    # torch F.gelu default (erf)
    return out

if __name__ == "__main__":
    import jax
    _d = setup_inputs()
    print(jax.jit(kernel)(*tuple(_d.values())))

</pallas_src>

<mosaic_0001>
#map = affine_map<(d0, d1) -> (0, 0)>
#map1 = affine_map<(d0, d1) -> (0)>
module attributes {stable_mosaic.version = 14 : i64} {
  func.func @gather(%arg0: i32, %arg1: i32, %arg2: memref<64x768xf32, #tpu.memory_space<hbm>>, %arg3: memref<204800xi32, #tpu.memory_space<hbm>>, %arg4: memref<204800x768xf32, #tpu.memory_space<hbm>>, %arg5: memref<64x768xf32, #tpu.memory_space<vmem_shared>>, %arg6: memref<6400xi32, #tpu.memory_space<vmem>>, %arg7: memref<4x32x768xf32, #tpu.memory_space<vmem>>, %arg8: memref<!tpu.dma_semaphore, #tpu.memory_space<semaphore_mem>>, %arg9: memref<4x!tpu.dma_semaphore, #tpu.memory_space<semaphore_mem>>) attributes {dimension_semantics = [#tpu.dimension_semantics<core_parallel>, #tpu.dimension_semantics<subcore_parallel>], iteration_bounds = array<i64: 2, 16>, scalar_prefetch = 0 : i64, scratch_operands = 5 : i64, tpu.core_type = #tpu.core_type<sc_vector_subcore>, window_params = [{transform_indices = #map}, {transform_indices = #map1}, {transform_indices = #map}]} {
    %mul3A = arith.constant 2 : i32
    %mul3A_0 = arith.muli %arg1, %mul3A : i32
    %add3A = arith.addi %mul3A_0, %arg0 : i32
    %mul3A_1 = arith.constant 6400 : i32
    %mul3A_2 = arith.muli %add3A, %mul3A_1 : i32
    %eq3A = arith.constant 0 : i32
    %eq3A_3 = arith.cmpi eq, %arg1, %eq3A : i32
    %convert_element_type3A = arith.extui %eq3A_3 : i1 to i32
    %cond3A = arith.constant 0 : i32
    %cond3A_4 = arith.cmpi ne, %convert_element_type3A, %cond3A : i32
    scf.if %cond3A_4 {
      "tpu.region"() ({
        %run_scoped3A = tpu.sem_alloc : memref<!tpu.dma_semaphore, #tpu.memory_space<semaphore_mem>>
        tpu.enqueue_dma source(%arg2 : memref<64x768xf32, #tpu.memory_space<hbm>>) target(%arg5 : memref<64x768xf32, #tpu.memory_space<vmem_shared>>) target_semaphore(%run_scoped3A : memref<!tpu.dma_semaphore, #tpu.memory_space<semaphore_mem>>)
        tpu.wait_dma2 semaphore(%run_scoped3A : memref<!tpu.dma_semaphore, #tpu.memory_space<semaphore_mem>>) src(%arg2 : memref<64x768xf32, #tpu.memory_space<hbm>>) dst(%arg5 : memref<64x768xf32, #tpu.memory_space<vmem_shared>>)
        tpu.yield
      }) : () -> ()
    } else {
    }
    "tpu.region"() ({
      %run_scoped3A = tpu.sem_alloc : memref<!tpu.dma_semaphore, #tpu.memory_space<semaphore_mem>>
      %dma_start3A = tpu.memref_slice %arg3[%mul3A_2] : memref<204800xi32, #tpu.memory_space<hbm>> -> memref<6400xi32, #tpu.memory_space<hbm>>
      %dma_start3A_16 = tpu.memref_slice %arg3[%mul3A_2] : memref<204800xi32, #tpu.memory_space<hbm>> -> memref<6400xi32, #tpu.memory_space<hbm>>
      tpu.enqueue_dma source(%dma_start3A_16 : memref<6400xi32, #tpu.memory_space<hbm>>) target(%arg6 : memref<6400xi32, #tpu.memory_space<vmem>>) target_semaphore(%run_scoped3A : memref<!tpu.dma_semaphore, #tpu.memory_space<semaphore_mem>>)
      %dma_wait3A = tpu.memref_slice %arg3[%mul3A_2] : memref<204800xi32, #tpu.memory_space<hbm>> -> memref<6400xi32, #tpu.memory_space<hbm>>
      %dma_wait3A_17 = tpu.memref_slice %arg3[%mul3A_2] : memref<204800xi32, #tpu.memory_space<hbm>> -> memref<6400xi32, #tpu.memory_space<hbm>>
      tpu.wait_dma2 semaphore(%run_scoped3A : memref<!tpu.dma_semaphore, #tpu.memory_space<semaphore_mem>>) src(%dma_wait3A_17 : memref<6400xi32, #tpu.memory_space<hbm>>) dst(%arg6 : memref<6400xi32, #tpu.memory_space<vmem>>)
      tpu.yield
    }) : () -> ()
    %barrier3A = arith.constant 0 : index
    tpu.barrier barrier_id(%barrier3A)
    %scan3A = arith.constant 0 : i32
    %scan3A_5 = arith.constant 0 : i32
    %scan3A_6 = arith.constant 200 : i32
    %scan3A_7 = arith.addi %scan3A_5, %scan3A_6 : i32
    %scan3A_8 = arith.constant 1 : i32
    scf.for %scan3A_16 = %scan3A_5 to %scan3A_7 step %scan3A_8  : i32 {
      %rem3A = arith.constant 4 : i32
      %rem3A_17 = arith.remsi %scan3A_16, %rem3A : i32
      %ge3A = arith.constant 4 : i32
      %ge3A_18 = arith.cmpi sge, %scan3A_16, %ge3A : i32
      %convert_element_type3A_19 = arith.extui %ge3A_18 : i1 to i32
      %cond3A_20 = arith.constant 0 : i32
      %cond3A_21 = arith.cmpi ne, %convert_element_type3A_19, %cond3A_20 : i32
      scf.if %cond3A_21 {
        %sub3A = arith.constant 4 : i32
        %sub3A_944 = arith.subi %scan3A_16, %sub3A : i32
        %mul3A_945 = arith.constant 32 : i32
        %mul3A_946 = arith.muli %sub3A_944, %mul3A_945 : i32
        %add3A_947 = arith.addi %mul3A_2, %mul3A_946 : i32
        %dma_wait3A_948 = arith.constant 0 : i32
        %dma_wait3A_949 = arith.constant 0 : i32
        %dma_wait3A_950 = tpu.memref_slice %arg7[%rem3A_17, %dma_wait3A_948, %dma_wait3A_949] : memref<4x32x768xf32, #tpu.memory_space<vmem>> -> memref<1x32x768xf32, #tpu.memory_space<vmem>>
        %dma_wait3A_951 = tpu.memref_squeeze %dma_wait3A_950 : memref<1x32x768xf32, #tpu.memory_space<vmem>> -> memref<32x768xf32, #tpu.memory_space<vmem>>
        %dma_wait3A_952 = arith.constant 0 : i32
        %dma_wait3A_953 = tpu.memref_slice %arg4[%add3A_947, %dma_wait3A_952] : memref<204800x768xf32, #tpu.memory_space<hbm>> -> memref<32x768xf32, #tpu.memory_space<hbm>>
        %dma_wait3A_954 = tpu.memref_slice %arg9[%rem3A_17] : memref<4x!tpu.dma_semaphore, #tpu.memory_space<semaphore_mem>> -> memref<1x!tpu.dma_semaphore, #tpu.memory_space<semaphore_mem>>
        %dma_wait3A_955 = tpu.memref_squeeze %dma_wait3A_954 : memref<1x!tpu.dma_semaphore, #tpu.memory_space<semaphore_mem>> -> memref<!tpu.dma_semaphore, #tpu.memory_space<semaphore_mem>>
        %dma_wait3A_956 = arith.constant 0 : i32
        %dma_wait3A_957 = tpu.memref_slice %arg4[%add3A_947, %dma_wait3A_956] : memref<204800x768xf32, #tpu.memory_space<hbm>> -> memref<32x768xf32, #tpu.memory_space<hbm>>
        %dma_wait3A_958 = arith.constant 0 : i32
        %dma_wait3A_959 = arith.constant 0 : i32
        %dma_wait3A_960 = tpu.memref_slice %arg7[%rem3A_17, %dma_wait3A_958, %dma_wait3A_959] : memref<4x32x768xf32, #tpu.memory_space<vmem>> -> memref<1x32x768xf32, #tpu.memory_space<vmem>>
        %dma_wait3A_961 = tpu.memref_squeeze %dma_wait3A_960 : memref<1x32x768xf32, #tpu.memory_space<vmem>> -> memref<32x768xf32, #tpu.memory_space<vmem>>
        tpu.wait_dma2 semaphore(%dma_wait3A_955 : memref<!tpu.dma_semaphore, #tpu.memory_space<semaphore_mem>>) src(%dma_wait3A_961 : memref<32x768xf32, #tpu.memory_space<vmem>>) dst(%dma_wait3A_957 : memref<32x768xf32, #tpu.memory_space<hbm>>)
      } else {
      }
      %mul3A_22 = arith.constant 32 : i32
      %mul3A_23 = arith.muli %scan3A_16, %mul3A_22 : i32
      %add3A_24 = arith.constant 0 : i32
      %add3A_25 = arith.addi %mul3A_23, %add3A_24 : i32
      %get3A = arith.index_cast %add3A_25 : i32 to index
      %get3A_26 = tpu.vector_load %arg6[%get3A] {strides = array<i32>} : memref<6400xi32, #tpu.memory_space<vmem>>, vector<16xi32>,
      %get3A_27 = vector.shape_cast %get3A_26 : vector<16xi32> to vector<16xi32>
      %slice3A = vector.extract_strided_slice %get3A_27 {offsets = [0], sizes = [1], strides = [1]} : vector<16xi32> to vector<1xi32>
      %squeeze3A = vector.extract %slice3A[0] : i32 from vector<1xi32>
      %dma_start3A = arith.constant 0 : i32
      %dma_start3A_28 = arith.constant 0 : i32
      %dma_start3A_29 = tpu.memref_slice %arg7[%rem3A_17, %dma_start3A, %dma_start3A_28] : memref<4x32x768xf32, #tpu.memory_space<vmem>> -> memref<1x1x768xf32, #tpu.memory_space<vmem>>
      %dma_start3A_30 = tpu.memref_squeeze %dma_start3A_29 : memref<1x1x768xf32, #tpu.memory_space<vmem>> -> memref<768xf32, #tpu.memory_space<vmem>>
      %dma_start3A_31 = arith.constant 0 : i32
      %dma_start3A_32 = tpu.memref_slice %arg5[%squeeze3A, %dma_start3A_31] : memref<64x768xf32, #tpu.memory_space<vmem_shared>> -> memref<1x768xf32, #tpu.memory_space<vmem_shared>>
      %dma_start3A_33 = tpu.memref_squeeze %dma_start3A_32 : memref<1x768xf32, #tpu.memory_space<vmem_shared>> -> memref<768xf32, #tpu.memory_space<vmem_shared>>
      %dma_start3A_34 = arith.constant 0 : i32
      %dma_start3A_35 = tpu.memref_slice %arg7[%rem3A_17, %dma_start3A, %dma_start3A_34] : memref<4x32x768xf32, #tpu.memory_space<vmem>> -> memref<1x1x768xf32, #tpu.memory_space<vmem>>
      %dma_start3A_36 = tpu.memref_squeeze %dma_start3A_35 : memref<1x1x768xf32, #tpu.memory_space<vmem>> -> memref<768xf32, #tpu.memory_space<vmem>>
      %dma_start3A_37 = arith.constant 0 : i32
      %dma_start3A_38 = tpu.memref_slice %arg5[%squeeze3A, %dma_start3A_37] : memref<64x768xf32, #tpu.memory_space<vmem_shared>> -> memref<1x768xf32, #tpu.memory_space<vmem_shared>>
      %dma_start3A_39 = tpu.memref_squeeze %dma_start3A_38 : memref<1x768xf32, #tpu.memory_space<vmem_shared>> -> memref<768xf32, #tpu.memory_space<vmem_shared>>
      tpu.enqueue_dma source(%dma_start3A_39 : memref<768xf32, #tpu.memory_space<vmem_shared>>) target(%dma_start3A_36 : memref<768xf32, #tpu.memory_space<vmem>>) target_semaphore(%arg8 : memref<!tpu.dma_semaphore, #tpu.memory_space<semaphore_mem>>)
      %slice3A_40 = vector.extract_strided_slice %get3A_27 {offsets = [1], sizes = [1], strides = [1]} : vector<16xi32> to vector<1xi32>
      %squeeze3A_41 = vector.extract %slice3A_40[0] : i32 from vector<1xi32>
      %dma_start3A_42 = arith.constant 1 : i32
      %dma_start3A_43 = arith.constant 0 : i32
      %dma_start3A_44 = tpu.memref_slice %arg7[%rem3A_17, %dma_start3A_42, %dma_start3A_43] : memref<4x32x768xf32, #tpu.memory_space<vmem>> -> memref<1x1x768xf32, #tpu.memory_space<vmem>>
      %dma_start3A_45 = tpu.memref_squeeze %dma_start3A_44 : memref<1x1x768xf32, #tpu.memory_space<vmem>> -> memref<768xf32, #tpu.memory_space<vmem>>
      %dma_start3A_46 = arith.constant 0 : i32
      %dma_start3A_47 = tpu.memref_slice %arg5[%squeeze3A_41, %dma_start3A_46] : memref<64x768xf32, #tpu.memory_space<vmem_shared>> -> memref<1x768xf32, #tpu.memory_space<vmem_shared>>
      %dma_start3A_48 = tpu.memref_squeeze %dma_start3A_47 : memref<1x768xf32, #tpu.memory_space<vmem_shared>> -> memref<768xf32, #tpu.memory_space<vmem_shared>>
      %dma_start3A_49 = arith.constant 0 : i32
      %dma_start3A_50 = tpu.memref_slice %arg7[%rem3A_17, %dma_start3A_42, %dma_start3A_49] : memref<4x32x768xf32, #tpu.memory_space<vmem>> -> memref<1x1x768xf32, #tpu.memory_space<vmem>>
      %dma_start3A_51 = tpu.memref_squeeze %dma_start3A_50 : memref<1x1x768xf32, #tpu.memory_space<vmem>> -> memref<768xf32, #tpu.memory_space<vmem>>
      %dma_start3A_52 = arith.constant 0 : i32
      %dma_start3A_53 = tpu.memref_slice %arg5[%squeeze3A_41, %dma_start3A_52] : memref<64x768xf32, #tpu.memory_space<vmem_shared>> -> memref<1x768xf32, #tpu.memory_space<vmem_shared>>
      %dma_start3A_54 = tpu.memref_squeeze %dma_start3A_53 : memref<1x768xf32, #tpu.memory_space<vmem_shared>> -> memref<768xf32, #tpu.memory_space<vmem_shared>>
      tpu.enqueue_dma source(%dma_start3A_54 : memref<768xf32, #tpu.memory_space<vmem_shared>>) target(%dma_start3A_51 : memref<768xf32, #tpu.memory_space<vmem>>) target_semaphore(%arg8 : memref<!tpu.dma_semaphore, #tpu.memory_space<semaphore_mem>>)
      %slice3A_55 = vector.extract_strided_slice %get3A_27 {offsets = [2], sizes = [1], strides = [1]} : vector<16xi32> to vector<1xi32>
      %squeeze3A_56 = vector.extract %slice3A_55[0] : i32 from vector<1xi32>
      %dma_start3A_57 = arith.constant 2 : i32
      %dma_start3A_58 = arith.constant 0 : i32
      %dma_start3A_59 = tpu.memref_slice %arg7[%rem3A_17, %dma_start3A_57, %dma_start3A_58] : memref<4x32x768xf32, #tpu.memory_space<vmem>> -> memref<1x1x768xf32, #tpu.memory_space<vmem>>
      %dma_start3A_60 = tpu.memref_squeeze %dma_start3A_59 : memref<1x1x768xf32, #tpu.memory_space<vmem>> -> memref<768xf32, #tpu.memory_space<vmem>>
      %dma_start3A_61 = arith.constant 0 : i32
      %dma_start3A_62 = tpu.memref_slice %arg5[%squeeze3A_56, %dma_start3A_61] : memref<64x768xf32, #tpu.memory_space<vmem_shared>> -> memref<1x768xf32, #tpu.memory_space<vmem_shared>>
      %dma_start3A_63 = tpu.memref_squeeze %dma_start3A_62 : memref<1x768xf32, #tpu.memory_space<vmem_shared>> -> memref<768xf32, #tpu.memory_space<vmem_shared>>
      %dma_start3A_64 = arith.constant 0 : i32
      %dma_start3A_65 = tpu.memref_slice %arg7[%rem3A_17, %dma_start3A_57, %dma_start3A_64] : memref<4x32x768xf32, #tpu.memory_space<vmem>> -> memref<1x1x768xf32, #tpu.memory_space<vmem>>
      %dma_start3A_66 = tpu.memref_squeeze %dma_start3A_65 : memref<1x1x768xf32, #tpu.memory_space<vmem>> -> memref<768xf32, #tpu.memory_space<vmem>>
      %dma_start3A_67 = arith.constant 0 : i32
      %dma_start3A_68 = tpu.memref_slice %arg5[%squeeze3A_56, %dma_start3A_67] : memref<64x768xf32, #tpu.memory_space<vmem_shared>> -> memref<1x768xf32, #tpu.memory_space<vmem_shared>>
      %dma_start3A_69 = tpu.memref_squeeze %dma_start3A_68 : memref<1x768xf32, #tpu.memory_space<vmem_shared>> -> memref<768xf32, #tpu.memory_space<vmem_shared>>
      tpu.enqueue_dma source(%dma_start3A_69 : memref<768xf32, #tpu.memory_space<vmem_shared>>) target(%dma_start3A_66 : memref<768xf32, #tpu.memory_space<vmem>>) target_semaphore(%arg8 : memref<!tpu.dma_semaphore, #tpu.memory_space<semaphore_mem>>)
      %slice3A_70 = vector.extract_strided_slice %get3A_27 {offsets = [3], sizes = [1], strides = [1]} : vector<16xi32> to vector<1xi32>
      %squeeze3A_71 = vector.extract %slice3A_70[0] : i32 from vector<1xi32>
      %dma_start3A_72 = arith.constant 3 : i32
      %dma_start3A_73 = arith.constant 0 : i32
      %dma_start3A_74 = tpu.memref_slice %arg7[%rem3A_17, %dma_start3A_72, %dma_start3A_73] : memref<4x32x768xf32, #tpu.memory_space<vmem>> -> memref<1x1x768xf32, #tpu.memory_space<vmem>>
      %dma_start3A_75 = tpu.memref_squeeze %dma_start3A_74 : memref<1x1x768xf32, #tpu.memory_space<vmem>> -> memref<768xf32, #tpu.memory_space<vmem>>
      %dma_start3A_76 = arith.constant 0 : i32
      %dma_start3A_77 = tpu.memref_slice %arg5[%squeeze3A_71, %dma_start3A_76] : memref<64x768xf32, #tpu.memory_space<vmem_shared>> -> memref<1x768xf32, #tpu.memory_space<vmem_shared>>
      %dma_start3A_78 = tpu.memref_squeeze %dma_start3A_77 : memref<1x768xf32, #tpu.memory_space<vmem_shared>> -> memref<768xf32, #tpu.memory_space<vmem_shared>>
      %dma_start3A_79 = arith.constant 0 : i32
      %dma_start3A_80 = tpu.memref_slice %arg7[%rem3A_17, %dma_start3A_72, %dma_start3A_79] : memref<4x32x768xf32, #tpu.memory_space<vmem>> -> memref<1x1x768xf32, #tpu.memory_space<vmem>>
      %dma_start3A_81 = tpu.memref_squeeze %dma_start3A_80 : memref<1x1x768xf32, #tpu.memory_space<vmem>> -> memref<768xf32, #tpu.memory_space<vmem>>
      %dma_start3A_82 = arith.constant 0 : i32
      %dma_start3A_83 = tpu.memref_slice %arg5[%squeeze3A_71, %dma_start3A_82] : memref<64x768xf32, #tpu.memory_space<vmem_shared>> -> memref<1x768xf32, #tpu.memory_space<vmem_shared>>
      %dma_start3A_84 = tpu.memref_squeeze %dma_start3A_83 : memref<1x768xf32, #tpu.memory_space<vmem_shared>> -> memref<768xf32, #tpu.memory_space<vmem_shared>>
      tpu.enqueue_dma source(%dma_start3A_84 : memref<768xf32, #tpu.memory_space<vmem_shared>>) target(%dma_start3A_81 : memref<768xf32, #tpu.memory_space<vmem>>) target_semaphore(%arg8 : memref<!tpu.dma_semaphore, #tpu.memory_space<semaphore_mem>>)
      %slice3A_85 = vector.extract_strided_slice %get3A_27 {offsets = [4], sizes = [1], strides = [1]} : vector<16xi32> to vector<1xi32>
      %squeeze3A_86 = vector.extract %slice3A_85[0] : i32 from vector<1xi32>
      %dma_start3A_87 = arith.constant 4 : i32
      %dma_start3A_88 = arith.constant 0 : i32
      %dma_start3A_89 = tpu.memref_slice %arg7[%rem3A_17, %dma_start3A_87, %dma_start3A_88] : memref<4x32x768xf32, #tpu.memory_space<vmem>> -> memref<1x1x768xf32, #tpu.memory_space<vmem>>
      %dma_start3A_90 = tpu.memref_squeeze %dma_start3A_89 : memref<1x1x768xf32, #tpu.memory_space<vmem>> -> memref<768xf32, #tpu.memory_space<vmem>>
      %dma_start3A_91 = arith.constant 0 : i32
      %dma_start3A_92 = tpu.memref_slice %arg5[%squeeze3A_86, %dma_start3A_91] : memref<64x768xf32, #tpu.memory_space<vmem_shared>> -> memref<1x768xf32, #tpu.memory_space<vmem_shared>>
      %dma_start3A_93 = tpu.memref_squeeze %dma_start3A_92 : memref<1x768xf32, #tpu.memory_space<vmem_shared>> -> memref<768xf32, #tpu.memory_space<vmem_shared>>
      %dma_start3A_94 = arith.constant 0 : i32
      %dma_start3A_95 = tpu.memref_slice %arg7[%rem3A_17, %dma_start3A_87, %dma_start3A_94] : memref<4x32x768xf32, #tpu.memory_space<vmem>> -> memref<1x1x768xf32, #tpu.memory_space<vmem>>
      %dma_start3A_96 = tpu.memref_squeeze %dma_start3A_95 : memref<1x1x768xf32, #tpu.memory_space<vmem>> -> memref<768xf32, #tpu.memory_space<vmem>>
      %dma_start3A_97 = arith.constant 0 : i32
      %dma_start3A_98 = tpu.memref_slice %arg5[%squeeze3A_86, %dma_start3A_97] : memref<64x768xf32, #tpu.memory_space<vmem_shared>> -> memref<1x768xf32, #tpu.memory_space<vmem_shared>>
      %dma_start3A_99 = tpu.memref_squeeze %dma_start3A_98 : memref<1x768xf32, #tpu.memory_space<vmem_shared>> -> memref<768xf32, #tpu.memory_space<vmem_shared>>
      tpu.enqueue_dma source(%dma_start3A_99 : memref<768xf32, #tpu.memory_space<vmem_shared>>) target(%dma_start3A_96 : memref<768xf32, #tpu.memory_space<vmem>>) target_semaphore(%arg8 : memref<!tpu.dma_semaphore, #tpu.memory_space<semaphore_mem>>)
      %slice3A_100 = vector.extract_strided_slice %get3A_27 {offsets = [5], sizes = [1], strides = [1]} : vector<16xi32> to vector<1xi32>
      %squeeze3A_101 = vector.extract %slice3A_100[0] : i32 from vector<1xi32>
      %dma_start3A_102 = arith.constant 5 : i32
      %dma_start3A_103 = arith.constant 0 : i32
      %dma_start3A_104 = tpu.memref_slice %arg7[%rem3A_17, %dma_start3A_102, %dma_start3A_103] : memref<4x32x768xf32, #tpu.memory_space<vmem>> -> memref<1x1x768xf32, #tpu.memory_space<vmem>>
      %dma_start3A_105 = tpu.memref_squeeze %dma_start3A_104 : memref<1x1x768xf32, #tpu.memory_space<vmem>> -> memref<768xf32, #tpu.memory_space<vmem>>
      %dma_start3A_106 = arith.constant 0 : i32
      %dma_start3A_107 = tpu.memref_slice %arg5[%squeeze3A_101, %dma_start3A_106] : memref<64x768xf32, #tpu.memory_space<vmem_shared>> -> memref<1x768xf32, #tpu.memory_space<vmem_shared>>
      %dma_start3A_108 = tpu.memref_squeeze %dma_start3A_107 : memref<1x768xf32, #tpu.memory_space<vmem_shared>> -> memref<768xf32, #tpu.memory_space<vmem_shared>>
      %dma_start3A_109 = arith.constant 0 : i32
      %dma_start3A_110 = tpu.memref_slice %arg7[%rem3A_17, %dma_start3A_102, %dma_start3A_109] : memref<4x32x768xf32, #tpu.memory_space<vmem>> -> memref<1x1x768xf32, #tpu.memory_space<vmem>>
      %dma_start3A_111 = tpu.memref_squeeze %dma_start3A_110 : memref<1x1x768xf32, #tpu.memory_space<vmem>> -> memref<768xf32, #tpu.memory_space<vmem>>
      %dma_start3A_112 = arith.constant 0 : i32
      %dma_start3A_113 = tpu.memref_slice %arg5[%squeeze3A_101, %dma_start3A_112] : memref<64x768xf32, #tpu.memory_space<vmem_shared>> -> memref<1x768xf32, #tpu.memory_space<vmem_shared>>
      %dma_start3A_114 = tpu.memref_squeeze %dma_start3A_113 : memref<1x768xf32, #tpu.memory_space<vmem_shared>> -> memref<768xf32, #tpu.memory_space<vmem_shared>>
      tpu.enqueue_dma source(%dma_start3A_114 : memref<768xf32, #tpu.memory_space<vmem_shared>>) target(%dma_start3A_111 : memref<768xf32, #tpu.memory_space<vmem>>) target_semaphore(%arg8 : memref<!tpu.dma_semaphore, #tpu.memory_space<semaphore_mem>>)
      %slice3A_115 = vector.extract_strided_slice %get3A_27 {offsets = [6], sizes = [1], strides = [1]} : vector<16xi32> to vector<1xi32>
      %squeeze3A_116 = vector.extract %slice3A_115[0] : i32 from vector<1xi32>
      %dma_start3A_117 = arith.constant 6 : i32
      %dma_start3A_118 = arith.constant 0 : i32
      %dma_start3A_119 = tpu.memref_slice %arg7[%rem3A_17, %dma_start3A_117, %dma_start3A_118] : memref<4x32x768xf32, #tpu.memory_space<vmem>> -> memref<1x1x768xf32, #tpu.memory_space<vmem>>
      %dma_start3A_120 = tpu.memref_squeeze %dma_start3A_119 : memref<1x1x768xf32, #tpu.memory_space<vmem>> -> memref<768xf32, #tpu.memory_space<vmem>>
      %dma_start3A_121 = arith.constant 0 : i32
      %dma_start3A_122 = tpu.memref_slice %arg5[%squeeze3A_116, %dma_start3A_121] : memref<64x768xf32, #tpu.memory_space<vmem_shared>> -> memref<1x768xf32, #tpu.memory_space<vmem_shared>>
      %dma_start3A_123 = tpu.memref_squeeze %dma_start3A_122 : memref<1x768xf32, #tpu.memory_space<vmem_shared>> -> memref<768xf32, #tpu.memory_space<vmem_shared>>
      %dma_start3A_124 = arith.constant 0 : i32
      %dma_start3A_125 = tpu.memref_slice %arg7[%rem3A_17, %dma_start3A_117, %dma_start3A_124] : memref<4x32x768xf32, #tpu.memory_space<vmem>> -> memref<1x1x768xf32, #tpu.memory_space<vmem>>
      %dma_start3A_126 = tpu.memref_squeeze %dma_start3A_125 : memref<1x1x768xf32, #tpu.memory_space<vmem>> -> memref<768xf32, #tpu.memory_space<vmem>>
      %dma_start3A_127 = arith.constant 0 : i32
      %dma_start3A_128 = tpu.memref_slice %arg5[%squeeze3A_116, %dma_start3A_127] : memref<64x768xf32, #tpu.memory_space<vmem_shared>> -> memref<1x768xf32, #tpu.memory_space<vmem_shared>>
      %dma_start3A_129 = tpu.memref_squeeze %dma_start3A_128 : memref<1x768xf32, #tpu.memory_space<vmem_shared>> -> memref<768xf32, #tpu.memory_space<vmem_shared>>
      tpu.enqueue_dma source(%dma_start3A_129 : memref<768xf32, #tpu.memory_space<vmem_shared>>) target(%dma_start3A_126 : memref<768xf32, #tpu.memory_space<vmem>>) target_semaphore(%arg8 : memref<!tpu.dma_semaphore, #tpu.memory_space<semaphore_mem>>)
      %slice3A_130 = vector.extract_strided_slice %get3A_27 {offsets = [7], sizes = [1], strides = [1]} : vector<16xi32> to vector<1xi32>
      %squeeze3A_131 = vector.extract %slice3A_130[0] : i32 from vector<1xi32>
      %dma_start3A_132 = arith.constant 7 : i32
      %dma_start3A_133 = arith.constant 0 : i32
      %dma_start3A_134 = tpu.memref_slice %arg7[%rem3A_17, %dma_start3A_132, %dma_start3A_133] : memref<4x32x768xf32, #tpu.memory_space<vmem>> -> memref<1x1x768xf32, #tpu.memory_space<vmem>>
      %dma_start3A_135 = tpu.memref_squeeze %dma_start3A_134 : memref<1x1x768xf32, #tpu.memory_space<vmem>> -> memref<768xf32, #tpu.memory_space<vmem>>
      %dma_start3A_136 = arith.constant 0 : i32
      %dma_start3A_137 = tpu.memref_slice %arg5[%squeeze3A_131, %dma_start3A_136] : memref<64x768xf32, #tpu.memory_space<vmem_shared>> -> memref<1x768xf32, #tpu.memory_space<vmem_shared>>
      %dma_start3A_138 = tpu.memref_squeeze %dma_start3A_137 : memref<1x768xf32, #tpu.memory_space<vmem_shared>> -> memref<768xf32, #tpu.memory_space<vmem_shared>>
      %dma_start3A_139 = arith.constant 0 : i32
      %dma_start3A_140 = tpu.memref_slice %arg7[%rem3A_17, %dma_start3A_132, %dma_start3A_139] : memref<4x32x768xf32, #tpu.memory_space<vmem>> -> memref<1x1x768xf32, #tpu.memory_space<vmem>>
      %dma_start3A_141 = tpu.memref_squeeze %dma_start3A_140 : memref<1x1x768xf32, #tpu.memory_space<vmem>> -> memref<768xf32, #tpu.memory_space<vmem>>
      %dma_start3A_142 = arith.constant 0 : i32
      %dma_start3A_143 = tpu.memref_slice %arg5[%squeeze3A_131, %dma_start3A_142] : memref<64x768xf32, #tpu.memory_space<vmem_shared>> -> memref<1x768xf32, #tpu.memory_space<vmem_shared>>
      %dma_start3A_144 = tpu.memref_squeeze %dma_start3A_143 : memref<1x768xf32, #tpu.memory_space<vmem_shared>> -> memref<768xf32, #tpu.memory_space<vmem_shared>>
      tpu.enqueue_dma source(%dma_start3A_144 : memref<768xf32, #tpu.memory_space<vmem_shared>>) target(%dma_start3A_141 : memref<768xf32, #tpu.memory_space<vmem>>) target_semaphore(%arg8 : memref<!tpu.dma_semaphore, #tpu.memory_space<semaphore_mem>>)
      %slice3A_145 = vector.extract_strided_slice %get3A_27 {offsets = [8], sizes = [1], strides = [1]} : vector<16xi32> to vector<1xi32>
      %squeeze3A_146 = vector.extract %slice3A_145[0] : i32 from vector<1xi32>
      %dma_start3A_147 = arith.constant 8 : i32
      %dma_start3A_148 = arith.constant 0 : i32
      %dma_start3A_149 = tpu.memref_slice %arg7[%rem3A_17, %dma_start3A_147, %dma_start3A_148] : memref<4x32x768xf32, #tpu.memory_space<vmem>> -> memref<1x1x768xf32, #tpu.memory_space<vmem>>
      %dma_start3A_150 = tpu.memref_squeeze %dma_start3A_149 : memref<1x1x768xf32, #tpu.memory_space<vmem>> -> memref<768xf32, #tpu.memory_space<vmem>>
      %dma_start3A_151 = arith.constant 0 : i32
      %dma_start3A_152 = tpu.memref_slice %arg5[%squeeze3A_146, %dma_start3A_151] : memref<64x768xf32, #tpu.memory_space<vmem_shared>> -> memref<1x768xf32, #tpu.memory_space<vmem_shared>>
      %dma_start3A_153 = tpu.memref_squeeze %dma_start3A_152 : memref<1x768xf32, #tpu.memory_space<vmem_shared>> -> memref<768xf32, #tpu.memory_space<vmem_shared>>
      %dma_start3A_154 = arith.constant 0 : i32
      %dma_start3A_155 = tpu.memref_slice %arg7[%rem3A_17, %dma_start3A_147, %dma_start3A_154] : memref<4x32x768xf32, #tpu.memory_space<vmem>> -> memref<1x1x768xf32, #tpu.memory_space<vmem>>
      %dma_start3A_156 = tpu.memref_squeeze %dma_start3A_155 : memref<1x1x768xf32, #tpu.memory_space<vmem>> -> memref<768xf32, #tpu.memory_space<vmem>>
      %dma_start3A_157 = arith.constant 0 : i32
      %dma_start3A_158 = tpu.memref_slice %arg5[%squeeze3A_146, %dma_start3A_157] : memref<64x768xf32, #tpu.memory_space<vmem_shared>> -> memref<1x768xf32, #tpu.memory_space<vmem_shared>>
      %dma_start3A_159 = tpu.memref_squeeze %dma_start3A_158 : memref<1x768xf32, #tpu.memory_space<vmem_shared>> -> memref<768xf32, #tpu.memory_space<vmem_shared>>
      tpu.enqueue_dma source(%dma_start3A_159 : memref<768xf32, #tpu.memory_space<vmem_shared>>) target(%dma_start3A_156 : memref<768xf32, #tpu.memory_space<vmem>>) target_semaphore(%arg8 : memref<!tpu.dma_semaphore, #tpu.memory_space<semaphore_mem>>)
      %slice3A_160 = vector.extract_strided_slice %get3A_27 {offsets = [9], sizes = [1], strides = [1]} : vector<16xi32> to vector<1xi32>
      %squeeze3A_161 = vector.extract %slice3A_160[0] : i32 from vector<1xi32>
      %dma_start3A_162 = arith.constant 9 : i32
      %dma_start3A_163 = arith.constant 0 : i32
      %dma_start3A_164 = tpu.memref_slice %arg7[%rem3A_17, %dma_start3A_162, %dma_start3A_163] : memref<4x32x768xf32, #tpu.memory_space<vmem>> -> memref<1x1x768xf32, #tpu.memory_space<vmem>>
      %dma_start3A_165 = tpu.memref_squeeze %dma_start3A_164 : memref<1x1x768xf32, #tpu.memory_space<vmem>> -> memref<768xf32, #tpu.memory_space<vmem>>
      %dma_start3A_166 = arith.constant 0 : i32
      %dma_start3A_167 = tpu.memref_slice %arg5[%squeeze3A_161, %dma_start3A_166] : memref<64x768xf32, #tpu.memory_space<vmem_shared>> -> memref<1x768xf32, #tpu.memory_space<vmem_shared>>
      %dma_start3A_168 = tpu.memref_squeeze %dma_start3A_167 : memref<1x768xf32, #tpu.memory_space<vmem_shared>> -> memref<768xf32, #tpu.memory_space<vmem_shared>>
      %dma_start3A_169 = arith.constant 0 : i32
      %dma_start3A_170 = tpu.memref_slice %arg7[%rem3A_17, %dma_start3A_162, %dma_start3A_169] : memref<4x32x768xf32, #tpu.memory_space<vmem>> -> memref<1x1x768xf32, #tpu.memory_space<vmem>>
      %dma_start3A_171 = tpu.memref_squeeze %dma_start3A_170 : memref<1x1x768xf32, #tpu.memory_space<vmem>> -> memref<768xf32, #tpu.memory_space<vmem>>
      %dma_start3A_172 = arith.constant 0 : i32
      %dma_start3A_173 = tpu.memref_slice %arg5[%squeeze3A_161, %dma_start3A_172] : memref<64x768xf32, #tpu.memory_space<vmem_shared>> -> memref<1x768xf32, #tpu.memory_space<vmem_shared>>
      %dma_start3A_174 = tpu.memref_squeeze %dma_start3A_173 : memref<1x768xf32, #tpu.memory_space<vmem_shared>> -> memref<768xf32, #tpu.memory_space<vmem_shared>>
      tpu.enqueue_dma source(%dma_start3A_174 : memref<768xf32, #tpu.memory_space<vmem_shared>>) target(%dma_start3A_171 : memref<768xf32, #tpu.memory_space<vmem>>) target_semaphore(%arg8 : memref<!tpu.dma_semaphore, #tpu.memory_space<semaphore_mem>>)
      %slice3A_175 = vector.extract_strided_slice %get3A_27 {offsets = [10], sizes = [1], strides = [1]} : vector<16xi32> to vector<1xi32>
      %squeeze3A_176 = vector.extract %slice3A_175[0] : i32 from vector<1xi32>
      %dma_start3A_177 = arith.constant 10 : i32
      %dma_start3A_178 = arith.constant 0 : i32
      %dma_start3A_179 = tpu.memref_slice %arg7[%rem3A_17, %dma_start3A_177, %dma_start3A_178] : memref<4x32x768xf32, #tpu.memory_space<vmem>> -> memref<1x1x768xf32, #tpu.memory_space<vmem>>
      %dma_start3A_180 = tpu.memref_squeeze %dma_start3A_179 : memref<1x1x768xf32, #tpu.memory_space<vmem>> -> memref<768xf32, #tpu.memory_space<vmem>>
      %dma_start3A_181 = arith.constant 0 : i32
      %dma_start3A_182 = tpu.memref_slice %arg5[%squeeze3A_176, %dma_start3A_181] : memref<64x768xf32, #tpu.memory_space<vmem_shared>> -> memref<1x768xf32, #tpu.memory_space<vmem_shared>>
      %dma_start3A_183 = tpu.memref_squeeze %dma_start3A_182 : memref<1x768xf32, #tpu.memory_space<vmem_shared>> -> memref<768xf32, #tpu.memory_space<vmem_shared>>
      %dma_start3A_184 = arith.constant 0 : i32
      %dma_start3A_185 = tpu.memref_slice %arg7[%rem3A_17, %dma_start3A_177, %dma_start3A_184] : memref<4x32x768xf32, #tpu.memory_space<vmem>> -> memref<1x1x768xf32, #tpu.memory_space<vmem>>
      %dma_start3A_186 = tpu.memref_squeeze %dma_start3A_185 : memref<1x1x768xf32, #tpu.memory_space<vmem>> -> memref<768xf32, #tpu.memory_space<vmem>>
      %dma_start3A_187 = arith.constant 0 : i32
      %dma_start3A_188 = tpu.memref_slice %arg5[%squeeze3A_176, %dma_start3A_187] : memref<64x768xf32, #tpu.memory_space<vmem_shared>> -> memref<1x768xf32, #tpu.memory_space<vmem_shared>>
      %dma_start3A_189 = tpu.memref_squeeze %dma_start3A_188 : memref<1x768xf32, #tpu.memory_space<vmem_shared>> -> memref<768xf32, #tpu.memory_space<vmem_shared>>
      tpu.enqueue_dma source(%dma_start3A_189 : memref<768xf32, #tpu.memory_space<vmem_shared>>) target(%dma_start3A_186 : memref<768xf32, #tpu.memory_space<vmem>>) target_semaphore(%arg8 : memref<!tpu.dma_semaphore, #tpu.memory_space<semaphore_mem>>)
      %slice3A_190 = vector.extract_strided_slice %get3A_27 {offsets = [11], sizes = [1], strides = [1]} : vector<16xi32> to vector<1xi32>
      %squeeze3A_191 = vector.extract %slice3A_190[0] : i32 from vector<1xi32>
      %dma_start3A_192 = arith.constant 11 : i32
      %dma_start3A_193 = arith.constant 0 : i32
      %dma_start3A_194 = tpu.memref_slice %arg7[%rem3A_17, %dma_start3A_192, %dma_start3A_193] : memref<4x32x768xf32, #tpu.memory_space<vmem>> -> memref<1x1x768xf32, #tpu.memory_space<vmem>>
      %dma_start3A_195 = tpu.memref_squeeze %dma_start3A_194 : memref<1x1x768xf32, #tpu.memory_space<vmem>> -> memref<768xf32, #tpu.memory_space<vmem>>
      %dma_start3A_196 = arith.constant 0 : i32
      %dma_start3A_197 = tpu.memref_slice %arg5[%squeeze3A_191, %dma_start3A_196] : memref<64x768xf32, #tpu.memory_space<vmem_shared>> -> memref<1x768xf32, #tpu.memory_space<vmem_shared>>
      %dma_start3A_198 = tpu.memref_squeeze %dma_start3A_197 : memref<1x768xf32, #tpu.memory_space<vmem_shared>> -> memref<768xf32, #tpu.memory_space<vmem_shared>>
      %dma_start3A_199 = arith.constant 0 : i32
      %dma_start3A_200 = tpu.memref_slice %arg7[%rem3A_17, %dma_start3A_192, %dma_start3A_199] : memref<4x32x768xf32, #tpu.memory_space<vmem>> -> memref<1x1x768xf32, #tpu.memory_space<vmem>>
      %dma_start3A_201 = tpu.memref_squeeze %dma_start3A_200 : memref<1x1x768xf32, #tpu.memory_space<vmem>> -> memref<768xf32, #tpu.memory_space<vmem>>
      %dma_start3A_202 = arith.constant 0 : i32
      %dma_start3A_203 = tpu.memref_slice %arg5[%squeeze3A_191, %dma_start3A_202] : memref<64x768xf32, #tpu.memory_space<vmem_shared>> -> memref<1x768xf32, #tpu.memory_space<vmem_shared>>
      %dma_start3A_204 = tpu.memref_squeeze %dma_start3A_203 : memref<1x768xf32, #tpu.memory_space<vmem_shared>> -> memref<768xf32, #tpu.memory_space<vmem_shared>>
      tpu.enqueue_dma source(%dma_start3A_204 : memref<768xf32, #tpu.memory_space<vmem_shared>>) target(%dma_start3A_201 : memref<768xf32, #tpu.memory_space<vmem>>) target_semaphore(%arg8 : memref<!tpu.dma_semaphore, #tpu.memory_space<semaphore_mem>>)
      %slice3A_205 = vector.extract_strided_slice %get3A_27 {offsets = [12], sizes = [1], strides = [1]} : vector<16xi32> to vector<1xi32>
      %squeeze3A_206 = vector.extract %slice3A_205[0] : i32 from vector<1xi32>
      %dma_start3A_207 = arith.constant 12 : i32
      %dma_start3A_208 = arith.constant 0 : i32
      %dma_start3A_209 = tpu.memref_slice %arg7[%rem3A_17, %dma_start3A_207, %dma_start3A_208] : memref<4x32x768xf32, #tpu.memory_space<vmem>> -> memref<1x1x768xf32, #tpu.memory_space<vmem>>
      %dma_start3A_210 = tpu.memref_squeeze %dma_start3A_209 : memref<1x1x768xf32, #tpu.memory_space<vmem>> -> memref<768xf32, #tpu.memory_space<vmem>>
      %dma_start3A_211 = arith.constant 0 : i32
      %dma_start3A_212 = tpu.memref_slice %arg5[%squeeze3A_206, %dma_start3A_211] : memref<64x768xf32, #tpu.memory_space<vmem_shared>> -> memref<1x768xf32, #tpu.memory_space<vmem_shared>>
      %dma_start3A_213 = tpu.memref_squeeze %dma_start3A_212 : memref<1x768xf32, #tpu.memory_space<vmem_shared>> -> memref<768xf32, #tpu.memory_space<vmem_shared>>
      %dma_start3A_214 = arith.constant 0 : i32
      %dma_start3A_215 = tpu.memref_slice %arg7[%rem3A_17, %dma_start3A_207, %dma_start3A_214] : memref<4x32x768xf32, #tpu.memory_space<vmem>> -> memref<1x1x768xf32, #tpu.memory_space<vmem>>
      %dma_start3A_216 = tpu.memref_squeeze %dma_start3A_215 : memref<1x1x768xf32, #tpu.memory_space<vmem>> -> memref<768xf32, #tpu.memory_space<vmem>>
      %dma_start3A_217 = arith.constant 0 : i32
      %dma_start3A_218 = tpu.memref_slice %arg5[%squeeze3A_206, %dma_start3A_217] : memref<64x768xf32, #tpu.memory_space<vmem_shared>> -> memref<1x768xf32, #tpu.memory_space<vmem_shared>>
      %dma_start3A_219 = tpu.memref_squeeze %dma_start3A_218 : memref<1x768xf32, #tpu.memory_space<vmem_shared>> -> memref<768xf32, #tpu.memory_space<vmem_shared>>
      tpu.enqueue_dma source(%dma_start3A_219 : memref<768xf32, #tpu.memory_space<vmem_shared>>) target(%dma_start3A_216 : memref<768xf32, #tpu.memory_space<vmem>>) target_semaphore(%arg8 : memref<!tpu.dma_semaphore, #tpu.memory_space<semaphore_mem>>)
      %slice3A_220 = vector.extract_strided_slice %get3A_27 {offsets = [13], sizes = [1], strides = [1]} : vector<16xi32> to vector<1xi32>
      %squeeze3A_221 = vector.extract %slice3A_220[0] : i32 from vector<1xi32>
      %dma_start3A_222 = arith.constant 13 : i32
      %dma_start3A_223 = arith.constant 0 : i32
      %dma_start3A_224 = tpu.memref_slice %arg7[%rem3A_17, %dma_start3A_222, %dma_start3A_223] : memref<4x32x768xf32, #tpu.memory_space<vmem>> -> memref<1x1x768xf32, #tpu.memory_space<vmem>>
      %dma_start3A_225 = tpu.memref_squeeze %dma_start3A_224 : memref<1x1x768xf32, #tpu.memory_space<vmem>> -> memref<768xf32, #tpu.memory_space<vmem>>
      %dma_start3A_226 = arith.constant 0 : i32
      %dma_start3A_227 = tpu.memref_slice %arg5[%squeeze3A_221, %dma_start3A_226] : memref<64x768xf32, #tpu.memory_space<vmem_shared>> -> memref<1x768xf32, #tpu.memory_space<vmem_shared>>
      %dma_start3A_228 = tpu.memref_squeeze %dma_start3A_227 : memref<1x768xf32, #tpu.memory_space<vmem_shared>> -> memref<768xf32, #tpu.memory_space<vmem_shared>>
      %dma_start3A_229 = arith.constant 0 : i32
      %dma_start3A_230 = tpu.memref_slice %arg7[%rem3A_17, %dma_start3A_222, %dma_start3A_229] : memref<4x32x768xf32, #tpu.memory_space<vmem>> -> memref<1x1x768xf32, #tpu.memory_space<vmem>>
      %dma_start3A_231 = tpu.memref_squeeze %dma_start3A_230 : memref<1x1x768xf32, #tpu.memory_space<vmem>> -> memref<768xf32, #tpu.memory_space<vmem>>
      %dma_start3A_232 = arith.constant 0 : i32
      %dma_start3A_233 = tpu.memref_slice %arg5[%squeeze3A_221, %dma_start3A_232] : memref<64x768xf32, #tpu.memory_space<vmem_shared>> -> memref<1x768xf32, #tpu.memory_space<vmem_shared>>
      %dma_start3A_234 = tpu.memref_squeeze %dma_start3A_233 : memref<1x768xf32, #tpu.memory_space<vmem_shared>> -> memref<768xf32, #tpu.memory_space<vmem_shared>>
      tpu.enqueue_dma source(%dma_start3A_234 : memref<768xf32, #tpu.memory_space<vmem_shared>>) target(%dma_start3A_231 : memref<768xf32, #tpu.memory_space<vmem>>) target_semaphore(%arg8 : memref<!tpu.dma_semaphore, #tpu.memory_space<semaphore_mem>>)
      %slice3A_235 = vector.extract_strided_slice %get3A_27 {offsets = [14], sizes = [1], strides = [1]} : vector<16xi32> to vector<1xi32>
      %squeeze3A_236 = vector.extract %slice3A_235[0] : i32 from vector<1xi32>
      %dma_start3A_237 = arith.constant 14 : i32
      %dma_start3A_238 = arith.constant 0 : i32
      %dma_start3A_239 = tpu.memref_slice %arg7[%rem3A_17, %dma_start3A_237, %dma_start3A_238] : memref<4x32x768xf32, #tpu.memory_space<vmem>> -> memref<1x1x768xf32, #tpu.memory_space<vmem>>
      %dma_start3A_240 = tpu.memref_squeeze %dma_start3A_239 : memref<1x1x768xf32, #tpu.memory_space<vmem>> -> memref<768xf32, #tpu.memory_space<vmem>>
      %dma_start3A_241 = arith.constant 0 : i32
      %dma_start3A_242 = tpu.memref_slice %arg5[%squeeze3A_236, %dma_start3A_241] : memref<64x768xf32, #tpu.memory_space<vmem_shared>> -> memref<1x768xf32, #tpu.memory_space<vmem_shared>>
      %dma_start3A_243 = tpu.memref_squeeze %dma_start3A_242 : memref<1x768xf32, #tpu.memory_space<vmem_shared>> -> memref<768xf32, #tpu.memory_space<vmem_shared>>
      %dma_start3A_244 = arith.constant 0 : i32
      %dma_start3A_245 = tpu.memref_slice %arg7[%rem3A_17, %dma_start3A_237, %dma_start3A_244] : memref<4x32x768xf32, #tpu.memory_space<vmem>> -> memref<1x1x768xf32, #tpu.memory_space<vmem>>
      %dma_start3A_246 = tpu.memref_squeeze %dma_start3A_245 : memref<1x1x768xf32, #tpu.memory_space<vmem>> -> memref<768xf32, #tpu.memory_space<vmem>>
      %dma_start3A_247 = arith.constant 0 : i32
      %dma_start3A_248 = tpu.memref_slice %arg5[%squeeze3A_236, %dma_start3A_247] : memref<64x768xf32, #tpu.memory_space<vmem_shared>> -> memref<1x768xf32, #tpu.memory_space<vmem_shared>>
      %dma_start3A_249 = tpu.memref_squeeze %dma_start3A_248 : memref<1x768xf32, #tpu.memory_space<vmem_shared>> -> memref<768xf32, #tpu.memory_space<vmem_shared>>
      tpu.enqueue_dma source(%dma_start3A_249 : memref<768xf32, #tpu.memory_space<vmem_shared>>) target(%dma_start3A_246 : memref<768xf32, #tpu.memory_space<vmem>>) target_semaphore(%arg8 : memref<!tpu.dma_semaphore, #tpu.memory_space<semaphore_mem>>)
      %slice3A_250 = vector.extract_strided_slice %get3A_27 {offsets = [15], sizes = [1], strides = [1]} : vector<16xi32> to vector<1xi32>
      %squeeze3A_251 = vector.extract %slice3A_250[0] : i32 from vector<1xi32>
      %dma_start3A_252 = arith.constant 15 : i32
      %dma_start3A_253 = arith.constant 0 : i32
      %dma_start3A_254 = tpu.memref_slice %arg7[%rem3A_17, %dma_start3A_252, %dma_start3A_253] : memref<4x32x768xf32, #tpu.memory_space<vmem>> -> memref<1x1x768xf32, #tpu.memory_space<vmem>>
      %dma_start3A_255 = tpu.memref_squeeze %dma_start3A_254 : memref<1x1x768xf32, #tpu.memory_space<vmem>> -> memref<768xf32, #tpu.memory_space<vmem>>
      %dma_start3A_256 = arith.constant 0 : i32
      %dma_start3A_257 = tpu.memref_slice %arg5[%squeeze3A_251, %dma_start3A_256] : memref<64x768xf32, #tpu.memory_space<vmem_shared>> -> memref<1x768xf32, #tpu.memory_space<vmem_shared>>
      %dma_start3A_258 = tpu.memref_squeeze %dma_start3A_257 : memref<1x768xf32, #tpu.memory_space<vmem_shared>> -> memref<768xf32, #tpu.memory_space<vmem_shared>>
      %dma_start3A_259 = arith.constant 0 : i32
      %dma_start3A_260 = tpu.memref_slice %arg7[%rem3A_17, %dma_start3A_252, %dma_start3A_259] : memref<4x32x768xf32, #tpu.memory_space<vmem>> -> memref<1x1x768xf32, #tpu.memory_space<vmem>>
      %dma_start3A_261 = tpu.memref_squeeze %dma_start3A_260 : memref<1x1x768xf32, #tpu.memory_space<vmem>> -> memref<768xf32, #tpu.memory_space<vmem>>
      %dma_start3A_262 = arith.constant 0 : i32
      %dma_start3A_263 = tpu.memref_slice %arg5[%squeeze3A_251, %dma_start3A_262] : memref<64x768xf32, #tpu.memory_space<vmem_shared>> -> memref<1x768xf32, #tpu.memory_space<vmem_shared>>
      %dma_start3A_264 = tpu.memref_squeeze %dma_start3A_263 : memref<1x768xf32, #tpu.memory_space<vmem_shared>> -> memref<768xf32, #tpu.memory_space<vmem_shared>>
      tpu.enqueue_dma source(%dma_start3A_264 : memref<768xf32, #tpu.memory_space<vmem_shared>>) target(%dma_start3A_261 : memref<768xf32, #tpu.memory_space<vmem>>) target_semaphore(%arg8 : memref<!tpu.dma_semaphore, #tpu.memory_space<semaphore_mem>>)
      %mul3A_265 = arith.constant 32 : i32
      %mul3A_266 = arith.muli %scan3A_16, %mul3A_265 : i32
      %add3A_267 = arith.constant 16 : i32
      %add3A_268 = arith.addi %mul3A_266, %add3A_267 : i32
      %get3A_269 = arith.index_cast %add3A_268 : i32 to index
      %get3A_270 = tpu.vector_load %arg6[%get3A_269] {strides = array<i32>} : memref<6400xi32, #tpu.memory_space<vmem>>, vector<16xi32>,
      %get3A_271 = vector.shape_cast %get3A_270 : vector<16xi32> to vector<16xi32>
      %slice3A_272 = vector.extract_strided_slice %get3A_271 {offsets = [0], sizes = [1], strides = [1]} : vector<16xi32> to vector<1xi32>
      %squeeze3A_273 = vector.extract %slice3A_272[0] : i32 from vector<1xi32>
      %dma_start3A_274 = arith.constant 16 : i32
      %dma_start3A_275 = arith.constant 0 : i32
      %dma_start3A_276 = tpu.memref_slice %arg7[%rem3A_17, %dma_start3A_274, %dma_start3A_275] : memref<4x32x768xf32, #tpu.memory_space<vmem>> -> memref<1x1x768xf32, #tpu.memory_space<vmem>>
      %dma_start3A_277 = tpu.memref_squeeze %dma_start3A_276 : memref<1x1x768xf32, #tpu.memory_space<vmem>> -> memref<768xf32, #tpu.memory_space<vmem>>
      %dma_start3A_278 = arith.constant 0 : i32
      %dma_start3A_279 = tpu.memref_slice %arg5[%squeeze3A_273, %dma_start3A_278] : memref<64x768xf32, #tpu.memory_space<vmem_shared>> -> memref<1x768xf32, #tpu.memory_space<vmem_shared>>
      %dma_start3A_280 = tpu.memref_squeeze %dma_start3A_279 : memref<1x768xf32, #tpu.memory_space<vmem_shared>> -> memref<768xf32, #tpu.memory_space<vmem_shared>>
      %dma_start3A_281 = arith.constant 0 : i32
      %dma_start3A_282 = tpu.memref_slice %arg7[%rem3A_17, %dma_start3A_274, %dma_start3A_281] : memref<4x32x768xf32, #tpu.memory_space<vmem>> -> memref<1x1x768xf32, #tpu.memory_space<vmem>>
      %dma_start3A_283 = tpu.memref_squeeze %dma_start3A_282 : memref<1x1x768xf32, #tpu.memory_space<vmem>> -> memref<768xf32, #tpu.memory_space<vmem>>
      %dma_start3A_284 = arith.constant 0 : i32
      %dma_start3A_285 = tpu.memref_slice %arg5[%squeeze3A_273, %dma_start3A_284] : memref<64x768xf32, #tpu.memory_space<vmem_shared>> -> memref<1x768xf32, #tpu.memory_space<vmem_shared>>
      %dma_start3A_286 = tpu.memref_squeeze %dma_start3A_285 : memref<1x768xf32, #tpu.memory_space<vmem_shared>> -> memref<768xf32, #tpu.memory_space<vmem_shared>>
      tpu.enqueue_dma source(%dma_start3A_286 : memref<768xf32, #tpu.memory_space<vmem_shared>>) target(%dma_start3A_283 : memref<768xf32, #tpu.memory_space<vmem>>) target_semaphore(%arg8 : memref<!tpu.dma_semaphore, #tpu.memory_space<semaphore_mem>>)
      %slice3A_287 = vector.extract_strided_slice %get3A_271 {offsets = [1], sizes = [1], strides = [1]} : vector<16xi32> to vector<1xi32>
      %squeeze3A_288 = vector.extract %slice3A_287[0] : i32 from vector<1xi32>
      %dma_start3A_289 = arith.constant 17 : i32
      %dma_start3A_290 = arith.constant 0 : i32
      %dma_start3A_291 = tpu.memref_slice %arg7[%rem3A_17, %dma_start3A_289, %dma_start3A_290] : memref<4x32x768xf32, #tpu.memory_space<vmem>> -> memref<1x1x768xf32, #tpu.memory_space<vmem>>
      %dma_start3A_292 = tpu.memref_squeeze %dma_start3A_291 : memref<1x1x768xf32, #tpu.memory_space<vmem>> -> memref<768xf32, #tpu.memory_space<vmem>>
      %dma_start3A_293 = arith.constant 0 : i32
      %dma_start3A_294 = tpu.memref_slice %arg5[%squeeze3A_288, %dma_start3A_293] : memref<64x768xf32, #tpu.memory_space<vmem_shared>> -> memref<1x768xf32, #tpu.memory_space<vmem_shared>>
      %dma_start3A_295 = tpu.memref_squeeze %dma_start3A_294 : memref<1x768xf32, #tpu.memory_space<vmem_shared>> -> memref<768xf32, #tpu.memory_space<vmem_shared>>
      %dma_start3A_296 = arith.constant 0 : i32
      %dma_start3A_297 = tpu.memref_slice %arg7[%rem3A_17, %dma_start3A_289, %dma_start3A_296] : memref<4x32x768xf32, #tpu.memory_space<vmem>> -> memref<1x1x768xf32, #tpu.memory_space<vmem>>
      %dma_start3A_298 = tpu.memref_squeeze %dma_start3A_297 : memref<1x1x768xf32, #tpu.memory_space<vmem>> -> memref<768xf32, #tpu.memory_space<vmem>>
      %dma_start3A_299 = arith.constant 0 : i32
      %dma_start3A_300 = tpu.memref_slice %arg5[%squeeze3A_288, %dma_start3A_299] : memref<64x768xf32, #tpu.memory_space<vmem_shared>> -> memref<1x768xf32, #tpu.memory_space<vmem_shared>>
      %dma_start3A_301 = tpu.memref_squeeze %dma_start3A_300 : memref<1x768xf32, #tpu.memory_space<vmem_shared>> -> memref<768xf32, #tpu.memory_space<vmem_shared>>
      tpu.enqueue_dma source(%dma_start3A_301 : memref<768xf32, #tpu.memory_space<vmem_shared>>) target(%dma_start3A_298 : memref<768xf32, #tpu.memory_space<vmem>>) target_semaphore(%arg8 : memref<!tpu.dma_semaphore, #tpu.memory_space<semaphore_mem>>)
      %slice3A_302 = vector.extract_strided_slice %get3A_271 {offsets = [2], sizes = [1], strides = [1]} : vector<16xi32> to vector<1xi32>
      %squeeze3A_303 = vector.extract %slice3A_302[0] : i32 from vector<1xi32>
      %dma_start3A_304 = arith.constant 18 : i32
      %dma_start3A_305 = arith.constant 0 : i32
      %dma_start3A_306 = tpu.memref_slice %arg7[%rem3A_17, %dma_start3A_304, %dma_start3A_305] : memref<4x32x768xf32, #tpu.memory_space<vmem>> -> memref<1x1x768xf32, #tpu.memory_space<vmem>>
      %dma_start3A_307 = tpu.memref_squeeze %dma_start3A_306 : memref<1x1x768xf32, #tpu.memory_space<vmem>> -> memref<768xf32, #tpu.memory_space<vmem>>
      %dma_start3A_308 = arith.constant 0 : i32
      %dma_start3A_309 = tpu.memref_slice %arg5[%squeeze3A_303, %dma_start3A_308] : memref<64x768xf32, #tpu.memory_space<vmem_shared>> -> memref<1x768xf32, #tpu.memory_space<vmem_shared>>
      %dma_start3A_310 = tpu.memref_squeeze %dma_start3A_309 : memref<1x768xf32, #tpu.memory_space<vmem_shared>> -> memref<768xf32, #tpu.memory_space<vmem_shared>>
      %dma_start3A_311 = arith.constant 0 : i32
      %dma_start3A_312 = tpu.memref_slice %arg7[%rem3A_17, %dma_start3A_304, %dma_start3A_311] : memref<4x32x768xf32, #tpu.memory_space<vmem>> -> memref<1x1x768xf32, #tpu.memory_space<vmem>>
      %dma_start3A_313 = tpu.memref_squeeze %dma_start3A_312 : memref<1x1x768xf32, #tpu.memory_space<vmem>> -> memref<768xf32, #tpu.memory_space<vmem>>
      %dma_start3A_314 = arith.constant 0 : i32
      %dma_start3A_315 = tpu.memref_slice %arg5[%squeeze3A_303, %dma_start3A_314] : memref<64x768xf32, #tpu.memory_space<vmem_shared>> -> memref<1x768xf32, #tpu.memory_space<vmem_shared>>
      %dma_start3A_316 = tpu.memref_squeeze %dma_start3A_315 : memref<1x768xf32, #tpu.memory_space<vmem_shared>> -> memref<768xf32, #tpu.memory_space<vmem_shared>>
      tpu.enqueue_dma source(%dma_start3A_316 : memref<768xf32, #tpu.memory_space<vmem_shared>>) target(%dma_start3A_313 : memref<768xf32, #tpu.memory_space<vmem>>) target_semaphore(%arg8 : memref<!tpu.dma_semaphore, #tpu.memory_space<semaphore_mem>>)
      %slice3A_317 = vector.extract_strided_slice %get3A_271 {offsets = [3], sizes = [1], strides = [1]} : vector<16xi32> to vector<1xi32>
      %squeeze3A_318 = vector.extract %slice3A_317[0] : i32 from vector<1xi32>
      %dma_start3A_319 = arith.constant 19 : i32
      %dma_start3A_320 = arith.constant 0 : i32
      %dma_start3A_321 = tpu.memref_slice %arg7[%rem3A_17, %dma_start3A_319, %dma_start3A_320] : memref<4x32x768xf32, #tpu.memory_space<vmem>> -> memref<1x1x768xf32, #tpu.memory_space<vmem>>
      %dma_start3A_322 = tpu.memref_squeeze %dma_start3A_321 : memref<1x1x768xf32, #tpu.memory_space<vmem>> -> memref<768xf32, #tpu.memory_space<vmem>>
      %dma_start3A_323 = arith.constant 0 : i32
      %dma_start3A_324 = tpu.memref_slice %arg5[%squeeze3A_318, %dma_start3A_323] : memref<64x768xf32, #tpu.memory_space<vmem_shared>> -> memref<1x768xf32, #tpu.memory_space<vmem_shared>>
      %dma_start3A_325 = tpu.memref_squeeze %dma_start3A_324 : memref<1x768xf32, #tpu.memory_space<vmem_shared>> -> memref<768xf32, #tpu.memory_space<vmem_shared>>
      %dma_start3A_326 = arith.constant 0 : i32
      %dma_start3A_327 = tpu.memref_slice %arg7[%rem3A_17, %dma_start3A_319, %dma_start3A_326] : memref<4x32x768xf32, #tpu.memory_space<vmem>> -> memref<1x1x768xf32, #tpu.memory_space<vmem>>
      %dma_start3A_328 = tpu.memref_squeeze %dma_start3A_327 : memref<1x1x768xf32, #tpu.memory_space<vmem>> -> memref<768xf32, #tpu.memory_space<vmem>>
      %dma_start3A_329 = arith.constant 0 : i32
      %dma_start3A_330 = tpu.memref_slice %arg5[%squeeze3A_318, %dma_start3A_329] : memref<64x768xf32, #tpu.memory_space<vmem_shared>> -> memref<1x768xf32, #tpu.memory_space<vmem_shared>>
      %dma_start3A_331 = tpu.memref_squeeze %dma_start3A_330 : memref<1x768xf32, #tpu.memory_space<vmem_shared>> -> memref<768xf32, #tpu.memory_space<vmem_shared>>
      tpu.enqueue_dma source(%dma_start3A_331 : memref<768xf32, #tpu.memory_space<vmem_shared>>) target(%dma_start3A_328 : memref<768xf32, #tpu.memory_space<vmem>>) target_semaphore(%arg8 : memref<!tpu.dma_semaphore, #tpu.memory_space<semaphore_mem>>)
      %slice3A_332 = vector.extract_strided_slice %get3A_271 {offsets = [4], sizes = [1], strides = [1]} : vector<16xi32> to vector<1xi32>
      %squeeze3A_333 = vector.extract %slice3A_332[0] : i32 from vector<1xi32>
      %dma_start3A_334 = arith.constant 20 : i32
      %dma_start3A_335 = arith.constant 0 : i32
      %dma_start3A_336 = tpu.memref_slice %arg7[%rem3A_17, %dma_start3A_334, %dma_start3A_335] : memref<4x32x768xf32, #tpu.memory_space<vmem>> -> memref<1x1x768xf32, #tpu.memory_space<vmem>>
      %dma_start3A_337 = tpu.memref_squeeze %dma_start3A_336 : memref<1x1x768xf32, #tpu.memory_space<vmem>> -> memref<768xf32, #tpu.memory_space<vmem>>
      %dma_start3A_338 = arith.constant 0 : i32
      %dma_start3A_339 = tpu.memref_slice %arg5[%squeeze3A_333, %dma_start3A_338] : memref<64x768xf32, #tpu.memory_space<vmem_shared>> -> memref<1x768xf32, #tpu.memory_space<vmem_shared>>
      %dma_start3A_340 = tpu.memref_squeeze %dma_start3A_339 : memref<1x768xf32, #tpu.memory_space<vmem_shared>> -> memref<768xf32, #tpu.memory_space<vmem_shared>>
      %dma_start3A_341 = arith.constant 0 : i32
      %dma_start3A_342 = tpu.memref_slice %arg7[%rem3A_17, %dma_start3A_334, %dma_start3A_341] : memref<4x32x768xf32, #tpu.memory_space<vmem>> -> memref<1x1x768xf32, #tpu.memory_space<vmem>>
      %dma_start3A_343 = tpu.memref_squeeze %dma_start3A_342 : memref<1x1x768xf32, #tpu.memory_space<vmem>> -> memref<768xf32, #tpu.memory_space<vmem>>
      %dma_start3A_344 = arith.constant 0 : i32
      %dma_start3A_345 = tpu.memref_slice %arg5[%squeeze3A_333, %dma_start3A_344] : memref<64x768xf32, #tpu.memory_space<vmem_shared>> -> memref<1x768xf32, #tpu.memory_space<vmem_shared>>
      %dma_start3A_346 = tpu.memref_squeeze %dma_start3A_345 : memref<1x768xf32, #tpu.memory_space<vmem_shared>> -> memref<768xf32, #tpu.memory_space<vmem_shared>>
      tpu.enqueue_dma source(%dma_start3A_346 : memref<768xf32, #tpu.memory_space<vmem_shared>>) target(%dma_start3A_343 : memref<768xf32, #tpu.memory_space<vmem>>) target_semaphore(%arg8 : memref<!tpu.dma_semaphore, #tpu.memory_space<semaphore_mem>>)
      %slice3A_347 = vector.extract_strided_slice %get3A_271 {offsets = [5], sizes = [1], strides = [1]} : vector<16xi32> to vector<1xi32>
      %squeeze3A_348 = vector.extract %slice3A_347[0] : i32 from vector<1xi32>
      %dma_start3A_349 = arith.constant 21 : i32
      %dma_start3A_350 = arith.constant 0 : i32
      %dma_start3A_351 = tpu.memref_slice %arg7[%rem3A_17, %dma_start3A_349, %dma_start3A_350] : memref<4x32x768xf32, #tpu.memory_space<vmem>> -> memref<1x1x768xf32, #tpu.memory_space<vmem>>
      %dma_start3A_352 = tpu.memref_squeeze %dma_start3A_351 : memref<1x1x768xf32, #tpu.memory_space<vmem>> -> memref<768xf32, #tpu.memory_space<vmem>>
      %dma_start3A_353 = arith.constant 0 : i32
      %dma_start3A_354 = tpu.memref_slice %arg5[%squeeze3A_348, %dma_start3A_353] : memref<64x768xf32, #tpu.memory_space<vmem_shared>> -> memref<1x768xf32, #tpu.memory_space<vmem_shared>>
      %dma_start3A_355 = tpu.memref_squeeze %dma_start3A_354 : memref<1x768xf32, #tpu.memory_space<vmem_shared>> -> memref<768xf32, #tpu.memory_space<vmem_shared>>
      %dma_start3A_356 = arith.constant 0 : i32
      %dma_start3A_357 = tpu.memref_slice %arg7[%rem3A_17, %dma_start3A_349, %dma_start3A_356] : memref<4x32x768xf32, #tpu.memory_space<vmem>> -> memref<1x1x768xf32, #tpu.memory_space<vmem>>
      %dma_start3A_358 = tpu.memref_squeeze %dma_start3A_357 : memref<1x1x768xf32, #tpu.memory_space<vmem>> -> memref<768xf32, #tpu.memory_space<vmem>>
      %dma_start3A_359 = arith.constant 0 : i32
      %dma_start3A_360 = tpu.memref_slice %arg5[%squeeze3A_348, %dma_start3A_359] : memref<64x768xf32, #tpu.memory_space<vmem_shared>> -> memref<1x768xf32, #tpu.memory_space<vmem_shared>>
      %dma_start3A_361 = tpu.memref_squeeze %dma_start3A_360 : memref<1x768xf32, #tpu.memory_space<vmem_shared>> -> memref<768xf32, #tpu.memory_space<vmem_shared>>
      tpu.enqueue_dma source(%dma_start3A_361 : memref<768xf32, #tpu.memory_space<vmem_shared>>) target(%dma_start3A_358 : memref<768xf32, #tpu.memory_space<vmem>>) target_semaphore(%arg8 : memref<!tpu.dma_semaphore, #tpu.memory_space<semaphore_mem>>)
      %slice3A_362 = vector.extract_strided_slice %get3A_271 {offsets = [6], sizes = [1], strides = [1]} : vector<16xi32> to vector<1xi32>
      %squeeze3A_363 = vector.extract %slice3A_362[0] : i32 from vector<1xi32>
      %dma_start3A_364 = arith.constant 22 : i32
      %dma_start3A_365 = arith.constant 0 : i32
      %dma_start3A_366 = tpu.memref_slice %arg7[%rem3A_17, %dma_start3A_364, %dma_start3A_365] : memref<4x32x768xf32, #tpu.memory_space<vmem>> -> memref<1x1x768xf32, #tpu.memory_space<vmem>>
      %dma_start3A_367 = tpu.memref_squeeze %dma_start3A_366 : memref<1x1x768xf32, #tpu.memory_space<vmem>> -> memref<768xf32, #tpu.memory_space<vmem>>
      %dma_start3A_368 = arith.constant 0 : i32
      %dma_start3A_369 = tpu.memref_slice %arg5[%squeeze3A_363, %dma_start3A_368] : memref<64x768xf32, #tpu.memory_space<vmem_shared>> -> memref<1x768xf32, #tpu.memory_space<vmem_shared>>
      %dma_start3A_370 = tpu.memref_squeeze %dma_start3A_369 : memref<1x768xf32, #tpu.memory_space<vmem_shared>> -> memref<768xf32, #tpu.memory_space<vmem_shared>>
      %dma_start3A_371 = arith.constant 0 : i32
      %dma_start3A_372 = tpu.memref_slice %arg7[%rem3A_17, %dma_start3A_364, %dma_start3A_371] : memref<4x32x768xf32, #tpu.memory_space<vmem>> -> memref<1x1x768xf32, #tpu.memory_space<vmem>>
      %dma_start3A_373 = tpu.memref_squeeze %dma_start3A_372 : memref<1x1x768xf32, #tpu.memory_space<vmem>> -> memref<768xf32, #tpu.memory_space<vmem>>
      %dma_start3A_374 = arith.constant 0 : i32
      %dma_start3A_375 = tpu.memref_slice %arg5[%squeeze3A_363, %dma_start3A_374] : memref<64x768xf32, #tpu.memory_space<vmem_shared>> -> memref<1x768xf32, #tpu.memory_space<vmem_shared>>
      %dma_start3A_376 = tpu.memref_squeeze %dma_start3A_375 : memref<1x768xf32, #tpu.memory_space<vmem_shared>> -> memref<768xf32, #tpu.memory_space<vmem_shared>>
      tpu.enqueue_dma source(%dma_start3A_376 : memref<768xf32, #tpu.memory_space<vmem_shared>>) target(%dma_start3A_373 : memref<768xf32, #tpu.memory_space<vmem>>) target_semaphore(%arg8 : memref<!tpu.dma_semaphore, #tpu.memory_space<semaphore_mem>>)
      %slice3A_377 = vector.extract_strided_slice %get3A_271 {offsets = [7], sizes = [1], strides = [1]} : vector<16xi32> to vector<1xi32>
      %squeeze3A_378 = vector.extract %slice3A_377[0] : i32 from vector<1xi32>
      %dma_start3A_379 = arith.constant 23 : i32
      %dma_start3A_380 = arith.constant 0 : i32
      %dma_start3A_381 = tpu.memref_slice %arg7[%rem3A_17, %dma_start3A_379, %dma_start3A_380] : memref<4x32x768xf32, #tpu.memory_space<vmem>> -> memref<1x1x768xf32, #tpu.memory_space<vmem>>
      %dma_start3A_382 = tpu.memref_squeeze %dma_start3A_381 : memref<1x1x768xf32, #tpu.memory_space<vmem>> -> memref<768xf32, #tpu.memory_space<vmem>>
      %dma_start3A_383 = arith.constant 0 : i32
      %dma_start3A_384 = tpu.memref_slice %arg5[%squeeze3A_378, %dma_start3A_383] : memref<64x768xf32, #tpu.memory_space<vmem_shared>> -> memref<1x768xf32, #tpu.memory_space<vmem_shared>>
      %dma_start3A_385 = tpu.memref_squeeze %dma_start3A_384 : memref<1x768xf32, #tpu.memory_space<vmem_shared>> -> memref<768xf32, #tpu.memory_space<vmem_shared>>
      %dma_start3A_386 = arith.constant 0 : i32
      %dma_start3A_387 = tpu.memref_slice %arg7[%rem3A_17, %dma_start3A_379, %dma_start3A_386] : memref<4x32x768xf32, #tpu.memory_space<vmem>> -> memref<1x1x768xf32, #tpu.memory_space<vmem>>
      %dma_start3A_388 = tpu.memref_squeeze %dma_start3A_387 : memref<1x1x768xf32, #tpu.memory_space<vmem>> -> memref<768xf32, #tpu.memory_space<vmem>>
      %dma_start3A_389 = arith.constant 0 : i32
      %dma_start3A_390 = tpu.memref_slice %arg5[%squeeze3A_378, %dma_start3A_389] : memref<64x768xf32, #tpu.memory_space<vmem_shared>> -> memref<1x768xf32, #tpu.memory_space<vmem_shared>>
      %dma_start3A_391 = tpu.memref_squeeze %dma_start3A_390 : memref<1x768xf32, #tpu.memory_space<vmem_shared>> -> memref<768xf32, #tpu.memory_space<vmem_shared>>
      tpu.enqueue_dma source(%dma_start3A_391 : memref<768xf32, #tpu.memory_space<vmem_shared>>) target(%dma_start3A_388 : memref<768xf32, #tpu.memory_space<vmem>>) target_semaphore(%arg8 : memref<!tpu.dma_semaphore, #tpu.memory_space<semaphore_mem>>)
      %slice3A_392 = vector.extract_strided_slice %get3A_271 {offsets = [8], sizes = [1], strides = [1]} : vector<16xi32> to vector<1xi32>
      %squeeze3A_393 = vector.extract %slice3A_392[0] : i32 from vector<1xi32>
      %dma_start3A_394 = arith.constant 24 : i32
      %dma_start3A_395 = arith.constant 0 : i32
      %dma_start3A_396 = tpu.memref_slice %arg7[%rem3A_17, %dma_start3A_394, %dma_start3A_395] : memref<4x32x768xf32, #tpu.memory_space<vmem>> -> memref<1x1x768xf32, #tpu.memory_space<vmem>>
      %dma_start3A_397 = tpu.memref_squeeze %dma_start3A_396 : memref<1x1x768xf32, #tpu.memory_space<vmem>> -> memref<768xf32, #tpu.memory_space<vmem>>
      %dma_start3A_398 = arith.constant 0 : i32
      %dma_start3A_399 = tpu.memref_slice %arg5[%squeeze3A_393, %dma_start3A_398] : memref<64x768xf32, #tpu.memory_space<vmem_shared>> -> memref<1x768xf32, #tpu.memory_space<vmem_shared>>
      %dma_start3A_400 = tpu.memref_squeeze %dma_start3A_399 : memref<1x768xf32, #tpu.memory_space<vmem_shared>> -> memref<768xf32, #tpu.memory_space<vmem_shared>>
      %dma_start3A_401 = arith.constant 0 : i32
      %dma_start3A_402 = tpu.memref_slice %arg7[%rem3A_17, %dma_start3A_394, %dma_start3A_401] : memref<4x32x768xf32, #tpu.memory_space<vmem>> -> memref<1x1x768xf32, #tpu.memory_space<vmem>>
      %dma_start3A_403 = tpu.memref_squeeze %dma_start3A_402 : memref<1x1x768xf32, #tpu.memory_space<vmem>> -> memref<768xf32, #tpu.memory_space<vmem>>
      %dma_start3A_404 = arith.constant 0 : i32
      %dma_start3A_405 = tpu.memref_slice %arg5[%squeeze3A_393, %dma_start3A_404] : memref<64x768xf32, #tpu.memory_space<vmem_shared>> -> memref<1x768xf32, #tpu.memory_space<vmem_shared>>
      %dma_start3A_406 = tpu.memref_squeeze %dma_start3A_405 : memref<1x768xf32, #tpu.memory_space<vmem_shared>> -> memref<768xf32, #tpu.memory_space<vmem_shared>>
      tpu.enqueue_dma source(%dma_start3A_406 : memref<768xf32, #tpu.memory_space<vmem_shared>>) target(%dma_start3A_403 : memref<768xf32, #tpu.memory_space<vmem>>) target_semaphore(%arg8 : memref<!tpu.dma_semaphore, #tpu.memory_space<semaphore_mem>>)
      %slice3A_407 = vector.extract_strided_slice %get3A_271 {offsets = [9], sizes = [1], strides = [1]} : vector<16xi32> to vector<1xi32>
      %squeeze3A_408 = vector.extract %slice3A_407[0] : i32 from vector<1xi32>
      %dma_start3A_409 = arith.constant 25 : i32
      %dma_start3A_410 = arith.constant 0 : i32
      %dma_start3A_411 = tpu.memref_slice %arg7[%rem3A_17, %dma_start3A_409, %dma_start3A_410] : memref<4x32x768xf32, #tpu.memory_space<vmem>> -> memref<1x1x768xf32, #tpu.memory_space<vmem>>
      %dma_start3A_412 = tpu.memref_squeeze %dma_start3A_411 : memref<1x1x768xf32, #tpu.memory_space<vmem>> -> memref<768xf32, #tpu.memory_space<vmem>>
      %dma_start3A_413 = arith.constant 0 : i32
      %dma_start3A_414 = tpu.memref_slice %arg5[%squeeze3A_408, %dma_start3A_413] : memref<64x768xf32, #tpu.memory_space<vmem_shared>> -> memref<1x768xf32, #tpu.memory_space<vmem_shared>>
      %dma_start3A_415 = tpu.memref_squeeze %dma_start3A_414 : memref<1x768xf32, #tpu.memory_space<vmem_shared>> -> memref<768xf32, #tpu.memory_space<vmem_shared>>
      %dma_start3A_416 = arith.constant 0 : i32
      %dma_start3A_417 = tpu.memref_slice %arg7[%rem3A_17, %dma_start3A_409, %dma_start3A_416] : memref<4x32x768xf32, #tpu.memory_space<vmem>> -> memref<1x1x768xf32, #tpu.memory_space<vmem>>
      %dma_start3A_418 = tpu.memref_squeeze %dma_start3A_417 : memref<1x1x768xf32, #tpu.memory_space<vmem>> -> memref<768xf32, #tpu.memory_space<vmem>>
      %dma_start3A_419 = arith.constant 0 : i32
      %dma_start3A_420 = tpu.memref_slice %arg5[%squeeze3A_408, %dma_start3A_419] : memref<64x768xf32, #tpu.memory_space<vmem_shared>> -> memref<1x768xf32, #tpu.memory_space<vmem_shared>>
      %dma_start3A_421 = tpu.memref_squeeze %dma_start3A_420 : memref<1x768xf32, #tpu.memory_space<vmem_shared>> -> memref<768xf32, #tpu.memory_space<vmem_shared>>
      tpu.enqueue_dma source(%dma_start3A_421 : memref<768xf32, #tpu.memory_space<vmem_shared>>) target(%dma_start3A_418 : memref<768xf32, #tpu.memory_space<vmem>>) target_semaphore(%arg8 : memref<!tpu.dma_semaphore, #tpu.memory_space<semaphore_mem>>)
      %slice3A_422 = vector.extract_strided_slice %get3A_271 {offsets = [10], sizes = [1], strides = [1]} : vector<16xi32> to vector<1xi32>
      %squeeze3A_423 = vector.extract %slice3A_422[0] : i32 from vector<1xi32>
      %dma_start3A_424 = arith.constant 26 : i32
      %dma_start3A_425 = arith.constant 0 : i32
      %dma_start3A_426 = tpu.memref_slice %arg7[%rem3A_17, %dma_start3A_424, %dma_start3A_425] : memref<4x32x768xf32, #tpu.memory_space<vmem>> -> memref<1x1x768xf32, #tpu.memory_space<vmem>>
      %dma_start3A_427 = tpu.memref_squeeze %dma_start3A_426 : memref<1x1x768xf32, #tpu.memory_space<vmem>> -> memref<768xf32, #tpu.memory_space<vmem>>
      %dma_start3A_428 = arith.constant 0 : i32
      %dma_start3A_429 = tpu.memref_slice %arg5[%squeeze3A_423, %dma_start3A_428] : memref<64x768xf32, #tpu.memory_space<vmem_shared>> -> memref<1x768xf32, #tpu.memory_space<vmem_shared>>
      %dma_start3A_430 = tpu.memref_squeeze %dma_start3A_429 : memref<1x768xf32, #tpu.memory_space<vmem_shared>> -> memref<768xf32, #tpu.memory_space<vmem_shared>>
      %dma_start3A_431 = arith.constant 0 : i32
      %dma_start3A_432 = tpu.memref_slice %arg7[%rem3A_17, %dma_start3A_424, %dma_start3A_431] : memref<4x32x768xf32, #tpu.memory_space<vmem>> -> memref<1x1x768xf32, #tpu.memory_space<vmem>>
      %dma_start3A_433 = tpu.memref_squeeze %dma_start3A_432 : memref<1x1x768xf32, #tpu.memory_space<vmem>> -> memref<768xf32, #tpu.memory_space<vmem>>
      %dma_start3A_434 = arith.constant 0 : i32
      %dma_start3A_435 = tpu.memref_slice %arg5[%squeeze3A_423, %dma_start3A_434] : memref<64x768xf32, #tpu.memory_space<vmem_shared>> -> memref<1x768xf32, #tpu.memory_space<vmem_shared>>
      %dma_start3A_436 = tpu.memref_squeeze %dma_start3A_435 : memref<1x768xf32, #tpu.memory_space<vmem_shared>> -> memref<768xf32, #tpu.memory_space<vmem_shared>>
      tpu.enqueue_dma source(%dma_start3A_436 : memref<768xf32, #tpu.memory_space<vmem_shared>>) target(%dma_start3A_433 : memref<768xf32, #tpu.memory_space<vmem>>) target_semaphore(%arg8 : memref<!tpu.dma_semaphore, #tpu.memory_space<semaphore_mem>>)
      %slice3A_437 = vector.extract_strided_slice %get3A_271 {offsets = [11], sizes = [1], strides = [1]} : vector<16xi32> to vector<1xi32>
      %squeeze3A_438 = vector.extract %slice3A_437[0] : i32 from vector<1xi32>
      %dma_start3A_439 = arith.constant 27 : i32
      %dma_start3A_440 = arith.constant 0 : i32
      %dma_start3A_441 = tpu.memref_slice %arg7[%rem3A_17, %dma_start3A_439, %dma_start3A_440] : memref<4x32x768xf32, #tpu.memory_space<vmem>> -> memref<1x1x768xf32, #tpu.memory_space<vmem>>
      %dma_start3A_442 = tpu.memref_squeeze %dma_start3A_441 : memref<1x1x768xf32, #tpu.memory_space<vmem>> -> memref<768xf32, #tpu.memory_space<vmem>>
      %dma_start3A_443 = arith.constant 0 : i32
      %dma_start3A_444 = tpu.memref_slice %arg5[%squeeze3A_438, %dma_start3A_443] : memref<64x768xf32, #tpu.memory_space<vmem_shared>> -> memref<1x768xf32, #tpu.memory_space<vmem_shared>>
      %dma_start3A_445 = tpu.memref_squeeze %dma_start3A_444 : memref<1x768xf32, #tpu.memory_space<vmem_shared>> -> memref<768xf32, #tpu.memory_space<vmem_shared>>
      %dma_start3A_446 = arith.constant 0 : i32
      %dma_start3A_447 = tpu.memref_slice %arg7[%rem3A_17, %dma_start3A_439, %dma_start3A_446] : memref<4x32x768xf32, #tpu.memory_space<vmem>> -> memref<1x1x768xf32, #tpu.memory_space<vmem>>
      %dma_start3A_448 = tpu.memref_squeeze %dma_start3A_447 : memref<1x1x768xf32, #tpu.memory_space<vmem>> -> memref<768xf32, #tpu.memory_space<vmem>>
      %dma_start3A_449 = arith.constant 0 : i32
      %dma_start3A_450 = tpu.memref_slice %arg5[%squeeze3A_438, %dma_start3A_449] : memref<64x768xf32, #tpu.memory_space<vmem_shared>> -> memref<1x768xf32, #tpu.memory_space<vmem_shared>>
      %dma_start3A_451 = tpu.memref_squeeze %dma_start3A_450 : memref<1x768xf32, #tpu.memory_space<vmem_shared>> -> memref<768xf32, #tpu.memory_space<vmem_shared>>
      tpu.enqueue_dma source(%dma_start3A_451 : memref<768xf32, #tpu.memory_space<vmem_shared>>) target(%dma_start3A_448 : memref<768xf32, #tpu.memory_space<vmem>>) target_semaphore(%arg8 : memref<!tpu.dma_semaphore, #tpu.memory_space<semaphore_mem>>)
      %slice3A_452 = vector.extract_strided_slice %get3A_271 {offsets = [12], sizes = [1], strides = [1]} : vector<16xi32> to vector<1xi32>
      %squeeze3A_453 = vector.extract %slice3A_452[0] : i32 from vector<1xi32>
      %dma_start3A_454 = arith.constant 28 : i32
      %dma_start3A_455 = arith.constant 0 : i32
      %dma_start3A_456 = tpu.memref_slice %arg7[%rem3A_17, %dma_start3A_454, %dma_start3A_455] : memref<4x32x768xf32, #tpu.memory_space<vmem>> -> memref<1x1x768xf32, #tpu.memory_space<vmem>>
      %dma_start3A_457 = tpu.memref_squeeze %dma_start3A_456 : memref<1x1x768xf32, #tpu.memory_space<vmem>> -> memref<768xf32, #tpu.memory_space<vmem>>
      %dma_start3A_458 = arith.constant 0 : i32
      %dma_start3A_459 = tpu.memref_slice %arg5[%squeeze3A_453, %dma_start3A_458] : memref<64x768xf32, #tpu.memory_space<vmem_shared>> -> memref<1x768xf32, #tpu.memory_space<vmem_shared>>
      %dma_start3A_460 = tpu.memref_squeeze %dma_start3A_459 : memref<1x768xf32, #tpu.memory_space<vmem_shared>> -> memref<768xf32, #tpu.memory_space<vmem_shared>>
      %dma_start3A_461 = arith.constant 0 : i32
      %dma_start3A_462 = tpu.memref_slice %arg7[%rem3A_17, %dma_start3A_454, %dma_start3A_461] : memref<4x32x768xf32, #tpu.memory_space<vmem>> -> memref<1x1x768xf32, #tpu.memory_space<vmem>>
      %dma_start3A_463 = tpu.memref_squeeze %dma_start3A_462 : memref<1x1x768xf32, #tpu.memory_space<vmem>> -> memref<768xf32, #tpu.memory_space<vmem>>
      %dma_start3A_464 = arith.constant 0 : i32
      %dma_start3A_465 = tpu.memref_slice %arg5[%squeeze3A_453, %dma_start3A_464] : memref<64x768xf32, #tpu.memory_space<vmem_shared>> -> memref<1x768xf32, #tpu.memory_space<vmem_shared>>
      %dma_start3A_466 = tpu.memref_squeeze %dma_start3A_465 : memref<1x768xf32, #tpu.memory_space<vmem_shared>> -> memref<768xf32, #tpu.memory_space<vmem_shared>>
      tpu.enqueue_dma source(%dma_start3A_466 : memref<768xf32, #tpu.memory_space<vmem_shared>>) target(%dma_start3A_463 : memref<768xf32, #tpu.memory_space<vmem>>) target_semaphore(%arg8 : memref<!tpu.dma_semaphore, #tpu.memory_space<semaphore_mem>>)
      %slice3A_467 = vector.extract_strided_slice %get3A_271 {offsets = [13], sizes = [1], strides = [1]} : vector<16xi32> to vector<1xi32>
      %squeeze3A_468 = vector.extract %slice3A_467[0] : i32 from vector<1xi32>
      %dma_start3A_469 = arith.constant 29 : i32
      %dma_start3A_470 = arith.constant 0 : i32
      %dma_start3A_471 = tpu.memref_slice %arg7[%rem3A_17, %dma_start3A_469, %dma_start3A_470] : memref<4x32x768xf32, #tpu.memory_space<vmem>> -> memref<1x1x768xf32, #tpu.memory_space<vmem>>
      %dma_start3A_472 = tpu.memref_squeeze %dma_start3A_471 : memref<1x1x768xf32, #tpu.memory_space<vmem>> -> memref<768xf32, #tpu.memory_space<vmem>>
      %dma_start3A_473 = arith.constant 0 : i32
      %dma_start3A_474 = tpu.memref_slice %arg5[%squeeze3A_468, %dma_start3A_473] : memref<64x768xf32, #tpu.memory_space<vmem_shared>> -> memref<1x768xf32, #tpu.memory_space<vmem_shared>>
      %dma_start3A_475 = tpu.memref_squeeze %dma_start3A_474 : memref<1x768xf32, #tpu.memory_space<vmem_shared>> -> memref<768xf32, #tpu.memory_space<vmem_shared>>
      %dma_start3A_476 = arith.constant 0 : i32
      %dma_start3A_477 = tpu.memref_slice %arg7[%rem3A_17, %dma_start3A_469, %dma_start3A_476] : memref<4x32x768xf32, #tpu.memory_space<vmem>> -> memref<1x1x768xf32, #tpu.memory_space<vmem>>
      %dma_start3A_478 = tpu.memref_squeeze %dma_start3A_477 : memref<1x1x768xf32, #tpu.memory_space<vmem>> -> memref<768xf32, #tpu.memory_space<vmem>>
      %dma_start3A_479 = arith.constant 0 : i32
      %dma_start3A_480 = tpu.memref_slice %arg5[%squeeze3A_468, %dma_start3A_479] : memref<64x768xf32, #tpu.memory_space<vmem_shared>> -> memref<1x768xf32, #tpu.memory_space<vmem_shared>>
      %dma_start3A_481 = tpu.memref_squeeze %dma_start3A_480 : memref<1x768xf32, #tpu.memory_space<vmem_shared>> -> memref<768xf32, #tpu.memory_space<vmem_shared>>
      tpu.enqueue_dma source(%dma_start3A_481 : memref<768xf32, #tpu.memory_space<vmem_shared>>) target(%dma_start3A_478 : memref<768xf32, #tpu.memory_space<vmem>>) target_semaphore(%arg8 : memref<!tpu.dma_semaphore, #tpu.memory_space<semaphore_mem>>)
      %slice3A_482 = vector.extract_strided_slice %get3A_271 {offsets = [14], sizes = [1], strides = [1]} : vector<16xi32> to vector<1xi32>
      %squeeze3A_483 = vector.extract %slice3A_482[0] : i32 from vector<1xi32>
      %dma_start3A_484 = arith.constant 30 : i32
      %dma_start3A_485 = arith.constant 0 : i32
      %dma_start3A_486 = tpu.memref_slice %arg7[%rem3A_17, %dma_start3A_484, %dma_start3A_485] : memref<4x32x768xf32, #tpu.memory_space<vmem>> -> memref<1x1x768xf32, #tpu.memory_space<vmem>>
      %dma_start3A_487 = tpu.memref_squeeze %dma_start3A_486 : memref<1x1x768xf32, #tpu.memory_space<vmem>> -> memref<768xf32, #tpu.memory_space<vmem>>
      %dma_start3A_488 = arith.constant 0 : i32
      %dma_start3A_489 = tpu.memref_slice %arg5[%squeeze3A_483, %dma_start3A_488] : memref<64x768xf32, #tpu.memory_space<vmem_shared>> -> memref<1x768xf32, #tpu.memory_space<vmem_shared>>
      %dma_start3A_490 = tpu.memref_squeeze %dma_start3A_489 : memref<1x768xf32, #tpu.memory_space<vmem_shared>> -> memref<768xf32, #tpu.memory_space<vmem_shared>>
      %dma_start3A_491 = arith.constant 0 : i32
      %dma_start3A_492 = tpu.memref_slice %arg7[%rem3A_17, %dma_start3A_484, %dma_start3A_491] : memref<4x32x768xf32, #tpu.memory_space<vmem>> -> memref<1x1x768xf32, #tpu.memory_space<vmem>>
      %dma_start3A_493 = tpu.memref_squeeze %dma_start3A_492 : memref<1x1x768xf32, #tpu.memory_space<vmem>> -> memref<768xf32, #tpu.memory_space<vmem>>
      %dma_start3A_494 = arith.constant 0 : i32
      %dma_start3A_495 = tpu.memref_slice %arg5[%squeeze3A_483, %dma_start3A_494] : memref<64x768xf32, #tpu.memory_space<vmem_shared>> -> memref<1x768xf32, #tpu.memory_space<vmem_shared>>
      %dma_start3A_496 = tpu.memref_squeeze %dma_start3A_495 : memref<1x768xf32, #tpu.memory_space<vmem_shared>> -> memref<768xf32, #tpu.memory_space<vmem_shared>>
      tpu.enqueue_dma source(%dma_start3A_496 : memref<768xf32, #tpu.memory_space<vmem_shared>>) target(%dma_start3A_493 : memref<768xf32, #tpu.memory_space<vmem>>) target_semaphore(%arg8 : memref<!tpu.dma_semaphore, #tpu.memory_space<semaphore_mem>>)
      %slice3A_497 = vector.extract_strided_slice %get3A_271 {offsets = [15], sizes = [1], strides = [1]} : vector<16xi32> to vector<1xi32>
      %squeeze3A_498 = vector.extract %slice3A_497[0] : i32 from vector<1xi32>
      %dma_start3A_499 = arith.constant 31 : i32
      %dma_start3A_500 = arith.constant 0 : i32
      %dma_start3A_501 = tpu.memref_slice %arg7[%rem3A_17, %dma_start3A_499, %dma_start3A_500] : memref<4x32x768xf32, #tpu.memory_space<vmem>> -> memref<1x1x768xf32, #tpu.memory_space<vmem>>
      %dma_start3A_502 = tpu.memref_squeeze %dma_start3A_501 : memref<1x1x768xf32, #tpu.memory_space<vmem>> -> memref<768xf32, #tpu.memory_space<vmem>>
      %dma_start3A_503 = arith.constant 0 : i32
      %dma_start3A_504 = tpu.memref_slice %arg5[%squeeze3A_498, %dma_start3A_503] : memref<64x768xf32, #tpu.memory_space<vmem_shared>> -> memref<1x768xf32, #tpu.memory_space<vmem_shared>>
      %dma_start3A_505 = tpu.memref_squeeze %dma_start3A_504 : memref<1x768xf32, #tpu.memory_space<vmem_shared>> -> memref<768xf32, #tpu.memory_space<vmem_shared>>
      %dma_start3A_506 = arith.constant 0 : i32
      %dma_start3A_507 = tpu.memref_slice %arg7[%rem3A_17, %dma_start3A_499, %dma_start3A_506] : memref<4x32x768xf32, #tpu.memory_space<vmem>> -> memref<1x1x768xf32, #tpu.memory_space<vmem>>
      %dma_start3A_508 = tpu.memref_squeeze %dma_start3A_507 : memref<1x1x768xf32, #tpu.memory_space<vmem>> -> memref<768xf32, #tpu.memory_space<vmem>>
      %dma_start3A_509 = arith.constant 0 : i32
      %dma_start3A_510 = tpu.memref_slice %arg5[%squeeze3A_498, %dma_start3A_509] : memref<64x768xf32, #tpu.memory_space<vmem_shared>> -> memref<1x768xf32, #tpu.memory_space<vmem_shared>>
      %dma_start3A_511 = tpu.memref_squeeze %dma_start3A_510 : memref<1x768xf32, #tpu.memory_space<vmem_shared>> -> memref<768xf32, #tpu.memory_space<vmem_shared>>
      tpu.enqueue_dma source(%dma_start3A_511 : memref<768xf32, #tpu.memory_space<vmem_shared>>) target(%dma_start3A_508 : memref<768xf32, #tpu.memory_space<vmem>>) target_semaphore(%arg8 : memref<!tpu.dma_semaphore, #tpu.memory_space<semaphore_mem>>)
      %dma_wait3A = arith.constant 0 : i32
      %dma_wait3A_512 = arith.constant 0 : i32
      %dma_wait3A_513 = tpu.memref_slice %arg7[%rem3A_17, %dma_wait3A, %dma_wait3A_512] : memref<4x32x768xf32, #tpu.memory_space<vmem>> -> memref<1x1x768xf32, #tpu.memory_space<vmem>>
      %dma_wait3A_514 = tpu.memref_squeeze %dma_wait3A_513 : memref<1x1x768xf32, #tpu.memory_space<vmem>> -> memref<768xf32, #tpu.memory_space<vmem>>
      %dma_wait3A_515 = arith.constant 0 : i32
      %dma_wait3A_516 = tpu.memref_slice %arg5[%squeeze3A, %dma_wait3A_515] : memref<64x768xf32, #tpu.memory_space<vmem_shared>> -> memref<1x768xf32, #tpu.memory_space<vmem_shared>>
      %dma_wait3A_517 = tpu.memref_squeeze %dma_wait3A_516 : memref<1x768xf32, #tpu.memory_space<vmem_shared>> -> memref<768xf32, #tpu.memory_space<vmem_shared>>
      %dma_wait3A_518 = arith.constant 0 : i32
      %dma_wait3A_519 = tpu.memref_slice %arg7[%rem3A_17, %dma_wait3A, %dma_wait3A_518] : memref<4x32x768xf32, #tpu.memory_space<vmem>> -> memref<1x1x768xf32, #tpu.memory_space<vmem>>
      %dma_wait3A_520 = tpu.memref_squeeze %dma_wait3A_519 : memref<1x1x768xf32, #tpu.memory_space<vmem>> -> memref<768xf32, #tpu.memory_space<vmem>>
      %dma_wait3A_521 = arith.constant 0 : i32
      %dma_wait3A_522 = tpu.memref_slice %arg5[%squeeze3A, %dma_wait3A_521] : memref<64x768xf32, #tpu.memory_space<vmem_shared>> -> memref<1x768xf32, #tpu.memory_space<vmem_shared>>
      %dma_wait3A_523 = tpu.memref_squeeze %dma_wait3A_522 : memref<1x768xf32, #tpu.memory_space<vmem_shared>> -> memref<768xf32, #tpu.memory_space<vmem_shared>>
      tpu.wait_dma2 semaphore(%arg8 : memref<!tpu.dma_semaphore, #tpu.memory_space<semaphore_mem>>) src(%dma_wait3A_523 : memref<768xf32, #tpu.memory_space<vmem_shared>>) dst(%dma_wait3A_520 : memref<768xf32, #tpu.memory_space<vmem>>)
      %dma_wait3A_524 = arith.constant 1 : i32
      %dma_wait3A_525 = arith.constant 0 : i32
      %dma_wait3A_526 = tpu.memref_slice %arg7[%rem3A_17, %dma_wait3A_524, %dma_wait3A_525] : memref<4x32x768xf32, #tpu.memory_space<vmem>> -> memref<1x1x768xf32, #tpu.memory_space<vmem>>
      %dma_wait3A_527 = tpu.memref_squeeze %dma_wait3A_526 : memref<1x1x768xf32, #tpu.memory_space<vmem>> -> memref<768xf32, #tpu.memory_space<vmem>>
      %dma_wait3A_528 = arith.constant 0 : i32
      %dma_wait3A_529 = tpu.memref_slice %arg5[%squeeze3A_41, %dma_wait3A_528] : memref<64x768xf32, #tpu.memory_space<vmem_shared>> -> memref<1x768xf32, #tpu.memory_space<vmem_shared>>
      %dma_wait3A_530 = tpu.memref_squeeze %dma_wait3A_529 : memref<1x768xf32, #tpu.memory_space<vmem_shared>> -> memref<768xf32, #tpu.memory_space<vmem_shared>>
      %dma_wait3A_531 = arith.constant 0 : i32
      %dma_wait3A_532 = tpu.memref_slice %arg7[%rem3A_17, %dma_wait3A_524, %dma_wait3A_531] : memref<4x32x768xf32, #tpu.memory_space<vmem>> -> memref<1x1x768xf32, #tpu.memory_space<vmem>>
      %dma_wait3A_533 = tpu.memref_squeeze %dma_wait3A_532 : memref<1x1x768xf32, #tpu.memory_space<vmem>> -> memref<768xf32, #tpu.memory_space<vmem>>
      %dma_wait3A_534 = arith.constant 0 : i32
      %dma_wait3A_535 = tpu.memref_slice %arg5[%squeeze3A_41, %dma_wait3A_534] : memref<64x768xf32, #tpu.memory_space<vmem_shared>> -> memref<1x768xf32, #tpu.memory_space<vmem_shared>>
      %dma_wait3A_536 = tpu.memref_squeeze %dma_wait3A_535 : memref<1x768xf32, #tpu.memory_space<vmem_shared>> -> memref<768xf32, #tpu.memory_space<vmem_shared>>
      tpu.wait_dma2 semaphore(%arg8 : memref<!tpu.dma_semaphore, #tpu.memory_space<semaphore_mem>>) src(%dma_wait3A_536 : memref<768xf32, #tpu.memory_space<vmem_shared>>) dst(%dma_wait3A_533 : memref<768xf32, #tpu.memory_space<vmem>>)
      %dma_wait3A_537 = arith.constant 2 : i32
      %dma_wait3A_538 = arith.constant 0 : i32
      %dma_wait3A_539 = tpu.memref_slice %arg7[%rem3A_17, %dma_wait3A_537, %dma_wait3A_538] : memref<4x32x768xf32, #tpu.memory_space<vmem>> -> memref<1x1x768xf32, #tpu.memory_space<vmem>>
      %dma_wait3A_540 = tpu.memref_squeeze %dma_wait3A_539 : memref<1x1x768xf32, #tpu.memory_space<vmem>> -> memref<768xf32, #tpu.memory_space<vmem>>
      %dma_wait3A_541 = arith.constant 0 : i32
      %dma_wait3A_542 = tpu.memref_slice %arg5[%squeeze3A_56, %dma_wait3A_541] : memref<64x768xf32, #tpu.memory_space<vmem_shared>> -> memref<1x768xf32, #tpu.memory_space<vmem_shared>>
      %dma_wait3A_543 = tpu.memref_squeeze %dma_wait3A_542 : memref<1x768xf32, #tpu.memory_space<vmem_shared>> -> memref<768xf32, #tpu.memory_space<vmem_shared>>
      %dma_wait3A_544 = arith.constant 0 : i32
      %dma_wait3A_545 = tpu.memref_slice %arg7[%rem3A_17, %dma_wait3A_537, %dma_wait3A_544] : memref<4x32x768xf32, #tpu.memory_space<vmem>> -> memref<1x1x768xf32, #tpu.memory_space<vmem>>
      %dma_wait3A_546 = tpu.memref_squeeze %dma_wait3A_545 : memref<1x1x768xf32, #tpu.memory_space<vmem>> -> memref<768xf32, #tpu.memory_space<vmem>>
      %dma_wait3A_547 = arith.constant 0 : i32
      %dma_wait3A_548 = tpu.memref_slice %arg5[%squeeze3A_56, %dma_wait3A_547] : memref<64x768xf32, #tpu.memory_space<vmem_shared>> -> memref<1x768xf32, #tpu.memory_space<vmem_shared>>
      %dma_wait3A_549 = tpu.memref_squeeze %dma_wait3A_548 : memref<1x768xf32, #tpu.memory_space<vmem_shared>> -> memref<768xf32, #tpu.memory_space<vmem_shared>>
      tpu.wait_dma2 semaphore(%arg8 : memref<!tpu.dma_semaphore, #tpu.memory_space<semaphore_mem>>) src(%dma_wait3A_549 : memref<768xf32, #tpu.memory_space<vmem_shared>>) dst(%dma_wait3A_546 : memref<768xf32, #tpu.memory_space<vmem>>)
      %dma_wait3A_550 = arith.constant 3 : i32
      %dma_wait3A_551 = arith.constant 0 : i32
      %dma_wait3A_552 = tpu.memref_slice %arg7[%rem3A_17, %dma_wait3A_550, %dma_wait3A_551] : memref<4x32x768xf32, #tpu.memory_space<vmem>> -> memref<1x1x768xf32, #tpu.memory_space<vmem>>
      %dma_wait3A_553 = tpu.memref_squeeze %dma_wait3A_552 : memref<1x1x768xf32, #tpu.memory_space<vmem>> -> memref<768xf32, #tpu.memory_space<vmem>>
      %dma_wait3A_554 = arith.constant 0 : i32
      %dma_wait3A_555 = tpu.memref_slice %arg5[%squeeze3A_71, %dma_wait3A_554] : memref<64x768xf32, #tpu.memory_space<vmem_shared>> -> memref<1x768xf32, #tpu.memory_space<vmem_shared>>
      %dma_wait3A_556 = tpu.memref_squeeze %dma_wait3A_555 : memref<1x768xf32, #tpu.memory_space<vmem_shared>> -> memref<768xf32, #tpu.memory_space<vmem_shared>>
      %dma_wait3A_557 = arith.constant 0 : i32
      %dma_wait3A_558 = tpu.memref_slice %arg7[%rem3A_17, %dma_wait3A_550, %dma_wait3A_557] : memref<4x32x768xf32, #tpu.memory_space<vmem>> -> memref<1x1x768xf32, #tpu.memory_space<vmem>>
      %dma_wait3A_559 = tpu.memref_squeeze %dma_wait3A_558 : memref<1x1x768xf32, #tpu.memory_space<vmem>> -> memref<768xf32, #tpu.memory_space<vmem>>
      %dma_wait3A_560 = arith.constant 0 : i32
      %dma_wait3A_561 = tpu.memref_slice %arg5[%squeeze3A_71, %dma_wait3A_560] : memref<64x768xf32, #tpu.memory_space<vmem_shared>> -> memref<1x768xf32, #tpu.memory_space<vmem_shared>>
      %dma_wait3A_562 = tpu.memref_squeeze %dma_wait3A_561 : memref<1x768xf32, #tpu.memory_space<vmem_shared>> -> memref<768xf32, #tpu.memory_space<vmem_shared>>
      tpu.wait_dma2 semaphore(%arg8 : memref<!tpu.dma_semaphore, #tpu.memory_space<semaphore_mem>>) src(%dma_wait3A_562 : memref<768xf32, #tpu.memory_space<vmem_shared>>) dst(%dma_wait3A_559 : memref<768xf32, #tpu.memory_space<vmem>>)
      %dma_wait3A_563 = arith.constant 4 : i32
      %dma_wait3A_564 = arith.constant 0 : i32
      %dma_wait3A_565 = tpu.memref_slice %arg7[%rem3A_17, %dma_wait3A_563, %dma_wait3A_564] : memref<4x32x768xf32, #tpu.memory_space<vmem>> -> memref<1x1x768xf32, #tpu.memory_space<vmem>>
      %dma_wait3A_566 = tpu.memref_squeeze %dma_wait3A_565 : memref<1x1x768xf32, #tpu.memory_space<vmem>> -> memref<768xf32, #tpu.memory_space<vmem>>
      %dma_wait3A_567 = arith.constant 0 : i32
      %dma_wait3A_568 = tpu.memref_slice %arg5[%squeeze3A_86, %dma_wait3A_567] : memref<64x768xf32, #tpu.memory_space<vmem_shared>> -> memref<1x768xf32, #tpu.memory_space<vmem_shared>>
      %dma_wait3A_569 = tpu.memref_squeeze %dma_wait3A_568 : memref<1x768xf32, #tpu.memory_space<vmem_shared>> -> memref<768xf32, #tpu.memory_space<vmem_shared>>
      %dma_wait3A_570 = arith.constant 0 : i32
      %dma_wait3A_571 = tpu.memref_slice %arg7[%rem3A_17, %dma_wait3A_563, %dma_wait3A_570] : memref<4x32x768xf32, #tpu.memory_space<vmem>> -> memref<1x1x768xf32, #tpu.memory_space<vmem>>
      %dma_wait3A_572 = tpu.memref_squeeze %dma_wait3A_571 : memref<1x1x768xf32, #tpu.memory_space<vmem>> -> memref<768xf32, #tpu.memory_space<vmem>>
      %dma_wait3A_573 = arith.constant 0 : i32
      %dma_wait3A_574 = tpu.memref_slice %arg5[%squeeze3A_86, %dma_wait3A_573] : memref<64x768xf32, #tpu.memory_space<vmem_shared>> -> memref<1x768xf32, #tpu.memory_space<vmem_shared>>
      %dma_wait3A_575 = tpu.memref_squeeze %dma_wait3A_574 : memref<1x768xf32, #tpu.memory_space<vmem_shared>> -> memref<768xf32, #tpu.memory_space<vmem_shared>>
      tpu.wait_dma2 semaphore(%arg8 : memref<!tpu.dma_semaphore, #tpu.memory_space<semaphore_mem>>) src(%dma_wait3A_575 : memref<768xf32, #tpu.memory_space<vmem_shared>>) dst(%dma_wait3A_572 : memref<768xf32, #tpu.memory_space<vmem>>)
      %dma_wait3A_576 = arith.constant 5 : i32
      %dma_wait3A_577 = arith.constant 0 : i32
      %dma_wait3A_578 = tpu.memref_slice %arg7[%rem3A_17, %dma_wait3A_576, %dma_wait3A_577] : memref<4x32x768xf32, #tpu.memory_space<vmem>> -> memref<1x1x768xf32, #tpu.memory_space<vmem>>
      %dma_wait3A_579 = tpu.memref_squeeze %dma_wait3A_578 : memref<1x1x768xf32, #tpu.memory_space<vmem>> -> memref<768xf32, #tpu.memory_space<vmem>>
      %dma_wait3A_580 = arith.constant 0 : i32
      %dma_wait3A_581 = tpu.memref_slice %arg5[%squeeze3A_101, %dma_wait3A_580] : memref<64x768xf32, #tpu.memory_space<vmem_shared>> -> memref<1x768xf32, #tpu.memory_space<vmem_shared>>
      %dma_wait3A_582 = tpu.memref_squeeze %dma_wait3A_581 : memref<1x768xf32, #tpu.memory_space<vmem_shared>> -> memref<768xf32, #tpu.memory_space<vmem_shared>>
      %dma_wait3A_583 = arith.constant 0 : i32
      %dma_wait3A_584 = tpu.memref_slice %arg7[%rem3A_17, %dma_wait3A_576, %dma_wait3A_583] : memref<4x32x768xf32, #tpu.memory_space<vmem>> -> memref<1x1x768xf32, #tpu.memory_space<vmem>>
      %dma_wait3A_585 = tpu.memref_squeeze %dma_wait3A_584 : memref<1x1x768xf32, #tpu.memory_space<vmem>> -> memref<768xf32, #tpu.memory_space<vmem>>
      %dma_wait3A_586 = arith.constant 0 : i32
      %dma_wait3A_587 = tpu.memref_slice %arg5[%squeeze3A_101, %dma_wait3A_586] : memref<64x768xf32, #tpu.memory_space<vmem_shared>> -> memref<1x768xf32, #tpu.memory_space<vmem_shared>>
      %dma_wait3A_588 = tpu.memref_squeeze %dma_wait3A_587 : memref<1x768xf32, #tpu.memory_space<vmem_shared>> -> memref<768xf32, #tpu.memory_space<vmem_shared>>
      tpu.wait_dma2 semaphore(%arg8 : memref<!tpu.dma_semaphore, #tpu.memory_space<semaphore_mem>>) src(%dma_wait3A_588 : memref<768xf32, #tpu.memory_space<vmem_shared>>) dst(%dma_wait3A_585 : memref<768xf32, #tpu.memory_space<vmem>>)
      %dma_wait3A_589 = arith.constant 6 : i32
      %dma_wait3A_590 = arith.constant 0 : i32
      %dma_wait3A_591 = tpu.memref_slice %arg7[%rem3A_17, %dma_wait3A_589, %dma_wait3A_590] : memref<4x32x768xf32, #tpu.memory_space<vmem>> -> memref<1x1x768xf32, #tpu.memory_space<vmem>>
      %dma_wait3A_592 = tpu.memref_squeeze %dma_wait3A_591 : memref<1x1x768xf32, #tpu.memory_space<vmem>> -> memref<768xf32, #tpu.memory_space<vmem>>
      %dma_wait3A_593 = arith.constant 0 : i32
      %dma_wait3A_594 = tpu.memref_slice %arg5[%squeeze3A_116, %dma_wait3A_593] : memref<64x768xf32, #tpu.memory_space<vmem_shared>> -> memref<1x768xf32, #tpu.memory_space<vmem_shared>>
      %dma_wait3A_595 = tpu.memref_squeeze %dma_wait3A_594 : memref<1x768xf32, #tpu.memory_space<vmem_shared>> -> memref<768xf32, #tpu.memory_space<vmem_shared>>
      %dma_wait3A_596 = arith.constant 0 : i32
      %dma_wait3A_597 = tpu.memref_slice %arg7[%rem3A_17, %dma_wait3A_589, %dma_wait3A_596] : memref<4x32x768xf32, #tpu.memory_space<vmem>> -> memref<1x1x768xf32, #tpu.memory_space<vmem>>
      %dma_wait3A_598 = tpu.memref_squeeze %dma_wait3A_597 : memref<1x1x768xf32, #tpu.memory_space<vmem>> -> memref<768xf32, #tpu.memory_space<vmem>>
      %dma_wait3A_599 = arith.constant 0 : i32
      %dma_wait3A_600 = tpu.memref_slice %arg5[%squeeze3A_116, %dma_wait3A_599] : memref<64x768xf32, #tpu.memory_space<vmem_shared>> -> memref<1x768xf32, #tpu.memory_space<vmem_shared>>
      %dma_wait3A_601 = tpu.memref_squeeze %dma_wait3A_600 : memref<1x768xf32, #tpu.memory_space<vmem_shared>> -> memref<768xf32, #tpu.memory_space<vmem_shared>>
      tpu.wait_dma2 semaphore(%arg8 : memref<!tpu.dma_semaphore, #tpu.memory_space<semaphore_mem>>) src(%dma_wait3A_601 : memref<768xf32, #tpu.memory_space<vmem_shared>>) dst(%dma_wait3A_598 : memref<768xf32, #tpu.memory_space<vmem>>)
      %dma_wait3A_602 = arith.constant 7 : i32
      %dma_wait3A_603 = arith.constant 0 : i32
      %dma_wait3A_604 = tpu.memref_slice %arg7[%rem3A_17, %dma_wait3A_602, %dma_wait3A_603] : memref<4x32x768xf32, #tpu.memory_space<vmem>> -> memref<1x1x768xf32, #tpu.memory_space<vmem>>
      %dma_wait3A_605 = tpu.memref_squeeze %dma_wait3A_604 : memref<1x1x768xf32, #tpu.memory_space<vmem>> -> memref<768xf32, #tpu.memory_space<vmem>>
      %dma_wait3A_606 = arith.constant 0 : i32
      %dma_wait3A_607 = tpu.memref_slice %arg5[%squeeze3A_131, %dma_wait3A_606] : memref<64x768xf32, #tpu.memory_space<vmem_shared>> -> memref<1x768xf32, #tpu.memory_space<vmem_shared>>
      %dma_wait3A_608 = tpu.memref_squeeze %dma_wait3A_607 : memref<1x768xf32, #tpu.memory_space<vmem_shared>> -> memref<768xf32, #tpu.memory_space<vmem_shared>>
      %dma_wait3A_609 = arith.constant 0 : i32
      %dma_wait3A_610 = tpu.memref_slice %arg7[%rem3A_17, %dma_wait3A_602, %dma_wait3A_609] : memref<4x32x768xf32, #tpu.memory_space<vmem>> -> memref<1x1x768xf32, #tpu.memory_space<vmem>>
      %dma_wait3A_611 = tpu.memref_squeeze %dma_wait3A_610 : memref<1x1x768xf32, #tpu.memory_space<vmem>> -> memref<768xf32, #tpu.memory_space<vmem>>
      %dma_wait3A_612 = arith.constant 0 : i32
      %dma_wait3A_613 = tpu.memref_slice %arg5[%squeeze3A_131, %dma_wait3A_612] : memref<64x768xf32, #tpu.memory_space<vmem_shared>> -> memref<1x768xf32, #tpu.memory_space<vmem_shared>>
      %dma_wait3A_614 = tpu.memref_squeeze %dma_wait3A_613 : memref<1x768xf32, #tpu.memory_space<vmem_shared>> -> memref<768xf32, #tpu.memory_space<vmem_shared>>
      tpu.wait_dma2 semaphore(%arg8 : memref<!tpu.dma_semaphore, #tpu.memory_space<semaphore_mem>>) src(%dma_wait3A_614 : memref<768xf32, #tpu.memory_space<vmem_shared>>) dst(%dma_wait3A_611 : memref<768xf32, #tpu.memory_space<vmem>>)
      %dma_wait3A_615 = arith.constant 8 : i32
      %dma_wait3A_616 = arith.constant 0 : i32
      %dma_wait3A_617 = tpu.memref_slice %arg7[%rem3A_17, %dma_wait3A_615, %dma_wait3A_616] : memref<4x32x768xf32, #tpu.memory_space<vmem>> -> memref<1x1x768xf32, #tpu.memory_space<vmem>>
      %dma_wait3A_618 = tpu.memref_squeeze %dma_wait3A_617 : memref<1x1x768xf32, #tpu.memory_space<vmem>> -> memref<768xf32, #tpu.memory_space<vmem>>
      %dma_wait3A_619 = arith.constant 0 : i32
      %dma_wait3A_620 = tpu.memref_slice %arg5[%squeeze3A_146, %dma_wait3A_619] : memref<64x768xf32, #tpu.memory_space<vmem_shared>> -> memref<1x768xf32, #tpu.memory_space<vmem_shared>>
      %dma_wait3A_621 = tpu.memref_squeeze %dma_wait3A_620 : memref<1x768xf32, #tpu.memory_space<vmem_shared>> -> memref<768xf32, #tpu.memory_space<vmem_shared>>
      %dma_wait3A_622 = arith.constant 0 : i32
      %dma_wait3A_623 = tpu.memref_slice %arg7[%rem3A_17, %dma_wait3A_615, %dma_wait3A_622] : memref<4x32x768xf32, #tpu.memory_space<vmem>> -> memref<1x1x768xf32, #tpu.memory_space<vmem>>
      %dma_wait3A_624 = tpu.memref_squeeze %dma_wait3A_623 : memref<1x1x768xf32, #tpu.memory_space<vmem>> -> memref<768xf32, #tpu.memory_space<vmem>>
      %dma_wait3A_625 = arith.constant 0 : i32
      %dma_wait3A_626 = tpu.memref_slice %arg5[%squeeze3A_146, %dma_wait3A_625] : memref<64x768xf32, #tpu.memory_space<vmem_shared>> -> memref<1x768xf32, #tpu.memory_space<vmem_shared>>
      %dma_wait3A_627 = tpu.memref_squeeze %dma_wait3A_626 : memref<1x768xf32, #tpu.memory_space<vmem_shared>> -> memref<768xf32, #tpu.memory_space<vmem_shared>>
      tpu.wait_dma2 semaphore(%arg8 : memref<!tpu.dma_semaphore, #tpu.memory_space<semaphore_mem>>) src(%dma_wait3A_627 : memref<768xf32, #tpu.memory_space<vmem_shared>>) dst(%dma_wait3A_624 : memref<768xf32, #tpu.memory_space<vmem>>)
      %dma_wait3A_628 = arith.constant 9 : i32
      %dma_wait3A_629 = arith.constant 0 : i32
      %dma_wait3A_630 = tpu.memref_slice %arg7[%rem3A_17, %dma_wait3A_628, %dma_wait3A_629] : memref<4x32x768xf32, #tpu.memory_space<vmem>> -> memref<1x1x768xf32, #tpu.memory_space<vmem>>
      %dma_wait3A_631 = tpu.memref_squeeze %dma_wait3A_630 : memref<1x1x768xf32, #tpu.memory_space<vmem>> -> memref<768xf32, #tpu.memory_space<vmem>>
      %dma_wait3A_632 = arith.constant 0 : i32
      %dma_wait3A_633 = tpu.memref_slice %arg5[%squeeze3A_161, %dma_wait3A_632] : memref<64x768xf32, #tpu.memory_space<vmem_shared>> -> memref<1x768xf32, #tpu.memory_space<vmem_shared>>
      %dma_wait3A_634 = tpu.memref_squeeze %dma_wait3A_633 : memref<1x768xf32, #tpu.memory_space<vmem_shared>> -> memref<768xf32, #tpu.memory_space<vmem_shared>>
      %dma_wait3A_635 = arith.constant 0 : i32
      %dma_wait3A_636 = tpu.memref_slice %arg7[%rem3A_17, %dma_wait3A_628, %dma_wait3A_635] : memref<4x32x768xf32, #tpu.memory_space<vmem>> -> memref<1x1x768xf32, #tpu.memory_space<vmem>>
      %dma_wait3A_637 = tpu.memref_squeeze %dma_wait3A_636 : memref<1x1x768xf32, #tpu.memory_space<vmem>> -> memref<768xf32, #tpu.memory_space<vmem>>
      %dma_wait3A_638 = arith.constant 0 : i32
      %dma_wait3A_639 = tpu.memref_slice %arg5[%squeeze3A_161, %dma_wait3A_638] : memref<64x768xf32, #tpu.memory_space<vmem_shared>> -> memref<1x768xf32, #tpu.memory_space<vmem_shared>>
      %dma_wait3A_640 = tpu.memref_squeeze %dma_wait3A_639 : memref<1x768xf32, #tpu.memory_space<vmem_shared>> -> memref<768xf32, #tpu.memory_space<vmem_shared>>
      tpu.wait_dma2 semaphore(%arg8 : memref<!tpu.dma_semaphore, #tpu.memory_space<semaphore_mem>>) src(%dma_wait3A_640 : memref<768xf32, #tpu.memory_space<vmem_shared>>) dst(%dma_wait3A_637 : memref<768xf32, #tpu.memory_space<vmem>>)
      %dma_wait3A_641 = arith.constant 10 : i32
      %dma_wait3A_642 = arith.constant 0 : i32
      %dma_wait3A_643 = tpu.memref_slice %arg7[%rem3A_17, %dma_wait3A_641, %dma_wait3A_642] : memref<4x32x768xf32, #tpu.memory_space<vmem>> -> memref<1x1x768xf32, #tpu.memory_space<vmem>>
      %dma_wait3A_644 = tpu.memref_squeeze %dma_wait3A_643 : memref<1x1x768xf32, #tpu.memory_space<vmem>> -> memref<768xf32, #tpu.memory_space<vmem>>
      %dma_wait3A_645 = arith.constant 0 : i32
      %dma_wait3A_646 = tpu.memref_slice %arg5[%squeeze3A_176, %dma_wait3A_645] : memref<64x768xf32, #tpu.memory_space<vmem_shared>> -> memref<1x768xf32, #tpu.memory_space<vmem_shared>>
      %dma_wait3A_647 = tpu.memref_squeeze %dma_wait3A_646 : memref<1x768xf32, #tpu.memory_space<vmem_shared>> -> memref<768xf32, #tpu.memory_space<vmem_shared>>
      %dma_wait3A_648 = arith.constant 0 : i32
      %dma_wait3A_649 = tpu.memref_slice %arg7[%rem3A_17, %dma_wait3A_641, %dma_wait3A_648] : memref<4x32x768xf32, #tpu.memory_space<vmem>> -> memref<1x1x768xf32, #tpu.memory_space<vmem>>
      %dma_wait3A_650 = tpu.memref_squeeze %dma_wait3A_649 : memref<1x1x768xf32, #tpu.memory_space<vmem>> -> memref<768xf32, #tpu.memory_space<vmem>>
      %dma_wait3A_651 = arith.constant 0 : i32
      %dma_wait3A_652 = tpu.memref_slice %arg5[%squeeze3A_176, %dma_wait3A_651] : memref<64x768xf32, #tpu.memory_space<vmem_shared>> -> memref<1x768xf32, #tpu.memory_space<vmem_shared>>
      %dma_wait3A_653 = tpu.memref_squeeze %dma_wait3A_652 : memref<1x768xf32, #tpu.memory_space<vmem_shared>> -> memref<768xf32, #tpu.memory_space<vmem_shared>>
      tpu.wait_dma2 semaphore(%arg8 : memref<!tpu.dma_semaphore, #tpu.memory_space<semaphore_mem>>) src(%dma_wait3A_653 : memref<768xf32, #tpu.memory_space<vmem_shared>>) dst(%dma_wait3A_650 : memref<768xf32, #tpu.memory_space<vmem>>)
      %dma_wait3A_654 = arith.constant 11 : i32
      %dma_wait3A_655 = arith.constant 0 : i32
      %dma_wait3A_656 = tpu.memref_slice %arg7[%rem3A_17, %dma_wait3A_654, %dma_wait3A_655] : memref<4x32x768xf32, #tpu.memory_space<vmem>> -> memref<1x1x768xf32, #tpu.memory_space<vmem>>
      %dma_wait3A_657 = tpu.memref_squeeze %dma_wait3A_656 : memref<1x1x768xf32, #tpu.memory_space<vmem>> -> memref<768xf32, #tpu.memory_space<vmem>>
      %dma_wait3A_658 = arith.constant 0 : i32
      %dma_wait3A_659 = tpu.memref_slice %arg5[%squeeze3A_191, %dma_wait3A_658] : memref<64x768xf32, #tpu.memory_space<vmem_shared>> -> memref<1x768xf32, #tpu.memory_space<vmem_shared>>
      %dma_wait3A_660 = tpu.memref_squeeze %dma_wait3A_659 : memref<1x768xf32, #tpu.memory_space<vmem_shared>> -> memref<768xf32, #tpu.memory_space<vmem_shared>>
      %dma_wait3A_661 = arith.constant 0 : i32
      %dma_wait3A_662 = tpu.memref_slice %arg7[%rem3A_17, %dma_wait3A_654, %dma_wait3A_661] : memref<4x32x768xf32, #tpu.memory_space<vmem>> -> memref<1x1x768xf32, #tpu.memory_space<vmem>>
      %dma_wait3A_663 = tpu.memref_squeeze %dma_wait3A_662 : memref<1x1x768xf32, #tpu.memory_space<vmem>> -> memref<768xf32, #tpu.memory_space<vmem>>
      %dma_wait3A_664 = arith.constant 0 : i32
      %dma_wait3A_665 = tpu.memref_slice %arg5[%squeeze3A_191, %dma_wait3A_664] : memref<64x768xf32, #tpu.memory_space<vmem_shared>> -> memref<1x768xf32, #tpu.memory_space<vmem_shared>>
      %dma_wait3A_666 = tpu.memref_squeeze %dma_wait3A_665 : memref<1x768xf32, #tpu.memory_space<vmem_shared>> -> memref<768xf32, #tpu.memory_space<vmem_shared>>
      tpu.wait_dma2 semaphore(%arg8 : memref<!tpu.dma_semaphore, #tpu.memory_space<semaphore_mem>>) src(%dma_wait3A_666 : memref<768xf32, #tpu.memory_space<vmem_shared>>) dst(%dma_wait3A_663 : memref<768xf32, #tpu.memory_space<vmem>>)
      %dma_wait3A_667 = arith.constant 12 : i32
      %dma_wait3A_668 = arith.constant 0 : i32
      %dma_wait3A_669 = tpu.memref_slice %arg7[%rem3A_17, %dma_wait3A_667, %dma_wait3A_668] : memref<4x32x768xf32, #tpu.memory_space<vmem>> -> memref<1x1x768xf32, #tpu.memory_space<vmem>>
      %dma_wait3A_670 = tpu.memref_squeeze %dma_wait3A_669 : memref<1x1x768xf32, #tpu.memory_space<vmem>> -> memref<768xf32, #tpu.memory_space<vmem>>
      %dma_wait3A_671 = arith.constant 0 : i32
      %dma_wait3A_672 = tpu.memref_slice %arg5[%squeeze3A_206, %dma_wait3A_671] : memref<64x768xf32, #tpu.memory_space<vmem_shared>> -> memref<1x768xf32, #tpu.memory_space<vmem_shared>>
      %dma_wait3A_673 = tpu.memref_squeeze %dma_wait3A_672 : memref<1x768xf32, #tpu.memory_space<vmem_shared>> -> memref<768xf32, #tpu.memory_space<vmem_shared>>
      %dma_wait3A_674 = arith.constant 0 : i32
      %dma_wait3A_675 = tpu.memref_slice %arg7[%rem3A_17, %dma_wait3A_667, %dma_wait3A_674] : memref<4x32x768xf32, #tpu.memory_space<vmem>> -> memref<1x1x768xf32, #tpu.memory_space<vmem>>
      %dma_wait3A_676 = tpu.memref_squeeze %dma_wait3A_675 : memref<1x1x768xf32, #tpu.memory_space<vmem>> -> memref<768xf32, #tpu.memory_space<vmem>>
      %dma_wait3A_677 = arith.constant 0 : i32
      %dma_wait3A_678 = tpu.memref_slice %arg5[%squeeze3A_206, %dma_wait3A_677] : memref<64x768xf32, #tpu.memory_space<vmem_shared>> -> memref<1x768xf32, #tpu.memory_space<vmem_shared>>
      %dma_wait3A_679 = tpu.memref_squeeze %dma_wait3A_678 : memref<1x768xf32, #tpu.memory_space<vmem_shared>> -> memref<768xf32, #tpu.memory_space<vmem_shared>>
      tpu.wait_dma2 semaphore(%arg8 : memref<!tpu.dma_semaphore, #tpu.memory_space<semaphore_mem>>) src(%dma_wait3A_679 : memref<768xf32, #tpu.memory_space<vmem_shared>>) dst(%dma_wait3A_676 : memref<768xf32, #tpu.memory_space<vmem>>)
      %dma_wait3A_680 = arith.constant 13 : i32
      %dma_wait3A_681 = arith.constant 0 : i32
      %dma_wait3A_682 = tpu.memref_slice %arg7[%rem3A_17, %dma_wait3A_680, %dma_wait3A_681] : memref<4x32x768xf32, #tpu.memory_space<vmem>> -> memref<1x1x768xf32, #tpu.memory_space<vmem>>
      %dma_wait3A_683 = tpu.memref_squeeze %dma_wait3A_682 : memref<1x1x768xf32, #tpu.memory_space<vmem>> -> memref<768xf32, #tpu.memory_space<vmem>>
      %dma_wait3A_684 = arith.constant 0 : i32
      %dma_wait3A_685 = tpu.memref_slice %arg5[%squeeze3A_221, %dma_wait3A_684] : memref<64x768xf32, #tpu.memory_space<vmem_shared>> -> memref<1x768xf32, #tpu.memory_space<vmem_shared>>
      %dma_wait3A_686 = tpu.memref_squeeze %dma_wait3A_685 : memref<1x768xf32, #tpu.memory_space<vmem_shared>> -> memref<768xf32, #tpu.memory_space<vmem_shared>>
      %dma_wait3A_687 = arith.constant 0 : i32
      %dma_wait3A_688 = tpu.memref_slice %arg7[%rem3A_17, %dma_wait3A_680, %dma_wait3A_687] : memref<4x32x768xf32, #tpu.memory_space<vmem>> -> memref<1x1x768xf32, #tpu.memory_space<vmem>>
      %dma_wait3A_689 = tpu.memref_squeeze %dma_wait3A_688 : memref<1x1x768xf32, #tpu.memory_space<vmem>> -> memref<768xf32, #tpu.memory_space<vmem>>
      %dma_wait3A_690 = arith.constant 0 : i32
      %dma_wait3A_691 = tpu.memref_slice %arg5[%squeeze3A_221, %dma_wait3A_690] : memref<64x768xf32, #tpu.memory_space<vmem_shared>> -> memref<1x768xf32, #tpu.memory_space<vmem_shared>>
      %dma_wait3A_692 = tpu.memref_squeeze %dma_wait3A_691 : memref<1x768xf32, #tpu.memory_space<vmem_shared>> -> memref<768xf32, #tpu.memory_space<vmem_shared>>
      tpu.wait_dma2 semaphore(%arg8 : memref<!tpu.dma_semaphore, #tpu.memory_space<semaphore_mem>>) src(%dma_wait3A_692 : memref<768xf32, #tpu.memory_space<vmem_shared>>) dst(%dma_wait3A_689 : memref<768xf32, #tpu.memory_space<vmem>>)
      %dma_wait3A_693 = arith.constant 14 : i32
      %dma_wait3A_694 = arith.constant 0 : i32
      %dma_wait3A_695 = tpu.memref_slice %arg7[%rem3A_17, %dma_wait3A_693, %dma_wait3A_694] : memref<4x32x768xf32, #tpu.memory_space<vmem>> -> memref<1x1x768xf32, #tpu.memory_space<vmem>>
      %dma_wait3A_696 = tpu.memref_squeeze %dma_wait3A_695 : memref<1x1x768xf32, #tpu.memory_space<vmem>> -> memref<768xf32, #tpu.memory_space<vmem>>
      %dma_wait3A_697 = arith.constant 0 : i32
      %dma_wait3A_698 = tpu.memref_slice %arg5[%squeeze3A_236, %dma_wait3A_697] : memref<64x768xf32, #tpu.memory_space<vmem_shared>> -> memref<1x768xf32, #tpu.memory_space<vmem_shared>>
      %dma_wait3A_699 = tpu.memref_squeeze %dma_wait3A_698 : memref<1x768xf32, #tpu.memory_space<vmem_shared>> -> memref<768xf32, #tpu.memory_space<vmem_shared>>
      %dma_wait3A_700 = arith.constant 0 : i32
      %dma_wait3A_701 = tpu.memref_slice %arg7[%rem3A_17, %dma_wait3A_693, %dma_wait3A_700] : memref<4x32x768xf32, #tpu.memory_space<vmem>> -> memref<1x1x768xf32, #tpu.memory_space<vmem>>
      %dma_wait3A_702 = tpu.memref_squeeze %dma_wait3A_701 : memref<1x1x768xf32, #tpu.memory_space<vmem>> -> memref<768xf32, #tpu.memory_space<vmem>>
      %dma_wait3A_703 = arith.constant 0 : i32
      %dma_wait3A_704 = tpu.memref_slice %arg5[%squeeze3A_236, %dma_wait3A_703] : memref<64x768xf32, #tpu.memory_space<vmem_shared>> -> memref<1x768xf32, #tpu.memory_space<vmem_shared>>
      %dma_wait3A_705 = tpu.memref_squeeze %dma_wait3A_704 : memref<1x768xf32, #tpu.memory_space<vmem_shared>> -> memref<768xf32, #tpu.memory_space<vmem_shared>>
      tpu.wait_dma2 semaphore(%arg8 : memref<!tpu.dma_semaphore, #tpu.memory_space<semaphore_mem>>) src(%dma_wait3A_705 : memref<768xf32, #tpu.memory_space<vmem_shared>>) dst(%dma_wait3A_702 : memref<768xf32, #tpu.memory_space<vmem>>)
      %dma_wait3A_706 = arith.constant 15 : i32
      %dma_wait3A_707 = arith.constant 0 : i32
      %dma_wait3A_708 = tpu.memref_slice %arg7[%rem3A_17, %dma_wait3A_706, %dma_wait3A_707] : memref<4x32x768xf32, #tpu.memory_space<vmem>> -> memref<1x1x768xf32, #tpu.memory_space<vmem>>
      %dma_wait3A_709 = tpu.memref_squeeze %dma_wait3A_708 : memref<1x1x768xf32, #tpu.memory_space<vmem>> -> memref<768xf32, #tpu.memory_space<vmem>>
      %dma_wait3A_710 = arith.constant 0 : i32
      %dma_wait3A_711 = tpu.memref_slice %arg5[%squeeze3A_251, %dma_wait3A_710] : memref<64x768xf32, #tpu.memory_space<vmem_shared>> -> memref<1x768xf32, #tpu.memory_space<vmem_shared>>
      %dma_wait3A_712 = tpu.memref_squeeze %dma_wait3A_711 : memref<1x768xf32, #tpu.memory_space<vmem_shared>> -> memref<768xf32, #tpu.memory_space<vmem_shared>>
      %dma_wait3A_713 = arith.constant 0 : i32
      %dma_wait3A_714 = tpu.memref_slice %arg7[%rem3A_17, %dma_wait3A_706, %dma_wait3A_713] : memref<4x32x768xf32, #tpu.memory_space<vmem>> -> memref<1x1x768xf32, #tpu.memory_space<vmem>>
      %dma_wait3A_715 = tpu.memref_squeeze %dma_wait3A_714 : memref<1x1x768xf32, #tpu.memory_space<vmem>> -> memref<768xf32, #tpu.memory_space<vmem>>
      %dma_wait3A_716 = arith.constant 0 : i32
      %dma_wait3A_717 = tpu.memref_slice %arg5[%squeeze3A_251, %dma_wait3A_716] : memref<64x768xf32, #tpu.memory_space<vmem_shared>> -> memref<1x768xf32, #tpu.memory_space<vmem_shared>>
      %dma_wait3A_718 = tpu.memref_squeeze %dma_wait3A_717 : memref<1x768xf32, #tpu.memory_space<vmem_shared>> -> memref<768xf32, #tpu.memory_space<vmem_shared>>
      tpu.wait_dma2 semaphore(%arg8 : memref<!tpu.dma_semaphore, #tpu.memory_space<semaphore_mem>>) src(%dma_wait3A_718 : memref<768xf32, #tpu.memory_space<vmem_shared>>) dst(%dma_wait3A_715 : memref<768xf32, #tpu.memory_space<vmem>>)
      %dma_wait3A_719 = arith.constant 16 : i32
      %dma_wait3A_720 = arith.constant 0 : i32
      %dma_wait3A_721 = tpu.memref_slice %arg7[%rem3A_17, %dma_wait3A_719, %dma_wait3A_720] : memref<4x32x768xf32, #tpu.memory_space<vmem>> -> memref<1x1x768xf32, #tpu.memory_space<vmem>>
      %dma_wait3A_722 = tpu.memref_squeeze %dma_wait3A_721 : memref<1x1x768xf32, #tpu.memory_space<vmem>> -> memref<768xf32, #tpu.memory_space<vmem>>
      %dma_wait3A_723 = arith.constant 0 : i32
      %dma_wait3A_724 = tpu.memref_slice %arg5[%squeeze3A_273, %dma_wait3A_723] : memref<64x768xf32, #tpu.memory_space<vmem_shared>> -> memref<1x768xf32, #tpu.memory_space<vmem_shared>>
      %dma_wait3A_725 = tpu.memref_squeeze %dma_wait3A_724 : memref<1x768xf32, #tpu.memory_space<vmem_shared>> -> memref<768xf32, #tpu.memory_space<vmem_shared>>
      %dma_wait3A_726 = arith.constant 0 : i32
      %dma_wait3A_727 = tpu.memref_slice %arg7[%rem3A_17, %dma_wait3A_719, %dma_wait3A_726] : memref<4x32x768xf32, #tpu.memory_space<vmem>> -> memref<1x1x768xf32, #tpu.memory_space<vmem>>
      %dma_wait3A_728 = tpu.memref_squeeze %dma_wait3A_727 : memref<1x1x768xf32, #tpu.memory_space<vmem>> -> memref<768xf32, #tpu.memory_space<vmem>>
      %dma_wait3A_729 = arith.constant 0 : i32
      %dma_wait3A_730 = tpu.memref_slice %arg5[%squeeze3A_273, %dma_wait3A_729] : memref<64x768xf32, #tpu.memory_space<vmem_shared>> -> memref<1x768xf32, #tpu.memory_space<vmem_shared>>
      %dma_wait3A_731 = tpu.memref_squeeze %dma_wait3A_730 : memref<1x768xf32, #tpu.memory_space<vmem_shared>> -> memref<768xf32, #tpu.memory_space<vmem_shared>>
      tpu.wait_dma2 semaphore(%arg8 : memref<!tpu.dma_semaphore, #tpu.memory_space<semaphore_mem>>) src(%dma_wait3A_731 : memref<768xf32, #tpu.memory_space<vmem_shared>>) dst(%dma_wait3A_728 : memref<768xf32, #tpu.memory_space<vmem>>)
      %dma_wait3A_732 = arith.constant 17 : i32
      %dma_wait3A_733 = arith.constant 0 : i32
      %dma_wait3A_734 = tpu.memref_slice %arg7[%rem3A_17, %dma_wait3A_732, %dma_wait3A_733] : memref<4x32x768xf32, #tpu.memory_space<vmem>> -> memref<1x1x768xf32, #tpu.memory_space<vmem>>
      %dma_wait3A_735 = tpu.memref_squeeze %dma_wait3A_734 : memref<1x1x768xf32, #tpu.memory_space<vmem>> -> memref<768xf32, #tpu.memory_space<vmem>>
      %dma_wait3A_736 = arith.constant 0 : i32
      %dma_wait3A_737 = tpu.memref_slice %arg5[%squeeze3A_288, %dma_wait3A_736] : memref<64x768xf32, #tpu.memory_space<vmem_shared>> -> memref<1x768xf32, #tpu.memory_space<vmem_shared>>
      %dma_wait3A_738 = tpu.memref_squeeze %dma_wait3A_737 : memref<1x768xf32, #tpu.memory_space<vmem_shared>> -> memref<768xf32, #tpu.memory_space<vmem_shared>>
      %dma_wait3A_739 = arith.constant 0 : i32
      %dma_wait3A_740 = tpu.memref_slice %arg7[%rem3A_17, %dma_wait3A_732, %dma_wait3A_739] : memref<4x32x768xf32, #tpu.memory_space<vmem>> -> memref<1x1x768xf32, #tpu.memory_space<vmem>>
      %dma_wait3A_741 = tpu.memref_squeeze %dma_wait3A_740 : memref<1x1x768xf32, #tpu.memory_space<vmem>> -> memref<768xf32, #tpu.memory_space<vmem>>
      %dma_wait3A_742 = arith.constant 0 : i32
      %dma_wait3A_743 = tpu.memref_slice %arg5[%squeeze3A_288, %dma_wait3A_742] : memref<64x768xf32, #tpu.memory_space<vmem_shared>> -> memref<1x768xf32, #tpu.memory_space<vmem_shared>>
      %dma_wait3A_744 = tpu.memref_squeeze %dma_wait3A_743 : memref<1x768xf32, #tpu.memory_space<vmem_shared>> -> memref<768xf32, #tpu.memory_space<vmem_shared>>
      tpu.wait_dma2 semaphore(%arg8 : memref<!tpu.dma_semaphore, #tpu.memory_space<semaphore_mem>>) src(%dma_wait3A_744 : memref<768xf32, #tpu.memory_space<vmem_shared>>) dst(%dma_wait3A_741 : memref<768xf32, #tpu.memory_space<vmem>>)
      %dma_wait3A_745 = arith.constant 18 : i32
      %dma_wait3A_746 = arith.constant 0 : i32
      %dma_wait3A_747 = tpu.memref_slice %arg7[%rem3A_17, %dma_wait3A_745, %dma_wait3A_746] : memref<4x32x768xf32, #tpu.memory_space<vmem>> -> memref<1x1x768xf32, #tpu.memory_space<vmem>>
      %dma_wait3A_748 = tpu.memref_squeeze %dma_wait3A_747 : memref<1x1x768xf32, #tpu.memory_space<vmem>> -> memref<768xf32, #tpu.memory_space<vmem>>
      %dma_wait3A_749 = arith.constant 0 : i32
      %dma_wait3A_750 = tpu.memref_slice %arg5[%squeeze3A_303, %dma_wait3A_749] : memref<64x768xf32, #tpu.memory_space<vmem_shared>> -> memref<1x768xf32, #tpu.memory_space<vmem_shared>>
      %dma_wait3A_751 = tpu.memref_squeeze %dma_wait3A_750 : memref<1x768xf32, #tpu.memory_space<vmem_shared>> -> memref<768xf32, #tpu.memory_space<vmem_shared>>
      %dma_wait3A_752 = arith.constant 0 : i32
      %dma_wait3A_753 = tpu.memref_slice %arg7[%rem3A_17, %dma_wait3A_745, %dma_wait3A_752] : memref<4x32x768xf32, #tpu.memory_space<vmem>> -> memref<1x1x768xf32, #tpu.memory_space<vmem>>
      %dma_wait3A_754 = tpu.memref_squeeze %dma_wait3A_753 : memref<1x1x768xf32, #tpu.memory_space<vmem>> -> memref<768xf32, #tpu.memory_space<vmem>>
      %dma_wait3A_755 = arith.constant 0 : i32
      %dma_wait3A_756 = tpu.memref_slice %arg5[%squeeze3A_303, %dma_wait3A_755] : memref<64x768xf32, #tpu.memory_space<vmem_shared>> -> memref<1x768xf32, #tpu.memory_space<vmem_shared>>
      %dma_wait3A_757 = tpu.memref_squeeze %dma_wait3A_756 : memref<1x768xf32, #tpu.memory_space<vmem_shared>> -> memref<768xf32, #tpu.memory_space<vmem_shared>>
      tpu.wait_dma2 semaphore(%arg8 : memref<!tpu.dma_semaphore, #tpu.memory_space<semaphore_mem>>) src(%dma_wait3A_757 : memref<768xf32, #tpu.memory_space<vmem_shared>>) dst(%dma_wait3A_754 : memref<768xf32, #tpu.memory_space<vmem>>)
      %dma_wait3A_758 = arith.constant 19 : i32
      %dma_wait3A_759 = arith.constant 0 : i32
      %dma_wait3A_760 = tpu.memref_slice %arg7[%rem3A_17, %dma_wait3A_758, %dma_wait3A_759] : memref<4x32x768xf32, #tpu.memory_space<vmem>> -> memref<1x1x768xf32, #tpu.memory_space<vmem>>
      %dma_wait3A_761 = tpu.memref_squeeze %dma_wait3A_760 : memref<1x1x768xf32, #tpu.memory_space<vmem>> -> memref<768xf32, #tpu.memory_space<vmem>>
      %dma_wait3A_762 = arith.constant 0 : i32
      %dma_wait3A_763 = tpu.memref_slice %arg5[%squeeze3A_318, %dma_wait3A_762] : memref<64x768xf32, #tpu.memory_space<vmem_shared>> -> memref<1x768xf32, #tpu.memory_space<vmem_shared>>
      %dma_wait3A_764 = tpu.memref_squeeze %dma_wait3A_763 : memref<1x768xf32, #tpu.memory_space<vmem_shared>> -> memref<768xf32, #tpu.memory_space<vmem_shared>>
      %dma_wait3A_765 = arith.constant 0 : i32
      %dma_wait3A_766 = tpu.memref_slice %arg7[%rem3A_17, %dma_wait3A_758, %dma_wait3A_765] : memref<4x32x768xf32, #tpu.memory_space<vmem>> -> memref<1x1x768xf32, #tpu.memory_space<vmem>>
      %dma_wait3A_767 = tpu.memref_squeeze %dma_wait3A_766 : memref<1x1x768xf32, #tpu.memory_space<vmem>> -> memref<768xf32, #tpu.memory_space<vmem>>
      %dma_wait3A_768 = arith.constant 0 : i32
      %dma_wait3A_769 = tpu.memref_slice %arg5[%squeeze3A_318, %dma_wait3A_768] : memref<64x768xf32, #tpu.memory_space<vmem_shared>> -> memref<1x768xf32, #tpu.memory_space<vmem_shared>>
      %dma_wait3A_770 = tpu.memref_squeeze %dma_wait3A_769 : memref<1x768xf32, #tpu.memory_space<vmem_shared>> -> memref<768xf32, #tpu.memory_space<vmem_shared>>
      tpu.wait_dma2 semaphore(%arg8 : memref<!tpu.dma_semaphore, #tpu.memory_space<semaphore_mem>>) src(%dma_wait3A_770 : memref<768xf32, #tpu.memory_space<vmem_shared>>) dst(%dma_wait3A_767 : memref<768xf32, #tpu.memory_space<vmem>>)
      %dma_wait3A_771 = arith.constant 20 : i32
      %dma_wait3A_772 = arith.constant 0 : i32
      %dma_wait3A_773 = tpu.memref_slice %arg7[%rem3A_17, %dma_wait3A_771, %dma_wait3A_772] : memref<4x32x768xf32, #tpu.memory_space<vmem>> -> memref<1x1x768xf32, #tpu.memory_space<vmem>>
      %dma_wait3A_774 = tpu.memref_squeeze %dma_wait3A_773 : memref<1x1x768xf32, #tpu.memory_space<vmem>> -> memref<768xf32, #tpu.memory_space<vmem>>
      %dma_wait3A_775 = arith.constant 0 : i32
      %dma_wait3A_776 = tpu.memref_slice %arg5[%squeeze3A_333, %dma_wait3A_775] : memref<64x768xf32, #tpu.memory_space<vmem_shared>> -> memref<1x768xf32, #tpu.memory_space<vmem_shared>>
      %dma_wait3A_777 = tpu.memref_squeeze %dma_wait3A_776 : memref<1x768xf32, #tpu.memory_space<vmem_shared>> -> memref<768xf32, #tpu.memory_space<vmem_shared>>
      %dma_wait3A_778 = arith.constant 0 : i32
      %dma_wait3A_779 = tpu.memref_slice %arg7[%rem3A_17, %dma_wait3A_771, %dma_wait3A_778] : memref<4x32x768xf32, #tpu.memory_space<vmem>> -> memref<1x1x768xf32, #tpu.memory_space<vmem>>
      %dma_wait3A_780 = tpu.memref_squeeze %dma_wait3A_779 : memref<1x1x768xf32, #tpu.memory_space<vmem>> -> memref<768xf32, #tpu.memory_space<vmem>>
      %dma_wait3A_781 = arith.constant 0 : i32
      %dma_wait3A_782 = tpu.memref_slice %arg5[%squeeze3A_333, %dma_wait3A_781] : memref<64x768xf32, #tpu.memory_space<vmem_shared>> -> memref<1x768xf32, #tpu.memory_space<vmem_shared>>
      %dma_wait3A_783 = tpu.memref_squeeze %dma_wait3A_782 : memref<1x768xf32, #tpu.memory_space<vmem_shared>> -> memref<768xf32, #tpu.memory_space<vmem_shared>>
      tpu.wait_dma2 semaphore(%arg8 : memref<!tpu.dma_semaphore, #tpu.memory_space<semaphore_mem>>) src(%dma_wait3A_783 : memref<768xf32, #tpu.memory_space<vmem_shared>>) dst(%dma_wait3A_780 : memref<768xf32, #tpu.memory_space<vmem>>)
      %dma_wait3A_784 = arith.constant 21 : i32
      %dma_wait3A_785 = arith.constant 0 : i32
      %dma_wait3A_786 = tpu.memref_slice %arg7[%rem3A_17, %dma_wait3A_784, %dma_wait3A_785] : memref<4x32x768xf32, #tpu.memory_space<vmem>> -> memref<1x1x768xf32, #tpu.memory_space<vmem>>
      %dma_wait3A_787 = tpu.memref_squeeze %dma_wait3A_786 : memref<1x1x768xf32, #tpu.memory_space<vmem>> -> memref<768xf32, #tpu.memory_space<vmem>>
      %dma_wait3A_788 = arith.constant 0 : i32
      %dma_wait3A_789 = tpu.memref_slice %arg5[%squeeze3A_348, %dma_wait3A_788] : memref<64x768xf32, #tpu.memory_space<vmem_shared>> -> memref<1x768xf32, #tpu.memory_space<vmem_shared>>
      %dma_wait3A_790 = tpu.memref_squeeze %dma_wait3A_789 : memref<1x768xf32, #tpu.memory_space<vmem_shared>> -> memref<768xf32, #tpu.memory_space<vmem_shared>>
      %dma_wait3A_791 = arith.constant 0 : i32
      %dma_wait3A_792 = tpu.memref_slice %arg7[%rem3A_17, %dma_wait3A_784, %dma_wait3A_791] : memref<4x32x768xf32, #tpu.memory_space<vmem>> -> memref<1x1x768xf32, #tpu.memory_space<vmem>>
      %dma_wait3A_793 = tpu.memref_squeeze %dma_wait3A_792 : memref<1x1x768xf32, #tpu.memory_space<vmem>> -> memref<768xf32, #tpu.memory_space<vmem>>
      %dma_wait3A_794 = arith.constant 0 : i32
      %dma_wait3A_795 = tpu.memref_slice %arg5[%squeeze3A_348, %dma_wait3A_794] : memref<64x768xf32, #tpu.memory_space<vmem_shared>> -> memref<1x768xf32, #tpu.memory_space<vmem_shared>>
      %dma_wait3A_796 = tpu.memref_squeeze %dma_wait3A_795 : memref<1x768xf32, #tpu.memory_space<vmem_shared>> -> memref<768xf32, #tpu.memory_space<vmem_shared>>
      tpu.wait_dma2 semaphore(%arg8 : memref<!tpu.dma_semaphore, #tpu.memory_space<semaphore_mem>>) src(%dma_wait3A_796 : memref<768xf32, #tpu.memory_space<vmem_shared>>) dst(%dma_wait3A_793 : memref<768xf32, #tpu.memory_space<vmem>>)
      %dma_wait3A_797 = arith.constant 22 : i32
      %dma_wait3A_798 = arith.constant 0 : i32
      %dma_wait3A_799 = tpu.memref_slice %arg7[%rem3A_17, %dma_wait3A_797, %dma_wait3A_798] : memref<4x32x768xf32, #tpu.memory_space<vmem>> -> memref<1x1x768xf32, #tpu.memory_space<vmem>>
      %dma_wait3A_800 = tpu.memref_squeeze %dma_wait3A_799 : memref<1x1x768xf32, #tpu.memory_space<vmem>> -> memref<768xf32, #tpu.memory_space<vmem>>
      %dma_wait3A_801 = arith.constant 0 : i32
      %dma_wait3A_802 = tpu.memref_slice %arg5[%squeeze3A_363, %dma_wait3A_801] : memref<64x768xf32, #tpu.memory_space<vmem_shared>> -> memref<1x768xf32, #tpu.memory_space<vmem_shared>>
      %dma_wait3A_803 = tpu.memref_squeeze %dma_wait3A_802 : memref<1x768xf32, #tpu.memory_space<vmem_shared>> -> memref<768xf32, #tpu.memory_space<vmem_shared>>
      %dma_wait3A_804 = arith.constant 0 : i32
      %dma_wait3A_805 = tpu.memref_slice %arg7[%rem3A_17, %dma_wait3A_797, %dma_wait3A_804] : memref<4x32x768xf32, #tpu.memory_space<vmem>> -> memref<1x1x768xf32, #tpu.memory_space<vmem>>
      %dma_wait3A_806 = tpu.memref_squeeze %dma_wait3A_805 : memref<1x1x768xf32, #tpu.memory_space<vmem>> -> memref<768xf32, #tpu.memory_space<vmem>>
      %dma_wait3A_807 = arith.constant 0 : i32
      %dma_wait3A_808 = tpu.memref_slice %arg5[%squeeze3A_363, %dma_wait3A_807] : memref<64x768xf32, #tpu.memory_space<vmem_shared>> -> memref<1x768xf32, #tpu.memory_space<vmem_shared>>
      %dma_wait3A_809 = tpu.memref_squeeze %dma_wait3A_808 : memref<1x768xf32, #tpu.memory_space<vmem_shared>> -> memref<768xf32, #tpu.memory_space<vmem_shared>>
      tpu.wait_dma2 semaphore(%arg8 : memref<!tpu.dma_semaphore, #tpu.memory_space<semaphore_mem>>) src(%dma_wait3A_809 : memref<768xf32, #tpu.memory_space<vmem_shared>>) dst(%dma_wait3A_806 : memref<768xf32, #tpu.memory_space<vmem>>)
      %dma_wait3A_810 = arith.constant 23 : i32
      %dma_wait3A_811 = arith.constant 0 : i32
      %dma_wait3A_812 = tpu.memref_slice %arg7[%rem3A_17, %dma_wait3A_810, %dma_wait3A_811] : memref<4x32x768xf32, #tpu.memory_space<vmem>> -> memref<1x1x768xf32, #tpu.memory_space<vmem>>
      %dma_wait3A_813 = tpu.memref_squeeze %dma_wait3A_812 : memref<1x1x768xf32, #tpu.memory_space<vmem>> -> memref<768xf32, #tpu.memory_space<vmem>>
      %dma_wait3A_814 = arith.constant 0 : i32
      %dma_wait3A_815 = tpu.memref_slice %arg5[%squeeze3A_378, %dma_wait3A_814] : memref<64x768xf32, #tpu.memory_space<vmem_shared>> -> memref<1x768xf32, #tpu.memory_space<vmem_shared>>
      %dma_wait3A_816 = tpu.memref_squeeze %dma_wait3A_815 : memref<1x768xf32, #tpu.memory_space<vmem_shared>> -> memref<768xf32, #tpu.memory_space<vmem_shared>>
      %dma_wait3A_817 = arith.constant 0 : i32
      %dma_wait3A_818 = tpu.memref_slice %arg7[%rem3A_17, %dma_wait3A_810, %dma_wait3A_817] : memref<4x32x768xf32, #tpu.memory_space<vmem>> -> memref<1x1x768xf32, #tpu.memory_space<vmem>>
      %dma_wait3A_819 = tpu.memref_squeeze %dma_wait3A_818 : memref<1x1x768xf32, #tpu.memory_space<vmem>> -> memref<768xf32, #tpu.memory_space<vmem>>
      %dma_wait3A_820 = arith.constant 0 : i32
      %dma_wait3A_821 = tpu.memref_slice %arg5[%squeeze3A_378, %dma_wait3A_820] : memref<64x768xf32, #tpu.memory_space<vmem_shared>> -> memref<1x768xf32, #tpu.memory_space<vmem_shared>>
      %dma_wait3A_822 = tpu.memref_squeeze %dma_wait3A_821 : memref<1x768xf32, #tpu.memory_space<vmem_shared>> -> memref<768xf32, #tpu.memory_space<vmem_shared>>
      tpu.wait_dma2 semaphore(%arg8 : memref<!tpu.dma_semaphore, #tpu.memory_space<semaphore_mem>>) src(%dma_wait3A_822 : memref<768xf32, #tpu.memory_space<vmem_shared>>) dst(%dma_wait3A_819 : memref<768xf32, #tpu.memory_space<vmem>>)
      %dma_wait3A_823 = arith.constant 24 : i32
      %dma_wait3A_824 = arith.constant 0 : i32
      %dma_wait3A_825 = tpu.memref_slice %arg7[%rem3A_17, %dma_wait3A_823, %dma_wait3A_824] : memref<4x32x768xf32, #tpu.memory_space<vmem>> -> memref<1x1x768xf32, #tpu.memory_space<vmem>>
      %dma_wait3A_826 = tpu.memref_squeeze %dma_wait3A_825 : memref<1x1x768xf32, #tpu.memory_space<vmem>> -> memref<768xf32, #tpu.memory_space<vmem>>
      %dma_wait3A_827 = arith.constant 0 : i32
      %dma_wait3A_828 = tpu.memref_slice %arg5[%squeeze3A_393, %dma_wait3A_827] : memref<64x768xf32, #tpu.memory_space<vmem_shared>> -> memref<1x768xf32, #tpu.memory_space<vmem_shared>>
      %dma_wait3A_829 = tpu.memref_squeeze %dma_wait3A_828 : memref<1x768xf32, #tpu.memory_space<vmem_shared>> -> memref<768xf32, #tpu.memory_space<vmem_shared>>
      %dma_wait3A_830 = arith.constant 0 : i32
      %dma_wait3A_831 = tpu.memref_slice %arg7[%rem3A_17, %dma_wait3A_823, %dma_wait3A_830] : memref<4x32x768xf32, #tpu.memory_space<vmem>> -> memref<1x1x768xf32, #tpu.memory_space<vmem>>
      %dma_wait3A_832 = tpu.memref_squeeze %dma_wait3A_831 : memref<1x1x768xf32, #tpu.memory_space<vmem>> -> memref<768xf32, #tpu.memory_space<vmem>>
      %dma_wait3A_833 = arith.constant 0 : i32
      %dma_wait3A_834 = tpu.memref_slice %arg5[%squeeze3A_393, %dma_wait3A_833] : memref<64x768xf32, #tpu.memory_space<vmem_shared>> -> memref<1x768xf32, #tpu.memory_space<vmem_shared>>
      %dma_wait3A_835 = tpu.memref_squeeze %dma_wait3A_834 : memref<1x768xf32, #tpu.memory_space<vmem_shared>> -> memref<768xf32, #tpu.memory_space<vmem_shared>>
      tpu.wait_dma2 semaphore(%arg8 : memref<!tpu.dma_semaphore, #tpu.memory_space<semaphore_mem>>) src(%dma_wait3A_835 : memref<768xf32, #tpu.memory_space<vmem_shared>>) dst(%dma_wait3A_832 : memref<768xf32, #tpu.memory_space<vmem>>)
      %dma_wait3A_836 = arith.constant 25 : i32
      %dma_wait3A_837 = arith.constant 0 : i32
      %dma_wait3A_838 = tpu.memref_slice %arg7[%rem3A_17, %dma_wait3A_836, %dma_wait3A_837] : memref<4x32x768xf32, #tpu.memory_space<vmem>> -> memref<1x1x768xf32, #tpu.memory_space<vmem>>
      %dma_wait3A_839 = tpu.memref_squeeze %dma_wait3A_838 : memref<1x1x768xf32, #tpu.memory_space<vmem>> -> memref<768xf32, #tpu.memory_space<vmem>>
      %dma_wait3A_840 = arith.constant 0 : i32
      %dma_wait3A_841 = tpu.memref_slice %arg5[%squeeze3A_408, %dma_wait3A_840] : memref<64x768xf32, #tpu.memory_space<vmem_shared>> -> memref<1x768xf32, #tpu.memory_space<vmem_shared>>
      %dma_wait3A_842 = tpu.memref_squeeze %dma_wait3A_841 : memref<1x768xf32, #tpu.memory_space<vmem_shared>> -> memref<768xf32, #tpu.memory_space<vmem_shared>>
      %dma_wait3A_843 = arith.constant 0 : i32
      %dma_wait3A_844 = tpu.memref_slice %arg7[%rem3A_17, %dma_wait3A_836, %dma_wait3A_843] : memref<4x32x768xf32, #tpu.memory_space<vmem>> -> memref<1x1x768xf32, #tpu.memory_space<vmem>>
      %dma_wait3A_845 = tpu.memref_squeeze %dma_wait3A_844 : memref<1x1x768xf32, #tpu.memory_space<vmem>> -> memref<768xf32, #tpu.memory_space<vmem>>
      %dma_wait3A_846 = arith.constant 0 : i32
      %dma_wait3A_847 = tpu.memref_slice %arg5[%squeeze3A_408, %dma_wait3A_846] : memref<64x768xf32, #tpu.memory_space<vmem_shared>> -> memref<1x768xf32, #tpu.memory_space<vmem_shared>>
      %dma_wait3A_848 = tpu.memref_squeeze %dma_wait3A_847 : memref<1x768xf32, #tpu.memory_space<vmem_shared>> -> memref<768xf32, #tpu.memory_space<vmem_shared>>
      tpu.wait_dma2 semaphore(%arg8 : memref<!tpu.dma_semaphore, #tpu.memory_space<semaphore_mem>>) src(%dma_wait3A_848 : memref<768xf32, #tpu.memory_space<vmem_shared>>) dst(%dma_wait3A_845 : memref<768xf32, #tpu.memory_space<vmem>>)
      %dma_wait3A_849 = arith.constant 26 : i32
      %dma_wait3A_850 = arith.constant 0 : i32
      %dma_wait3A_851 = tpu.memref_slice %arg7[%rem3A_17, %dma_wait3A_849, %dma_wait3A_850] : memref<4x32x768xf32, #tpu.memory_space<vmem>> -> memref<1x1x768xf32, #tpu.memory_space<vmem>>
      %dma_wait3A_852 = tpu.memref_squeeze %dma_wait3A_851 : memref<1x1x768xf32, #tpu.memory_space<vmem>> -> memref<768xf32, #tpu.memory_space<vmem>>
      %dma_wait3A_853 = arith.constant 0 : i32
      %dma_wait3A_854 = tpu.memref_slice %arg5[%squeeze3A_423, %dma_wait3A_853] : memref<64x768xf32, #tpu.memory_space<vmem_shared>> -> memref<1x768xf32, #tpu.memory_space<vmem_shared>>
      %dma_wait3A_855 = tpu.memref_squeeze %dma_wait3A_854 : memref<1x768xf32, #tpu.memory_space<vmem_shared>> -> memref<768xf32, #tpu.memory_space<vmem_shared>>
      %dma_wait3A_856 = arith.constant 0 : i32
      %dma_wait3A_857 = tpu.memref_slice %arg7[%rem3A_17, %dma_wait3A_849, %dma_wait3A_856] : memref<4x32x768xf32, #tpu.memory_space<vmem>> -> memref<1x1x768xf32, #tpu.memory_space<vmem>>
      %dma_wait3A_858 = tpu.memref_squeeze %dma_wait3A_857 : memref<1x1x768xf32, #tpu.memory_space<vmem>> -> memref<768xf32, #tpu.memory_space<vmem>>
      %dma_wait3A_859 = arith.constant 0 : i32
      %dma_wait3A_860 = tpu.memref_slice %arg5[%squeeze3A_423, %dma_wait3A_859] : memref<64x768xf32, #tpu.memory_space<vmem_shared>> -> memref<1x768xf32, #tpu.memory_space<vmem_shared>>
      %dma_wait3A_861 = tpu.memref_squeeze %dma_wait3A_860 : memref<1x768xf32, #tpu.memory_space<vmem_shared>> -> memref<768xf32, #tpu.memory_space<vmem_shared>>
      tpu.wait_dma2 semaphore(%arg8 : memref<!tpu.dma_semaphore, #tpu.memory_space<semaphore_mem>>) src(%dma_wait3A_861 : memref<768xf32, #tpu.memory_space<vmem_shared>>) dst(%dma_wait3A_858 : memref<768xf32, #tpu.memory_space<vmem>>)
      %dma_wait3A_862 = arith.constant 27 : i32
      %dma_wait3A_863 = arith.constant 0 : i32
      %dma_wait3A_864 = tpu.memref_slice %arg7[%rem3A_17, %dma_wait3A_862, %dma_wait3A_863] : memref<4x32x768xf32, #tpu.memory_space<vmem>> -> memref<1x1x768xf32, #tpu.memory_space<vmem>>
      %dma_wait3A_865 = tpu.memref_squeeze %dma_wait3A_864 : memref<1x1x768xf32, #tpu.memory_space<vmem>> -> memref<768xf32, #tpu.memory_space<vmem>>
      %dma_wait3A_866 = arith.constant 0 : i32
      %dma_wait3A_867 = tpu.memref_slice %arg5[%squeeze3A_438, %dma_wait3A_866] : memref<64x768xf32, #tpu.memory_space<vmem_shared>> -> memref<1x768xf32, #tpu.memory_space<vmem_shared>>
      %dma_wait3A_868 = tpu.memref_squeeze %dma_wait3A_867 : memref<1x768xf32, #tpu.memory_space<vmem_shared>> -> memref<768xf32, #tpu.memory_space<vmem_shared>>
      %dma_wait3A_869 = arith.constant 0 : i32
      %dma_wait3A_870 = tpu.memref_slice %arg7[%rem3A_17, %dma_wait3A_862, %dma_wait3A_869] : memref<4x32x768xf32, #tpu.memory_space<vmem>> -> memref<1x1x768xf32, #tpu.memory_space<vmem>>
      %dma_wait3A_871 = tpu.memref_squeeze %dma_wait3A_870 : memref<1x1x768xf32, #tpu.memory_space<vmem>> -> memref<768xf32, #tpu.memory_space<vmem>>
      %dma_wait3A_872 = arith.constant 0 : i32
      %dma_wait3A_873 = tpu.memref_slice %arg5[%squeeze3A_438, %dma_wait3A_872] : memref<64x768xf32, #tpu.memory_space<vmem_shared>> -> memref<1x768xf32, #tpu.memory_space<vmem_shared>>
      %dma_wait3A_874 = tpu.memref_squeeze %dma_wait3A_873 : memref<1x768xf32, #tpu.memory_space<vmem_shared>> -> memref<768xf32, #tpu.memory_space<vmem_shared>>
      tpu.wait_dma2 semaphore(%arg8 : memref<!tpu.dma_semaphore, #tpu.memory_space<semaphore_mem>>) src(%dma_wait3A_874 : memref<768xf32, #tpu.memory_space<vmem_shared>>) dst(%dma_wait3A_871 : memref<768xf32, #tpu.memory_space<vmem>>)
      %dma_wait3A_875 = arith.constant 28 : i32
      %dma_wait3A_876 = arith.constant 0 : i32
      %dma_wait3A_877 = tpu.memref_slice %arg7[%rem3A_17, %dma_wait3A_875, %dma_wait3A_876] : memref<4x32x768xf32, #tpu.memory_space<vmem>> -> memref<1x1x768xf32, #tpu.memory_space<vmem>>
      %dma_wait3A_878 = tpu.memref_squeeze %dma_wait3A_877 : memref<1x1x768xf32, #tpu.memory_space<vmem>> -> memref<768xf32, #tpu.memory_space<vmem>>
      %dma_wait3A_879 = arith.constant 0 : i32
      %dma_wait3A_880 = tpu.memref_slice %arg5[%squeeze3A_453, %dma_wait3A_879] : memref<64x768xf32, #tpu.memory_space<vmem_shared>> -> memref<1x768xf32, #tpu.memory_space<vmem_shared>>
      %dma_wait3A_881 = tpu.memref_squeeze %dma_wait3A_880 : memref<1x768xf32, #tpu.memory_space<vmem_shared>> -> memref<768xf32, #tpu.memory_space<vmem_shared>>
      %dma_wait3A_882 = arith.constant 0 : i32
      %dma_wait3A_883 = tpu.memref_slice %arg7[%rem3A_17, %dma_wait3A_875, %dma_wait3A_882] : memref<4x32x768xf32, #tpu.memory_space<vmem>> -> memref<1x1x768xf32, #tpu.memory_space<vmem>>
      %dma_wait3A_884 = tpu.memref_squeeze %dma_wait3A_883 : memref<1x1x768xf32, #tpu.memory_space<vmem>> -> memref<768xf32, #tpu.memory_space<vmem>>
      %dma_wait3A_885 = arith.constant 0 : i32
      %dma_wait3A_886 = tpu.memref_slice %arg5[%squeeze3A_453, %dma_wait3A_885] : memref<64x768xf32, #tpu.memory_space<vmem_shared>> -> memref<1x768xf32, #tpu.memory_space<vmem_shared>>
      %dma_wait3A_887 = tpu.memref_squeeze %dma_wait3A_886 : memref<1x768xf32, #tpu.memory_space<vmem_shared>> -> memref<768xf32, #tpu.memory_space<vmem_shared>>
      tpu.wait_dma2 semaphore(%arg8 : memref<!tpu.dma_semaphore, #tpu.memory_space<semaphore_mem>>) src(%dma_wait3A_887 : memref<768xf32, #tpu.memory_space<vmem_shared>>) dst(%dma_wait3A_884 : memref<768xf32, #tpu.memory_space<vmem>>)
      %dma_wait3A_888 = arith.constant 29 : i32
      %dma_wait3A_889 = arith.constant 0 : i32
      %dma_wait3A_890 = tpu.memref_slice %arg7[%rem3A_17, %dma_wait3A_888, %dma_wait3A_889] : memref<4x32x768xf32, #tpu.memory_space<vmem>> -> memref<1x1x768xf32, #tpu.memory_space<vmem>>
      %dma_wait3A_891 = tpu.memref_squeeze %dma_wait3A_890 : memref<1x1x768xf32, #tpu.memory_space<vmem>> -> memref<768xf32, #tpu.memory_space<vmem>>
      %dma_wait3A_892 = arith.constant 0 : i32
      %dma_wait3A_893 = tpu.memref_slice %arg5[%squeeze3A_468, %dma_wait3A_892] : memref<64x768xf32, #tpu.memory_space<vmem_shared>> -> memref<1x768xf32, #tpu.memory_space<vmem_shared>>
      %dma_wait3A_894 = tpu.memref_squeeze %dma_wait3A_893 : memref<1x768xf32, #tpu.memory_space<vmem_shared>> -> memref<768xf32, #tpu.memory_space<vmem_shared>>
      %dma_wait3A_895 = arith.constant 0 : i32
      %dma_wait3A_896 = tpu.memref_slice %arg7[%rem3A_17, %dma_wait3A_888, %dma_wait3A_895] : memref<4x32x768xf32, #tpu.memory_space<vmem>> -> memref<1x1x768xf32, #tpu.memory_space<vmem>>
      %dma_wait3A_897 = tpu.memref_squeeze %dma_wait3A_896 : memref<1x1x768xf32, #tpu.memory_space<vmem>> -> memref<768xf32, #tpu.memory_space<vmem>>
      %dma_wait3A_898 = arith.constant 0 : i32
      %dma_wait3A_899 = tpu.memref_slice %arg5[%squeeze3A_468, %dma_wait3A_898] : memref<64x768xf32, #tpu.memory_space<vmem_shared>> -> memref<1x768xf32, #tpu.memory_space<vmem_shared>>
      %dma_wait3A_900 = tpu.memref_squeeze %dma_wait3A_899 : memref<1x768xf32, #tpu.memory_space<vmem_shared>> -> memref<768xf32, #tpu.memory_space<vmem_shared>>
      tpu.wait_dma2 semaphore(%arg8 : memref<!tpu.dma_semaphore, #tpu.memory_space<semaphore_mem>>) src(%dma_wait3A_900 : memref<768xf32, #tpu.memory_space<vmem_shared>>) dst(%dma_wait3A_897 : memref<768xf32, #tpu.memory_space<vmem>>)
      %dma_wait3A_901 = arith.constant 30 : i32
      %dma_wait3A_902 = arith.constant 0 : i32
      %dma_wait3A_903 = tpu.memref_slice %arg7[%rem3A_17, %dma_wait3A_901, %dma_wait3A_902] : memref<4x32x768xf32, #tpu.memory_space<vmem>> -> memref<1x1x768xf32, #tpu.memory_space<vmem>>
      %dma_wait3A_904 = tpu.memref_squeeze %dma_wait3A_903 : memref<1x1x768xf32, #tpu.memory_space<vmem>> -> memref<768xf32, #tpu.memory_space<vmem>>
      %dma_wait3A_905 = arith.constant 0 : i32
      %dma_wait3A_906 = tpu.memref_slice %arg5[%squeeze3A_483, %dma_wait3A_905] : memref<64x768xf32, #tpu.memory_space<vmem_shared>> -> memref<1x768xf32, #tpu.memory_space<vmem_shared>>
      %dma_wait3A_907 = tpu.memref_squeeze %dma_wait3A_906 : memref<1x768xf32, #tpu.memory_space<vmem_shared>> -> memref<768xf32, #tpu.memory_space<vmem_shared>>
      %dma_wait3A_908 = arith.constant 0 : i32
      %dma_wait3A_909 = tpu.memref_slice %arg7[%rem3A_17, %dma_wait3A_901, %dma_wait3A_908] : memref<4x32x768xf32, #tpu.memory_space<vmem>> -> memref<1x1x768xf32, #tpu.memory_space<vmem>>
      %dma_wait3A_910 = tpu.memref_squeeze %dma_wait3A_909 : memref<1x1x768xf32, #tpu.memory_space<vmem>> -> memref<768xf32, #tpu.memory_space<vmem>>
      %dma_wait3A_911 = arith.constant 0 : i32
      %dma_wait3A_912 = tpu.memref_slice %arg5[%squeeze3A_483, %dma_wait3A_911] : memref<64x768xf32, #tpu.memory_space<vmem_shared>> -> memref<1x768xf32, #tpu.memory_space<vmem_shared>>
      %dma_wait3A_913 = tpu.memref_squeeze %dma_wait3A_912 : memref<1x768xf32, #tpu.memory_space<vmem_shared>> -> memref<768xf32, #tpu.memory_space<vmem_shared>>
      tpu.wait_dma2 semaphore(%arg8 : memref<!tpu.dma_semaphore, #tpu.memory_space<semaphore_mem>>) src(%dma_wait3A_913 : memref<768xf32, #tpu.memory_space<vmem_shared>>) dst(%dma_wait3A_910 : memref<768xf32, #tpu.memory_space<vmem>>)
      %dma_wait3A_914 = arith.constant 31 : i32
      %dma_wait3A_915 = arith.constant 0 : i32
      %dma_wait3A_916 = tpu.memref_slice %arg7[%rem3A_17, %dma_wait3A_914, %dma_wait3A_915] : memref<4x32x768xf32, #tpu.memory_space<vmem>> -> memref<1x1x768xf32, #tpu.memory_space<vmem>>
      %dma_wait3A_917 = tpu.memref_squeeze %dma_wait3A_916 : memref<1x1x768xf32, #tpu.memory_space<vmem>> -> memref<768xf32, #tpu.memory_space<vmem>>
      %dma_wait3A_918 = arith.constant 0 : i32
      %dma_wait3A_919 = tpu.memref_slice %arg5[%squeeze3A_498, %dma_wait3A_918] : memref<64x768xf32, #tpu.memory_space<vmem_shared>> -> memref<1x768xf32, #tpu.memory_space<vmem_shared>>
      %dma_wait3A_920 = tpu.memref_squeeze %dma_wait3A_919 : memref<1x768xf32, #tpu.memory_space<vmem_shared>> -> memref<768xf32, #tpu.memory_space<vmem_shared>>
      %dma_wait3A_921 = arith.constant 0 : i32
      %dma_wait3A_922 = tpu.memref_slice %arg7[%rem3A_17, %dma_wait3A_914, %dma_wait3A_921] : memref<4x32x768xf32, #tpu.memory_space<vmem>> -> memref<1x1x768xf32, #tpu.memory_space<vmem>>
      %dma_wait3A_923 = tpu.memref_squeeze %dma_wait3A_922 : memref<1x1x768xf32, #tpu.memory_space<vmem>> -> memref<768xf32, #tpu.memory_space<vmem>>
      %dma_wait3A_924 = arith.constant 0 : i32
      %dma_wait3A_925 = tpu.memref_slice %arg5[%squeeze3A_498, %dma_wait3A_924] : memref<64x768xf32, #tpu.memory_space<vmem_shared>> -> memref<1x768xf32, #tpu.memory_space<vmem_shared>>
      %dma_wait3A_926 = tpu.memref_squeeze %dma_wait3A_925 : memref<1x768xf32, #tpu.memory_space<vmem_shared>> -> memref<768xf32, #tpu.memory_space<vmem_shared>>
      tpu.wait_dma2 semaphore(%arg8 : memref<!tpu.dma_semaphore, #tpu.memory_space<semaphore_mem>>) src(%dma_wait3A_926 : memref<768xf32, #tpu.memory_space<vmem_shared>>) dst(%dma_wait3A_923 : memref<768xf32, #tpu.memory_space<vmem>>)
      %mul3A_927 = arith.constant 32 : i32
      %mul3A_928 = arith.muli %scan3A_16, %mul3A_927 : i32
      %add3A_929 = arith.addi %mul3A_2, %mul3A_928 : i32
      %dma_start3A_930 = arith.constant 0 : i32
      %dma_start3A_931 = arith.constant 0 : i32
      %dma_start3A_932 = tpu.memref_slice %arg7[%rem3A_17, %dma_start3A_930, %dma_start3A_931] : memref<4x32x768xf32, #tpu.memory_space<vmem>> -> memref<1x32x768xf32, #tpu.memory_space<vmem>>
      %dma_start3A_933 = tpu.memref_squeeze %dma_start3A_932 : memref<1x32x768xf32, #tpu.memory_space<vmem>> -> memref<32x768xf32, #tpu.memory_space<vmem>>
      %dma_start3A_934 = arith.constant 0 : i32
      %dma_start3A_935 = tpu.memref_slice %arg4[%add3A_929, %dma_start3A_934] : memref<204800x768xf32, #tpu.memory_space<hbm>> -> memref<32x768xf32, #tpu.memory_space<hbm>>
      %dma_start3A_936 = tpu.memref_slice %arg9[%rem3A_17] : memref<4x!tpu.dma_semaphore, #tpu.memory_space<semaphore_mem>> -> memref<1x!tpu.dma_semaphore, #tpu.memory_space<semaphore_mem>>
      %dma_start3A_937 = tpu.memref_squeeze %dma_start3A_936 : memref<1x!tpu.dma_semaphore, #tpu.memory_space<semaphore_mem>> -> memref<!tpu.dma_semaphore, #tpu.memory_space<semaphore_mem>>
      %dma_start3A_938 = arith.constant 0 : i32
      %dma_start3A_939 = tpu.memref_slice %arg4[%add3A_929, %dma_start3A_938] : memref<204800x768xf32, #tpu.memory_space<hbm>> -> memref<32x768xf32, #tpu.memory_space<hbm>>
      %dma_start3A_940 = arith.constant 0 : i32
      %dma_start3A_941 = arith.constant 0 : i32
      %dma_start3A_942 = tpu.memref_slice %arg7[%rem3A_17, %dma_start3A_940, %dma_start3A_941] : memref<4x32x768xf32, #tpu.memory_space<vmem>> -> memref<1x32x768xf32, #tpu.memory_space<vmem>>
      %dma_start3A_943 = tpu.memref_squeeze %dma_start3A_942 : memref<1x32x768xf32, #tpu.memory_space<vmem>> -> memref<32x768xf32, #tpu.memory_space<vmem>>
      tpu.enqueue_dma source(%dma_start3A_943 : memref<32x768xf32, #tpu.memory_space<vmem>>) target(%dma_start3A_939 : memref<32x768xf32, #tpu.memory_space<hbm>>) target_semaphore(%dma_start3A_937 : memref<!tpu.dma_semaphore, #tpu.memory_space<semaphore_mem>>)
    }
    %scan3A_9 = arith.constant 200 : i32
    %scan3A_10 = arith.constant 0 : i32
    %scan3A_11 = arith.constant 196 : i32
    %scan3A_12 = arith.constant 4 : i32
    %scan3A_13 = arith.addi %scan3A_11, %scan3A_12 : i32
    %scan3A_14 = arith.constant 1 : i32
    scf.for %scan3A_16 = %scan3A_11 to %scan3A_13 step %scan3A_14  : i32 {
      %rem3A = arith.constant 4 : i32
      %rem3A_17 = arith.remsi %scan3A_16, %rem3A : i32
      %mul3A_18 = arith.constant 32 : i32
      %mul3A_19 = arith.muli %scan3A_16, %mul3A_18 : i32
      %add3A_20 = arith.addi %mul3A_2, %mul3A_19 : i32
      %dma_wait3A = arith.constant 0 : i32
      %dma_wait3A_21 = arith.constant 0 : i32
      %dma_wait3A_22 = tpu.memref_slice %arg7[%rem3A_17, %dma_wait3A, %dma_wait3A_21] : memref<4x32x768xf32, #tpu.memory_space<vmem>> -> memref<1x32x768xf32, #tpu.memory_space<vmem>>
      %dma_wait3A_23 = tpu.memref_squeeze %dma_wait3A_22 : memref<1x32x768xf32, #tpu.memory_space<vmem>> -> memref<32x768xf32, #tpu.memory_space<vmem>>
      %dma_wait3A_24 = arith.constant 0 : i32
      %dma_wait3A_25 = tpu.memref_slice %arg4[%add3A_20, %dma_wait3A_24] : memref<204800x768xf32, #tpu.memory_space<hbm>> -> memref<32x768xf32, #tpu.memory_space<hbm>>
      %dma_wait3A_26 = tpu.memref_slice %arg9[%rem3A_17] : memref<4x!tpu.dma_semaphore, #tpu.memory_space<semaphore_mem>> -> memref<1x!tpu.dma_semaphore, #tpu.memory_space<semaphore_mem>>
      %dma_wait3A_27 = tpu.memref_squeeze %dma_wait3A_26 : memref<1x!tpu.dma_semaphore, #tpu.memory_space<semaphore_mem>> -> memref<!tpu.dma_semaphore, #tpu.memory_space<semaphore_mem>>
      %dma_wait3A_28 = arith.constant 0 : i32
      %dma_wait3A_29 = tpu.memref_slice %arg4[%add3A_20, %dma_wait3A_28] : memref<204800x768xf32, #tpu.memory_space<hbm>> -> memref<32x768xf32, #tpu.memory_space<hbm>>
      %dma_wait3A_30 = arith.constant 0 : i32
      %dma_wait3A_31 = arith.constant 0 : i32
      %dma_wait3A_32 = tpu.memref_slice %arg7[%rem3A_17, %dma_wait3A_30, %dma_wait3A_31] : memref<4x32x768xf32, #tpu.memory_space<vmem>> -> memref<1x32x768xf32, #tpu.memory_space<vmem>>
      %dma_wait3A_33 = tpu.memref_squeeze %dma_wait3A_32 : memref<1x32x768xf32, #tpu.memory_space<vmem>> -> memref<32x768xf32, #tpu.memory_space<vmem>>
      tpu.wait_dma2 semaphore(%dma_wait3A_27 : memref<!tpu.dma_semaphore, #tpu.memory_space<semaphore_mem>>) src(%dma_wait3A_33 : memref<32x768xf32, #tpu.memory_space<vmem>>) dst(%dma_wait3A_29 : memref<32x768xf32, #tpu.memory_space<hbm>>)
    }
    %scan3A_15 = arith.constant 4 : i32
    return
  }
}

module attributes {stable_mosaic.version = 14 : i64} {
  func.func @_fuse_body(%arg0: memref<64x8xf32, #tpu.memory_space<vmem>>, %arg1: memref<768x8xf32, #tpu.memory_space<vmem>>, %arg2: memref<768xf32, #tpu.memory_space<vmem>>, %arg3: memref<64x768xf32, #tpu.memory_space<vmem>>) attributes {dimension_semantics = [], scalar_prefetch = 0 : i64, scratch_operands = 0 : i64, tpu.core_type = #tpu.core_type<tc>} {
    %get3A = arith.constant 0 : index
    %get3A_0 = arith.constant 0 : index
    %get3A_1 = vector.load %arg0[%get3A, %get3A_0] : memref<64x8xf32, #tpu.memory_space<vmem>>, vector<64x8xf32>
    %get3A_2 = arith.constant 0 : index
    %get3A_3 = arith.constant 0 : index
    %get3A_4 = vector.load %arg1[%get3A_2, %get3A_3] : memref<768x8xf32, #tpu.memory_space<vmem>>, vector<768x8xf32>
    %dot_general3A = arith.constant dense<0.000000e+00> : vector<64x768xf32>
    %dot_general3A_5 = tpu.matmul %get3A_1, %get3A_4, %dot_general3A {dimension_numbers = #tpu.dot_dimension_numbers<[1], [1], [0], [0], [0, 0, 1, 0], [], []>, transpose_lhs_hint = false} : vector<64x8xf32>, vector<768x8xf32>, vector<64x768xf32> -> vector<64x768xf32>
    %get3A_6 = arith.constant 0 : index
    %get3A_7 = vector.load %arg2[%get3A_6] : memref<768xf32, #tpu.memory_space<vmem>>, vector<768xf32>
    %broadcast_in_dim3A = vector.shape_cast %get3A_7 : vector<768xf32> to vector<1x768xf32>
    %add3A = vector.broadcast %broadcast_in_dim3A : vector<1x768xf32> to vector<64x768xf32>
    %add3A_8 = arith.addf %dot_general3A_5, %add3A : vector<64x768xf32>
    %mul3A = arith.constant 5.000000e-01 : f32
    %mul3A_9 = vector.broadcast %mul3A : f32 to vector<64x768xf32>
    %mul3A_10 = arith.mulf %mul3A_9, %add3A_8 : vector<64x768xf32>
    %mul3A_11 = arith.constant 0.707106769 : f32
    %mul3A_12 = vector.broadcast %mul3A_11 : f32 to vector<64x768xf32>
    %mul3A_13 = arith.mulf %add3A_8, %mul3A_12 : vector<64x768xf32>
    %erf3A = math.erf %mul3A_13 : vector<64x768xf32>
    %add3A_14 = arith.constant 1.000000e+00 : f32
    %add3A_15 = vector.broadcast %add3A_14 : f32 to vector<64x768xf32>
    %add3A_16 = arith.addf %add3A_15, %erf3A : vector<64x768xf32>
    %mul3A_17 = arith.mulf %mul3A_10, %add3A_16 : vector<64x768xf32>
    %swap3A = arith.constant 0 : index
    %swap3A_18 = arith.constant 0 : index
    %swap3A_19 = vector.load %arg3[%swap3A, %swap3A_18] : memref<64x768xf32, #tpu.memory_space<vmem>>, vector<64x768xf32>
    tpu.vector_store %arg3[%swap3A, %swap3A_18], %mul3A_17 {strides = array<i32>} : memref<64x768xf32, #tpu.memory_space<vmem>>, vector<64x768xf32>,
    return
  }
}

</mosaic_0001>

<sc_bundles>
// kernel: kernel.4.cloned.1.call-start
scs
__scs_entry_jumppad:
0x0: {  	(pc) =	sbr.rel $0x88, $3  }
0x1: {  	(tag) =	ssettag $0x0;
	lr =	simm.s32 $0x1  }
0x2: {  	[smem:$0x3F9D] =	sst lr;
	_ =	strace $0xD0000000  }
0x3: {  	_ = 	snop  }
0x4: {  	_ = 	snop  }
0x5: {  	_ = 	snop  }
0x6: {  	_ = 	snop  }
0x7: {  	_ = 	snop  }
__scs_overlays_trampoline_lowered:
0x8: {  	[smem:$0x3FAC] =	sst s0  }
0x9: {  	[smem:$0x3FAD] =	sst s1  }
0xa: {  	[smem:$0x3FAE] =	sst s2  }
0xb: {  	[smem:$0x3FAF] =	sst s3  }
0xc: {  	[smem:$0x3FB0] =	sst s4  }
0xd: {  	[smem:$0x3FB1] =	sst s5  }
0xe: {  	[smem:$0x3FB2] =	sst s6  }
0xf: {  	[smem:$0x3FB3] =	sst s7  }
0x10: {  	[smem:$0x3FB4] =	sst s8  }
0x11: {  	[smem:$0x3FB5] =	sst s9;
	s0 =	simm.s32 @!p0 $0x0  }
0x12: {  	s1 =	sld [smem:$0x3F9B];
	s0 =	simm.s32 @p0 $0x1  }
0x13: {  	[smem:$0x3FB6] =	sst s0;
	s0 =	simm.s32 @!p1 $0x0  }
0x14: {  	s2 =	sld [smem:$0x3F9A];
	s0 =	simm.s32 @p1 $0x1  }
0x15: {  	[smem:$0x3FB7] =	sst s0;
	s0 =	simm.s32 @!p2 $0x0  }
0x16: {  	s3 =	sld [smem:$0x3FDB];
	s0 =	simm.s32 @p2 $0x1  }
0x17: {  	s4 =	simm.s32 $0x1BF5;
	[smem:$0x3FB9] =	sst s0  }
0x18: {  	s0 =	sld [smem:$0x3F9C];
	_ =	swait.ge [sflag:s4], $0x0  }
0x19: {  	s7 =	sld [smem:$0x3F9D]  }
0x1a: {  	s8 =	sadd.s32 $0xFFFFE003, lr  }
0x1b: {  	s9 =	sadd.s32 $0xFFFFFEF7, lr;
	s5 =	simm.s32 $0xFFFFFFFF;
	p2 =	slt.u32 s8, $0xFFFFF086  }
0x1c: {  	p1 =	slt.u32 s9, $0xF7A;
	s5 =	simm.s32 @!p2 $0x0  }
0x1d: {  	s5 =	simm.s32 @p1 $0x1;
	p0 =	seq.s32 s7, s2  }
0x1e: {  	s7 =	smul.u32 @!p0 $0xF7A, s2;
	p2 =	seq.s32 @!p0 s5, $0x0  }
0x1f: {  	s9 =	smul.u32 $0xF7A, s1;
	s8 =	simm.s32 @!p0 $0x1BF5;
	p2 =	por !p2, p0  }
0x20: {  	[sflag:s8] =	ssyncset.s32 @!p0 $0xFFFFF086;
	s6 =	sadd.s32 @!p0 s3, s7;
	s7 =	simm.s32 @!p0 $0x108  }
0x21: {  	s3 =	sadd.s32 s3, s9;
	s6 =	sadd.s32 @!p0 $0x88, s6;
	s7 =	simm.s32 @p2 $0x1082  }
0x22: {  	[simem:s7], [sflag:s8] =	dma.local @!p0 [hbm:s6], $0xF7A  }
0x23: {  	s9 =	sor.u32 $0xD0000000, s2;
	s6 =	simm.s32 $0x108;
	_ =	swait.ge @!p0 [sflag:s8], $0x0  }
0x24: {  	s3 =	sadd.s32 $0x88, s3;
	s6 =	simm.s32 @!p1 $0x1082;
	[sflag:s4] =	ssyncset.s32 $0xFFFFF086  }
0x25: {  	[simem:s6], [sflag:s4] =	dma.local [hbm:s3], $0xF7A  }
0x26: {  	[smem:$0x3F9D] =	sst s1;
	(tag) =	ssettag s2;
	_ =	strace s9  }
0x27: {  	s1 =	sld [smem:$0x3FAD]  }
0x28: {  	s2 =	sld [smem:$0x3FAE]  }
0x29: {  	s4 =	sld [smem:$0x3FB0]  }
0x2a: {  	p0 =	seq.s32 s5, $0x0;
	s5 =	sld [smem:$0x3FB1]  }
0x2b: {  	s6 =	sld [smem:$0x3FB2]  }
0x2c: {  	s7 =	sld [smem:$0x3FB3]  }
0x2d: {  	s3 =	simm.s32 $0x108;
	s8 =	sld [smem:$0x3FB4]  }
0x2e: {  	s3 =	simm.s32 @!p0 $0x1082;
	s9 =	sld [smem:$0x3FB5]  }
0x2f: {  	lr =	sadd.s32 s0, s3;
	s0 =	sld [smem:$0x3FAC]  }
0x30: {  	s3 =	sld [smem:$0x3FAF]  }
0x31: {  	[smem:$0x3FB8] =	sst s10  }
0x32: {  	s10 =	sld [smem:$0x3FB6];
	_ =	sdelay $0x3  }
0x33: {  	p0 =	seq.s32 s10, $0x1;
	s10 =	sld [smem:$0x3FB8];
	_ =	sdelay $0x3  }
0x34: {  	[smem:$0x3FB8] =	sst s10  }
0x35: {  	s10 =	sld [smem:$0x3FB7];
	_ =	sdelay $0x3  }
0x36: {  	p1 =	seq.s32 s10, $0x1;
	s10 =	sld [smem:$0x3FB8];
	_ =	sdelay $0x3  }
0x37: {  	[smem:$0x3FB8] =	sst s10  }
0x38: {  	s10 =	sld [smem:$0x3FB9]  }
0x39: {  	_ = 	snop;
	(pc) =	sbr.ind lr, $3  }
0x3a: {  	_ = 	snop  }
0x3b: {  	_ = 	snop  }
0x3c: {  	p2 =	seq.s32 s10, $0x1;
	s10 =	sld [smem:$0x3FB8]  }
0x3d: {  	_ =	shalt  }
0x3e: {  	_ =	shalt  }
0x3f: {  	_ =	shalt  }
0x40: {  	_ =	shalt  }
0x41: {  	_ =	shalt  }
0x42: {  	_ =	shalt  }
0x43: {  	_ =	shalt  }
0x44: {  	_ =	shalt  }
0x45: {  	_ =	shalt  }
0x46: {  	_ =	shalt  }
0x47: {  	_ =	shalt  }
0x48: {  	_ =	shalt  }
0x49: {  	_ =	shalt  }
0x4a: {  	_ =	shalt  }
0x4b: {  	_ =	shalt  }
0x4c: {  	_ =	shalt  }
0x4d: {  	_ =	shalt  }
0x4e: {  	_ =	shalt  }
0x4f: {  	_ =	shalt  }
0x50: {  	_ =	shalt  }
0x51: {  	_ =	shalt  }
0x52: {  	_ =	shalt  }
0x53: {  	_ =	shalt  }
0x54: {  	_ =	shalt  }
0x55: {  	_ =	shalt  }
0x56: {  	_ =	shalt  }
0x57: {  	_ =	shalt  }
0x58: {  	_ =	shalt  }
0x59: {  	_ =	shalt  }
0x5a: {  	_ =	shalt  }
0x5b: {  	_ =	shalt  }
0x5c: {  	_ =	shalt  }
0x5d: {  	_ =	shalt  }
0x5e: {  	_ =	shalt  }
0x5f: {  	_ =	shalt  }
0x60: {  	_ =	shalt  }
0x61: {  	_ =	shalt  }
0x62: {  	_ =	shalt  }
0x63: {  	_ =	shalt  }
0x64: {  	_ =	shalt  }
0x65: {  	_ =	shalt  }
0x66: {  	_ =	shalt  }
0x67: {  	_ =	shalt  }
0x68: {  	_ =	shalt  }
0x69: {  	_ =	shalt  }
0x6a: {  	_ =	shalt  }
0x6b: {  	_ =	shalt  }
0x6c: {  	_ =	shalt  }
0x6d: {  	_ =	shalt  }
0x6e: {  	_ =	shalt  }
0x6f: {  	_ =	shalt  }
0x70: {  	_ =	shalt  }
0x71: {  	_ =	shalt  }
0x72: {  	_ =	shalt  }
0x73: {  	_ =	shalt  }
0x74: {  	_ =	shalt  }
0x75: {  	_ =	shalt  }
0x76: {  	_ =	shalt  }
0x77: {  	_ =	shalt  }
0x78: {  	_ =	shalt  }
0x79: {  	_ =	shalt  }
0x7a: {  	_ =	shalt  }
0x7b: {  	_ =	shalt  }
0x7c: {  	_ =	shalt  }
0x7d: {  	_ =	shalt  }
0x7e: {  	_ =	shalt  }
0x7f: {  	_ =	shalt  }
0x80: {  	_ =	shalt  }
0x81: {  	_ =	shalt  }
0x82: {  	_ =	shalt  }
0x83: {  	_ =	shalt  }
0x84: {  	_ =	shalt  }
0x85: {  	_ =	shalt  }
0x86: {  	_ =	shalt  }
0x87: {  	_ =	shalt  }
.Lfunc_end0:
.L_simem_size_0:
called_computation.1_lowered:
.L_overlay_start_0:
0x88: {  	s2 =	sld [smem:$0x3FD9]  }
0x89: {  	s3 =	sld [smem:$0x3FFE];
	_ =	sdelay $0x1  }
0x8a: {  	s1 =	srdreg.scid  }
0x8b: {  	s0 =	sand.u32 $0x1, s1  }
0x8c: {  	s17 =	sshll.u32 s0, $0xA;
	s2 =	sadd.s32 s3, s2  }
0x8d: {  	s2 =	sadd.s32 s2, s17  }
0x8e: {  	[smem:$0x3FC4] =	sst s2  }
0x8f: {  	_ = 	snop  }
0x90: {  	s2 =	sld [smem:$0x3FD0];
	(tm) =	ssettm $0x1  }
0x91: {  	s18 =	sld [smem:$0x3FFB];
	_ =	sdelay $0x3  }
0x92: {  	_ =	strace s18  }
0x93: {  	s3 =	sld [smem:$0x3FFC];
	_ =	sdelay $0x3  }
0x94: {  	_ =	strace s3  }
0x95: {  	s3 =	sld [smem:$0x3FFD];
	_ =	sdelay $0x3  }
0x96: {  	_ =	strace s3  }
0x97: {  	_ =	strace $0x8FFFFFFF  }
0x98: {  	s19 =	sld [smem:$0x3FDB];
	_ =	sdelay $0x1  }
0x99: {  	s4 =	simm.s32 $_scs_section_size  }
0x9a: {  	s5 =	simm.s32 $_size__tile_overlayer_lowered;
	s6 =	simm.s32 $_tile_overlayer_lowered  }
0x9b: {  	s22 =	simm.s32 $0x1BFF;
	s21 =	sshll.u32 s6, $0x1;
	s3 =	sadd.s32 s4, s19  }
0x9c: {  	s7 =	simm.s32 $0x0;
	s20 =	sshll.u32 s5, $0x1;
	s5 =	sadd.s32 s21, s3  }
0x9d: {  	[timem:s7], [sflag:s22] =	dma.local [hbm:s5], s20  }
0x9e: {  	_ =	swait.ge [sflag:s22], s20  }
0x9f: {  	s4 =	ssub.s32 $0x0, s20;
	[sflag:s22] =	ssyncset.done $0x0  }
0xa0: {  	[sflag:s22] =	ssyncadd.s32 s4;
	_ =	sdelay $0x1  }
0xa1: {  	s23 =	simm.s32 $0x1B8B  }
0xa2: {  	_ =	swait.ge [sflag:s23], $0x1  }
0xa3: {  	[sflag:s23] =	ssyncset.done $0x0  }
0xa4: {  	s25 =	simm.s32 $0x1B8E;
	s24 =	sld [smem:$0x3FFE];
	[sflag:s23] =	ssyncadd.s32 $0xFFFFFFFF  }
0xa5: {  	s26 =	simm.s32 $execute0_lowered;
	[smem:$0x3FD2] =	sst s25  }
0xa6: {  	s5 =	sshll.u32 s26, $0x1;
	_ =	strace $0x80000046;
	[dreg:$0x1] =	wrdreg $0xFFFFFFFF  }
0xa7: {  	s28 =	simm.s32 $_size_execute0_lowered;
	s3 =	sadd.s32 s3, s5;
	[dreg:$0x0] =	wrdreg $0x0  }
0xa8: {  	s5 =	sshll.u32 s28, $0x1;
	[dreg:$0x2] =	wrdreg s3  }
0xa9: {  	[dreg:$0x3] =	wrdreg s5  }
0xaa: {  	[dreg:$0x4] =	wrdreg $0xC0  }
0xab: {  	_ =	task [dreg:s7], $0x5FFFF  }
0xac: {  	[dreg:$0x1] =	wrdreg $0xFFFFFFFF  }
0xad: {  	[dreg:$0x0] =	wrdreg $0x60  }
0xae: {  	[dreg:$0x2] =	wrdreg s24  }
0xaf: {  	[dreg:$0x3] =	wrdreg s2  }
0xb0: {  	[dreg:$0x4] =	wrdreg $0x0  }
0xb1: {  	[dreg:$0x5] =	wrdreg $0x9  }
0xb2: {  	_ =	task.clear_ibuf [dreg:s7], $0x6FFFF;
	_ =	strace $0x90000046  }
0xb3: {  	s29 =	simm.s32 $0x9;
	_ =	strace $0x80000048  }
0xb4: {  	_ =	swait.ge [sflag:s29], $0x1  }
0xb5: {  	[sflag:s29] =	ssyncadd.s32 $0xFFFFFFFF  }
0xb6: {  	_ =	strace $0x90000048  }
0xb7: {  	_ =	sfence  }
0xb8: {  	s30 =	sld [smem:$0x0];
	_ =	sdelay $0x2  }
0xb9: {  	s31 =	sshll.u32 s1, $0xD;
	s1 =	sshrl.u32 s1, $0x2  }
0xba: {  	s3 =	sand.u32 $0x4000, s31;
	s1 =	sadd.s32 s1, s30  }
0xbb: {  	s0 =	sor.u32 s3, s0;
	s1 =	sshll.u32 s1, $0x11  }
0xbc: {  	s0 =	sor.u32 s1, s0  }
0xbd: {  	s0 =	sadd.s32 $0x8F2B, s0  }
0xbe: {  	[sflag:s0] =	ssyncadd.remote.s32 $0x1  }
0xbf: {  	_ =	sfence.sel $0xFFFF  }
0xc0: {  	[dreg:$0x0] =	wrdreg $0xFFFFFFFF;
	(pc) =	sbr.abs _section_cstart, $3  }
0xc1: {  	[dreg:$0x1] =	wrdreg $0xFFFFFFFF  }
0xc2: {  	_ =	task.clear_ibuf [dreg:s7], $0x2FFFF;
	_ =	strace $0x9FFFFFFF  }
0xc3: {  	(tm) =	ssettm $0x7FFFFFFF  }
tec
execute0_lowered:
.L_overlay_start_1:
0x0: {  	(tag) =	ssettag $0x1  }
0x1: {  	s0 =	rddreg [dreg:$0x0]  }
0x2: {  	s1 =	rddreg [dreg:$0x1]  }
0x3: {  	s2 =	srdreg.scid;
	s3 =	stileid.u32  }
0x4: {  	s2 =	sand.u32 $0x1, s2;
	s4 =	sshll.u32 s3, $0x1;
	s5 =	smul.u32 $0x3200, s3  }
0x5: {  	s8 =	simm.s32 $0x0;
	s4 =	sor.u32 s2, s4;
	s6 =	smul.u32 $0x1900, s2  }
0x6: {  	[smem:$0x7FF] =	sst s8;
	s2 =	ssub.s32 $0x2, s2;
	s4 =	smul.u32 $0x1900, s4  }
0x7: {  	s7 =	rddreg [dreg:$0x2];
	_ =	strace $0x80000047;
	s28 =	sshrl.u32 s2, $0x1  }
0x8: {  	s5 =	sadd.s32 s6, s5;
	s29 =	ssub.s32 s2, s28;
	s4 =	sshrl.u32 s4, $0x3  }
0x9: {  	s5 =	sshrl.u32 s5, $0x3;
	s4 =	sadd.s32 s4, s0;
	s0 =	sadd.s32 $0x7000, s0  }
0xa: {  	s5 =	smul.u32 $0x300, s5;
	[smem:$0x7F9] =	sst s0;
	s30 =	sadd.s32 $0xC00, s4  }
0xb: {  	s0 =	smax.u32 s29, $0x1;
	[smem:$0x7FA] =	sst s30  }
0xc: {  	p0 =	sne.s32 s3, $0x0;
	[smem:$0x7FB] =	sst s0;
	s31 =	sadd.s32 s5, s1  }
0xd: {  	s0 =	sshrl.u32 @!p0 s7, $0x3;
	[smem:$0x7FC] =	sst s31  }
0xe: {  	s2 =	simm.s32 $0x0;
	[smem:$0x7FD] =	sst s0  }
.LBB2_1:
0xf: {  	[smem:$0x7F8] =	sst s2  }
0x10: {  	s1 =	sld [smem:$0x7F9]  }
0x11: {  	s2 =	sld [smem:$0x7FD];
	_ =	sdelay $0x1  }
0x12: {  	s0 =	simm.s32 @!p0 $0x1C06  }
0x13: {  	[spmem:s2], [sflag:s0] =	dma.local @!p0 [hbm:s1], $0x1800  }
0x14: {  	s0 =	simm.s32 @!p0 $0x6  }
0x15: {  	_ =	swait.ge @!p0 [sflag:s0], $0x1800  }
0x16: {  	s5 =	sld [smem:$0x7FA]  }
0x17: {  	s4 =	simm.s32 $0x0;
	[sflag:s0] =	ssyncset.done @!p0 $0x0  }
0x18: {  	s6 =	simm.s32 $0xC00;
	s7 =	simm.s32 $0x6;
	[sflag:s0] =	ssyncadd.s32 @!p0 $0xFFFFE800  }
0x19: {  	[tilespmem:s6], [sflag:$0x6] =	stream.linear.gather [hbm4b:s5+s4], $0x1900, $0x38;
	[tilespmem:$0x1A500] =	vst v63  }
0x1a: {  	_ =	swait.ge [sflag:s7], $0x1900  }
0x1b: {  	p1 =	por $0x1, $0x1;
	[sflag:s7] =	ssyncset.done $0x0  }
0x1c: {  	p1 =	por p1, p1;
	[sflag:s7] =	ssyncadd.s32 $0xFFFFE700;
	s7 =	sand.u32 $0x3, s4  }
0x1d: {  	[bflag:$0x0] =	sbarrier.arrive $0xFFFF;
	s0 =	sadd.s32 @!p1 $0x2, s7  }
0x1e: {  	_ =	swait.ge @!p1 [sflag:s0], $0x6000  }
0x1f: {  	[sflag:s0] =	ssyncset.done @!p1 $0x0  }
0x20: {  	s6 =	simm.s32 $0xC10;
	[sflag:s0] =	ssyncadd.s32 @!p1 $0xFFFFA000  }
0x21: {  	v0 =	vld [tilespmem:s6+$0xFFFFFFF0];
	_ =	sdelay $0x4  }
0x22: {  	(v2sf) =	vpush v0, $0x0;
	_ =	sdelay $0x7  }
0x23: {  	(v2sf) =	vpush v0, $0x1;
	_ =	sdelay $0x3  }
0x24: {  	s10 =	smul.u32 $0x18000, s7;
	_ =	sdelay $0x1  }
0x25: {  	s5 =	sshrl.u32 s10, $0x2  }
0x26: {  	s10 =	sadd.s32 $0x2500, s5;
	s8 =	spop (v2sf)  }
0x27: {  	s11 =	sadd.s32 $0x2900, s5;
	s13 =	sadd.s32 $0x2D00, s5;
	s9 =	sshrl.u32 s8, $0x3  }
0x28: {  	s15 =	sadd.s32 $0x3100, s5;
	s17 =	sadd.s32 $0x3500, s5;
	s1 =	smul.u32 $0x6000, s9  }
0x29: {  	s19 =	sadd.s32 $0x3900, s5;
	s20 =	sadd.s32 $0x2580, s5;
	s22 =	sadd.s32 $0x2980, s5  }
0x2a: {  	(v2sf) =	vpush v0, $0x2;
	s0 =	sshll.u32 s8, $0x7;
	s8 =	rddreg [dreg:$0x2];
	s1 =	sshra.s32 s1, $0x2  }
0x2b: {  	s23 =	sadd.s32 $0x2D80, s5;
	s0 =	sand.u32 $0x380, s0;
	s1 =	sadd.s32 s1, s8  }
0x2c: {  	s25 =	sadd.s32 $0x3180, s5;
	s29 =	sadd.s32 $0x3580, s5;
	s0 =	sadd.s32 s0, s1  }
0x2d: {  	[tilespmem:s10], [sflag:$0x1] =	stream.linear.gather [spmem:s0], $0x80, $0x38;
	[tilespmem:$0x1A500] =	vst v63  }
0x2e: {  	s31 =	sadd.s32 $0x3980, s5;
	s14 =	spop (v2sf);
	(v2sf) =	vpush v0, $0x3;
	s12 =	sadd.s32 $0x400, s0  }
0x2f: {  	[tilespmem:s11], [sflag:$0x1] =	stream.linear.gather [spmem:s12], $0x80, $0x38;
	[tilespmem:$0x1A500] =	vst v63  }
0x30: {  	s16 =	sshrl.u32 s14, $0x3;
	s2 =	sshll.u32 s14, $0x7;
	s3 =	sadd.s32 $0x800, s0  }
0x31: {  	[tilespmem:s13], [sflag:$0x1] =	stream.linear.gather [spmem:s3], $0x80, $0x38;
	[tilespmem:$0x1A500] =	vst v63  }
0x32: {  	s14 =	sadd.s32 $0x3200, s5;
	s4 =	sadd.s32 $0xC00, s0;
	s3 =	smul.u32 $0x6000, s16  }
0x33: {  	[tilespmem:s15], [sflag:$0x1] =	stream.linear.gather [spmem:s4], $0x80, $0x38;
	[tilespmem:$0x1A500] =	vst v63  }
0x34: {  	s2 =	sand.u32 $0x380, s2;
	s18 =	sadd.s32 $0x1000, s0;
	s3 =	sshra.s32 s3, $0x2  }
0x35: {  	s0 =	sadd.s32 $0x1400, s0;
	s11 =	sadd.s32 $0x2A00, s5;
	s3 =	sadd.s32 s3, s8  }
0x36: {  	[tilespmem:s17], [sflag:$0x1] =	stream.linear.gather [spmem:s18], $0x80, $0x38;
	[tilespmem:$0x1A500] =	vst v63  }
0x37: {  	s12 =	sadd.s32 $0x2E00, s5;
	s4 =	sadd.s32 $0x2600, s5;
	s21 =	sadd.s32 s2, s3  }
0x38: {  	[tilespmem:s19], [sflag:$0x1] =	stream.linear.gather [spmem:s0], $0x80, $0x38;
	[tilespmem:$0x1A500] =	vst v63  }
0x39: {  	s24 =	spop (v2sf);
	(v2sf) =	vpush v0, $0x4;
	s17 =	sadd.s32 $0x3600, s5;
	s2 =	sadd.s32 $0x400, s21  }
0x3a: {  	[tilespmem:s20], [sflag:$0x1] =	stream.linear.gather [spmem:s21], $0x80, $0x38;
	[tilespmem:$0x1A500] =	vst v63  }
0x3b: {  	s3 =	sadd.s32 $0x800, s21;
	s26 =	sshrl.u32 s24, $0x3;
	s28 =	sadd.s32 $0xC00, s21  }
0x3c: {  	[tilespmem:s22], [sflag:$0x1] =	stream.linear.gather [spmem:s2], $0x80, $0x38;
	[tilespmem:$0x1A500] =	vst v63  }
0x3d: {  	s30 =	sadd.s32 $0x1000, s21;
	s1 =	sadd.s32 $0x1400, s21;
	s13 =	spop (v2sf)  }
0x3e: {  	[tilespmem:s23], [sflag:$0x1] =	stream.linear.gather [spmem:s3], $0x80, $0x38;
	[tilespmem:$0x1A500] =	vst v63  }
0x3f: {  	s15 =	sshrl.u32 s13, $0x3;
	s19 =	sadd.s32 $0x3A00, s5;
	s3 =	smul.u32 $0x6000, s26  }
0x40: {  	[tilespmem:s25], [sflag:$0x1] =	stream.linear.gather [spmem:s28], $0x80, $0x38;
	[tilespmem:$0x1A500] =	vst v63  }
0x41: {  	(v2sf) =	vpush v0, $0x5;
	s20 =	sadd.s32 $0x2680, s5;
	s2 =	sshll.u32 s24, $0x7;
	s3 =	sshra.s32 s3, $0x2  }
0x42: {  	s24 =	sadd.s32 $0x2E80, s5;
	s2 =	sand.u32 $0x380, s2;
	s3 =	sadd.s32 s3, s8  }
0x43: {  	[tilespmem:s29], [sflag:$0x1] =	stream.linear.gather [spmem:s30], $0x80, $0x38;
	[tilespmem:$0x1A500] =	vst v63  }
0x44: {  	s23 =	sadd.s32 $0x2A80, s5;
	s26 =	sadd.s32 $0x3280, s5;
	s9 =	sadd.s32 s2, s3  }
0x45: {  	[tilespmem:s31], [sflag:$0x1] =	stream.linear.gather [spmem:s1], $0x80, $0x38;
	[tilespmem:$0x1A500] =	vst v63  }
0x46: {  	s30 =	sadd.s32 $0x3680, s5;
	s2 =	sadd.s32 $0x400, s9;
	s3 =	sadd.s32 $0x800, s9  }
0x47: {  	[tilespmem:s4], [sflag:$0x1] =	stream.linear.gather [spmem:s9], $0x80, $0x38;
	[tilespmem:$0x1A500] =	vst v63  }
0x48: {  	s16 =	sadd.s32 $0xC00, s9;
	s18 =	sadd.s32 $0x1000, s9;
	s25 =	spop (v2sf)  }
0x49: {  	[tilespmem:s11], [sflag:$0x1] =	stream.linear.gather [spmem:s2], $0x80, $0x38;
	[tilespmem:$0x1A500] =	vst v63  }
0x4a: {  	s1 =	sadd.s32 $0x1400, s9;
	s28 =	sshrl.u32 s25, $0x3;
	s4 =	sadd.s32 $0x3A80, s5  }
0x4b: {  	[tilespmem:s12], [sflag:$0x1] =	stream.linear.gather [spmem:s3], $0x80, $0x38;
	[tilespmem:$0x1A500] =	vst v63  }
0x4c: {  	s9 =	sadd.s32 $0x2700, s5;
	s2 =	sshll.u32 s13, $0x7;
	s3 =	smul.u32 $0x6000, s15  }
0x4d: {  	(v2sf) =	vpush v0, $0x6;
	[tilespmem:s14], [sflag:$0x1] =	stream.linear.gather [spmem:s16], $0x80, $0x38;
	[tilespmem:$0x1A500] =	vst v63  }
0x4e: {  	s13 =	sadd.s32 $0x2F00, s5;
	s2 =	sand.u32 $0x380, s2;
	s3 =	sshra.s32 s3, $0x2  }
0x4f: {  	[tilespmem:s17], [sflag:$0x1] =	stream.linear.gather [spmem:s18], $0x80, $0x38;
	[tilespmem:$0x1A500] =	vst v63  }
0x50: {  	s12 =	sadd.s32 $0x2B00, s5;
	s14 =	spop (v2sf);
	s3 =	sadd.s32 s3, s8  }
0x51: {  	[tilespmem:s19], [sflag:$0x1] =	stream.linear.gather [spmem:s1], $0x80, $0x38;
	[tilespmem:$0x1A500] =	vst v63  }
0x52: {  	s15 =	sadd.s32 $0x3300, s5;
	s16 =	sshrl.u32 s14, $0x3;
	s21 =	sadd.s32 s2, s3  }
0x53: {  	[tilespmem:s20], [sflag:$0x1] =	stream.linear.gather [spmem:s21], $0x80, $0x38;
	[tilespmem:$0x1A500] =	vst v63  }
0x54: {  	s2 =	sshll.u32 s25, $0x7;
	s18 =	sadd.s32 $0x3700, s5;
	s22 =	sadd.s32 $0x400, s21  }
0x55: {  	[tilespmem:s23], [sflag:$0x1] =	stream.linear.gather [spmem:s22], $0x80, $0x38;
	[tilespmem:$0x1A500] =	vst v63  }
0x56: {  	s3 =	sadd.s32 $0x800, s21;
	s29 =	sadd.s32 $0xC00, s21;
	s31 =	sadd.s32 $0x1000, s21  }
0x57: {  	[tilespmem:s24], [sflag:$0x1] =	stream.linear.gather [spmem:s3], $0x80, $0x38;
	[tilespmem:$0x1A500] =	vst v63  }
0x58: {  	s2 =	sand.u32 $0x380, s2;
	s1 =	sadd.s32 $0x1400, s21;
	s3 =	smul.u32 $0x6000, s28  }
0x59: {  	[tilespmem:s26], [sflag:$0x1] =	stream.linear.gather [spmem:s29], $0x80, $0x38;
	[tilespmem:$0x1A500] =	vst v63  }
0x5a: {  	s20 =	sadd.s32 $0x3B00, s5;
	s21 =	sadd.s32 $0x2780, s5;
	s3 =	sshra.s32 s3, $0x2  }
0x5b: {  	(v2sf) =	vpush v0, $0x7;
	[tilespmem:s30], [sflag:$0x1] =	stream.linear.gather [spmem:s31], $0x80, $0x38;
	[tilespmem:$0x1A500] =	vst v63  }
0x5c: {  	s23 =	sadd.s32 $0x2B80, s5;
	s25 =	spop (v2sf);
	s3 =	sadd.s32 s3, s8  }
0x5d: {  	[tilespmem:s4], [sflag:$0x1] =	stream.linear.gather [spmem:s1], $0x80, $0x38;
	[tilespmem:$0x1A500] =	vst v63  }
0x5e: {  	s24 =	sadd.s32 $0x2F80, s5;
	s28 =	sshrl.u32 s25, $0x3;
	s11 =	sadd.s32 s2, s3  }
0x5f: {  	[tilespmem:s9], [sflag:$0x1] =	stream.linear.gather [spmem:s11], $0x80, $0x38;
	[tilespmem:$0x1A500] =	vst v63  }
0x60: {  	s26 =	sadd.s32 $0x3380, s5;
	s30 =	sadd.s32 $0x3780, s5;
	s2 =	sadd.s32 $0x400, s11  }
0x61: {  	[tilespmem:s12], [sflag:$0x1] =	stream.linear.gather [spmem:s2], $0x80, $0x38;
	[tilespmem:$0x1A500] =	vst v63  }
0x62: {  	s3 =	sadd.s32 $0x800, s11;
	s17 =	sadd.s32 $0xC00, s11;
	s19 =	sadd.s32 $0x1000, s11  }
0x63: {  	[tilespmem:s13], [sflag:$0x1] =	stream.linear.gather [spmem:s3], $0x80, $0x38;
	[tilespmem:$0x1A500] =	vst v63  }
0x64: {  	s1 =	sadd.s32 $0x1400, s11;
	s9 =	sadd.s32 $0x3B80, s5;
	s3 =	smul.u32 $0x6000, s16  }
0x65: {  	[tilespmem:s15], [sflag:$0x1] =	stream.linear.gather [spmem:s17], $0x80, $0x38;
	[tilespmem:$0x1A500] =	vst v63  }
0x66: {  	s11 =	sadd.s32 $0x2800, s5;
	s2 =	sshll.u32 s14, $0x7;
	s3 =	sshra.s32 s3, $0x2  }
0x67: {  	(v2sf) =	vpush v0, $0x8;
	[tilespmem:s18], [sflag:$0x1] =	stream.linear.gather [spmem:s19], $0x80, $0x38;
	[tilespmem:$0x1A500] =	vst v63  }
0x68: {  	s14 =	sadd.s32 $0x3000, s5;
	s2 =	sand.u32 $0x380, s2;
	s3 =	sadd.s32 s3, s8  }
0x69: {  	[tilespmem:s20], [sflag:$0x1] =	stream.linear.gather [spmem:s1], $0x80, $0x38;
	[tilespmem:$0x1A500] =	vst v63  }
0x6a: {  	s13 =	sadd.s32 $0x2C00, s5;
	s15 =	spop (v2sf);
	s22 =	sadd.s32 s2, s3  }
0x6b: {  	[tilespmem:s21], [sflag:$0x1] =	stream.linear.gather [spmem:s22], $0x80, $0x38;
	[tilespmem:$0x1A500] =	vst v63  }
0x6c: {  	s16 =	sadd.s32 $0x3400, s5;
	s17 =	sshrl.u32 s15, $0x3;
	s2 =	sadd.s32 $0x400, s22  }
0x6d: {  	[tilespmem:s23], [sflag:$0x1] =	stream.linear.gather [spmem:s2], $0x80, $0x38;
	[tilespmem:$0x1A500] =	vst v63  }
0x6e: {  	s19 =	sadd.s32 $0x3800, s5;
	s3 =	sadd.s32 $0x800, s22;
	s29 =	sadd.s32 $0xC00, s22  }
0x6f: {  	[tilespmem:s24], [sflag:$0x1] =	stream.linear.gather [spmem:s3], $0x80, $0x38;
	[tilespmem:$0x1A500] =	vst v63  }
0x70: {  	s31 =	sadd.s32 $0x1000, s22;
	s1 =	sadd.s32 $0x1400, s22;
	s3 =	smul.u32 $0x6000, s28  }
0x71: {  	[tilespmem:s26], [sflag:$0x1] =	stream.linear.gather [spmem:s29], $0x80, $0x38;
	[tilespmem:$0x1A500] =	vst v63  }
0x72: {  	s21 =	sadd.s32 $0x3C00, s5;
	s2 =	sshll.u32 s25, $0x7;
	s3 =	sshra.s32 s3, $0x2  }
0x73: {  	[tilespmem:s30], [sflag:$0x1] =	stream.linear.gather [spmem:s31], $0x80, $0x38;
	[tilespmem:$0x1A500] =	vst v63  }
0x74: {  	s22 =	sadd.s32 $0x2880, s5;
	s2 =	sand.u32 $0x380, s2;
	s3 =	sadd.s32 s3, s8  }
0x75: {  	[tilespmem:s9], [sflag:$0x1] =	stream.linear.gather [spmem:s1], $0x80, $0x38;
	[tilespmem:$0x1A500] =	vst v63  }
0x76: {  	s25 =	sadd.s32 $0x2C80, s5;
	s28 =	spop (v2sf);
	s12 =	sadd.s32 s2, s3  }
0x77: {  	(v2sf) =	vpush v0, $0x9;
	[tilespmem:s11], [sflag:$0x1] =	stream.linear.gather [spmem:s12], $0x80, $0x38;
	[tilespmem:$0x1A500] =	vst v63  }
0x78: {  	s26 =	sadd.s32 $0x3080, s5;
	s29 =	sshrl.u32 s28, $0x3;
	s2 =	sadd.s32 $0x400, s12  }
0x79: {  	[tilespmem:s13], [sflag:$0x1] =	stream.linear.gather [spmem:s2], $0x80, $0x38;
	[tilespmem:$0x1A500] =	vst v63  }
0x7a: {  	s0 =	smul.u32 $0x6000, s29;
	s29 =	sadd.s32 $0x4180, s5;
	s3 =	sadd.s32 $0x800, s12  }
0x7b: {  	[tilespmem:s14], [sflag:$0x1] =	stream.linear.gather [spmem:s3], $0x80, $0x38;
	[tilespmem:$0x1A500] =	vst v63  }
0x7c: {  	s31 =	sadd.s32 $0x3480, s5;
	s18 =	sadd.s32 $0xC00, s12;
	s3 =	smul.u32 $0x6000, s17  }
0x7d: {  	[tilespmem:s16], [sflag:$0x1] =	stream.linear.gather [spmem:s18], $0x80, $0x38;
	[tilespmem:$0x1A500] =	vst v63  }
0x7e: {  	s20 =	sadd.s32 $0x1000, s12;
	s2 =	sshll.u32 s15, $0x7;
	s3 =	sshra.s32 s3, $0x2  }
0x7f: {  	(v2sf) =	vpush v0, $0xA;
	[tilespmem:s19], [sflag:$0x1] =	stream.linear.gather [spmem:s20], $0x80, $0x38;
	[tilespmem:$0x1A500] =	vst v63  }
0x80: {  	s1 =	sadd.s32 $0x1400, s12;
	s2 =	sand.u32 $0x380, s2;
	s3 =	sadd.s32 s3, s8  }
0x81: {  	[tilespmem:s21], [sflag:$0x1] =	stream.linear.gather [spmem:s1], $0x80, $0x38;
	[tilespmem:$0x1A500] =	vst v63  }
0x82: {  	s0 =	sshra.s32 s0, $0x2;
	s9 =	sadd.s32 $0x3880, s5;
	s23 =	sadd.s32 s2, s3  }
0x83: {  	[tilespmem:s22], [sflag:$0x1] =	stream.linear.gather [spmem:s23], $0x80, $0x38;
	[tilespmem:$0x1A500] =	vst v63  }
0x84: {  	s0 =	sadd.s32 s0, s8;
	s11 =	sadd.s32 $0x3C80, s5;
	s24 =	sadd.s32 $0x400, s23  }
0x85: {  	[tilespmem:s25], [sflag:$0x1] =	stream.linear.gather [spmem:s24], $0x80, $0x38;
	[tilespmem:$0x1A500] =	vst v63  }
0x86: {  	s12 =	sadd.s32 $0x3D00, s5;
	s13 =	spop (v2sf);
	s3 =	sadd.s32 $0x800, s23  }
0x87: {  	[tilespmem:s26], [sflag:$0x1] =	stream.linear.gather [spmem:s3], $0x80, $0x38;
	[tilespmem:$0x1A500] =	vst v63  }
0x88: {  	s15 =	sshrl.u32 s13, $0x3;
	s14 =	sadd.s32 $0x4100, s5;
	s30 =	sadd.s32 $0xC00, s23  }
0x89: {  	[tilespmem:s31], [sflag:$0x1] =	stream.linear.gather [spmem:s30], $0x80, $0x38;
	[tilespmem:$0x1A500] =	vst v63  }
0x8a: {  	s17 =	sadd.s32 $0x4500, s5;
	s2 =	sshll.u32 s28, $0x7;
	s4 =	sadd.s32 $0x1000, s23  }
0x8b: {  	[tilespmem:s9], [sflag:$0x1] =	stream.linear.gather [spmem:s4], $0x80, $0x38;
	[tilespmem:$0x1A500] =	vst v63  }
0x8c: {  	s19 =	sadd.s32 $0x4900, s5;
	s2 =	sand.u32 $0x380, s2;
	s1 =	sadd.s32 $0x1400, s23  }
0x8d: {  	[tilespmem:s11], [sflag:$0x1] =	stream.linear.gather [spmem:s1], $0x80, $0x38;
	[tilespmem:$0x1A500] =	vst v63  }
0x8e: {  	s0 =	sadd.s32 s2, s0;
	s21 =	sadd.s32 $0x4D00, s5;
	s22 =	spop (v2sf)  }
0x8f: {  	(v2sf) =	vpush v0, $0xB;
	[tilespmem:s12], [sflag:$0x1] =	stream.linear.gather [spmem:s0], $0x80, $0x38;
	[tilespmem:$0x1A500] =	vst v63  }
0x90: {  	s2 =	sadd.s32 $0x400, s0;
	s16 =	sadd.s32 $0x800, s0;
	s18 =	sadd.s32 $0xC00, s0  }
0x91: {  	[tilespmem:s14], [sflag:$0x1] =	stream.linear.gather [spmem:s2], $0x80, $0x38;
	[tilespmem:$0x1A500] =	vst v63  }
0x92: {  	s20 =	sadd.s32 $0x1000, s0;
	s23 =	sadd.s32 $0x5100, s5;
	s24 =	sshrl.u32 s22, $0x3  }
0x93: {  	[tilespmem:s17], [sflag:$0x1] =	stream.linear.gather [spmem:s16], $0x80, $0x38;
	[tilespmem:$0x1A500] =	vst v63  }
0x94: {  	s25 =	sadd.s32 $0x3D80, s5;
	s26 =	sshll.u32 s22, $0x7;
	s2 =	smul.u32 $0x6000, s15  }
0x95: {  	[tilespmem:s19], [sflag:$0x1] =	stream.linear.gather [spmem:s18], $0x80, $0x38;
	[tilespmem:$0x1A500] =	vst v63  }
0x96: {  	s22 =	sadd.s32 $0x4A00, s5;
	s1 =	sshll.u32 s13, $0x7;
	s2 =	sshra.s32 s2, $0x2  }
0x97: {  	[tilespmem:s21], [sflag:$0x1] =	stream.linear.gather [spmem:s20], $0x80, $0x38;
	[tilespmem:$0x1A500] =	vst v63  }
0x98: {  	s1 =	sand.u32 $0x380, s1;
	s0 =	sadd.s32 $0x1400, s0;
	s2 =	sadd.s32 s2, s8  }
0x99: {  	(v2sf) =	vpush v0, $0xC;
	[tilespmem:s23], [sflag:$0x1] =	stream.linear.gather [spmem:s0], $0x80, $0x38;
	[tilespmem:$0x1A500] =	vst v63  }
0x9a: {  	s31 =	sadd.s32 $0x4580, s5;
	s11 =	sadd.s32 $0x4980, s5;
	s1 =	sadd.s32 s1, s2  }
0x9b: {  	[tilespmem:s25], [sflag:$0x1] =	stream.linear.gather [spmem:s1], $0x80, $0x38;
	[tilespmem:$0x1A500] =	vst v63  }
0x9c: {  	s13 =	sadd.s32 $0x4D80, s5;
	s14 =	sadd.s32 $0x5180, s5;
	s28 =	sadd.s32 $0x400, s1  }
0x9d: {  	[tilespmem:s29], [sflag:$0x1] =	stream.linear.gather [spmem:s28], $0x80, $0x38;
	[tilespmem:$0x1A500] =	vst v63  }
0x9e: {  	s15 =	sadd.s32 $0x3E00, s5;
	s16 =	spop (v2sf);
	s30 =	sadd.s32 $0x800, s1  }
0x9f: {  	[tilespmem:s31], [sflag:$0x1] =	stream.linear.gather [spmem:s30], $0x80, $0x38;
	[tilespmem:$0x1A500] =	vst v63  }
0xa0: {  	s17 =	sadd.s32 $0x4200, s5;
	s9 =	sadd.s32 $0xC00, s1;
	s0 =	smul.u32 $0x6000, s24  }
0xa1: {  	[tilespmem:s11], [sflag:$0x1] =	stream.linear.gather [spmem:s9], $0x80, $0x38;
	[tilespmem:$0x1A500] =	vst v63  }
0xa2: {  	s2 =	sand.u32 $0x380, s26;
	s12 =	sadd.s32 $0x1000, s1;
	s0 =	sshra.s32 s0, $0x2  }
0xa3: {  	[tilespmem:s13], [sflag:$0x1] =	stream.linear.gather [spmem:s12], $0x80, $0x38;
	[tilespmem:$0x1A500] =	vst v63  }
0xa4: {  	s18 =	sshrl.u32 s16, $0x3;
	s1 =	sadd.s32 $0x1400, s1;
	s0 =	sadd.s32 s0, s8  }
0xa5: {  	[tilespmem:s14], [sflag:$0x1] =	stream.linear.gather [spmem:s1], $0x80, $0x38;
	[tilespmem:$0x1A500] =	vst v63  }
0xa6: {  	s26 =	sadd.s32 $0x5200, s5;
	s20 =	sadd.s32 $0x4600, s5;
	s0 =	sadd.s32 s2, s0  }
0xa7: {  	[tilespmem:s15], [sflag:$0x1] =	stream.linear.gather [spmem:s0], $0x80, $0x38;
	[tilespmem:$0x1A500] =	vst v63  }
0xa8: {  	s24 =	sadd.s32 $0x4E00, s5;
	s25 =	spop (v2sf);
	s2 =	sadd.s32 $0x400, s0  }
0xa9: {  	[tilespmem:s17], [sflag:$0x1] =	stream.linear.gather [spmem:s2], $0x80, $0x38;
	[tilespmem:$0x1A500] =	vst v63  }
0xaa: {  	s28 =	sshrl.u32 s25, $0x3;
	s29 =	sadd.s32 $0x3E80, s5;
	s19 =	sadd.s32 $0x800, s0  }
0xab: {  	(v2sf) =	vpush v0, $0xD;
	[tilespmem:s20], [sflag:$0x1] =	stream.linear.gather [spmem:s19], $0x80, $0x38;
	[tilespmem:$0x1A500] =	vst v63  }
0xac: {  	s21 =	sadd.s32 $0xC00, s0;
	s23 =	sadd.s32 $0x1000, s0;
	s2 =	smul.u32 $0x6000, s18  }
0xad: {  	[tilespmem:s22], [sflag:$0x1] =	stream.linear.gather [spmem:s21], $0x80, $0x38;
	[tilespmem:$0x1A500] =	vst v63  }
0xae: {  	s30 =	sadd.s32 $0x4280, s5;
	s1 =	sshll.u32 s16, $0x7;
	s2 =	sshra.s32 s2, $0x2  }
0xaf: {  	[tilespmem:s24], [sflag:$0x1] =	stream.linear.gather [spmem:s23], $0x80, $0x38;
	[tilespmem:$0x1A500] =	vst v63  }
0xb0: {  	s1 =	sand.u32 $0x380, s1;
	s0 =	sadd.s32 $0x1400, s0;
	s2 =	sadd.s32 s2, s8  }
0xb1: {  	[tilespmem:s26], [sflag:$0x1] =	stream.linear.gather [spmem:s0], $0x80, $0x38;
	[tilespmem:$0x1A500] =	vst v63  }
0xb2: {  	s31 =	sshll.u32 s25, $0x7;
	s25 =	sadd.s32 $0x4F00, s5;
	s1 =	sadd.s32 s1, s2  }
0xb3: {  	(v2sf) =	vpush v0, $0xE;
	[tilespmem:s29], [sflag:$0x1] =	stream.linear.gather [spmem:s1], $0x80, $0x38;
	[tilespmem:$0x1A500] =	vst v63  }
0xb4: {  	s9 =	sadd.s32 $0x4680, s5;
	s12 =	sadd.s32 $0x4A80, s5;
	s2 =	sadd.s32 $0x400, s1  }
0xb5: {  	[tilespmem:s30], [sflag:$0x1] =	stream.linear.gather [spmem:s2], $0x80, $0x38;
	[tilespmem:$0x1A500] =	vst v63  }
0xb6: {  	s14 =	sadd.s32 $0x4E80, s5;
	s16 =	sadd.s32 $0x3F00, s5;
	s4 =	sadd.s32 $0x800, s1  }
0xb7: {  	[tilespmem:s9], [sflag:$0x1] =	stream.linear.gather [spmem:s4], $0x80, $0x38;
	[tilespmem:$0x1A500] =	vst v63  }
0xb8: {  	s15 =	sadd.s32 $0x5280, s5;
	s11 =	sadd.s32 $0xC00, s1;
	s0 =	smul.u32 $0x6000, s28  }
0xb9: {  	[tilespmem:s12], [sflag:$0x1] =	stream.linear.gather [spmem:s11], $0x80, $0x38;
	[tilespmem:$0x1A500] =	vst v63  }
0xba: {  	s17 =	spop (v2sf);
	s13 =	sadd.s32 $0x1000, s1;
	s0 =	sshra.s32 s0, $0x2  }
0xbb: {  	[tilespmem:s14], [sflag:$0x1] =	stream.linear.gather [spmem:s13], $0x80, $0x38;
	[tilespmem:$0x1A500] =	vst v63  }
0xbc: {  	s1 =	sadd.s32 $0x1400, s1;
	s0 =	sadd.s32 s0, s8;
	s2 =	sand.u32 $0x380, s31  }
0xbd: {  	[tilespmem:s15], [sflag:$0x1] =	stream.linear.gather [spmem:s1], $0x80, $0x38;
	[tilespmem:$0x1A500] =	vst v63  }
0xbe: {  	s18 =	sadd.s32 $0x4300, s5;
	s19 =	sshrl.u32 s17, $0x3;
	s0 =	sadd.s32 s2, s0  }
0xbf: {  	[tilespmem:s16], [sflag:$0x1] =	stream.linear.gather [spmem:s0], $0x80, $0x38;
	[tilespmem:$0x1A500] =	vst v63  }
0xc0: {  	s21 =	sadd.s32 $0x4700, s5;
	s23 =	sadd.s32 $0x4B00, s5;
	s2 =	sadd.s32 $0x400, s0  }
0xc1: {  	[tilespmem:s18], [sflag:$0x1] =	stream.linear.gather [spmem:s2], $0x80, $0x38;
	[tilespmem:$0x1A500] =	vst v63  }
0xc2: {  	s26 =	spop (v2sf);
	s28 =	sadd.s32 $0x5300, s5;
	s20 =	sadd.s32 $0x800, s0  }
0xc3: {  	[tilespmem:s21], [sflag:$0x1] =	stream.linear.gather [spmem:s20], $0x80, $0x38;
	[tilespmem:$0x1A500] =	vst v63  }
0xc4: {  	s29 =	sshrl.u32 s26, $0x3;
	s22 =	sadd.s32 $0xC00, s0;
	s2 =	smul.u32 $0x6000, s19  }
0xc5: {  	[tilespmem:s23], [sflag:$0x1] =	stream.linear.gather [spmem:s22], $0x80, $0x38;
	[tilespmem:$0x1A500] =	vst v63  }
0xc6: {  	s24 =	sadd.s32 $0x1000, s0;
	s1 =	sshll.u32 s17, $0x7;
	s2 =	sshra.s32 s2, $0x2  }
0xc7: {  	[tilespmem:s25], [sflag:$0x1] =	stream.linear.gather [spmem:s24], $0x80, $0x38;
	[tilespmem:$0x1A500] =	vst v63  }
0xc8: {  	s1 =	sand.u32 $0x380, s1;
	s0 =	sadd.s32 $0x1400, s0;
	s2 =	sadd.s32 s2, s8  }
0xc9: {  	(v2sf) =	vpush v0, $0xF;
	[tilespmem:s28], [sflag:$0x1] =	stream.linear.gather [spmem:s0], $0x80, $0x38;
	[tilespmem:$0x1A500] =	vst v63  }
0xca: {  	s30 =	sadd.s32 $0x3F80, s5;
	s31 =	sadd.s32 $0x4380, s5;
	s1 =	sadd.s32 s1, s2  }
0xcb: {  	[tilespmem:s30], [sflag:$0x1] =	stream.linear.gather [spmem:s1], $0x80, $0x38;
	[tilespmem:$0x1A500] =	vst v63  }
0xcc: {  	s11 =	sadd.s32 $0x4780, s5;
	s12 =	sshll.u32 s26, $0x7;
	s2 =	sadd.s32 $0x400, s1  }
0xcd: {  	[tilespmem:s31], [sflag:$0x1] =	stream.linear.gather [spmem:s2], $0x80, $0x38;
	[tilespmem:$0x1A500] =	vst v63  }
0xce: {  	s26 =	sadd.s32 $0x4C00, s5;
	s14 =	sadd.s32 $0x4B80, s5;
	s9 =	sadd.s32 $0x800, s1  }
0xcf: {  	[tilespmem:s11], [sflag:$0x1] =	stream.linear.gather [spmem:s9], $0x80, $0x38;
	[tilespmem:$0x1A500] =	vst v63  }
0xd0: {  	s17 =	sadd.s32 $0x5380, s5;
	s13 =	sadd.s32 $0xC00, s1;
	s0 =	smul.u32 $0x6000, s29  }
0xd1: {  	[tilespmem:s14], [sflag:$0x1] =	stream.linear.gather [spmem:s13], $0x80, $0x38;
	[tilespmem:$0x1A500] =	vst v63  }
0xd2: {  	s16 =	sadd.s32 $0x4F80, s5;
	s15 =	sadd.s32 $0x1000, s1;
	s0 =	sshra.s32 s0, $0x2  }
0xd3: {  	[tilespmem:s16], [sflag:$0x1] =	stream.linear.gather [spmem:s15], $0x80, $0x38;
	[tilespmem:$0x1A500] =	vst v63  }
0xd4: {  	s1 =	sadd.s32 $0x1400, s1;
	s0 =	sadd.s32 s0, s8;
	s2 =	sand.u32 $0x380, s12  }
0xd5: {  	[tilespmem:s17], [sflag:$0x1] =	stream.linear.gather [spmem:s1], $0x80, $0x38;
	[tilespmem:$0x1A500] =	vst v63  }
0xd6: {  	s18 =	sadd.s32 $0x4000, s5;
	s20 =	sadd.s32 $0x4400, s5;
	s0 =	sadd.s32 s2, s0  }
0xd7: {  	[tilespmem:s18], [sflag:$0x1] =	stream.linear.gather [spmem:s0], $0x80, $0x38;
	[tilespmem:$0x1A500] =	vst v63  }
0xd8: {  	s21 =	spop (v2sf);
	s23 =	sadd.s32 $0x4800, s5;
	s19 =	sadd.s32 $0x400, s0  }
0xd9: {  	[tilespmem:s20], [sflag:$0x1] =	stream.linear.gather [spmem:s19], $0x80, $0x38;
	[tilespmem:$0x1A500] =	vst v63  }
0xda: {  	s24 =	sshrl.u32 s21, $0x3;
	s29 =	sadd.s32 $0x5000, s5;
	s22 =	sadd.s32 $0x800, s0  }
0xdb: {  	[tilespmem:s23], [sflag:$0x1] =	stream.linear.gather [spmem:s22], $0x80, $0x38;
	[tilespmem:$0x1A500] =	vst v63  }
0xdc: {  	s30 =	sadd.s32 $0x5400, s5;
	s2 =	smul.u32 $0x6000, s24;
	s25 =	sadd.s32 $0xC00, s0  }
0xdd: {  	[tilespmem:s26], [sflag:$0x1] =	stream.linear.gather [spmem:s25], $0x80, $0x38;
	[tilespmem:$0x1A500] =	vst v63  }
0xde: {  	s28 =	sadd.s32 $0x1000, s0;
	s2 =	sshra.s32 s2, $0x2;
	s1 =	sshll.u32 s21, $0x7  }
0xdf: {  	[tilespmem:s29], [sflag:$0x1] =	stream.linear.gather [spmem:s28], $0x80, $0x38;
	[tilespmem:$0x1A500] =	vst v63  }
0xe0: {  	s2 =	sadd.s32 s2, s8;
	s1 =	sand.u32 $0x380, s1;
	s0 =	sadd.s32 $0x1400, s0  }
0xe1: {  	[tilespmem:s30], [sflag:$0x1] =	stream.linear.gather [spmem:s0], $0x80, $0x38;
	[tilespmem:$0x1A500] =	vst v63  }
0xe2: {  	s31 =	sadd.s32 $0x4080, s5;
	s1 =	sadd.s32 s1, s2  }
0xe3: {  	[tilespmem:s31], [sflag:$0x1] =	stream.linear.gather [spmem:s1], $0x80, $0x38;
	[tilespmem:$0x1A500] =	vst v63  }
0xe4: {  	s4 =	sadd.s32 $0x4480, s5;
	s3 =	sadd.s32 $0x400, s1  }
0xe5: {  	[tilespmem:s4], [sflag:$0x1] =	stream.linear.gather [spmem:s3], $0x80, $0x38;
	[tilespmem:$0x1A500] =	vst v63  }
0xe6: {  	s11 =	sadd.s32 $0x4880, s5;
	s9 =	sadd.s32 $0x800, s1  }
0xe7: {  	[tilespmem:s11], [sflag:$0x1] =	stream.linear.gather [spmem:s9], $0x80, $0x38;
	[tilespmem:$0x1A500] =	vst v63  }
0xe8: {  	s13 =	sadd.s32 $0x4C80, s5;
	s12 =	sadd.s32 $0xC00, s1  }
0xe9: {  	[tilespmem:s13], [sflag:$0x1] =	stream.linear.gather [spmem:s12], $0x80, $0x38;
	[tilespmem:$0x1A500] =	vst v63  }
0xea: {  	s15 =	sadd.s32 $0x5080, s5;
	s14 =	sadd.s32 $0x1000, s1  }
0xeb: {  	[tilespmem:s15], [sflag:$0x1] =	stream.linear.gather [spmem:s14], $0x80, $0x38;
	[tilespmem:$0x1A500] =	vst v63  }
0xec: {  	s17 =	sadd.s32 $0x5480, s5;
	s16 =	sadd.s32 $0x1400, s1  }
0xed: {  	[tilespmem:s17], [sflag:$0x1] =	stream.linear.gather [spmem:s16], $0x80, $0x38;
	[tilespmem:$0x1A500] =	vst v63  }
0xee: {  	v63 =	vld [tilespmem:s6+$0x0];
	_ =	sdelay $0x4  }
0xef: {  	(v2sf) =	vpush v63, $0x0;
	_ =	sdelay $0x4  }
0xf0: {  	(v2sf) =	vpush v63, $0x1;
	_ =	sdelay $0x8  }
0xf1: {  	s21 =	sadd.s32 $0x5900, s5  }
0xf2: {  	s20 =	sadd.s32 $0x5500, s5;
	s23 =	sadd.s32 $0x5D00, s5;
	s18 =	spop (v2sf)  }
0xf3: {  	s26 =	sadd.s32 $0x6100, s5;
	s30 =	sadd.s32 $0x6500, s5;
	s19 =	sshrl.u32 s18, $0x3  }
0xf4: {  	s4 =	sadd.s32 $0x6A00, s5;
	s9 =	sadd.s32 $0x5580, s5;
	s1 =	smul.u32 $0x6000, s19  }
0xf5: {  	s12 =	sadd.s32 $0x5980, s5;
	s13 =	sadd.s32 $0x5D80, s5;
	s15 =	sadd.s32 $0x6180, s5;
	(v2sf) =	vpush v63, $0x2  }
0xf6: {  	s6 =	sadd.s32 $0x6900, s5;
	s0 =	sshll.u32 s18, $0x7;
	s1 =	sshra.s32 s1, $0x2  }
0xf7: {  	s24 =	spop (v2sf);
	s0 =	sand.u32 $0x380, s0;
	s1 =	sadd.s32 s1, s8  }
0xf8: {  	s18 =	sadd.s32 $0x6580, s5;
	s28 =	sshrl.u32 s24, $0x3;
	s0 =	sadd.s32 s0, s1  }
0xf9: {  	(v2sf) =	vpush v63, $0x3;
	[tilespmem:s20], [sflag:$0x1] =	stream.linear.gather [spmem:s0], $0x80, $0x38;
	[tilespmem:$0x1A500] =	vst v63  }
0xfa: {  	s2 =	sshll.u32 s24, $0x7;
	s3 =	smul.u32 $0x6000, s28;
	s22 =	sadd.s32 $0x400, s0  }
0xfb: {  	[tilespmem:s21], [sflag:$0x1] =	stream.linear.gather [spmem:s22], $0x80, $0x38;
	[tilespmem:$0x1A500] =	vst v63  }
0xfc: {  	s24 =	sadd.s32 $0x5E00, s5;
	s3 =	sshra.s32 s3, $0x2;
	s25 =	sadd.s32 $0x800, s0  }
0xfd: {  	[tilespmem:s23], [sflag:$0x1] =	stream.linear.gather [spmem:s25], $0x80, $0x38;
	[tilespmem:$0x1A500] =	vst v63  }
0xfe: {  	s2 =	sand.u32 $0x380, s2;
	s3 =	sadd.s32 s3, s8;
	s29 =	sadd.s32 $0xC00, s0  }
0xff: {  	[tilespmem:s26], [sflag:$0x1] =	stream.linear.gather [spmem:s29], $0x80, $0x38;
	[tilespmem:$0x1A500] =	vst v63  }
0x100: {  	s31 =	sadd.s32 $0x1000, s0;
	s0 =	sadd.s32 $0x1400, s0;
	s11 =	sadd.s32 s2, s3  }
0x101: {  	[tilespmem:s30], [sflag:$0x1] =	stream.linear.gather [spmem:s31], $0x80, $0x38;
	[tilespmem:$0x1A500] =	vst v63  }
0x102: {  	s20 =	sadd.s32 $0x6980, s5;
	s2 =	sadd.s32 $0x400, s11;
	s3 =	sadd.s32 $0x800, s11  }
0x103: {  	[tilespmem:s6], [sflag:$0x1] =	stream.linear.gather [spmem:s0], $0x80, $0x38;
	[tilespmem:$0x1A500] =	vst v63  }
0x104: {  	s17 =	sadd.s32 $0xC00, s11;
	s19 =	sadd.s32 $0x1000, s11;
	s14 =	spop (v2sf);
	(v2sf) =	vpush v63, $0x4  }
0x105: {  	[tilespmem:s9], [sflag:$0x1] =	stream.linear.gather [spmem:s11], $0x80, $0x38;
	[tilespmem:$0x1A500] =	vst v63  }
0x106: {  	s1 =	sadd.s32 $0x1400, s11;
	s21 =	sadd.s32 $0x5600, s5;
	s23 =	sadd.s32 $0x5A00, s5  }
0x107: {  	[tilespmem:s12], [sflag:$0x1] =	stream.linear.gather [spmem:s2], $0x80, $0x38;
	[tilespmem:$0x1A500] =	vst v63  }
0x108: {  	s26 =	sadd.s32 $0x6200, s5;
	s16 =	sshrl.u32 s14, $0x3;
	s25 =	spop (v2sf)  }
0x109: {  	[tilespmem:s13], [sflag:$0x1] =	stream.linear.gather [spmem:s3], $0x80, $0x38;
	[tilespmem:$0x1A500] =	vst v63  }
0x10a: {  	s30 =	sadd.s32 $0x6600, s5;
	(v2sf) =	vpush v63, $0x5;
	s28 =	sshrl.u32 s25, $0x3;
	s3 =	smul.u32 $0x6000, s16  }
0x10b: {  	[tilespmem:s15], [sflag:$0x1] =	stream.linear.gather [spmem:s17], $0x80, $0x38;
	[tilespmem:$0x1A500] =	vst v63  }
0x10c: {  	s6 =	sadd.s32 $0x5680, s5;
	s2 =	sshll.u32 s14, $0x7;
	s3 =	sshra.s32 s3, $0x2  }
0x10d: {  	s12 =	sadd.s32 $0x5A80, s5;
	s2 =	sand.u32 $0x380, s2;
	s3 =	sadd.s32 s3, s8  }
0x10e: {  	[tilespmem:s18], [sflag:$0x1] =	stream.linear.gather [spmem:s19], $0x80, $0x38;
	[tilespmem:$0x1A500] =	vst v63  }
0x10f: {  	s13 =	sadd.s32 $0x5E80, s5;
	s15 =	sadd.s32 $0x6280, s5;
	s22 =	sadd.s32 s2, s3  }
0x110: {  	[tilespmem:s20], [sflag:$0x1] =	stream.linear.gather [spmem:s1], $0x80, $0x38;
	[tilespmem:$0x1A500] =	vst v63  }
0x111: {  	s18 =	sadd.s32 $0x6680, s5;
	s2 =	sadd.s32 $0x400, s22;
	s3 =	sadd.s32 $0x800, s22  }
0x112: {  	[tilespmem:s21], [sflag:$0x1] =	stream.linear.gather [spmem:s22], $0x80, $0x38;
	[tilespmem:$0x1A500] =	vst v63  }
0x113: {  	s29 =	sadd.s32 $0xC00, s22;
	s31 =	sadd.s32 $0x1000, s22;
	s14 =	spop (v2sf)  }
0x114: {  	[tilespmem:s23], [sflag:$0x1] =	stream.linear.gather [spmem:s2], $0x80, $0x38;
	[tilespmem:$0x1A500] =	vst v63  }
0x115: {  	s1 =	sadd.s32 $0x1400, s22;
	s20 =	sadd.s32 $0x6A80, s5;
	s16 =	sshrl.u32 s14, $0x3  }
0x116: {  	[tilespmem:s24], [sflag:$0x1] =	stream.linear.gather [spmem:s3], $0x80, $0x38;
	[tilespmem:$0x1A500] =	vst v63  }
0x117: {  	s21 =	sadd.s32 $0x5700, s5;
	s2 =	sshll.u32 s25, $0x7;
	s3 =	smul.u32 $0x6000, s28  }
0x118: {  	[tilespmem:s26], [sflag:$0x1] =	stream.linear.gather [spmem:s29], $0x80, $0x38;
	[tilespmem:$0x1A500] =	vst v63  }
0x119: {  	s23 =	sadd.s32 $0x5B00, s5;
	s25 =	spop (v2sf);
	s3 =	sshra.s32 s3, $0x2  }
0x11a: {  	(v2sf) =	vpush v63, $0x6;
	[tilespmem:s30], [sflag:$0x1] =	stream.linear.gather [spmem:s31], $0x80, $0x38;
	[tilespmem:$0x1A500] =	vst v63  }
0x11b: {  	s2 =	sand.u32 $0x380, s2;
	s24 =	sadd.s32 $0x5F00, s5;
	s3 =	sadd.s32 s3, s8  }
0x11c: {  	[tilespmem:s4], [sflag:$0x1] =	stream.linear.gather [spmem:s1], $0x80, $0x38;
	[tilespmem:$0x1A500] =	vst v63  }
0x11d: {  	s28 =	sshrl.u32 s25, $0x3;
	s26 =	sadd.s32 $0x6300, s5;
	s9 =	sadd.s32 s2, s3  }
0x11e: {  	[tilespmem:s6], [sflag:$0x1] =	stream.linear.gather [spmem:s9], $0x80, $0x38;
	[tilespmem:$0x1A500] =	vst v63  }
0x11f: {  	s2 =	sshll.u32 s14, $0x7;
	s30 =	sadd.s32 $0x6700, s5;
	s11 =	sadd.s32 $0x400, s9  }
0x120: {  	[tilespmem:s12], [sflag:$0x1] =	stream.linear.gather [spmem:s11], $0x80, $0x38;
	[tilespmem:$0x1A500] =	vst v63  }
0x121: {  	s3 =	sadd.s32 $0x800, s9;
	s17 =	sadd.s32 $0xC00, s9;
	s19 =	sadd.s32 $0x1000, s9  }
0x122: {  	[tilespmem:s13], [sflag:$0x1] =	stream.linear.gather [spmem:s3], $0x80, $0x38;
	[tilespmem:$0x1A500] =	vst v63  }
0x123: {  	s2 =	sand.u32 $0x380, s2;
	s1 =	sadd.s32 $0x1400, s9;
	s3 =	smul.u32 $0x6000, s16  }
0x124: {  	[tilespmem:s15], [sflag:$0x1] =	stream.linear.gather [spmem:s17], $0x80, $0x38;
	[tilespmem:$0x1A500] =	vst v63  }
0x125: {  	s4 =	sadd.s32 $0x6C00, s5;
	s6 =	sadd.s32 $0x6B00, s5;
	s3 =	sshra.s32 s3, $0x2  }
0x126: {  	(v2sf) =	vpush v63, $0x7;
	[tilespmem:s18], [sflag:$0x1] =	stream.linear.gather [spmem:s19], $0x80, $0x38;
	[tilespmem:$0x1A500] =	vst v63  }
0x127: {  	s9 =	sadd.s32 $0x5780, s5;
	s12 =	sadd.s32 $0x5B80, s5;
	s3 =	sadd.s32 s3, s8  }
0x128: {  	[tilespmem:s20], [sflag:$0x1] =	stream.linear.gather [spmem:s1], $0x80, $0x38;
	[tilespmem:$0x1A500] =	vst v63  }
0x129: {  	s14 =	spop (v2sf);
	s13 =	sadd.s32 $0x5F80, s5;
	s22 =	sadd.s32 s2, s3  }
0x12a: {  	[tilespmem:s21], [sflag:$0x1] =	stream.linear.gather [spmem:s22], $0x80, $0x38;
	[tilespmem:$0x1A500] =	vst v63  }
0x12b: {  	s16 =	sshrl.u32 s14, $0x3;
	s15 =	sadd.s32 $0x6380, s5;
	s2 =	sadd.s32 $0x400, s22  }
0x12c: {  	[tilespmem:s23], [sflag:$0x1] =	stream.linear.gather [spmem:s2], $0x80, $0x38;
	[tilespmem:$0x1A500] =	vst v63  }
0x12d: {  	s18 =	sadd.s32 $0x6780, s5;
	s3 =	sadd.s32 $0x800, s22;
	s29 =	sadd.s32 $0xC00, s22  }
0x12e: {  	[tilespmem:s24], [sflag:$0x1] =	stream.linear.gather [spmem:s3], $0x80, $0x38;
	[tilespmem:$0x1A500] =	vst v63  }
0x12f: {  	s31 =	sadd.s32 $0x1000, s22;
	s1 =	sadd.s32 $0x1400, s22;
	s3 =	smul.u32 $0x6000, s28  }
0x130: {  	[tilespmem:s26], [sflag:$0x1] =	stream.linear.gather [spmem:s29], $0x80, $0x38;
	[tilespmem:$0x1A500] =	vst v63  }
0x131: {  	s20 =	sadd.s32 $0x6B80, s5;
	s2 =	sshll.u32 s25, $0x7;
	s3 =	sshra.s32 s3, $0x2  }
0x132: {  	(v2sf) =	vpush v63, $0x8;
	[tilespmem:s30], [sflag:$0x1] =	stream.linear.gather [spmem:s31], $0x80, $0x38;
	[tilespmem:$0x1A500] =	vst v63  }
0x133: {  	s21 =	sadd.s32 $0x5800, s5;
	s2 =	sand.u32 $0x380, s2;
	s3 =	sadd.s32 s3, s8  }
0x134: {  	[tilespmem:s6], [sflag:$0x1] =	stream.linear.gather [spmem:s1], $0x80, $0x38;
	[tilespmem:$0x1A500] =	vst v63  }
0x135: {  	s23 =	sadd.s32 $0x5C00, s5;
	s25 =	spop (v2sf);
	s11 =	sadd.s32 s2, s3  }
0x136: {  	[tilespmem:s9], [sflag:$0x1] =	stream.linear.gather [spmem:s11], $0x80, $0x38;
	[tilespmem:$0x1A500] =	vst v63  }
0x137: {  	s24 =	sadd.s32 $0x6000, s5;
	s28 =	sshrl.u32 s25, $0x3;
	s2 =	sadd.s32 $0x400, s11  }
0x138: {  	[tilespmem:s12], [sflag:$0x1] =	stream.linear.gather [spmem:s2], $0x80, $0x38;
	[tilespmem:$0x1A500] =	vst v63  }
0x139: {  	s26 =	sadd.s32 $0x6400, s5;
	s30 =	sadd.s32 $0x6800, s5;
	s3 =	sadd.s32 $0x800, s11  }
0x13a: {  	[tilespmem:s13], [sflag:$0x1] =	stream.linear.gather [spmem:s3], $0x80, $0x38;
	[tilespmem:$0x1A500] =	vst v63  }
0x13b: {  	s17 =	sadd.s32 $0xC00, s11;
	s19 =	sadd.s32 $0x1000, s11;
	s3 =	smul.u32 $0x6000, s16  }
0x13c: {  	[tilespmem:s15], [sflag:$0x1] =	stream.linear.gather [spmem:s17], $0x80, $0x38;
	[tilespmem:$0x1A500] =	vst v63  }
0x13d: {  	s1 =	sadd.s32 $0x1400, s11;
	s2 =	sshll.u32 s14, $0x7;
	s3 =	sshra.s32 s3, $0x2  }
0x13e: {  	[tilespmem:s18], [sflag:$0x1] =	stream.linear.gather [spmem:s19], $0x80, $0x38;
	[tilespmem:$0x1A500] =	vst v63  }
0x13f: {  	s6 =	sadd.s32 $0x5880, s5;
	s2 =	sand.u32 $0x380, s2;
	s3 =	sadd.s32 s3, s8  }
0x140: {  	(v2sf) =	vpush v63, $0x9;
	[tilespmem:s20], [sflag:$0x1] =	stream.linear.gather [spmem:s1], $0x80, $0x38;
	[tilespmem:$0x1A500] =	vst v63  }
0x141: {  	s12 =	sadd.s32 $0x5C80, s5;
	s14 =	spop (v2sf);
	s22 =	sadd.s32 s2, s3  }
0x142: {  	[tilespmem:s21], [sflag:$0x1] =	stream.linear.gather [spmem:s22], $0x80, $0x38;
	[tilespmem:$0x1A500] =	vst v63  }
0x143: {  	s13 =	sadd.s32 $0x6080, s5;
	s15 =	sshrl.u32 s14, $0x3;
	s2 =	sadd.s32 $0x400, s22  }
0x144: {  	[tilespmem:s23], [sflag:$0x1] =	stream.linear.gather [spmem:s2], $0x80, $0x38;
	[tilespmem:$0x1A500] =	vst v63  }
0x145: {  	s17 =	sadd.s32 $0x6480, s5;
	s0 =	smul.u32 $0x6000, s15;
	s3 =	sadd.s32 $0x800, s22  }
0x146: {  	[tilespmem:s24], [sflag:$0x1] =	stream.linear.gather [spmem:s3], $0x80, $0x38;
	[tilespmem:$0x1A500] =	vst v63  }
0x147: {  	s19 =	sadd.s32 $0x6880, s5;
	s29 =	sadd.s32 $0xC00, s22;
	s3 =	smul.u32 $0x6000, s28  }
0x148: {  	[tilespmem:s26], [sflag:$0x1] =	stream.linear.gather [spmem:s29], $0x80, $0x38;
	[tilespmem:$0x1A500] =	vst v63  }
0x149: {  	s31 =	sadd.s32 $0x1000, s22;
	s2 =	sshll.u32 s25, $0x7;
	s3 =	sshra.s32 s3, $0x2  }
0x14a: {  	[tilespmem:s30], [sflag:$0x1] =	stream.linear.gather [spmem:s31], $0x80, $0x38;
	[tilespmem:$0x1A500] =	vst v63  }
0x14b: {  	s1 =	sadd.s32 $0x1400, s22;
	s2 =	sand.u32 $0x380, s2;
	s3 =	sadd.s32 s3, s8  }
0x14c: {  	[tilespmem:s4], [sflag:$0x1] =	stream.linear.gather [spmem:s1], $0x80, $0x38;
	[tilespmem:$0x1A500] =	vst v63  }
0x14d: {  	s0 =	sshra.s32 s0, $0x2;
	s20 =	sadd.s32 $0x6C80, s5;
	s9 =	sadd.s32 s2, s3  }
0x14e: {  	[tilespmem:s6], [sflag:$0x1] =	stream.linear.gather [spmem:s9], $0x80, $0x38;
	[tilespmem:$0x1A500] =	vst v63  }
0x14f: {  	s0 =	sadd.s32 s0, s8;
	s21 =	spop (v2sf);
	s11 =	sadd.s32 $0x400, s9  }
0x150: {  	(v2sf) =	vpush v63, $0xA;
	[tilespmem:s12], [sflag:$0x1] =	stream.linear.gather [spmem:s11], $0x80, $0x38;
	[tilespmem:$0x1A500] =	vst v63  }
0x151: {  	s22 =	sshrl.u32 s21, $0x3;
	s23 =	sadd.s32 $0x6D00, s5;
	s3 =	sadd.s32 $0x800, s9  }
0x152: {  	[tilespmem:s13], [sflag:$0x1] =	stream.linear.gather [spmem:s3], $0x80, $0x38;
	[tilespmem:$0x1A500] =	vst v63  }
0x153: {  	s24 =	sshll.u32 s21, $0x7;
	s21 =	sadd.s32 $0x7D80, s5;
	s16 =	sadd.s32 $0xC00, s9  }
0x154: {  	[tilespmem:s17], [sflag:$0x1] =	stream.linear.gather [spmem:s16], $0x80, $0x38;
	[tilespmem:$0x1A500] =	vst v63  }
0x155: {  	s26 =	sadd.s32 $0x7100, s5;
	s2 =	sshll.u32 s14, $0x7;
	s18 =	sadd.s32 $0x1000, s9  }
0x156: {  	(v2sf) =	vpush v63, $0xB;
	[tilespmem:s19], [sflag:$0x1] =	stream.linear.gather [spmem:s18], $0x80, $0x38;
	[tilespmem:$0x1A500] =	vst v63  }
0x157: {  	s29 =	sadd.s32 $0x7500, s5;
	s2 =	sand.u32 $0x380, s2;
	s1 =	sadd.s32 $0x1400, s9  }
0x158: {  	[tilespmem:s20], [sflag:$0x1] =	stream.linear.gather [spmem:s1], $0x80, $0x38;
	[tilespmem:$0x1A500] =	vst v63  }
0x159: {  	s31 =	sadd.s32 $0x7900, s5;
	s14 =	sadd.s32 $0x7180, s5;
	s0 =	sadd.s32 s2, s0  }
0x15a: {  	[tilespmem:s23], [sflag:$0x1] =	stream.linear.gather [spmem:s0], $0x80, $0x38;
	[tilespmem:$0x1A500] =	vst v63  }
0x15b: {  	s2 =	sand.u32 $0x380, s24;
	s25 =	sadd.s32 $0x400, s0;
	s28 =	sadd.s32 $0x800, s0  }
0x15c: {  	[tilespmem:s26], [sflag:$0x1] =	stream.linear.gather [spmem:s25], $0x80, $0x38;
	[tilespmem:$0x1A500] =	vst v63  }
0x15d: {  	s30 =	sadd.s32 $0xC00, s0;
	s6 =	sadd.s32 $0x1000, s0;
	s9 =	sadd.s32 $0x7D00, s5  }
0x15e: {  	[tilespmem:s29], [sflag:$0x1] =	stream.linear.gather [spmem:s28], $0x80, $0x38;
	[tilespmem:$0x1A500] =	vst v63  }
0x15f: {  	s11 =	sadd.s32 $0x8100, s5;
	s13 =	spop (v2sf);
	s1 =	smul.u32 $0x6000, s22  }
0x160: {  	[tilespmem:s31], [sflag:$0x1] =	stream.linear.gather [spmem:s30], $0x80, $0x38;
	[tilespmem:$0x1A500] =	vst v63  }
0x161: {  	s12 =	sadd.s32 $0x6D80, s5;
	s15 =	sshrl.u32 s13, $0x3;
	s1 =	sshra.s32 s1, $0x2  }
0x162: {  	[tilespmem:s9], [sflag:$0x1] =	stream.linear.gather [spmem:s6], $0x80, $0x38;
	[tilespmem:$0x1A500] =	vst v63  }
0x163: {  	s17 =	sadd.s32 $0x7580, s5;
	s0 =	sadd.s32 $0x1400, s0;
	s1 =	sadd.s32 s1, s8  }
0x164: {  	[tilespmem:s11], [sflag:$0x1] =	stream.linear.gather [spmem:s0], $0x80, $0x38;
	[tilespmem:$0x1A500] =	vst v63  }
0x165: {  	s19 =	sadd.s32 $0x7980, s5;
	s22 =	spop (v2sf);
	s1 =	sadd.s32 s2, s1  }
0x166: {  	(v2sf) =	vpush v63, $0xC;
	[tilespmem:s12], [sflag:$0x1] =	stream.linear.gather [spmem:s1], $0x80, $0x38;
	[tilespmem:$0x1A500] =	vst v63  }
0x167: {  	s24 =	sshrl.u32 s22, $0x3;
	s23 =	sadd.s32 $0x8180, s5;
	s2 =	sadd.s32 $0x400, s1  }
0x168: {  	[tilespmem:s14], [sflag:$0x1] =	stream.linear.gather [spmem:s2], $0x80, $0x38;
	[tilespmem:$0x1A500] =	vst v63  }
0x169: {  	s25 =	sadd.s32 $0x6E00, s5;
	s26 =	sshll.u32 s22, $0x7;
	s16 =	sadd.s32 $0x800, s1  }
0x16a: {  	[tilespmem:s17], [sflag:$0x1] =	stream.linear.gather [spmem:s16], $0x80, $0x38;
	[tilespmem:$0x1A500] =	vst v63  }
0x16b: {  	s18 =	sadd.s32 $0xC00, s1;
	s20 =	sadd.s32 $0x1000, s1;
	s2 =	smul.u32 $0x6000, s15  }
0x16c: {  	[tilespmem:s19], [sflag:$0x1] =	stream.linear.gather [spmem:s18], $0x80, $0x38;
	[tilespmem:$0x1A500] =	vst v63  }
0x16d: {  	s29 =	sadd.s32 $0x7200, s5;
	s0 =	sshll.u32 s13, $0x7;
	s2 =	sshra.s32 s2, $0x2  }
0x16e: {  	[tilespmem:s21], [sflag:$0x1] =	stream.linear.gather [spmem:s20], $0x80, $0x38;
	[tilespmem:$0x1A500] =	vst v63  }
0x16f: {  	s0 =	sand.u32 $0x380, s0;
	s1 =	sadd.s32 $0x1400, s1;
	s2 =	sadd.s32 s2, s8  }
0x170: {  	(v2sf) =	vpush v63, $0xD;
	[tilespmem:s23], [sflag:$0x1] =	stream.linear.gather [spmem:s1], $0x80, $0x38;
	[tilespmem:$0x1A500] =	vst v63  }
0x171: {  	s31 =	sadd.s32 $0x7600, s5;
	s9 =	sadd.s32 $0x7A00, s5;
	s0 =	sadd.s32 s0, s2  }
0x172: {  	[tilespmem:s25], [sflag:$0x1] =	stream.linear.gather [spmem:s0], $0x80, $0x38;
	[tilespmem:$0x1A500] =	vst v63  }
0x173: {  	s13 =	sadd.s32 $0x8200, s5;
	s12 =	sadd.s32 $0x7E00, s5;
	s28 =	sadd.s32 $0x400, s0  }
0x174: {  	[tilespmem:s29], [sflag:$0x1] =	stream.linear.gather [spmem:s28], $0x80, $0x38;
	[tilespmem:$0x1A500] =	vst v63  }
0x175: {  	s14 =	sadd.s32 $0x6E80, s5;
	s15 =	spop (v2sf);
	s30 =	sadd.s32 $0x800, s0  }
0x176: {  	[tilespmem:s31], [sflag:$0x1] =	stream.linear.gather [spmem:s30], $0x80, $0x38;
	[tilespmem:$0x1A500] =	vst v63  }
0x177: {  	s16 =	sadd.s32 $0x7280, s5;
	s6 =	sadd.s32 $0xC00, s0;
	s1 =	smul.u32 $0x6000, s24  }
0x178: {  	[tilespmem:s9], [sflag:$0x1] =	stream.linear.gather [spmem:s6], $0x80, $0x38;
	[tilespmem:$0x1A500] =	vst v63  }
0x179: {  	s17 =	sshrl.u32 s15, $0x3;
	s11 =	sadd.s32 $0x1000, s0;
	s1 =	sshra.s32 s1, $0x2  }
0x17a: {  	[tilespmem:s12], [sflag:$0x1] =	stream.linear.gather [spmem:s11], $0x80, $0x38;
	[tilespmem:$0x1A500] =	vst v63  }
0x17b: {  	s2 =	sand.u32 $0x380, s26;
	s0 =	sadd.s32 $0x1400, s0;
	s1 =	sadd.s32 s1, s8  }
0x17c: {  	[tilespmem:s13], [sflag:$0x1] =	stream.linear.gather [spmem:s0], $0x80, $0x38;
	[tilespmem:$0x1A500] =	vst v63  }
0x17d: {  	s19 =	sadd.s32 $0x7680, s5;
	s21 =	sadd.s32 $0x7A80, s5;
	s1 =	sadd.s32 s2, s1  }
0x17e: {  	[tilespmem:s14], [sflag:$0x1] =	stream.linear.gather [spmem:s1], $0x80, $0x38;
	[tilespmem:$0x1A500] =	vst v63  }
0x17f: {  	s23 =	sadd.s32 $0x7E80, s5;
	s24 =	spop (v2sf);
	s2 =	sadd.s32 $0x400, s1  }
0x180: {  	[tilespmem:s16], [sflag:$0x1] =	stream.linear.gather [spmem:s2], $0x80, $0x38;
	[tilespmem:$0x1A500] =	vst v63  }
0x181: {  	s26 =	sshrl.u32 s24, $0x3;
	s25 =	sadd.s32 $0x8280, s5;
	s18 =	sadd.s32 $0x800, s1  }
0x182: {  	(v2sf) =	vpush v63, $0xE;
	[tilespmem:s19], [sflag:$0x1] =	stream.linear.gather [spmem:s18], $0x80, $0x38;
	[tilespmem:$0x1A500] =	vst v63  }
0x183: {  	s28 =	sadd.s32 $0x6F00, s5;
	s20 =	sadd.s32 $0xC00, s1;
	s2 =	smul.u32 $0x6000, s17  }
0x184: {  	[tilespmem:s21], [sflag:$0x1] =	stream.linear.gather [spmem:s20], $0x80, $0x38;
	[tilespmem:$0x1A500] =	vst v63  }
0x185: {  	s22 =	sadd.s32 $0x1000, s1;
	s0 =	sshll.u32 s15, $0x7;
	s2 =	sshra.s32 s2, $0x2  }
0x186: {  	[tilespmem:s23], [sflag:$0x1] =	stream.linear.gather [spmem:s22], $0x80, $0x38;
	[tilespmem:$0x1A500] =	vst v63  }
0x187: {  	s0 =	sand.u32 $0x380, s0;
	s1 =	sadd.s32 $0x1400, s1;
	s2 =	sadd.s32 s2, s8  }
0x188: {  	[tilespmem:s25], [sflag:$0x1] =	stream.linear.gather [spmem:s1], $0x80, $0x38;
	[tilespmem:$0x1A500] =	vst v63  }
0x189: {  	s29 =	sshll.u32 s24, $0x7;
	s31 =	sadd.s32 $0x7300, s5;
	s0 =	sadd.s32 s0, s2  }
0x18a: {  	(v2sf) =	vpush v63, $0xF;
	[tilespmem:s28], [sflag:$0x1] =	stream.linear.gather [spmem:s0], $0x80, $0x38;
	[tilespmem:$0x1A500] =	vst v63  }
0x18b: {  	s9 =	sadd.s32 $0x7700, s5;
	s12 =	sadd.s32 $0x7B00, s5;
	s30 =	sadd.s32 $0x400, s0  }
0x18c: {  	[tilespmem:s31], [sflag:$0x1] =	stream.linear.gather [spmem:s30], $0x80, $0x38;
	[tilespmem:$0x1A500] =	vst v63  }
0x18d: {  	s15 =	sadd.s32 $0x8300, s5;
	s14 =	sadd.s32 $0x7F00, s5;
	s6 =	sadd.s32 $0x800, s0  }
0x18e: {  	[tilespmem:s9], [sflag:$0x1] =	stream.linear.gather [spmem:s6], $0x80, $0x38;
	[tilespmem:$0x1A500] =	vst v63  }
0x18f: {  	s16 =	sadd.s32 $0x6F80, s5;
	s11 =	sadd.s32 $0xC00, s0;
	s1 =	smul.u32 $0x6000, s26  }
0x190: {  	[tilespmem:s12], [sflag:$0x1] =	stream.linear.gather [spmem:s11], $0x80, $0x38;
	[tilespmem:$0x1A500] =	vst v63  }
0x191: {  	s17 =	spop (v2sf);
	s13 =	sadd.s32 $0x1000, s0;
	s1 =	sshra.s32 s1, $0x2  }
0x192: {  	[tilespmem:s14], [sflag:$0x1] =	stream.linear.gather [spmem:s13], $0x80, $0x38;
	[tilespmem:$0x1A500] =	vst v63  }
0x193: {  	s2 =	sand.u32 $0x380, s29;
	s0 =	sadd.s32 $0x1400, s0;
	s1 =	sadd.s32 s1, s8  }
0x194: {  	[tilespmem:s15], [sflag:$0x1] =	stream.linear.gather [spmem:s0], $0x80, $0x38;
	[tilespmem:$0x1A500] =	vst v63  }
0x195: {  	s18 =	sadd.s32 $0x7380, s5;
	s19 =	sshrl.u32 s17, $0x3;
	s1 =	sadd.s32 s2, s1  }
0x196: {  	[tilespmem:s16], [sflag:$0x1] =	stream.linear.gather [spmem:s1], $0x80, $0x38;
	[tilespmem:$0x1A500] =	vst v63  }
0x197: {  	s21 =	sadd.s32 $0x7780, s5;
	s23 =	sadd.s32 $0x7B80, s5;
	s2 =	sadd.s32 $0x400, s1  }
0x198: {  	[tilespmem:s18], [sflag:$0x1] =	stream.linear.gather [spmem:s2], $0x80, $0x38;
	[tilespmem:$0x1A500] =	vst v63  }
0x199: {  	s25 =	sadd.s32 $0x7F80, s5;
	s26 =	spop (v2sf);
	s20 =	sadd.s32 $0x800, s1  }
0x19a: {  	[tilespmem:s21], [sflag:$0x1] =	stream.linear.gather [spmem:s20], $0x80, $0x38;
	[tilespmem:$0x1A500] =	vst v63  }
0x19b: {  	s28 =	sadd.s32 $0x8380, s5;
	s22 =	sadd.s32 $0xC00, s1;
	s2 =	smul.u32 $0x6000, s19  }
0x19c: {  	[tilespmem:s23], [sflag:$0x1] =	stream.linear.gather [spmem:s22], $0x80, $0x38;
	[tilespmem:$0x1A500] =	vst v63  }
0x19d: {  	s24 =	sadd.s32 $0x1000, s1;
	s0 =	sshll.u32 s17, $0x7;
	s2 =	sshra.s32 s2, $0x2  }
0x19e: {  	[tilespmem:s25], [sflag:$0x1] =	stream.linear.gather [spmem:s24], $0x80, $0x38;
	[tilespmem:$0x1A500] =	vst v63  }
0x19f: {  	s0 =	sand.u32 $0x380, s0;
	s1 =	sadd.s32 $0x1400, s1;
	s2 =	sadd.s32 s2, s8  }
0x1a0: {  	[tilespmem:s28], [sflag:$0x1] =	stream.linear.gather [spmem:s1], $0x80, $0x38;
	[tilespmem:$0x1A500] =	vst v63  }
0x1a1: {  	s29 =	sshrl.u32 s26, $0x3;
	s30 =	sadd.s32 $0x7000, s5;
	s0 =	sadd.s32 s0, s2  }
0x1a2: {  	[tilespmem:s30], [sflag:$0x1] =	stream.linear.gather [spmem:s0], $0x80, $0x38;
	[tilespmem:$0x1A500] =	vst v63  }
0x1a3: {  	s31 =	sshll.u32 s26, $0x7;
	s6 =	sadd.s32 $0x7400, s5;
	s4 =	sadd.s32 $0x400, s0  }
0x1a4: {  	[tilespmem:s6], [sflag:$0x1] =	stream.linear.gather [spmem:s4], $0x80, $0x38;
	[tilespmem:$0x1A500] =	vst v63  }
0x1a5: {  	s11 =	sadd.s32 $0x7800, s5;
	s13 =	sadd.s32 $0x7C00, s5;
	s9 =	sadd.s32 $0x800, s0  }
0x1a6: {  	[tilespmem:s11], [sflag:$0x1] =	stream.linear.gather [spmem:s9], $0x80, $0x38;
	[tilespmem:$0x1A500] =	vst v63  }
0x1a7: {  	s15 =	sadd.s32 $0x8000, s5;
	s12 =	sadd.s32 $0xC00, s0;
	s1 =	smul.u32 $0x6000, s29  }
0x1a8: {  	[tilespmem:s13], [sflag:$0x1] =	stream.linear.gather [spmem:s12], $0x80, $0x38;
	[tilespmem:$0x1A500] =	vst v63  }
0x1a9: {  	s16 =	sadd.s32 $0x8400, s5;
	s14 =	sadd.s32 $0x1000, s0;
	s1 =	sshra.s32 s1, $0x2  }
0x1aa: {  	[tilespmem:s15], [sflag:$0x1] =	stream.linear.gather [spmem:s14], $0x80, $0x38;
	[tilespmem:$0x1A500] =	vst v63  }
0x1ab: {  	s2 =	sand.u32 $0x380, s31;
	s0 =	sadd.s32 $0x1400, s0;
	s1 =	sadd.s32 s1, s8  }
0x1ac: {  	[tilespmem:s16], [sflag:$0x1] =	stream.linear.gather [spmem:s0], $0x80, $0x38;
	[tilespmem:$0x1A500] =	vst v63  }
0x1ad: {  	s17 =	sadd.s32 $0x7080, s5;
	s1 =	sadd.s32 s2, s1  }
0x1ae: {  	[tilespmem:s17], [sflag:$0x1] =	stream.linear.gather [spmem:s1], $0x80, $0x38;
	[tilespmem:$0x1A500] =	vst v63  }
0x1af: {  	s19 =	sadd.s32 $0x7480, s5;
	s18 =	sadd.s32 $0x400, s1  }
0x1b0: {  	[tilespmem:s19], [sflag:$0x1] =	stream.linear.gather [spmem:s18], $0x80, $0x38;
	[tilespmem:$0x1A500] =	vst v63  }
0x1b1: {  	s21 =	sadd.s32 $0x7880, s5;
	s20 =	sadd.s32 $0x800, s1  }
0x1b2: {  	[tilespmem:s21], [sflag:$0x1] =	stream.linear.gather [spmem:s20], $0x80, $0x38;
	[tilespmem:$0x1A500] =	vst v63  }
0x1b3: {  	s23 =	sadd.s32 $0x7C80, s5;
	s22 =	sadd.s32 $0xC00, s1  }
0x1b4: {  	[tilespmem:s23], [sflag:$0x1] =	stream.linear.gather [spmem:s22], $0x80, $0x38;
	[tilespmem:$0x1A500] =	vst v63  }
0x1b5: {  	s25 =	sadd.s32 $0x8080, s5;
	s24 =	sadd.s32 $0x1000, s1  }
0x1b6: {  	[tilespmem:s25], [sflag:$0x1] =	stream.linear.gather [spmem:s24], $0x80, $0x38;
	[tilespmem:$0x1A500] =	vst v63  }
0x1b7: {  	s28 =	sadd.s32 $0x8480, s5;
	s29 =	simm.s32 $0x1;
	s26 =	sadd.s32 $0x1400, s1  }
0x1b8: {  	[tilespmem:s28], [sflag:$0x1] =	stream.linear.gather [spmem:s26], $0x80, $0x38;
	[tilespmem:$0x1A500] =	vst v63  }
0x1b9: {  	_ =	swait.ge [sflag:s29], $0x300  }
0x1ba: {  	[sflag:s29] =	ssyncset.done $0x0  }
0x1bb: {  	[sflag:s29] =	ssyncadd.s32 $0xFFFFFD00  }
0x1bc: {  	_ =	swait.ge [sflag:s29], $0x300  }
0x1bd: {  	[sflag:s29] =	ssyncset.done $0x0  }
0x1be: {  	[sflag:s29] =	ssyncadd.s32 $0xFFFFFD00  }
0x1bf: {  	_ =	swait.ge [sflag:s29], $0x300  }
0x1c0: {  	[sflag:s29] =	ssyncset.done $0x0  }
0x1c1: {  	[sflag:s29] =	ssyncadd.s32 $0xFFFFFD00  }
0x1c2: {  	_ =	swait.ge [sflag:s29], $0x300  }
0x1c3: {  	[sflag:s29] =	ssyncset.done $0x0  }
0x1c4: {  	[sflag:s29] =	ssyncadd.s32 $0xFFFFFD00  }
0x1c5: {  	_ =	swait.ge [sflag:s29], $0x300  }
0x1c6: {  	[sflag:s29] =	ssyncset.done $0x0  }
0x1c7: {  	[sflag:s29] =	ssyncadd.s32 $0xFFFFFD00  }
0x1c8: {  	_ =	swait.ge [sflag:s29], $0x300  }
0x1c9: {  	[sflag:s29] =	ssyncset.done $0x0  }
0x1ca: {  	[sflag:s29] =	ssyncadd.s32 $0xFFFFFD00  }
0x1cb: {  	_ =	swait.ge [sflag:s29], $0x300  }
0x1cc: {  	[sflag:s29] =	ssyncset.done $0x0  }
0x1cd: {  	[sflag:s29] =	ssyncadd.s32 $0xFFFFFD00  }
0x1ce: {  	_ =	swait.ge [sflag:s29], $0x300  }
0x1cf: {  	[sflag:s29] =	ssyncset.done $0x0  }
0x1d0: {  	[sflag:s29] =	ssyncadd.s32 $0xFFFFFD00  }
0x1d1: {  	_ =	swait.ge [sflag:s29], $0x300  }
0x1d2: {  	[sflag:s29] =	ssyncset.done $0x0  }
0x1d3: {  	[sflag:s29] =	ssyncadd.s32 $0xFFFFFD00  }
0x1d4: {  	_ =	swait.ge [sflag:s29], $0x300  }
0x1d5: {  	[sflag:s29] =	ssyncset.done $0x0  }
0x1d6: {  	[sflag:s29] =	ssyncadd.s32 $0xFFFFFD00  }
0x1d7: {  	_ =	swait.ge [sflag:s29], $0x300  }
0x1d8: {  	[sflag:s29] =	ssyncset.done $0x0  }
0x1d9: {  	[sflag:s29] =	ssyncadd.s32 $0xFFFFFD00  }
0x1da: {  	_ =	swait.ge [sflag:s29], $0x300  }
0x1db: {  	[sflag:s29] =	ssyncset.done $0x0  }
0x1dc: {  	[sflag:s29] =	ssyncadd.s32 $0xFFFFFD00  }
0x1dd: {  	_ =	swait.ge [sflag:s29], $0x300  }
0x1de: {  	[sflag:s29] =	ssyncset.done $0x0  }
0x1df: {  	[sflag:s29] =	ssyncadd.s32 $0xFFFFFD00  }
0x1e0: {  	_ =	swait.ge [sflag:s29], $0x300  }
0x1e1: {  	[sflag:s29] =	ssyncset.done $0x0  }
0x1e2: {  	[sflag:s29] =	ssyncadd.s32 $0xFFFFFD00  }
0x1e3: {  	_ =	swait.ge [sflag:s29], $0x300  }
0x1e4: {  	[sflag:s29] =	ssyncset.done $0x0  }
0x1e5: {  	[sflag:s29] =	ssyncadd.s32 $0xFFFFFD00  }
0x1e6: {  	_ =	swait.ge [sflag:s29], $0x300  }
0x1e7: {  	[sflag:s29] =	ssyncset.done $0x0  }
0x1e8: {  	[sflag:s29] =	ssyncadd.s32 $0xFFFFFD00  }
0x1e9: {  	_ =	swait.ge [sflag:s29], $0x300  }
0x1ea: {  	[sflag:s29] =	ssyncset.done $0x0  }
0x1eb: {  	[sflag:s29] =	ssyncadd.s32 $0xFFFFFD00  }
0x1ec: {  	_ =	swait.ge [sflag:s29], $0x300  }
0x1ed: {  	[sflag:s29] =	ssyncset.done $0x0  }
0x1ee: {  	[sflag:s29] =	ssyncadd.s32 $0xFFFFFD00  }
0x1ef: {  	_ =	swait.ge [sflag:s29], $0x300  }
0x1f0: {  	[sflag:s29] =	ssyncset.done $0x0  }
0x1f1: {  	[sflag:s29] =	ssyncadd.s32 $0xFFFFFD00  }
0x1f2: {  	_ =	swait.ge [sflag:s29], $0x300  }
0x1f3: {  	[sflag:s29] =	ssyncset.done $0x0  }
0x1f4: {  	[sflag:s29] =	ssyncadd.s32 $0xFFFFFD00  }
0x1f5: {  	_ =	swait.ge [sflag:s29], $0x300  }
0x1f6: {  	[sflag:s29] =	ssyncset.done $0x0  }
0x1f7: {  	[sflag:s29] =	ssyncadd.s32 $0xFFFFFD00  }
0x1f8: {  	_ =	swait.ge [sflag:s29], $0x300  }
0x1f9: {  	[sflag:s29] =	ssyncset.done $0x0  }
0x1fa: {  	[sflag:s29] =	ssyncadd.s32 $0xFFFFFD00  }
0x1fb: {  	_ =	swait.ge [sflag:s29], $0x300  }
0x1fc: {  	[sflag:s29] =	ssyncset.done $0x0  }
0x1fd: {  	[sflag:s29] =	ssyncadd.s32 $0xFFFFFD00  }
0x1fe: {  	_ =	swait.ge [sflag:s29], $0x300  }
0x1ff: {  	[sflag:s29] =	ssyncset.done $0x0  }
0x200: {  	[sflag:s29] =	ssyncadd.s32 $0xFFFFFD00  }
0x201: {  	_ =	swait.ge [sflag:s29], $0x300  }
0x202: {  	[sflag:s29] =	ssyncset.done $0x0  }
0x203: {  	[sflag:s29] =	ssyncadd.s32 $0xFFFFFD00  }
0x204: {  	_ =	swait.ge [sflag:s29], $0x300  }
0x205: {  	[sflag:s29] =	ssyncset.done $0x0  }
0x206: {  	[sflag:s29] =	ssyncadd.s32 $0xFFFFFD00  }
0x207: {  	_ =	swait.ge [sflag:s29], $0x300  }
0x208: {  	[sflag:s29] =	ssyncset.done $0x0  }
0x209: {  	[sflag:s29] =	ssyncadd.s32 $0xFFFFFD00  }
0x20a: {  	_ =	swait.ge [sflag:s29], $0x300  }
0x20b: {  	[sflag:s29] =	ssyncset.done $0x0  }
0x20c: {  	[sflag:s29] =	ssyncadd.s32 $0xFFFFFD00  }
0x20d: {  	_ =	swait.ge [sflag:s29], $0x300  }
0x20e: {  	[sflag:s29] =	ssyncset.done $0x0  }
0x20f: {  	[sflag:s29] =	ssyncadd.s32 $0xFFFFFD00  }
0x210: {  	_ =	swait.ge [sflag:s29], $0x300  }
0x211: {  	[sflag:s29] =	ssyncset.done $0x0  }
0x212: {  	[sflag:s29] =	ssyncadd.s32 $0xFFFFFD00  }
0x213: {  	_ =	swait.ge [sflag:s29], $0x300  }
0x214: {  	[sflag:s29] =	ssyncset.done $0x0  }
0x215: {  	s30 =	simm.s32 $0x1;
	[sflag:s29] =	ssyncadd.s32 $0xFFFFFD00  }
0x216: {  	s8 =	sand.u32 $0x3, s30;
	_ =	swait.ge [sflag:s29], $0x300  }
0x217: {  	p6 =	por $0x1, $0x1;
	s0 =	smul.u32 $0x18000, s8;
	s31 =	sld [smem:$0x7FC]  }
0x218: {  	p1 =	por p6, p6;
	s3 =	simm.s32 $0x2;
	s11 =	simm.s32 $0xC30  }
0x219: {  	s18 =	sshrl.u32 s0, $0x2;
	s0 =	sadd.s32 $0x2, s7;
	[sflag:s29] =	ssyncset.done $0x0  }
0x21a: {  	[sflag:s29] =	ssyncadd.s32 $0xFFFFFD00;
	s9 =	sadd.s32 $0xC00, s31;
	s2 =	smov.u32 s31  }
.LBB2_2:
0x21b: {  	[dreg:$0x5] =	wrdreg s11  }
0x21c: {  	[dreg:$0x4] =	wrdreg s9  }
0x21d: {  	s1 =	simm.s32 $0x0;
	s28 =	sand.u32 $0x3, s3;
	s30 =	sadd.s32 $0x1, s3  }
0x21e: {  	[hbm4b:s2+s1] =	stream.linear.scatter [tilespmem:s10], [sflag:s0], $0x6000, $0x38;
	[tilespmem:$0x1A500] =	vst v63  }
0x21f: {  	s31 =	smov.u32 s8;
	s1 =	sadd.s32 @!p1 $0x2, s8;
	[dreg:$0x6] =	wrdreg s30  }
0x220: {  	s4 =	smov.u32 s28;
	_ =	swait.ge @!p1 [sflag:s1], $0x6000;
	[dreg:$0x7] =	wrdreg s31  }
0x221: {  	s5 =	smov.u32 s9;
	[dreg:$0xa] =	wrdreg s4  }
0x222: {  	p3 =	slt.u32 s3, $0x4;
	s6 =	sadd.s32 $0x2880, s18;
	[dreg:$0x9] =	wrdreg s5  }
0x223: {  	s7 =	sadd.s32 $0x3080, s18;
	[dreg:$0x10] =	wrdreg s6;
	[sflag:s1] =	ssyncset.done @!p1 $0x0  }
0x224: {  	s8 =	sadd.s32 $0x3C80, s18;
	[dreg:$0xe] =	wrdreg s7;
	[sflag:s1] =	ssyncadd.s32 @!p1 $0xFFFFA000  }
0x225: {  	s9 =	sadd.s32 $0x3400, s18;
	s12 =	sadd.s32 $0x3B80, s18;
	[dreg:$0xc] =	wrdreg s8;
	v0 =	vld [tilespmem:s11+$0xFFFFFFF0]  }
0x226: {  	s13 =	sadd.s32 $0x2C00, s18;
	s10 =	sadd.s32 $0x3800, s18;
	[dreg:$0x16] =	wrdreg s9  }
0x227: {  	s14 =	sadd.s32 $0x3000, s18;
	s15 =	sadd.s32 $0x2F80, s18;
	[dreg:$0x14] =	wrdreg s10  }
0x228: {  	s16 =	sadd.s32 $0x3380, s18;
	s17 =	sadd.s32 $0x3780, s18;
	[dreg:$0x1c] =	wrdreg s12  }
0x229: {  	s19 =	sadd.s32 $0x3B00, s18;
	s20 =	sadd.s32 $0x2780, s18;
	[dreg:$0x1a] =	wrdreg s13  }
0x22a: {  	s21 =	sadd.s32 $0x2B80, s18;
	s22 =	sadd.s32 $0x2F00, s18;
	[dreg:$0x18] =	wrdreg s14;
	(v2sf) =	vpush v0, $0x0  }
0x22b: {  	p2 =	sne.s32 s30, $0xC8;
	s30 =	sadd.s32 $0x2500, s18;
	[dreg:$0x1f] =	wrdreg s17;
	(v2sf) =	vpush v0, $0x1  }
0x22c: {  	s23 =	sadd.s32 $0x3300, s18;
	s24 =	sadd.s32 $0x3700, s18;
	[dreg:$0xb] =	wrdreg s30  }
0x22d: {  	s26 =	sadd.s32 $0x3A80, s18;
	s25 =	sadd.s32 $0x2700, s18;
	[smem:$0x7ED] =	sst s15;
	(v2sf) =	vpush v0, $0x2  }
0x22e: {  	s3 =	sadd.s32 $0x2E00, s18;
	s29 =	smul.u32 $0x18000, s28;
	[smem:$0x7EE] =	sst s16  }
0x22f: {  	s28 =	sadd.s32 $0x2B00, s18;
	s0 =	sadd.s32 $0x3900, s18;
	[smem:$0x7EA] =	sst s19;
	(v2sf) =	vpush v0, $0x3  }
0x230: {  	s14 =	sadd.s32 $0x2E80, s18;
	s7 =	sadd.s32 $0x3600, s18;
	[smem:$0x7EB] =	sst s20  }
0x231: {  	s9 =	sadd.s32 $0x3A00, s18;
	s6 =	sadd.s32 $0x3200, s18;
	[smem:$0x7EC] =	sst s21  }
0x232: {  	s8 =	sadd.s32 $0x3180, s18;
	s12 =	sadd.s32 $0x2580, s18;
	[smem:$0x7E7] =	sst s22  }
0x233: {  	s10 =	sadd.s32 $0x2980, s18;
	s31 =	sadd.s32 $0x2D80, s18;
	[smem:$0x7E8] =	sst s23  }
0x234: {  	s5 =	sadd.s32 $0x3100, s18;
	s13 =	sadd.s32 $0x3500, s18;
	[smem:$0x7E9] =	sst s24  }
0x235: {  	s4 =	sadd.s32 $0x2900, s18;
	s2 =	sshrl.u32 s29, $0x2;
	[smem:$0x7E5] =	sst s25  }
0x236: {  	[smem:$0x7E6] =	sst s28;
	s23 =	sadd.s32 $0x3280, s18;
	s25 =	sadd.s32 $0x3680, s18  }
0x237: {  	s28 =	sadd.s32 $0x3980, s18;
	s16 =	sadd.s32 $0x2D00, s18;
	[dreg:$0x8] =	wrdreg s2  }
0x238: {  	s2 =	sadd.s32 $0x2A00, s18;
	s11 =	sadd.s32 $0x3C00, s18;
	s21 =	rddreg [dreg:$0x2];
	(v2sf) =	vpush v0, $0x4  }
0x239: {  	s1 =	sadd.s32 $0x3580, s18;
	[dreg:$0x12] =	wrdreg s11;
	s15 =	spop (v2sf)  }
0x23a: {  	s11 =	sadd.s32 $0x2680, s18;
	s24 =	sshrl.u32 s15, $0x3;
	s29 =	spop (v2sf)  }
0x23b: {  	s19 =	sshll.u32 s15, $0x7;
	s24 =	smul.u32 $0x6000, s24;
	s22 =	sshrl.u32 s29, $0x3  }
0x23c: {  	s17 =	sshll.u32 s29, $0x7;
	s15 =	spop (v2sf);
	s22 =	smul.u32 $0x6000, s22  }
0x23d: {  	s19 =	sand.u32 $0x380, s19;
	s20 =	sshrl.u32 s15, $0x3;
	s24 =	sshra.s32 s24, $0x2  }
0x23e: {  	s29 =	spop (v2sf);
	s24 =	sadd.s32 s24, s21;
	s22 =	sshra.s32 s22, $0x2  }
0x23f: {  	(v2sf) =	vpush v0, $0x5;
	s20 =	smul.u32 $0x6000, s20;
	s19 =	sadd.s32 s19, s24;
	s22 =	sadd.s32 s22, s21  }
0x240: {  	[tilespmem:s30], [sflag:$0x1] =	stream.linear.gather [spmem:s19], $0x80, $0x38;
	[tilespmem:$0x1A500] =	vst v63  }
0x241: {  	s20 =	sshra.s32 s20, $0x2;
	s24 =	sadd.s32 $0x400, s19;
	s30 =	sshrl.u32 s29, $0x3  }
0x242: {  	[tilespmem:s4], [sflag:$0x1] =	stream.linear.gather [spmem:s24], $0x80, $0x38;
	[tilespmem:$0x1A500] =	vst v63  }
0x243: {  	s4 =	sadd.s32 $0x800, s19;
	s24 =	sadd.s32 s20, s21;
	s20 =	smul.u32 $0x6000, s30  }
0x244: {  	[tilespmem:s16], [sflag:$0x1] =	stream.linear.gather [spmem:s4], $0x80, $0x38;
	[tilespmem:$0x1A500] =	vst v63  }
0x245: {  	s30 =	sadd.s32 $0xC00, s19;
	s4 =	sshll.u32 s29, $0x7;
	s20 =	sshra.s32 s20, $0x2  }
0x246: {  	[tilespmem:s5], [sflag:$0x1] =	stream.linear.gather [spmem:s30], $0x80, $0x38;
	[tilespmem:$0x1A500] =	vst v63  }
0x247: {  	s30 =	sadd.s32 $0x1000, s19;
	s5 =	sadd.s32 s20, s21;
	s20 =	spop (v2sf)  }
0x248: {  	[tilespmem:s13], [sflag:$0x1] =	stream.linear.gather [spmem:s30], $0x80, $0x38;
	[tilespmem:$0x1A500] =	vst v63  }
0x249: {  	s29 =	sand.u32 $0x380, s17;
	s4 =	sand.u32 $0x380, s4;
	s30 =	sshrl.u32 s20, $0x3  }
0x24a: {  	(v2sf) =	vpush v0, $0x6;
	s19 =	sadd.s32 $0x1400, s19;
	s13 =	sadd.s32 s29, s22;
	s17 =	smul.u32 $0x6000, s30  }
0x24b: {  	[tilespmem:s0], [sflag:$0x1] =	stream.linear.gather [spmem:s19], $0x80, $0x38;
	[tilespmem:$0x1A500] =	vst v63  }
0x24c: {  	(v2sf) =	vpush v0, $0x7;
	s22 =	sadd.s32 $0x800, s13;
	s30 =	sadd.s32 $0xC00, s13;
	s0 =	sshll.u32 s20, $0x7  }
0x24d: {  	[tilespmem:s12], [sflag:$0x1] =	stream.linear.gather [spmem:s13], $0x80, $0x38;
	[tilespmem:$0x1A500] =	vst v63  }
0x24e: {  	s19 =	sadd.s32 $0x400, s13;
	s16 =	sshra.s32 s17, $0x2;
	s20 =	spop (v2sf)  }
0x24f: {  	[tilespmem:s10], [sflag:$0x1] =	stream.linear.gather [spmem:s19], $0x80, $0x38;
	[tilespmem:$0x1A500] =	vst v63  }
0x250: {  	s17 =	sshll.u32 s15, $0x7;
	s0 =	sand.u32 $0x380, s0;
	s29 =	sshrl.u32 s20, $0x3  }
0x251: {  	[tilespmem:s31], [sflag:$0x1] =	stream.linear.gather [spmem:s22], $0x80, $0x38;
	[tilespmem:$0x1A500] =	vst v63  }
0x252: {  	(v2sf) =	vpush v0, $0x8;
	s12 =	sadd.s32 $0x1000, s13;
	s10 =	sadd.s32 s16, s21;
	s16 =	smul.u32 $0x6000, s29  }
0x253: {  	[tilespmem:s8], [sflag:$0x1] =	stream.linear.gather [spmem:s30], $0x80, $0x38;
	[tilespmem:$0x1A500] =	vst v63  }
0x254: {  	s0 =	sadd.s32 s0, s10;
	s31 =	sshll.u32 s20, $0x7;
	s19 =	sshra.s32 s16, $0x2  }
0x255: {  	[tilespmem:s1], [sflag:$0x1] =	stream.linear.gather [spmem:s12], $0x80, $0x38;
	[tilespmem:$0x1A500] =	vst v63  }
0x256: {  	s20 =	sadd.s32 $0x1400, s13;
	s22 =	sadd.s32 $0x2600, s18;
	s12 =	sand.u32 $0x380, s17  }
0x257: {  	s10 =	sadd.s32 $0x400, s0;
	s1 =	sadd.s32 s19, s21;
	s12 =	sadd.s32 s12, s24  }
0x258: {  	[tilespmem:s28], [sflag:$0x1] =	stream.linear.gather [spmem:s20], $0x80, $0x38;
	[tilespmem:$0x1A500] =	vst v63  }
0x259: {  	s28 =	spop (v2sf);
	s29 =	sadd.s32 $0x400, s12;
	s16 =	sadd.s32 $0x800, s12  }
0x25a: {  	(v2sf) =	vpush v0, $0x9;
	[tilespmem:s22], [sflag:$0x1] =	stream.linear.gather [spmem:s12], $0x80, $0x38;
	[tilespmem:$0x1A500] =	vst v63  }
0x25b: {  	s30 =	sshrl.u32 s28, $0x3;
	s17 =	sshll.u32 s28, $0x7;
	s20 =	spop (v2sf)  }
0x25c: {  	[tilespmem:s2], [sflag:$0x1] =	stream.linear.gather [spmem:s29], $0x80, $0x38;
	[tilespmem:$0x1A500] =	vst v63  }
0x25d: {  	s19 =	smul.u32 $0x6000, s30;
	s22 =	sadd.s32 $0xC00, s12;
	s28 =	sshrl.u32 s20, $0x3  }
0x25e: {  	[tilespmem:s3], [sflag:$0x1] =	stream.linear.gather [spmem:s16], $0x80, $0x38;
	[tilespmem:$0x1A500] =	vst v63  }
0x25f: {  	s30 =	smul.u32 $0x6000, s28;
	s24 =	sshra.s32 s19, $0x2;
	s29 =	sadd.s32 $0x1000, s12  }
0x260: {  	[tilespmem:s6], [sflag:$0x1] =	stream.linear.gather [spmem:s22], $0x80, $0x38;
	[tilespmem:$0x1A500] =	vst v63  }
0x261: {  	(v2sf) =	vpush v0, $0xA;
	s19 =	spop (v2sf);
	s8 =	sshra.s32 s30, $0x2;
	s3 =	sadd.s32 s24, s21  }
0x262: {  	[tilespmem:s7], [sflag:$0x1] =	stream.linear.gather [spmem:s29], $0x80, $0x38;
	[tilespmem:$0x1A500] =	vst v63  }
0x263: {  	s16 =	sadd.s32 $0x2A80, s18;
	s7 =	sadd.s32 $0x1400, s12;
	s12 =	sadd.s32 s4, s5  }
0x264: {  	s6 =	sshll.u32 s20, $0x7;
	s22 =	sshrl.u32 s19, $0x3;
	s5 =	sadd.s32 $0x400, s12  }
0x265: {  	s20 =	sadd.s32 $0x800, s12;
	s24 =	sadd.s32 $0xC00, s12;
	s29 =	sadd.s32 $0x1000, s12  }
0x266: {  	[tilespmem:s9], [sflag:$0x1] =	stream.linear.gather [spmem:s7], $0x80, $0x38;
	[tilespmem:$0x1A500] =	vst v63  }
0x267: {  	(v2sf) =	vpush v0, $0xB;
	s2 =	sadd.s32 $0x1400, s12;
	s7 =	smul.u32 $0x6000, s22;
	s9 =	sld [smem:$0x7E5]  }
0x268: {  	[tilespmem:s11], [sflag:$0x1] =	stream.linear.gather [spmem:s12], $0x80, $0x38;
	[tilespmem:$0x1A500] =	vst v63  }
0x269: {  	s22 =	sld [smem:$0x7E7];
	s7 =	sshra.s32 s7, $0x2;
	s28 =	spop (v2sf)  }
0x26a: {  	[tilespmem:s16], [sflag:$0x1] =	stream.linear.gather [spmem:s5], $0x80, $0x38;
	[tilespmem:$0x1A500] =	vst v63  }
0x26b: {  	s30 =	sshrl.u32 s28, $0x3;
	s12 =	sshll.u32 s28, $0x7;
	s28 =	sld [smem:$0x7E9]  }
0x26c: {  	s15 =	sshll.u32 s19, $0x7;
	s16 =	sadd.s32 s7, s21;
	s7 =	sld [smem:$0x7EB]  }
0x26d: {  	[tilespmem:s14], [sflag:$0x1] =	stream.linear.gather [spmem:s20], $0x80, $0x38;
	[tilespmem:$0x1A500] =	vst v63  }
0x26e: {  	s4 =	sadd.s32 s8, s21;
	s8 =	smul.u32 $0x6000, s30;
	s30 =	sld [smem:$0x7EA]  }
0x26f: {  	[tilespmem:s23], [sflag:$0x1] =	stream.linear.gather [spmem:s24], $0x80, $0x38;
	[tilespmem:$0x1A500] =	vst v63  }
0x270: {  	s19 =	sadd.s32 $0x800, s0;
	s11 =	spop (v2sf);
	s14 =	sld [smem:$0x7E6]  }
0x271: {  	(v2sf) =	vpush v0, $0xC;
	[tilespmem:s25], [sflag:$0x1] =	stream.linear.gather [spmem:s29], $0x80, $0x38;
	[tilespmem:$0x1A500] =	vst v63  }
0x272: {  	s20 =	sshrl.u32 s11, $0x3;
	s23 =	sadd.s32 $0xC00, s0;
	s29 =	sand.u32 $0x380, s31  }
0x273: {  	[tilespmem:s26], [sflag:$0x1] =	stream.linear.gather [spmem:s2], $0x80, $0x38;
	[tilespmem:$0x1A500] =	vst v63  }
0x274: {  	s24 =	sld [smem:$0x7E8];
	s25 =	sadd.s32 $0x1000, s0;
	s31 =	sadd.s32 s29, s1  }
0x275: {  	[tilespmem:s9], [sflag:$0x1] =	stream.linear.gather [spmem:s0], $0x80, $0x38;
	[tilespmem:$0x1A500] =	vst v63  }
0x276: {  	s29 =	rddreg [dreg:$0x1f];
	s2 =	sshra.s32 s8, $0x2;
	s26 =	spop (v2sf)  }
0x277: {  	[tilespmem:s14], [sflag:$0x1] =	stream.linear.gather [spmem:s10], $0x80, $0x38;
	[tilespmem:$0x1A500] =	vst v63  }
0x278: {  	s13 =	sadd.s32 s2, s21;
	s2 =	smul.u32 $0x6000, s20;
	s5 =	sshrl.u32 s26, $0x3  }
0x279: {  	(v2sf) =	vpush v0, $0xD;
	[tilespmem:s22], [sflag:$0x1] =	stream.linear.gather [spmem:s19], $0x80, $0x38;
	[tilespmem:$0x1A500] =	vst v63  }
0x27a: {  	s8 =	sshll.u32 s26, $0x7;
	s20 =	sadd.s32 $0x800, s31;
	s26 =	sld [smem:$0x7EE]  }
0x27b: {  	[tilespmem:s24], [sflag:$0x1] =	stream.linear.gather [spmem:s23], $0x80, $0x38;
	[tilespmem:$0x1A500] =	vst v63  }
0x27c: {  	s0 =	sadd.s32 $0x1400, s0;
	s9 =	sadd.s32 $0x400, s31;
	s2 =	sshra.s32 s2, $0x2  }
0x27d: {  	[tilespmem:s28], [sflag:$0x1] =	stream.linear.gather [spmem:s25], $0x80, $0x38;
	[tilespmem:$0x1A500] =	vst v63  }
0x27e: {  	s1 =	smul.u32 $0x6000, s5;
	s10 =	sshll.u32 s11, $0x7;
	s11 =	sadd.s32 s2, s21  }
0x27f: {  	[tilespmem:s30], [sflag:$0x1] =	stream.linear.gather [spmem:s0], $0x80, $0x38;
	[tilespmem:$0x1A500] =	vst v63  }
0x280: {  	s1 =	sshra.s32 s1, $0x2;
	s14 =	spop (v2sf);
	s19 =	sld [smem:$0x7EC]  }
0x281: {  	[tilespmem:s7], [sflag:$0x1] =	stream.linear.gather [spmem:s31], $0x80, $0x38;
	[tilespmem:$0x1A500] =	vst v63  }
0x282: {  	s22 =	sshrl.u32 s14, $0x3;
	s2 =	sshll.u32 s14, $0x7;
	s23 =	sld [smem:$0x7ED]  }
0x283: {  	(v2sf) =	vpush v0, $0xE;
	[tilespmem:s19], [sflag:$0x1] =	stream.linear.gather [spmem:s9], $0x80, $0x38;
	[tilespmem:$0x1A500] =	vst v63  }
0x284: {  	s14 =	sadd.s32 $0x2800, s18;
	s24 =	sadd.s32 $0xC00, s31;
	s25 =	smul.u32 $0x6000, s22  }
0x285: {  	[tilespmem:s23], [sflag:$0x1] =	stream.linear.gather [spmem:s20], $0x80, $0x38;
	[tilespmem:$0x1A500] =	vst v63  }
0x286: {  	s28 =	sadd.s32 $0x1000, s31;
	s22 =	rddreg [dreg:$0x1a];
	s0 =	sadd.s32 $0x1400, s31  }
0x287: {  	[tilespmem:s26], [sflag:$0x1] =	stream.linear.gather [spmem:s24], $0x80, $0x38;
	[tilespmem:$0x1A500] =	vst v63  }
0x288: {  	s30 =	sand.u32 $0x380, s17;
	s31 =	rddreg [dreg:$0x1c];
	s17 =	spop (v2sf)  }
0x289: {  	[tilespmem:s29], [sflag:$0x1] =	stream.linear.gather [spmem:s28], $0x80, $0x38;
	[tilespmem:$0x1A500] =	vst v63  }
0x28a: {  	s9 =	sadd.s32 s1, s21;
	s1 =	sshra.s32 s25, $0x2;
	s5 =	sshll.u32 s17, $0x7  }
0x28b: {  	[tilespmem:s31], [sflag:$0x1] =	stream.linear.gather [spmem:s0], $0x80, $0x38;
	[tilespmem:$0x1A500] =	vst v63  }
0x28c: {  	s25 =	rddreg [dreg:$0x18];
	s7 =	sadd.s32 s1, s21;
	s1 =	sadd.s32 s30, s3  }
0x28d: {  	[tilespmem:s14], [sflag:$0x1] =	stream.linear.gather [spmem:s1], $0x80, $0x38;
	[tilespmem:$0x1A500] =	vst v63  }
0x28e: {  	s19 =	sadd.s32 $0x400, s1;
	s20 =	sshrl.u32 s17, $0x3;
	s23 =	sadd.s32 $0x800, s1  }
0x28f: {  	[tilespmem:s22], [sflag:$0x1] =	stream.linear.gather [spmem:s19], $0x80, $0x38;
	[tilespmem:$0x1A500] =	vst v63  }
0x290: {  	s30 =	sadd.s32 $0x1000, s1;
	s24 =	smul.u32 $0x6000, s20;
	s26 =	sadd.s32 $0xC00, s1  }
0x291: {  	(v2sf) =	vpush v0, $0xF;
	[tilespmem:s25], [sflag:$0x1] =	stream.linear.gather [spmem:s23], $0x80, $0x38;
	[tilespmem:$0x1A500] =	vst v63  }
0x292: {  	s20 =	sadd.s32 $0x1400, s1;
	s29 =	rddreg [dreg:$0x16];
	s14 =	spop (v2sf)  }
0x293: {  	[tilespmem:s29], [sflag:$0x1] =	stream.linear.gather [spmem:s26], $0x80, $0x38;
	[tilespmem:$0x1A500] =	vst v63  }
0x294: {  	s3 =	sshra.s32 s24, $0x2;
	s31 =	rddreg [dreg:$0x14];
	s28 =	sshrl.u32 s14, $0x3  }
0x295: {  	[tilespmem:s31], [sflag:$0x1] =	stream.linear.gather [spmem:s30], $0x80, $0x38;
	[tilespmem:$0x1A500] =	vst v63  }
0x296: {  	s24 =	rddreg [dreg:$0x12];
	s17 =	smul.u32 $0x6000, s28;
	s22 =	sand.u32 $0x380, s6  }
0x297: {  	[tilespmem:s24], [sflag:$0x1] =	stream.linear.gather [spmem:s20], $0x80, $0x38;
	[tilespmem:$0x1A500] =	vst v63  }
0x298: {  	s23 =	sshra.s32 s17, $0x2;
	s17 =	sadd.s32 s22, s4;
	s25 =	rddreg [dreg:$0x10]  }
0x299: {  	[tilespmem:s25], [sflag:$0x1] =	stream.linear.gather [spmem:s17], $0x80, $0x38;
	[tilespmem:$0x1A500] =	vst v63  }
0x29a: {  	s15 =	sand.u32 $0x380, s15;
	s28 =	sadd.s32 $0x2C80, s18;
	s26 =	sadd.s32 $0x400, s17  }
0x29b: {  	[tilespmem:s28], [sflag:$0x1] =	stream.linear.gather [spmem:s26], $0x80, $0x38;
	[tilespmem:$0x1A500] =	vst v63  }
0x29c: {  	s15 =	sadd.s32 s15, s16;
	s30 =	sadd.s32 $0x800, s17;
	s20 =	rddreg [dreg:$0xe]  }
0x29d: {  	[tilespmem:s20], [sflag:$0x1] =	stream.linear.gather [spmem:s30], $0x80, $0x38;
	[tilespmem:$0x1A500] =	vst v63  }
0x29e: {  	s1 =	sadd.s32 s23, s21;
	s22 =	sadd.s32 $0xC00, s17;
	s23 =	sadd.s32 $0x3480, s18  }
0x29f: {  	[tilespmem:s23], [sflag:$0x1] =	stream.linear.gather [spmem:s22], $0x80, $0x38;
	[tilespmem:$0x1A500] =	vst v63  }
0x2a0: {  	s29 =	spop (v2sf);
	s24 =	sadd.s32 $0x1000, s17;
	s25 =	sadd.s32 $0x3880, s18  }
0x2a1: {  	[tilespmem:s25], [sflag:$0x1] =	stream.linear.gather [spmem:s24], $0x80, $0x38;
	[tilespmem:$0x1A500] =	vst v63  }
0x2a2: {  	s31 =	sshrl.u32 s29, $0x3;
	s26 =	sadd.s32 $0x1400, s17;
	s28 =	rddreg [dreg:$0xc]  }
0x2a3: {  	[tilespmem:s28], [sflag:$0x1] =	stream.linear.gather [spmem:s26], $0x80, $0x38;
	[tilespmem:$0x1A500] =	vst v63  }
0x2a4: {  	s0 =	sshll.u32 s29, $0x7;
	s29 =	sadd.s32 $0x3D00, s18;
	s19 =	smul.u32 $0x6000, s31  }
0x2a5: {  	[tilespmem:s29], [sflag:$0x1] =	stream.linear.gather [spmem:s15], $0x80, $0x38;
	[tilespmem:$0x1A500] =	vst v63  }
0x2a6: {  	s31 =	sadd.s32 $0x4100, s18;
	s19 =	sshra.s32 s19, $0x2;
	s30 =	sadd.s32 $0x400, s15  }
0x2a7: {  	[tilespmem:s31], [sflag:$0x1] =	stream.linear.gather [spmem:s30], $0x80, $0x38;
	[tilespmem:$0x1A500] =	vst v63  }
0x2a8: {  	s6 =	sadd.s32 s19, s21;
	s19 =	sadd.s32 $0x4500, s18;
	s17 =	sadd.s32 $0x800, s15  }
0x2a9: {  	[tilespmem:s19], [sflag:$0x1] =	stream.linear.gather [spmem:s17], $0x80, $0x38;
	[tilespmem:$0x1A500] =	vst v63  }
0x2aa: {  	s20 =	sadd.s32 $0xC00, s15;
	s22 =	sadd.s32 $0x4900, s18  }
0x2ab: {  	[tilespmem:s22], [sflag:$0x1] =	stream.linear.gather [spmem:s20], $0x80, $0x38;
	[tilespmem:$0x1A500] =	vst v63  }
0x2ac: {  	s23 =	sadd.s32 $0x1000, s15;
	s24 =	sadd.s32 $0x4D00, s18  }
0x2ad: {  	[tilespmem:s24], [sflag:$0x1] =	stream.linear.gather [spmem:s23], $0x80, $0x38;
	[tilespmem:$0x1A500] =	vst v63  }
0x2ae: {  	s12 =	sand.u32 $0x380, s12;
	s25 =	sadd.s32 $0x1400, s15;
	s26 =	sadd.s32 $0x5100, s18  }
0x2af: {  	[tilespmem:s26], [sflag:$0x1] =	stream.linear.gather [spmem:s25], $0x80, $0x38;
	[tilespmem:$0x1A500] =	vst v63  }
0x2b0: {  	s12 =	sadd.s32 s12, s13;
	s28 =	sadd.s32 $0x3D80, s18  }
0x2b1: {  	[tilespmem:s28], [sflag:$0x1] =	stream.linear.gather [spmem:s12], $0x80, $0x38;
	[tilespmem:$0x1A500] =	vst v63  }
0x2b2: {  	s13 =	sadd.s32 $0x400, s12;
	s29 =	sadd.s32 $0x4180, s18  }
0x2b3: {  	[tilespmem:s29], [sflag:$0x1] =	stream.linear.gather [spmem:s13], $0x80, $0x38;
	[tilespmem:$0x1A500] =	vst v63  }
0x2b4: {  	s30 =	sadd.s32 $0x800, s12;
	s31 =	sadd.s32 $0x4580, s18  }
0x2b5: {  	[tilespmem:s31], [sflag:$0x1] =	stream.linear.gather [spmem:s30], $0x80, $0x38;
	[tilespmem:$0x1A500] =	vst v63  }
0x2b6: {  	s16 =	sadd.s32 $0x4980, s18;
	s15 =	sadd.s32 $0xC00, s12  }
0x2b7: {  	[tilespmem:s16], [sflag:$0x1] =	stream.linear.gather [spmem:s15], $0x80, $0x38;
	[tilespmem:$0x1A500] =	vst v63  }
0x2b8: {  	s17 =	sadd.s32 $0x1000, s12;
	s19 =	sadd.s32 $0x4D80, s18  }
0x2b9: {  	[tilespmem:s19], [sflag:$0x1] =	stream.linear.gather [spmem:s17], $0x80, $0x38;
	[tilespmem:$0x1A500] =	vst v63  }
0x2ba: {  	s10 =	sand.u32 $0x380, s10;
	s20 =	sadd.s32 $0x5180, s18;
	s12 =	sadd.s32 $0x1400, s12  }
0x2bb: {  	[tilespmem:s20], [sflag:$0x1] =	stream.linear.gather [spmem:s12], $0x80, $0x38;
	[tilespmem:$0x1A500] =	vst v63  }
0x2bc: {  	s10 =	sadd.s32 s10, s11;
	s22 =	sadd.s32 $0x3E00, s18  }
0x2bd: {  	[tilespmem:s22], [sflag:$0x1] =	stream.linear.gather [spmem:s10], $0x80, $0x38;
	[tilespmem:$0x1A500] =	vst v63  }
0x2be: {  	s11 =	sadd.s32 $0x400, s10;
	s23 =	sadd.s32 $0x4200, s18  }
0x2bf: {  	[tilespmem:s23], [sflag:$0x1] =	stream.linear.gather [spmem:s11], $0x80, $0x38;
	[tilespmem:$0x1A500] =	vst v63  }
0x2c0: {  	s24 =	sadd.s32 $0x800, s10;
	s25 =	sadd.s32 $0x4600, s18  }
0x2c1: {  	[tilespmem:s25], [sflag:$0x1] =	stream.linear.gather [spmem:s24], $0x80, $0x38;
	[tilespmem:$0x1A500] =	vst v63  }
0x2c2: {  	s26 =	sadd.s32 $0xC00, s10;
	s28 =	sadd.s32 $0x4A00, s18  }
0x2c3: {  	[tilespmem:s28], [sflag:$0x1] =	stream.linear.gather [spmem:s26], $0x80, $0x38;
	[tilespmem:$0x1A500] =	vst v63  }
0x2c4: {  	s29 =	sadd.s32 $0x1000, s10;
	s30 =	sadd.s32 $0x4E00, s18  }
0x2c5: {  	[tilespmem:s30], [sflag:$0x1] =	stream.linear.gather [spmem:s29], $0x80, $0x38;
	[tilespmem:$0x1A500] =	vst v63  }
0x2c6: {  	s8 =	sand.u32 $0x380, s8;
	s31 =	sadd.s32 $0x5200, s18;
	s10 =	sadd.s32 $0x1400, s10  }
0x2c7: {  	[tilespmem:s31], [sflag:$0x1] =	stream.linear.gather [spmem:s10], $0x80, $0x38;
	[tilespmem:$0x1A500] =	vst v63  }
0x2c8: {  	s8 =	sadd.s32 s8, s9;
	s11 =	sadd.s32 $0x3E80, s18  }
0x2c9: {  	[tilespmem:s11], [sflag:$0x1] =	stream.linear.gather [spmem:s8], $0x80, $0x38;
	[tilespmem:$0x1A500] =	vst v63  }
0x2ca: {  	s9 =	sadd.s32 $0x400, s8;
	s12 =	sadd.s32 $0x4280, s18  }
0x2cb: {  	[tilespmem:s12], [sflag:$0x1] =	stream.linear.gather [spmem:s9], $0x80, $0x38;
	[tilespmem:$0x1A500] =	vst v63  }
0x2cc: {  	s4 =	sshll.u32 s14, $0x7;
	s14 =	sadd.s32 $0x4680, s18;
	s13 =	sadd.s32 $0x800, s8  }
0x2cd: {  	[tilespmem:s14], [sflag:$0x1] =	stream.linear.gather [spmem:s13], $0x80, $0x38;
	[tilespmem:$0x1A500] =	vst v63  }
0x2ce: {  	s15 =	sadd.s32 $0xC00, s8;
	s16 =	sadd.s32 $0x4A80, s18  }
0x2cf: {  	[tilespmem:s16], [sflag:$0x1] =	stream.linear.gather [spmem:s15], $0x80, $0x38;
	[tilespmem:$0x1A500] =	vst v63  }
0x2d0: {  	s17 =	sadd.s32 $0x1000, s8;
	s19 =	sadd.s32 $0x4E80, s18  }
0x2d1: {  	[tilespmem:s19], [sflag:$0x1] =	stream.linear.gather [spmem:s17], $0x80, $0x38;
	[tilespmem:$0x1A500] =	vst v63  }
0x2d2: {  	s2 =	sand.u32 $0x380, s2;
	s20 =	sadd.s32 $0x5280, s18;
	s8 =	sadd.s32 $0x1400, s8  }
0x2d3: {  	[tilespmem:s20], [sflag:$0x1] =	stream.linear.gather [spmem:s8], $0x80, $0x38;
	[tilespmem:$0x1A500] =	vst v63  }
0x2d4: {  	s2 =	sadd.s32 s2, s7;
	s22 =	sadd.s32 $0x3F00, s18  }
0x2d5: {  	[tilespmem:s22], [sflag:$0x1] =	stream.linear.gather [spmem:s2], $0x80, $0x38;
	[tilespmem:$0x1A500] =	vst v63  }
0x2d6: {  	s7 =	sadd.s32 $0x400, s2;
	s23 =	sadd.s32 $0x4300, s18  }
0x2d7: {  	[tilespmem:s23], [sflag:$0x1] =	stream.linear.gather [spmem:s7], $0x80, $0x38;
	[tilespmem:$0x1A500] =	vst v63  }
0x2d8: {  	s24 =	sadd.s32 $0x800, s2;
	s25 =	sadd.s32 $0x4700, s18  }
0x2d9: {  	[tilespmem:s25], [sflag:$0x1] =	stream.linear.gather [spmem:s24], $0x80, $0x38;
	[tilespmem:$0x1A500] =	vst v63  }
0x2da: {  	s26 =	sadd.s32 $0xC00, s2;
	s28 =	sadd.s32 $0x4B00, s18  }
0x2db: {  	[tilespmem:s28], [sflag:$0x1] =	stream.linear.gather [spmem:s26], $0x80, $0x38;
	[tilespmem:$0x1A500] =	vst v63  }
0x2dc: {  	s5 =	sand.u32 $0x380, s5;
	s29 =	sadd.s32 $0x1000, s2;
	s30 =	sadd.s32 $0x4F00, s18  }
0x2dd: {  	[tilespmem:s30], [sflag:$0x1] =	stream.linear.gather [spmem:s29], $0x80, $0x38;
	[tilespmem:$0x1A500] =	vst v63  }
0x2de: {  	s3 =	sadd.s32 s3, s21;
	s31 =	sadd.s32 $0x5300, s18;
	s2 =	sadd.s32 $0x1400, s2  }
0x2df: {  	[tilespmem:s31], [sflag:$0x1] =	stream.linear.gather [spmem:s2], $0x80, $0x38;
	[tilespmem:$0x1A500] =	vst v63  }
0x2e0: {  	s3 =	sadd.s32 s5, s3;
	s7 =	sadd.s32 $0x3F80, s18  }
0x2e1: {  	[tilespmem:s7], [sflag:$0x1] =	stream.linear.gather [spmem:s3], $0x80, $0x38;
	[tilespmem:$0x1A500] =	vst v63  }
0x2e2: {  	s9 =	sadd.s32 $0x4380, s18;
	s8 =	sadd.s32 $0x400, s3  }
0x2e3: {  	[tilespmem:s9], [sflag:$0x1] =	stream.linear.gather [spmem:s8], $0x80, $0x38;
	[tilespmem:$0x1A500] =	vst v63  }
0x2e4: {  	s10 =	sadd.s32 $0x800, s3;
	s11 =	sadd.s32 $0x4780, s18  }
0x2e5: {  	[tilespmem:s11], [sflag:$0x1] =	stream.linear.gather [spmem:s10], $0x80, $0x38;
	[tilespmem:$0x1A500] =	vst v63  }
0x2e6: {  	s12 =	sadd.s32 $0xC00, s3;
	s13 =	sadd.s32 $0x4B80, s18  }
0x2e7: {  	[tilespmem:s13], [sflag:$0x1] =	stream.linear.gather [spmem:s12], $0x80, $0x38;
	[tilespmem:$0x1A500] =	vst v63  }
0x2e8: {  	s14 =	sadd.s32 $0x1000, s3;
	s15 =	sadd.s32 $0x4F80, s18  }
0x2e9: {  	[tilespmem:s15], [sflag:$0x1] =	stream.linear.gather [spmem:s14], $0x80, $0x38;
	[tilespmem:$0x1A500] =	vst v63  }
0x2ea: {  	s4 =	sand.u32 $0x380, s4;
	s16 =	sadd.s32 $0x1400, s3;
	s17 =	sadd.s32 $0x5380, s18  }
0x2eb: {  	[tilespmem:s17], [sflag:$0x1] =	stream.linear.gather [spmem:s16], $0x80, $0x38;
	[tilespmem:$0x1A500] =	vst v63  }
0x2ec: {  	s1 =	sadd.s32 s4, s1;
	s19 =	sadd.s32 $0x4000, s18  }
0x2ed: {  	[tilespmem:s19], [sflag:$0x1] =	stream.linear.gather [spmem:s1], $0x80, $0x38;
	[tilespmem:$0x1A500] =	vst v63  }
0x2ee: {  	s20 =	sadd.s32 $0x400, s1;
	s22 =	sadd.s32 $0x4400, s18  }
0x2ef: {  	[tilespmem:s22], [sflag:$0x1] =	stream.linear.gather [spmem:s20], $0x80, $0x38;
	[tilespmem:$0x1A500] =	vst v63  }
0x2f0: {  	s23 =	sadd.s32 $0x800, s1;
	s24 =	sadd.s32 $0x4800, s18  }
0x2f1: {  	[tilespmem:s24], [sflag:$0x1] =	stream.linear.gather [spmem:s23], $0x80, $0x38;
	[tilespmem:$0x1A500] =	vst v63  }
0x2f2: {  	s25 =	sadd.s32 $0xC00, s1;
	s26 =	sadd.s32 $0x4C00, s18  }
0x2f3: {  	[tilespmem:s26], [sflag:$0x1] =	stream.linear.gather [spmem:s25], $0x80, $0x38;
	[tilespmem:$0x1A500] =	vst v63  }
0x2f4: {  	s28 =	sadd.s32 $0x1000, s1;
	s29 =	sadd.s32 $0x5000, s18  }
0x2f5: {  	[tilespmem:s29], [sflag:$0x1] =	stream.linear.gather [spmem:s28], $0x80, $0x38;
	[tilespmem:$0x1A500] =	vst v63  }
0x2f6: {  	s0 =	sand.u32 $0x380, s0;
	s30 =	sadd.s32 $0x5400, s18;
	s1 =	sadd.s32 $0x1400, s1  }
0x2f7: {  	[tilespmem:s30], [sflag:$0x1] =	stream.linear.gather [spmem:s1], $0x80, $0x38;
	[tilespmem:$0x1A500] =	vst v63  }
0x2f8: {  	s0 =	sadd.s32 s0, s6;
	s31 =	sadd.s32 $0x4080, s18  }
0x2f9: {  	[tilespmem:s31], [sflag:$0x1] =	stream.linear.gather [spmem:s0], $0x80, $0x38;
	[tilespmem:$0x1A500] =	vst v63  }
0x2fa: {  	s2 =	sadd.s32 $0x400, s0;
	s3 =	sadd.s32 $0x4480, s18  }
0x2fb: {  	[tilespmem:s3], [sflag:$0x1] =	stream.linear.gather [spmem:s2], $0x80, $0x38;
	[tilespmem:$0x1A500] =	vst v63  }
0x2fc: {  	s5 =	sadd.s32 $0x4880, s18;
	s4 =	sadd.s32 $0x800, s0  }
0x2fd: {  	[tilespmem:s5], [sflag:$0x1] =	stream.linear.gather [spmem:s4], $0x80, $0x38;
	[tilespmem:$0x1A500] =	vst v63  }
0x2fe: {  	s6 =	sadd.s32 $0xC00, s0;
	s7 =	sadd.s32 $0x4C80, s18  }
0x2ff: {  	[tilespmem:s7], [sflag:$0x1] =	stream.linear.gather [spmem:s6], $0x80, $0x38;
	[tilespmem:$0x1A500] =	vst v63  }
0x300: {  	s8 =	sadd.s32 $0x1000, s0;
	s9 =	sadd.s32 $0x5080, s18;
	s10 =	sadd.s32 $0x5480, s18  }
0x301: {  	[tilespmem:s9], [sflag:$0x1] =	stream.linear.gather [spmem:s8], $0x80, $0x38;
	[tilespmem:$0x1A500] =	vst v63  }
0x302: {  	s11 =	rddreg [dreg:$0x5];
	s12 =	sadd.s32 $0x5880, s18;
	s0 =	sadd.s32 $0x1400, s0  }
0x303: {  	[tilespmem:s10], [sflag:$0x1] =	stream.linear.gather [spmem:s0], $0x80, $0x38;
	[tilespmem:$0x1A500] =	vst v63  }
0x304: {  	s13 =	sadd.s32 $0x6080, s18;
	[dreg:$0x11] =	wrdreg s12;
	v63 =	vld [tilespmem:s11+$0x0]  }
0x305: {  	[dreg:$0xf] =	wrdreg s13;
	s14 =	sadd.s32 $0x6C80, s18  }
0x306: {  	s15 =	sadd.s32 $0x6400, s18;
	[dreg:$0xd] =	wrdreg s14  }
0x307: {  	s12 =	sadd.s32 $0x5E00, s18;
	[dreg:$0x17] =	wrdreg s15;
	s16 =	sadd.s32 $0x6800, s18  }
0x308: {  	s13 =	sadd.s32 $0x6200, s18;
	s17 =	sadd.s32 $0x6C00, s18;
	[dreg:$0x15] =	wrdreg s16  }
0x309: {  	s15 =	sadd.s32 $0x6280, s18;
	[dreg:$0x13] =	wrdreg s17;
	s19 =	sadd.s32 $0x6B80, s18;
	(v2sf) =	vpush v63, $0x0  }
0x30a: {  	s14 =	sadd.s32 $0x5D80, s18;
	[dreg:$0x1d] =	wrdreg s19;
	s20 =	sadd.s32 $0x5C00, s18;
	(v2sf) =	vpush v63, $0x1  }
0x30b: {  	s16 =	sadd.s32 $0x5E80, s18;
	s22 =	sadd.s32 $0x6000, s18;
	[dreg:$0x1b] =	wrdreg s20  }
0x30c: {  	s17 =	sadd.s32 $0x6600, s18;
	[dreg:$0x19] =	wrdreg s22;
	s23 =	sadd.s32 $0x5F80, s18;
	(v2sf) =	vpush v63, $0x2  }
0x30d: {  	s19 =	sadd.s32 $0x5680, s18;
	s24 =	sadd.s32 $0x6380, s18;
	[smem:$0x7F6] =	sst s23  }
0x30e: {  	s20 =	sadd.s32 $0x6680, s18;
	[smem:$0x7F7] =	sst s24;
	s25 =	sadd.s32 $0x6780, s18  }
0x30f: {  	s22 =	sadd.s32 $0x6A00, s18;
	s26 =	sadd.s32 $0x6B00, s18;
	[dreg:$0x1e] =	wrdreg s25  }
0x310: {  	s24 =	sadd.s32 $0x6A80, s18;
	[smem:$0x7F3] =	sst s26;
	s28 =	sadd.s32 $0x5780, s18  }
0x311: {  	s23 =	sadd.s32 $0x5580, s18;
	s29 =	sadd.s32 $0x5B80, s18;
	[smem:$0x7F4] =	sst s28;
	(v2sf) =	vpush v63, $0x3  }
0x312: {  	s25 =	sadd.s32 $0x6980, s18;
	[smem:$0x7F5] =	sst s29;
	s30 =	sadd.s32 $0x5F00, s18  }
0x313: {  	s26 =	sadd.s32 $0x6500, s18;
	s1 =	sadd.s32 $0x6700, s18;
	[smem:$0x7F0] =	sst s30  }
0x314: {  	s29 =	sadd.s32 $0x5A00, s18;
	[smem:$0x7F2] =	sst s1;
	s31 =	sadd.s32 $0x6300, s18  }
0x315: {  	s28 =	sadd.s32 $0x5D00, s18;
	[smem:$0x7F1] =	sst s31;
	s2 =	sadd.s32 $0x5B00, s18  }
0x316: {  	s30 =	sadd.s32 $0x5700, s18;
	s31 =	sadd.s32 $0x6180, s18;
	[smem:$0x7EF] =	sst s2  }
0x317: {  	s5 =	sadd.s32 $0x6900, s18;
	s7 =	sadd.s32 $0x6100, s18;
	s6 =	sadd.s32 $0x5900, s18  }
0x318: {  	s8 =	sadd.s32 $0x5980, s18;
	s10 =	sadd.s32 $0x6580, s18;
	s3 =	spop (v2sf)  }
0x319: {  	(v2sf) =	vpush v63, $0x4;
	s4 =	sshrl.u32 s3, $0x3;
	s2 =	sshll.u32 s3, $0x7;
	s0 =	spop (v2sf)  }
0x31a: {  	s3 =	sadd.s32 $0x5500, s18;
	s11 =	smul.u32 $0x6000, s4;
	s1 =	sshrl.u32 s0, $0x3  }
0x31b: {  	s4 =	sshll.u32 s0, $0x7;
	s9 =	spop (v2sf);
	s2 =	sand.u32 $0x380, s2  }
0x31c: {  	(v2sf) =	vpush v63, $0x5;
	s0 =	smul.u32 $0x6000, s1;
	s1 =	sshrl.u32 s9, $0x3;
	s11 =	sshra.s32 s11, $0x2  }
0x31d: {  	s9 =	sshll.u32 s9, $0x7;
	s4 =	sand.u32 $0x380, s4;
	s11 =	sadd.s32 s11, s21  }
0x31e: {  	s1 =	smul.u32 $0x6000, s1;
	s0 =	sshra.s32 s0, $0x2;
	s2 =	sadd.s32 s2, s11  }
0x31f: {  	[tilespmem:s3], [sflag:$0x1] =	stream.linear.gather [spmem:s2], $0x80, $0x38;
	[tilespmem:$0x1A500] =	vst v63  }
0x320: {  	s1 =	sshra.s32 s1, $0x2;
	s11 =	spop (v2sf);
	s3 =	sadd.s32 $0x400, s2  }
0x321: {  	[tilespmem:s6], [sflag:$0x1] =	stream.linear.gather [spmem:s3], $0x80, $0x38;
	[tilespmem:$0x1A500] =	vst v63  }
0x322: {  	s6 =	sadd.s32 $0x800, s2;
	s3 =	sadd.s32 s1, s21;
	s1 =	sshrl.u32 s11, $0x3  }
0x323: {  	[tilespmem:s28], [sflag:$0x1] =	stream.linear.gather [spmem:s6], $0x80, $0x38;
	[tilespmem:$0x1A500] =	vst v63  }
0x324: {  	s0 =	sadd.s32 s0, s21;
	s1 =	smul.u32 $0x6000, s1;
	s28 =	sadd.s32 $0xC00, s2  }
0x325: {  	[tilespmem:s7], [sflag:$0x1] =	stream.linear.gather [spmem:s28], $0x80, $0x38;
	[tilespmem:$0x1A500] =	vst v63  }
0x326: {  	s6 =	sshll.u32 s11, $0x7;
	s11 =	sadd.s32 $0x1000, s2;
	s1 =	sshra.s32 s1, $0x2  }
0x327: {  	[tilespmem:s26], [sflag:$0x1] =	stream.linear.gather [spmem:s11], $0x80, $0x38;
	[tilespmem:$0x1A500] =	vst v63  }
0x328: {  	s2 =	sadd.s32 $0x1400, s2;
	s28 =	spop (v2sf);
	(v2sf) =	vpush v63, $0x6;
	s7 =	sadd.s32 s1, s21  }
0x329: {  	[tilespmem:s5], [sflag:$0x1] =	stream.linear.gather [spmem:s2], $0x80, $0x38;
	[tilespmem:$0x1A500] =	vst v63  }
0x32a: {  	s1 =	sadd.s32 s4, s0;
	s0 =	sshll.u32 s28, $0x7;
	s5 =	sshrl.u32 s28, $0x3  }
0x32b: {  	s4 =	sadd.s32 $0x400, s1;
	s2 =	smul.u32 $0x6000, s5;
	s5 =	spop (v2sf)  }
0x32c: {  	(v2sf) =	vpush v63, $0x7;
	[tilespmem:s23], [sflag:$0x1] =	stream.linear.gather [spmem:s1], $0x80, $0x38;
	[tilespmem:$0x1A500] =	vst v63  }
0x32d: {  	s11 =	sadd.s32 $0x800, s1;
	s26 =	sadd.s32 $0xC00, s1;
	s23 =	sshrl.u32 s5, $0x3  }
0x32e: {  	[tilespmem:s8], [sflag:$0x1] =	stream.linear.gather [spmem:s4], $0x80, $0x38;
	[tilespmem:$0x1A500] =	vst v63  }
0x32f: {  	s0 =	sand.u32 $0x380, s0;
	s2 =	sshra.s32 s2, $0x2;
	s28 =	smul.u32 $0x6000, s23  }
0x330: {  	(v2sf) =	vpush v63, $0x8;
	[tilespmem:s14], [sflag:$0x1] =	stream.linear.gather [spmem:s11], $0x80, $0x38;
	[tilespmem:$0x1A500] =	vst v63  }
0x331: {  	s23 =	sadd.s32 $0x5600, s18;
	s8 =	sadd.s32 $0x1000, s1;
	s11 =	sand.u32 $0x380, s9  }
0x332: {  	[tilespmem:s31], [sflag:$0x1] =	stream.linear.gather [spmem:s26], $0x80, $0x38;
	[tilespmem:$0x1A500] =	vst v63  }
0x333: {  	s14 =	sadd.s32 s2, s21;
	s2 =	sshra.s32 s28, $0x2;
	s4 =	sadd.s32 s11, s3  }
0x334: {  	[tilespmem:s10], [sflag:$0x1] =	stream.linear.gather [spmem:s8], $0x80, $0x38;
	[tilespmem:$0x1A500] =	vst v63  }
0x335: {  	s0 =	sadd.s32 s0, s14;
	s31 =	sshll.u32 s5, $0x7;
	s10 =	sadd.s32 $0x1400, s1  }
0x336: {  	[tilespmem:s25], [sflag:$0x1] =	stream.linear.gather [spmem:s10], $0x80, $0x38;
	[tilespmem:$0x1A500] =	vst v63  }
0x337: {  	s26 =	sadd.s32 $0x400, s4;
	s11 =	sadd.s32 $0xC00, s4;
	s25 =	spop (v2sf)  }
0x338: {  	s1 =	sadd.s32 s2, s21;
	s8 =	sadd.s32 $0x800, s4;
	s28 =	sshrl.u32 s25, $0x3  }
0x339: {  	[tilespmem:s23], [sflag:$0x1] =	stream.linear.gather [spmem:s4], $0x80, $0x38;
	[tilespmem:$0x1A500] =	vst v63  }
0x33a: {  	(v2sf) =	vpush v63, $0x9;
	s25 =	sshll.u32 s25, $0x7;
	s9 =	smul.u32 $0x6000, s28;
	s28 =	sand.u32 $0x380, s6  }
0x33b: {  	s10 =	spop (v2sf);
	s23 =	sadd.s32 $0x1000, s4;
	s7 =	sadd.s32 s28, s7  }
0x33c: {  	[tilespmem:s29], [sflag:$0x1] =	stream.linear.gather [spmem:s26], $0x80, $0x38;
	[tilespmem:$0x1A500] =	vst v63  }
0x33d: {  	s28 =	sadd.s32 $0x800, s0;
	s3 =	sshra.s32 s9, $0x2;
	s26 =	sadd.s32 $0x1400, s4  }
0x33e: {  	[tilespmem:s12], [sflag:$0x1] =	stream.linear.gather [spmem:s8], $0x80, $0x38;
	[tilespmem:$0x1A500] =	vst v63  }
0x33f: {  	s4 =	sadd.s32 $0x400, s7;
	s9 =	spop (v2sf);
	s2 =	sadd.s32 $0x1400, s7  }
0x340: {  	[tilespmem:s13], [sflag:$0x1] =	stream.linear.gather [spmem:s11], $0x80, $0x38;
	[tilespmem:$0x1A500] =	vst v63  }
0x341: {  	s3 =	sadd.s32 s3, s21;
	s6 =	sshll.u32 s9, $0x7;
	s12 =	sshrl.u32 s10, $0x3  }
0x342: {  	[tilespmem:s17], [sflag:$0x1] =	stream.linear.gather [spmem:s23], $0x80, $0x38;
	[tilespmem:$0x1A500] =	vst v63  }
0x343: {  	(v2sf) =	vpush v63, $0xA;
	s8 =	smul.u32 $0x6000, s12;
	s12 =	sadd.s32 $0xC00, s7;
	s11 =	sshrl.u32 s9, $0x3  }
0x344: {  	[tilespmem:s22], [sflag:$0x1] =	stream.linear.gather [spmem:s26], $0x80, $0x38;
	[tilespmem:$0x1A500] =	vst v63  }
0x345: {  	(v2sf) =	vpush v63, $0xB;
	s29 =	sshra.s32 s8, $0x2;
	s8 =	sadd.s32 $0x5A80, s18;
	s5 =	smul.u32 $0x6000, s11  }
0x346: {  	[tilespmem:s19], [sflag:$0x1] =	stream.linear.gather [spmem:s7], $0x80, $0x38;
	[tilespmem:$0x1A500] =	vst v63  }
0x347: {  	s11 =	sadd.s32 $0x1000, s0;
	s17 =	sadd.s32 s29, s21;
	s23 =	sadd.s32 $0x400, s0  }
0x348: {  	[tilespmem:s8], [sflag:$0x1] =	stream.linear.gather [spmem:s4], $0x80, $0x38;
	[tilespmem:$0x1A500] =	vst v63  }
0x349: {  	s22 =	sshll.u32 s10, $0x7;
	s10 =	sadd.s32 $0x800, s7;
	s13 =	spop (v2sf);
	(v2sf) =	vpush v63, $0xC  }
0x34a: {  	[tilespmem:s16], [sflag:$0x1] =	stream.linear.gather [spmem:s10], $0x80, $0x38;
	[tilespmem:$0x1A500] =	vst v63  }
0x34b: {  	s5 =	sshra.s32 s5, $0x2;
	s26 =	sld [smem:$0x7EF];
	s19 =	sshrl.u32 s13, $0x3  }
0x34c: {  	[tilespmem:s15], [sflag:$0x1] =	stream.linear.gather [spmem:s12], $0x80, $0x38;
	[tilespmem:$0x1A500] =	vst v63  }
0x34d: {  	s8 =	sadd.s32 $0xC00, s0;
	s16 =	sadd.s32 $0x1000, s7;
	s10 =	sld [smem:$0x7F1]  }
0x34e: {  	[tilespmem:s20], [sflag:$0x1] =	stream.linear.gather [spmem:s16], $0x80, $0x38;
	[tilespmem:$0x1A500] =	vst v63  }
0x34f: {  	s15 =	sadd.s32 s5, s21;
	s12 =	sshll.u32 s13, $0x7;
	s20 =	smul.u32 $0x6000, s19  }
0x350: {  	[tilespmem:s24], [sflag:$0x1] =	stream.linear.gather [spmem:s2], $0x80, $0x38;
	[tilespmem:$0x1A500] =	vst v63  }
0x351: {  	s16 =	sld [smem:$0x7F2];
	s19 =	sand.u32 $0x380, s31;
	s2 =	sshra.s32 s20, $0x2  }
0x352: {  	s24 =	spop (v2sf);
	s20 =	sld [smem:$0x7F3];
	s13 =	sadd.s32 s2, s21  }
0x353: {  	[tilespmem:s30], [sflag:$0x1] =	stream.linear.gather [spmem:s0], $0x80, $0x38;
	[tilespmem:$0x1A500] =	vst v63  }
0x354: {  	s29 =	sshrl.u32 s24, $0x3;
	s14 =	spop (v2sf);
	s30 =	sld [smem:$0x7F0]  }
0x355: {  	(v2sf) =	vpush v63, $0xD;
	[tilespmem:s26], [sflag:$0x1] =	stream.linear.gather [spmem:s23], $0x80, $0x38;
	[tilespmem:$0x1A500] =	vst v63  }
0x356: {  	s9 =	sshll.u32 s24, $0x7;
	s24 =	sld [smem:$0x7F4];
	s2 =	smul.u32 $0x6000, s29  }
0x357: {  	[tilespmem:s30], [sflag:$0x1] =	stream.linear.gather [spmem:s28], $0x80, $0x38;
	[tilespmem:$0x1A500] =	vst v63  }
0x358: {  	s0 =	sadd.s32 $0x1400, s0;
	s29 =	sld [smem:$0x7F5];
	s28 =	spop (v2sf)  }
0x359: {  	[tilespmem:s10], [sflag:$0x1] =	stream.linear.gather [spmem:s8], $0x80, $0x38;
	[tilespmem:$0x1A500] =	vst v63  }
0x35a: {  	s2 =	sshra.s32 s2, $0x2;
	s23 =	sshrl.u32 s14, $0x3;
	s31 =	sshrl.u32 s28, $0x3  }
0x35b: {  	[tilespmem:s16], [sflag:$0x1] =	stream.linear.gather [spmem:s11], $0x80, $0x38;
	[tilespmem:$0x1A500] =	vst v63  }
0x35c: {  	s8 =	sshll.u32 s14, $0x7;
	s10 =	sld [smem:$0x7F6];
	s11 =	sadd.s32 s2, s21  }
0x35d: {  	s16 =	smul.u32 $0x6000, s31;
	s2 =	sshll.u32 s28, $0x7;
	s31 =	rddreg [dreg:$0x1b]  }
0x35e: {  	[tilespmem:s20], [sflag:$0x1] =	stream.linear.gather [spmem:s0], $0x80, $0x38;
	[tilespmem:$0x1A500] =	vst v63  }
0x35f: {  	(v2sf) =	vpush v63, $0xE;
	s0 =	sadd.s32 s19, s1;
	s1 =	smul.u32 $0x6000, s23;
	s19 =	sld [smem:$0x7F7]  }
0x360: {  	s23 =	rddreg [dreg:$0x1e];
	s26 =	sadd.s32 $0x400, s0;
	s30 =	sadd.s32 $0x800, s0  }
0x361: {  	[tilespmem:s24], [sflag:$0x1] =	stream.linear.gather [spmem:s0], $0x80, $0x38;
	[tilespmem:$0x1A500] =	vst v63  }
0x362: {  	s14 =	sadd.s32 $0xC00, s0;
	s20 =	sadd.s32 $0x1000, s0;
	s1 =	sshra.s32 s1, $0x2  }
0x363: {  	[tilespmem:s29], [sflag:$0x1] =	stream.linear.gather [spmem:s26], $0x80, $0x38;
	[tilespmem:$0x1A500] =	vst v63  }
0x364: {  	s0 =	sadd.s32 $0x1400, s0;
	s24 =	sand.u32 $0x380, s25;
	s28 =	spop (v2sf)  }
0x365: {  	[tilespmem:s10], [sflag:$0x1] =	stream.linear.gather [spmem:s30], $0x80, $0x38;
	[tilespmem:$0x1A500] =	vst v63  }
0x366: {  	s25 =	rddreg [dreg:$0x1d];
	s26 =	sadd.s32 $0x5800, s18;
	s5 =	sshll.u32 s28, $0x7  }
0x367: {  	[tilespmem:s19], [sflag:$0x1] =	stream.linear.gather [spmem:s14], $0x80, $0x38;
	[tilespmem:$0x1A500] =	vst v63  }
0x368: {  	s10 =	sadd.s32 s1, s21;
	s1 =	sshra.s32 s16, $0x2;
	s30 =	sshrl.u32 s28, $0x3  }
0x369: {  	[tilespmem:s23], [sflag:$0x1] =	stream.linear.gather [spmem:s20], $0x80, $0x38;
	[tilespmem:$0x1A500] =	vst v63  }
0x36a: {  	s28 =	rddreg [dreg:$0x15];
	s7 =	sadd.s32 s1, s21;
	s1 =	sadd.s32 s24, s3  }
0x36b: {  	(v2sf) =	vpush v63, $0xF;
	[tilespmem:s25], [sflag:$0x1] =	stream.linear.gather [spmem:s0], $0x80, $0x38;
	[tilespmem:$0x1A500] =	vst v63  }
0x36c: {  	s16 =	smul.u32 $0x6000, s30;
	s30 =	sand.u32 $0x380, s22;
	s22 =	sadd.s32 $0x5C80, s18  }
0x36d: {  	[tilespmem:s26], [sflag:$0x1] =	stream.linear.gather [spmem:s1], $0x80, $0x38;
	[tilespmem:$0x1A500] =	vst v63  }
0x36e: {  	s29 =	sadd.s32 $0x400, s1;
	s14 =	sadd.s32 $0x800, s1;
	s19 =	spop (v2sf)  }
0x36f: {  	[tilespmem:s31], [sflag:$0x1] =	stream.linear.gather [spmem:s29], $0x80, $0x38;
	[tilespmem:$0x1A500] =	vst v63  }
0x370: {  	s3 =	sshra.s32 s16, $0x2;
	s24 =	sshrl.u32 s19, $0x3;
	s20 =	rddreg [dreg:$0x19]  }
0x371: {  	[tilespmem:s20], [sflag:$0x1] =	stream.linear.gather [spmem:s14], $0x80, $0x38;
	[tilespmem:$0x1A500] =	vst v63  }
0x372: {  	s16 =	sadd.s32 s30, s17;
	s23 =	sadd.s32 $0xC00, s1;
	s25 =	rddreg [dreg:$0x17]  }
0x373: {  	[tilespmem:s25], [sflag:$0x1] =	stream.linear.gather [spmem:s23], $0x80, $0x38;
	[tilespmem:$0x1A500] =	vst v63  }
0x374: {  	s4 =	sshll.u32 s19, $0x7;
	s19 =	rddreg [dreg:$0x11];
	s26 =	sadd.s32 $0x1000, s1  }
0x375: {  	[tilespmem:s28], [sflag:$0x1] =	stream.linear.gather [spmem:s26], $0x80, $0x38;
	[tilespmem:$0x1A500] =	vst v63  }
0x376: {  	s3 =	sadd.s32 s3, s21;
	s29 =	sadd.s32 $0x1400, s1;
	s31 =	rddreg [dreg:$0x13]  }
0x377: {  	[tilespmem:s31], [sflag:$0x1] =	stream.linear.gather [spmem:s29], $0x80, $0x38;
	[tilespmem:$0x1A500] =	vst v63  }
0x378: {  	s30 =	sadd.s32 $0x1000, s16;
	s17 =	sadd.s32 $0x1400, s16;
	s14 =	smul.u32 $0x6000, s24  }
0x379: {  	[tilespmem:s19], [sflag:$0x1] =	stream.linear.gather [spmem:s16], $0x80, $0x38;
	[tilespmem:$0x1A500] =	vst v63  }
0x37a: {  	s20 =	sadd.s32 $0x400, s16;
	s24 =	sadd.s32 $0x800, s16;
	s23 =	spop (v2sf)  }
0x37b: {  	[tilespmem:s22], [sflag:$0x1] =	stream.linear.gather [spmem:s20], $0x80, $0x38;
	[tilespmem:$0x1A500] =	vst v63  }
0x37c: {  	s14 =	sshra.s32 s14, $0x2;
	s25 =	sshrl.u32 s23, $0x3;
	s26 =	rddreg [dreg:$0xf]  }
0x37d: {  	[tilespmem:s26], [sflag:$0x1] =	stream.linear.gather [spmem:s24], $0x80, $0x38;
	[tilespmem:$0x1A500] =	vst v63  }
0x37e: {  	s28 =	sadd.s32 $0xC00, s16;
	s29 =	sadd.s32 $0x6480, s18;
	s19 =	smul.u32 $0x6000, s25  }
0x37f: {  	[tilespmem:s29], [sflag:$0x1] =	stream.linear.gather [spmem:s28], $0x80, $0x38;
	[tilespmem:$0x1A500] =	vst v63  }
0x380: {  	s1 =	sadd.s32 s14, s21;
	s31 =	sadd.s32 $0x6880, s18;
	s19 =	sshra.s32 s19, $0x2  }
0x381: {  	[tilespmem:s31], [sflag:$0x1] =	stream.linear.gather [spmem:s30], $0x80, $0x38;
	[tilespmem:$0x1A500] =	vst v63  }
0x382: {  	s20 =	sand.u32 $0x380, s6;
	s6 =	sadd.s32 s19, s21;
	s21 =	rddreg [dreg:$0xd]  }
0x383: {  	[tilespmem:s21], [sflag:$0x1] =	stream.linear.gather [spmem:s17], $0x80, $0x38;
	[tilespmem:$0x1A500] =	vst v63  }
0x384: {  	s22 =	sadd.s32 $0x6D00, s18;
	s15 =	sadd.s32 s20, s15  }
0x385: {  	[tilespmem:s22], [sflag:$0x1] =	stream.linear.gather [spmem:s15], $0x80, $0x38;
	[tilespmem:$0x1A500] =	vst v63  }
0x386: {  	s0 =	sshll.u32 s23, $0x7;
	s23 =	sadd.s32 $0x400, s15;
	s24 =	sadd.s32 $0x7100, s18  }
0x387: {  	[tilespmem:s24], [sflag:$0x1] =	stream.linear.gather [spmem:s23], $0x80, $0x38;
	[tilespmem:$0x1A500] =	vst v63  }
0x388: {  	s25 =	sadd.s32 $0x800, s15;
	s26 =	sadd.s32 $0x7500, s18  }
0x389: {  	[tilespmem:s26], [sflag:$0x1] =	stream.linear.gather [spmem:s25], $0x80, $0x38;
	[tilespmem:$0x1A500] =	vst v63  }
0x38a: {  	s28 =	sadd.s32 $0xC00, s15;
	s29 =	sadd.s32 $0x7900, s18  }
0x38b: {  	[tilespmem:s29], [sflag:$0x1] =	stream.linear.gather [spmem:s28], $0x80, $0x38;
	[tilespmem:$0x1A500] =	vst v63  }
0x38c: {  	s30 =	sadd.s32 $0x1000, s15;
	s31 =	sadd.s32 $0x7D00, s18  }
0x38d: {  	[tilespmem:s31], [sflag:$0x1] =	stream.linear.gather [spmem:s30], $0x80, $0x38;
	[tilespmem:$0x1A500] =	vst v63  }
0x38e: {  	s12 =	sand.u32 $0x380, s12;
	s16 =	sadd.s32 $0x8100, s18;
	s15 =	sadd.s32 $0x1400, s15  }
0x38f: {  	[tilespmem:s16], [sflag:$0x1] =	stream.linear.gather [spmem:s15], $0x80, $0x38;
	[tilespmem:$0x1A500] =	vst v63  }
0x390: {  	s12 =	sadd.s32 s12, s13;
	s17 =	sadd.s32 $0x6D80, s18  }
0x391: {  	[tilespmem:s17], [sflag:$0x1] =	stream.linear.gather [spmem:s12], $0x80, $0x38;
	[tilespmem:$0x1A500] =	vst v63  }
0x392: {  	s13 =	sadd.s32 $0x400, s12;
	s19 =	sadd.s32 $0x7180, s18  }
0x393: {  	[tilespmem:s19], [sflag:$0x1] =	stream.linear.gather [spmem:s13], $0x80, $0x38;
	[tilespmem:$0x1A500] =	vst v63  }
0x394: {  	s20 =	sadd.s32 $0x800, s12;
	s21 =	sadd.s32 $0x7580, s18  }
0x395: {  	[tilespmem:s21], [sflag:$0x1] =	stream.linear.gather [spmem:s20], $0x80, $0x38;
	[tilespmem:$0x1A500] =	vst v63  }
0x396: {  	s22 =	sadd.s32 $0xC00, s12;
	s23 =	sadd.s32 $0x7980, s18  }
0x397: {  	[tilespmem:s23], [sflag:$0x1] =	stream.linear.gather [spmem:s22], $0x80, $0x38;
	[tilespmem:$0x1A500] =	vst v63  }
0x398: {  	s24 =	sadd.s32 $0x1000, s12;
	s25 =	sadd.s32 $0x7D80, s18  }
0x399: {  	[tilespmem:s25], [sflag:$0x1] =	stream.linear.gather [spmem:s24], $0x80, $0x38;
	[tilespmem:$0x1A500] =	vst v63  }
0x39a: {  	s9 =	sand.u32 $0x380, s9;
	s26 =	sadd.s32 $0x8180, s18;
	s12 =	sadd.s32 $0x1400, s12  }
0x39b: {  	[tilespmem:s26], [sflag:$0x1] =	stream.linear.gather [spmem:s12], $0x80, $0x38;
	[tilespmem:$0x1A500] =	vst v63  }
0x39c: {  	s9 =	sadd.s32 s9, s11;
	s28 =	sadd.s32 $0x6E00, s18  }
0x39d: {  	[tilespmem:s28], [sflag:$0x1] =	stream.linear.gather [spmem:s9], $0x80, $0x38;
	[tilespmem:$0x1A500] =	vst v63  }
0x39e: {  	s11 =	sadd.s32 $0x400, s9;
	s29 =	sadd.s32 $0x7200, s18  }
0x39f: {  	[tilespmem:s29], [sflag:$0x1] =	stream.linear.gather [spmem:s11], $0x80, $0x38;
	[tilespmem:$0x1A500] =	vst v63  }
0x3a0: {  	s30 =	sadd.s32 $0x800, s9;
	s31 =	sadd.s32 $0x7600, s18  }
0x3a1: {  	[tilespmem:s31], [sflag:$0x1] =	stream.linear.gather [spmem:s30], $0x80, $0x38;
	[tilespmem:$0x1A500] =	vst v63  }
0x3a2: {  	s14 =	sadd.s32 $0x7A00, s18;
	s13 =	sadd.s32 $0xC00, s9  }
0x3a3: {  	[tilespmem:s14], [sflag:$0x1] =	stream.linear.gather [spmem:s13], $0x80, $0x38;
	[tilespmem:$0x1A500] =	vst v63  }
0x3a4: {  	s15 =	sadd.s32 $0x1000, s9;
	s16 =	sadd.s32 $0x7E00, s18  }
0x3a5: {  	[tilespmem:s16], [sflag:$0x1] =	stream.linear.gather [spmem:s15], $0x80, $0x38;
	[tilespmem:$0x1A500] =	vst v63  }
0x3a6: {  	s8 =	sand.u32 $0x380, s8;
	s17 =	sadd.s32 $0x8200, s18;
	s9 =	sadd.s32 $0x1400, s9  }
0x3a7: {  	[tilespmem:s17], [sflag:$0x1] =	stream.linear.gather [spmem:s9], $0x80, $0x38;
	[tilespmem:$0x1A500] =	vst v63  }
0x3a8: {  	s8 =	sadd.s32 s8, s10;
	s19 =	sadd.s32 $0x6E80, s18  }
0x3a9: {  	[tilespmem:s19], [sflag:$0x1] =	stream.linear.gather [spmem:s8], $0x80, $0x38;
	[tilespmem:$0x1A500] =	vst v63  }
0x3aa: {  	s20 =	sadd.s32 $0x400, s8;
	s21 =	sadd.s32 $0x7280, s18  }
0x3ab: {  	[tilespmem:s21], [sflag:$0x1] =	stream.linear.gather [spmem:s20], $0x80, $0x38;
	[tilespmem:$0x1A500] =	vst v63  }
0x3ac: {  	s22 =	sadd.s32 $0x800, s8;
	s23 =	sadd.s32 $0x7680, s18  }
0x3ad: {  	[tilespmem:s23], [sflag:$0x1] =	stream.linear.gather [spmem:s22], $0x80, $0x38;
	[tilespmem:$0x1A500] =	vst v63  }
0x3ae: {  	s24 =	sadd.s32 $0xC00, s8;
	s25 =	sadd.s32 $0x7A80, s18  }
0x3af: {  	[tilespmem:s25], [sflag:$0x1] =	stream.linear.gather [spmem:s24], $0x80, $0x38;
	[tilespmem:$0x1A500] =	vst v63  }
0x3b0: {  	s26 =	sadd.s32 $0x1000, s8;
	s28 =	sadd.s32 $0x7E80, s18  }
0x3b1: {  	[tilespmem:s28], [sflag:$0x1] =	stream.linear.gather [spmem:s26], $0x80, $0x38;
	[tilespmem:$0x1A500] =	vst v63  }
0x3b2: {  	s2 =	sand.u32 $0x380, s2;
	s29 =	sadd.s32 $0x8280, s18;
	s8 =	sadd.s32 $0x1400, s8  }
0x3b3: {  	[tilespmem:s29], [sflag:$0x1] =	stream.linear.gather [spmem:s8], $0x80, $0x38;
	[tilespmem:$0x1A500] =	vst v63  }
0x3b4: {  	s2 =	sadd.s32 s2, s7;
	s30 =	sadd.s32 $0x6F00, s18  }
0x3b5: {  	[tilespmem:s30], [sflag:$0x1] =	stream.linear.gather [spmem:s2], $0x80, $0x38;
	[tilespmem:$0x1A500] =	vst v63  }
0x3b6: {  	s7 =	sadd.s32 $0x400, s2;
	s31 =	sadd.s32 $0x7300, s18  }
0x3b7: {  	[tilespmem:s31], [sflag:$0x1] =	stream.linear.gather [spmem:s7], $0x80, $0x38;
	[tilespmem:$0x1A500] =	vst v63  }
0x3b8: {  	s12 =	sadd.s32 $0x7700, s18;
	s8 =	sadd.s32 $0x800, s2  }
0x3b9: {  	[tilespmem:s12], [sflag:$0x1] =	stream.linear.gather [spmem:s8], $0x80, $0x38;
	[tilespmem:$0x1A500] =	vst v63  }
0x3ba: {  	s13 =	sadd.s32 $0xC00, s2;
	s14 =	sadd.s32 $0x7B00, s18  }
0x3bb: {  	[tilespmem:s14], [sflag:$0x1] =	stream.linear.gather [spmem:s13], $0x80, $0x38;
	[tilespmem:$0x1A500] =	vst v63  }
0x3bc: {  	s15 =	sadd.s32 $0x1000, s2;
	s16 =	sadd.s32 $0x7F00, s18  }
0x3bd: {  	[tilespmem:s16], [sflag:$0x1] =	stream.linear.gather [spmem:s15], $0x80, $0x38;
	[tilespmem:$0x1A500] =	vst v63  }
0x3be: {  	s5 =	sand.u32 $0x380, s5;
	s17 =	sadd.s32 $0x8300, s18;
	s2 =	sadd.s32 $0x1400, s2  }
0x3bf: {  	[tilespmem:s17], [sflag:$0x1] =	stream.linear.gather [spmem:s2], $0x80, $0x38;
	[tilespmem:$0x1A500] =	vst v63  }
0x3c0: {  	s3 =	sadd.s32 s5, s3;
	s19 =	sadd.s32 $0x6F80, s18  }
0x3c1: {  	[tilespmem:s19], [sflag:$0x1] =	stream.linear.gather [spmem:s3], $0x80, $0x38;
	[tilespmem:$0x1A500] =	vst v63  }
0x3c2: {  	s20 =	sadd.s32 $0x400, s3;
	s21 =	sadd.s32 $0x7380, s18  }
0x3c3: {  	[tilespmem:s21], [sflag:$0x1] =	stream.linear.gather [spmem:s20], $0x80, $0x38;
	[tilespmem:$0x1A500] =	vst v63  }
0x3c4: {  	s22 =	sadd.s32 $0x800, s3;
	s23 =	sadd.s32 $0x7780, s18  }
0x3c5: {  	[tilespmem:s23], [sflag:$0x1] =	stream.linear.gather [spmem:s22], $0x80, $0x38;
	[tilespmem:$0x1A500] =	vst v63  }
0x3c6: {  	s24 =	sadd.s32 $0xC00, s3;
	s25 =	sadd.s32 $0x7B80, s18  }
0x3c7: {  	[tilespmem:s25], [sflag:$0x1] =	stream.linear.gather [spmem:s24], $0x80, $0x38;
	[tilespmem:$0x1A500] =	vst v63  }
0x3c8: {  	s26 =	sadd.s32 $0x1000, s3;
	s28 =	sadd.s32 $0x7F80, s18  }
0x3c9: {  	[tilespmem:s28], [sflag:$0x1] =	stream.linear.gather [spmem:s26], $0x80, $0x38;
	[tilespmem:$0x1A500] =	vst v63  }
0x3ca: {  	s4 =	sand.u32 $0x380, s4;
	s29 =	sadd.s32 $0x1400, s3;
	s30 =	sadd.s32 $0x8380, s18  }
0x3cb: {  	[tilespmem:s30], [sflag:$0x1] =	stream.linear.gather [spmem:s29], $0x80, $0x38;
	[tilespmem:$0x1A500] =	vst v63  }
0x3cc: {  	s1 =	sadd.s32 s4, s1;
	s31 =	sadd.s32 $0x7000, s18  }
0x3cd: {  	[tilespmem:s31], [sflag:$0x1] =	stream.linear.gather [spmem:s1], $0x80, $0x38;
	[tilespmem:$0x1A500] =	vst v63  }
0x3ce: {  	s4 =	sadd.s32 $0x7400, s18;
	s3 =	sadd.s32 $0x400, s1  }
0x3cf: {  	[tilespmem:s4], [sflag:$0x1] =	stream.linear.gather [spmem:s3], $0x80, $0x38;
	[tilespmem:$0x1A500] =	vst v63  }
0x3d0: {  	s5 =	sadd.s32 $0x800, s1;
	s7 =	sadd.s32 $0x7800, s18  }
0x3d1: {  	[tilespmem:s7], [sflag:$0x1] =	stream.linear.gather [spmem:s5], $0x80, $0x38;
	[tilespmem:$0x1A500] =	vst v63  }
0x3d2: {  	s12 =	sadd.s32 $0xC00, s1;
	s13 =	sadd.s32 $0x7C00, s18  }
0x3d3: {  	[tilespmem:s13], [sflag:$0x1] =	stream.linear.gather [spmem:s12], $0x80, $0x38;
	[tilespmem:$0x1A500] =	vst v63  }
0x3d4: {  	s10 =	rddreg [dreg:$0xb];
	s14 =	sadd.s32 $0x1000, s1;
	s15 =	sadd.s32 $0x8000, s18  }
0x3d5: {  	[tilespmem:s15], [sflag:$0x1] =	stream.linear.gather [spmem:s14], $0x80, $0x38;
	[tilespmem:$0x1A500] =	vst v63  }
0x3d6: {  	s0 =	sand.u32 $0x380, s0;
	s16 =	sadd.s32 $0x8400, s18;
	s1 =	sadd.s32 $0x1400, s1  }
0x3d7: {  	[tilespmem:s16], [sflag:$0x1] =	stream.linear.gather [spmem:s1], $0x80, $0x38;
	[tilespmem:$0x1A500] =	vst v63  }
0x3d8: {  	s0 =	sadd.s32 s0, s6;
	s11 =	rddreg [dreg:$0x5];
	s17 =	sadd.s32 $0x7080, s18  }
0x3d9: {  	[tilespmem:s17], [sflag:$0x1] =	stream.linear.gather [spmem:s0], $0x80, $0x38;
	[tilespmem:$0x1A500] =	vst v63  }
0x3da: {  	s9 =	rddreg [dreg:$0x4];
	s19 =	sadd.s32 $0x400, s0;
	s20 =	sadd.s32 $0x7480, s18  }
0x3db: {  	[tilespmem:s20], [sflag:$0x1] =	stream.linear.gather [spmem:s19], $0x80, $0x38;
	[tilespmem:$0x1A500] =	vst v63  }
0x3dc: {  	s8 =	rddreg [dreg:$0xa];
	s21 =	sadd.s32 $0x800, s0;
	s22 =	sadd.s32 $0x7880, s18  }
0x3dd: {  	[tilespmem:s22], [sflag:$0x1] =	stream.linear.gather [spmem:s21], $0x80, $0x38;
	[tilespmem:$0x1A500] =	vst v63  }
0x3de: {  	s2 =	rddreg [dreg:$0x9];
	s23 =	sadd.s32 $0xC00, s0;
	s24 =	sadd.s32 $0x7C80, s18  }
0x3df: {  	[tilespmem:s24], [sflag:$0x1] =	stream.linear.gather [spmem:s23], $0x80, $0x38;
	[tilespmem:$0x1A500] =	vst v63  }
0x3e0: {  	s25 =	sadd.s32 $0x1000, s0;
	s26 =	sadd.s32 $0x8080, s18;
	s28 =	sadd.s32 $0x8480, s18  }
0x3e1: {  	[tilespmem:s26], [sflag:$0x1] =	stream.linear.gather [spmem:s25], $0x80, $0x38;
	[tilespmem:$0x1A500] =	vst v63  }
0x3e2: {  	s29 =	rddreg [dreg:$0x8];
	s30 =	simm.s32 $0x1;
	s0 =	sadd.s32 $0x1400, s0  }
0x3e3: {  	[tilespmem:s28], [sflag:$0x1] =	stream.linear.gather [spmem:s0], $0x80, $0x38;
	[tilespmem:$0x1A500] =	vst v63  }
0x3e4: {  	s3 =	rddreg [dreg:$0x6];
	_ =	swait.ge [sflag:s30], $0x300  }
0x3e5: {  	[sflag:s30] =	ssyncset.done $0x0  }
0x3e6: {  	[sflag:s30] =	ssyncadd.s32 $0xFFFFFD00  }
0x3e7: {  	_ =	swait.ge [sflag:s30], $0x300  }
0x3e8: {  	[sflag:s30] =	ssyncset.done $0x0  }
0x3e9: {  	[sflag:s30] =	ssyncadd.s32 $0xFFFFFD00  }
0x3ea: {  	_ =	swait.ge [sflag:s30], $0x300  }
0x3eb: {  	[sflag:s30] =	ssyncset.done $0x0  }
0x3ec: {  	[sflag:s30] =	ssyncadd.s32 $0xFFFFFD00  }
0x3ed: {  	_ =	swait.ge [sflag:s30], $0x300  }
0x3ee: {  	[sflag:s30] =	ssyncset.done $0x0  }
0x3ef: {  	[sflag:s30] =	ssyncadd.s32 $0xFFFFFD00  }
0x3f0: {  	_ =	swait.ge [sflag:s30], $0x300  }
0x3f1: {  	[sflag:s30] =	ssyncset.done $0x0  }
0x3f2: {  	[sflag:s30] =	ssyncadd.s32 $0xFFFFFD00  }
0x3f3: {  	_ =	swait.ge [sflag:s30], $0x300  }
0x3f4: {  	[sflag:s30] =	ssyncset.done $0x0  }
0x3f5: {  	[sflag:s30] =	ssyncadd.s32 $0xFFFFFD00  }
0x3f6: {  	_ =	swait.ge [sflag:s30], $0x300  }
0x3f7: {  	[sflag:s30] =	ssyncset.done $0x0  }
0x3f8: {  	[sflag:s30] =	ssyncadd.s32 $0xFFFFFD00  }
0x3f9: {  	_ =	swait.ge [sflag:s30], $0x300  }
0x3fa: {  	[sflag:s30] =	ssyncset.done $0x0  }
0x3fb: {  	[sflag:s30] =	ssyncadd.s32 $0xFFFFFD00  }
0x3fc: {  	_ =	swait.ge [sflag:s30], $0x300  }
0x3fd: {  	[sflag:s30] =	ssyncset.done $0x0  }
0x3fe: {  	[sflag:s30] =	ssyncadd.s32 $0xFFFFFD00  }
0x3ff: {  	_ =	swait.ge [sflag:s30], $0x300  }
0x400: {  	[sflag:s30] =	ssyncset.done $0x0  }
0x401: {  	[sflag:s30] =	ssyncadd.s32 $0xFFFFFD00  }
0x402: {  	_ =	swait.ge [sflag:s30], $0x300  }
0x403: {  	[sflag:s30] =	ssyncset.done $0x0  }
0x404: {  	[sflag:s30] =	ssyncadd.s32 $0xFFFFFD00  }
0x405: {  	_ =	swait.ge [sflag:s30], $0x300  }
0x406: {  	[sflag:s30] =	ssyncset.done $0x0  }
0x407: {  	[sflag:s30] =	ssyncadd.s32 $0xFFFFFD00  }
0x408: {  	_ =	swait.ge [sflag:s30], $0x300  }
0x409: {  	[sflag:s30] =	ssyncset.done $0x0  }
0x40a: {  	[sflag:s30] =	ssyncadd.s32 $0xFFFFFD00  }
0x40b: {  	_ =	swait.ge [sflag:s30], $0x300  }
0x40c: {  	[sflag:s30] =	ssyncset.done $0x0  }
0x40d: {  	[sflag:s30] =	ssyncadd.s32 $0xFFFFFD00  }
0x40e: {  	_ =	swait.ge [sflag:s30], $0x300  }
0x40f: {  	[sflag:s30] =	ssyncset.done $0x0  }
0x410: {  	[sflag:s30] =	ssyncadd.s32 $0xFFFFFD00  }
0x411: {  	_ =	swait.ge [sflag:s30], $0x300  }
0x412: {  	[sflag:s30] =	ssyncset.done $0x0  }
0x413: {  	[sflag:s30] =	ssyncadd.s32 $0xFFFFFD00  }
0x414: {  	_ =	swait.ge [sflag:s30], $0x300  }
0x415: {  	[sflag:s30] =	ssyncset.done $0x0  }
0x416: {  	[sflag:s30] =	ssyncadd.s32 $0xFFFFFD00  }
0x417: {  	_ =	swait.ge [sflag:s30], $0x300  }
0x418: {  	[sflag:s30] =	ssyncset.done $0x0  }
0x419: {  	[sflag:s30] =	ssyncadd.s32 $0xFFFFFD00  }
0x41a: {  	_ =	swait.ge [sflag:s30], $0x300  }
0x41b: {  	[sflag:s30] =	ssyncset.done $0x0  }
0x41c: {  	[sflag:s30] =	ssyncadd.s32 $0xFFFFFD00  }
0x41d: {  	_ =	swait.ge [sflag:s30], $0x300  }
0x41e: {  	[sflag:s30] =	ssyncset.done $0x0  }
0x41f: {  	[sflag:s30] =	ssyncadd.s32 $0xFFFFFD00  }
0x420: {  	_ =	swait.ge [sflag:s30], $0x300  }
0x421: {  	[sflag:s30] =	ssyncset.done $0x0  }
0x422: {  	[sflag:s30] =	ssyncadd.s32 $0xFFFFFD00  }
0x423: {  	_ =	swait.ge [sflag:s30], $0x300  }
0x424: {  	[sflag:s30] =	ssyncset.done $0x0  }
0x425: {  	[sflag:s30] =	ssyncadd.s32 $0xFFFFFD00  }
0x426: {  	_ =	swait.ge [sflag:s30], $0x300  }
0x427: {  	[sflag:s30] =	ssyncset.done $0x0  }
0x428: {  	[sflag:s30] =	ssyncadd.s32 $0xFFFFFD00  }
0x429: {  	_ =	swait.ge [sflag:s30], $0x300  }
0x42a: {  	[sflag:s30] =	ssyncset.done $0x0  }
0x42b: {  	[sflag:s30] =	ssyncadd.s32 $0xFFFFFD00  }
0x42c: {  	_ =	swait.ge [sflag:s30], $0x300  }
0x42d: {  	[sflag:s30] =	ssyncset.done $0x0  }
0x42e: {  	[sflag:s30] =	ssyncadd.s32 $0xFFFFFD00  }
0x42f: {  	_ =	swait.ge [sflag:s30], $0x300  }
0x430: {  	[sflag:s30] =	ssyncset.done $0x0  }
0x431: {  	[sflag:s30] =	ssyncadd.s32 $0xFFFFFD00  }
0x432: {  	_ =	swait.ge [sflag:s30], $0x300  }
0x433: {  	[sflag:s30] =	ssyncset.done $0x0  }
0x434: {  	[sflag:s30] =	ssyncadd.s32 $0xFFFFFD00  }
0x435: {  	_ =	swait.ge [sflag:s30], $0x300  }
0x436: {  	[sflag:s30] =	ssyncset.done $0x0  }
0x437: {  	[sflag:s30] =	ssyncadd.s32 $0xFFFFFD00  }
0x438: {  	_ =	swait.ge [sflag:s30], $0x300  }
0x439: {  	[sflag:s30] =	ssyncset.done $0x0  }
0x43a: {  	[sflag:s30] =	ssyncadd.s32 $0xFFFFFD00  }
0x43b: {  	_ =	swait.ge [sflag:s30], $0x300  }
0x43c: {  	[sflag:s30] =	ssyncset.done $0x0  }
0x43d: {  	[sflag:s30] =	ssyncadd.s32 $0xFFFFFD00  }
0x43e: {  	_ =	swait.ge [sflag:s30], $0x300  }
.Ltmp0:
0x43f: {  	[sflag:s30] =	ssyncset.done $0x0;
	(pc) =	sbr.rel @p2 .LBB2_2-.Ltmp0, $4  }
0x440: {  	[sflag:s30] =	ssyncadd.s32 $0xFFFFFD00  }
0x441: {  	p1 =	por p3, p3;
	s11 =	sadd.s32 $0x20, s11;
	_ =	swait.ge [sflag:s30], $0x300  }
0x442: {  	s9 =	sadd.s32 $0xC00, s9;
	[sflag:s30] =	ssyncset.done $0x0;
	s31 =	rddreg [dreg:$0x7]  }
0x443: {  	s18 =	smov.u32 s29;
	[sflag:s30] =	ssyncadd.s32 $0xFFFFFD00;
	s0 =	sadd.s32 $0x2, s31  }
0x444: {  	s7 =	simm.s32 $0x0  }
0x445: {  	[hbm4b:s2+s7] =	stream.linear.scatter [tilespmem:s10], [sflag:s0], $0x6000, $0x38;
	[tilespmem:$0x1A500] =	vst v63  }
0x446: {  	s0 =	sadd.s32 @!p1 $0x2, s8  }
0x447: {  	_ =	swait.ge @!p1 [sflag:s0], $0x6000  }
0x448: {  	[sflag:s0] =	ssyncset.done @!p1 $0x0  }
0x449: {  	[sflag:s0] =	ssyncadd.s32 @!p1 $0xFFFFA000  }
0x44a: {  	v0 =	vld [tilespmem:s11+$0xFFFFFFF0];
	_ =	sdelay $0x4  }
0x44b: {  	(v2sf) =	vpush v0, $0x0;
	_ =	sdelay $0x5  }
0x44c: {  	(v2sf) =	vpush v0, $0x1;
	_ =	sdelay $0x8  }
0x44d: {  	s17 =	sadd.s32 $0x2900, s18;
	s15 =	spop (v2sf)  }
0x44e: {  	s19 =	sadd.s32 $0x2D00, s18;
	s21 =	sadd.s32 $0x3100, s18;
	s1 =	sshrl.u32 s15, $0x3  }
0x44f: {  	s23 =	sadd.s32 $0x3500, s18;
	s25 =	sadd.s32 $0x3900, s18;
	(v2sf) =	vpush v0, $0x2;
	s1 =	smul.u32 $0x6000, s1  }
0x450: {  	s26 =	sadd.s32 $0x2580, s18;
	s29 =	sadd.s32 $0x2980, s18;
	s30 =	sadd.s32 $0x2D80, s18  }
0x451: {  	s6 =	rddreg [dreg:$0x2];
	s0 =	sshll.u32 s15, $0x7;
	s1 =	sshra.s32 s1, $0x2  }
0x452: {  	s14 =	sadd.s32 $0x3580, s18;
	s16 =	sand.u32 $0x380, s0;
	s1 =	sadd.s32 s1, s6  }
0x453: {  	s20 =	spop (v2sf);
	(v2sf) =	vpush v0, $0x3;
	s0 =	sadd.s32 $0x2500, s18;
	s1 =	sadd.s32 s16, s1  }
0x454: {  	[tilespmem:s0], [sflag:$0x1] =	stream.linear.gather [spmem:s1], $0x80, $0x38;
	[tilespmem:$0x1A500] =	vst v63  }
0x455: {  	s10 =	sadd.s32 $0x3180, s18;
	s22 =	sshrl.u32 s20, $0x3;
	s3 =	sadd.s32 $0x400, s1  }
0x456: {  	[tilespmem:s17], [sflag:$0x1] =	stream.linear.gather [spmem:s3], $0x80, $0x38;
	[tilespmem:$0x1A500] =	vst v63  }
0x457: {  	s16 =	sadd.s32 $0x3980, s18;
	s4 =	sadd.s32 $0x800, s1;
	s5 =	sadd.s32 $0xC00, s1  }
0x458: {  	[tilespmem:s19], [sflag:$0x1] =	stream.linear.gather [spmem:s4], $0x80, $0x38;
	[tilespmem:$0x1A500] =	vst v63  }
0x459: {  	s24 =	sadd.s32 $0x1000, s1;
	s1 =	sadd.s32 $0x1400, s1;
	s4 =	smul.u32 $0x6000, s22  }
0x45a: {  	[tilespmem:s21], [sflag:$0x1] =	stream.linear.gather [spmem:s5], $0x80, $0x38;
	[tilespmem:$0x1A500] =	vst v63  }
0x45b: {  	s3 =	sshll.u32 s20, $0x7;
	s17 =	sadd.s32 $0x2600, s18;
	s4 =	sshra.s32 s4, $0x2  }
0x45c: {  	s20 =	sadd.s32 $0x2A00, s18;
	s3 =	sand.u32 $0x380, s3;
	s4 =	sadd.s32 s4, s6  }
0x45d: {  	[tilespmem:s23], [sflag:$0x1] =	stream.linear.gather [spmem:s24], $0x80, $0x38;
	[tilespmem:$0x1A500] =	vst v63  }
0x45e: {  	s21 =	sadd.s32 $0x2E00, s18;
	s28 =	sadd.s32 s3, s4;
	s31 =	spop (v2sf)  }
0x45f: {  	[tilespmem:s25], [sflag:$0x1] =	stream.linear.gather [spmem:s1], $0x80, $0x38;
	[tilespmem:$0x1A500] =	vst v63  }
0x460: {  	(v2sf) =	vpush v0, $0x4;
	s23 =	sadd.s32 $0x3200, s18;
	s3 =	sadd.s32 $0x400, s28;
	s4 =	sadd.s32 $0x800, s28  }
0x461: {  	[tilespmem:s26], [sflag:$0x1] =	stream.linear.gather [spmem:s28], $0x80, $0x38;
	[tilespmem:$0x1A500] =	vst v63  }
0x462: {  	s12 =	sshrl.u32 s31, $0x3;
	s13 =	sadd.s32 $0xC00, s28;
	s22 =	spop (v2sf)  }
0x463: {  	[tilespmem:s29], [sflag:$0x1] =	stream.linear.gather [spmem:s3], $0x80, $0x38;
	[tilespmem:$0x1A500] =	vst v63  }
0x464: {  	s15 =	sadd.s32 $0x1000, s28;
	s2 =	sadd.s32 $0x1400, s28;
	s24 =	sshrl.u32 s22, $0x3  }
0x465: {  	[tilespmem:s30], [sflag:$0x1] =	stream.linear.gather [spmem:s4], $0x80, $0x38;
	[tilespmem:$0x1A500] =	vst v63  }
0x466: {  	s26 =	sadd.s32 $0x3600, s18;
	s3 =	sshll.u32 s31, $0x7;
	s4 =	smul.u32 $0x6000, s12  }
0x467: {  	[tilespmem:s10], [sflag:$0x1] =	stream.linear.gather [spmem:s13], $0x80, $0x38;
	[tilespmem:$0x1A500] =	vst v63  }
0x468: {  	(v2sf) =	vpush v0, $0x5;
	s29 =	sadd.s32 $0x3A00, s18;
	s3 =	sand.u32 $0x380, s3;
	s4 =	sshra.s32 s4, $0x2  }
0x469: {  	s30 =	sadd.s32 $0x2680, s18;
	s12 =	sadd.s32 $0x2E80, s18;
	s4 =	sadd.s32 s4, s6  }
0x46a: {  	[tilespmem:s14], [sflag:$0x1] =	stream.linear.gather [spmem:s15], $0x80, $0x38;
	[tilespmem:$0x1A500] =	vst v63  }
0x46b: {  	s10 =	sadd.s32 $0x2A80, s18;
	s19 =	sadd.s32 s3, s4;
	s14 =	sadd.s32 $0x3280, s18  }
0x46c: {  	[tilespmem:s16], [sflag:$0x1] =	stream.linear.gather [spmem:s2], $0x80, $0x38;
	[tilespmem:$0x1A500] =	vst v63  }
0x46d: {  	s3 =	sadd.s32 $0x400, s19;
	s4 =	sadd.s32 $0x800, s19;
	s25 =	sadd.s32 $0xC00, s19  }
0x46e: {  	[tilespmem:s17], [sflag:$0x1] =	stream.linear.gather [spmem:s19], $0x80, $0x38;
	[tilespmem:$0x1A500] =	vst v63  }
0x46f: {  	s28 =	sadd.s32 $0x1000, s19;
	s2 =	sadd.s32 $0x1400, s19;
	s13 =	spop (v2sf)  }
0x470: {  	[tilespmem:s20], [sflag:$0x1] =	stream.linear.gather [spmem:s3], $0x80, $0x38;
	[tilespmem:$0x1A500] =	vst v63  }
0x471: {  	s15 =	sshrl.u32 s13, $0x3;
	s17 =	sadd.s32 $0x3680, s18;
	s3 =	sshll.u32 s22, $0x7  }
0x472: {  	[tilespmem:s21], [sflag:$0x1] =	stream.linear.gather [spmem:s4], $0x80, $0x38;
	[tilespmem:$0x1A500] =	vst v63  }
0x473: {  	s20 =	sadd.s32 $0x3A80, s18;
	s3 =	sand.u32 $0x380, s3;
	s4 =	smul.u32 $0x6000, s24  }
0x474: {  	(v2sf) =	vpush v0, $0x6;
	[tilespmem:s23], [sflag:$0x1] =	stream.linear.gather [spmem:s25], $0x80, $0x38;
	[tilespmem:$0x1A500] =	vst v63  }
0x475: {  	s21 =	sadd.s32 $0x2700, s18;
	s24 =	sadd.s32 $0x2F00, s18;
	s4 =	sshra.s32 s4, $0x2  }
0x476: {  	[tilespmem:s26], [sflag:$0x1] =	stream.linear.gather [spmem:s28], $0x80, $0x38;
	[tilespmem:$0x1A500] =	vst v63  }
0x477: {  	s23 =	sadd.s32 $0x2B00, s18;
	s25 =	spop (v2sf);
	s4 =	sadd.s32 s4, s6  }
0x478: {  	[tilespmem:s29], [sflag:$0x1] =	stream.linear.gather [spmem:s2], $0x80, $0x38;
	[tilespmem:$0x1A500] =	vst v63  }
0x479: {  	s31 =	sadd.s32 s3, s4;
	s3 =	sshll.u32 s13, $0x7;
	s26 =	sadd.s32 $0x3300, s18  }
0x47a: {  	[tilespmem:s30], [sflag:$0x1] =	stream.linear.gather [spmem:s31], $0x80, $0x38;
	[tilespmem:$0x1A500] =	vst v63  }
0x47b: {  	s28 =	sshrl.u32 s25, $0x3;
	s13 =	sadd.s32 $0x2B80, s18;
	s5 =	sadd.s32 $0x400, s31  }
0x47c: {  	[tilespmem:s10], [sflag:$0x1] =	stream.linear.gather [spmem:s5], $0x80, $0x38;
	[tilespmem:$0x1A500] =	vst v63  }
0x47d: {  	s4 =	sadd.s32 $0x800, s31;
	s16 =	sadd.s32 $0xC00, s31;
	s19 =	sadd.s32 $0x1000, s31  }
0x47e: {  	[tilespmem:s12], [sflag:$0x1] =	stream.linear.gather [spmem:s4], $0x80, $0x38;
	[tilespmem:$0x1A500] =	vst v63  }
0x47f: {  	s3 =	sand.u32 $0x380, s3;
	s2 =	sadd.s32 $0x1400, s31;
	s4 =	smul.u32 $0x6000, s15  }
0x480: {  	[tilespmem:s14], [sflag:$0x1] =	stream.linear.gather [spmem:s16], $0x80, $0x38;
	[tilespmem:$0x1A500] =	vst v63  }
0x481: {  	s30 =	sadd.s32 $0x3700, s18;
	s5 =	sadd.s32 $0x3B00, s18;
	s4 =	sshra.s32 s4, $0x2  }
0x482: {  	(v2sf) =	vpush v0, $0x7;
	[tilespmem:s17], [sflag:$0x1] =	stream.linear.gather [spmem:s19], $0x80, $0x38;
	[tilespmem:$0x1A500] =	vst v63  }
0x483: {  	s10 =	sadd.s32 $0x2780, s18;
	s15 =	spop (v2sf);
	s4 =	sadd.s32 s4, s6  }
0x484: {  	[tilespmem:s20], [sflag:$0x1] =	stream.linear.gather [spmem:s2], $0x80, $0x38;
	[tilespmem:$0x1A500] =	vst v63  }
0x485: {  	s14 =	sadd.s32 $0x2F80, s18;
	s16 =	sadd.s32 $0x3380, s18;
	s22 =	sadd.s32 s3, s4  }
0x486: {  	[tilespmem:s21], [sflag:$0x1] =	stream.linear.gather [spmem:s22], $0x80, $0x38;
	[tilespmem:$0x1A500] =	vst v63  }
0x487: {  	s17 =	sshrl.u32 s15, $0x3;
	s3 =	sadd.s32 $0x400, s22;
	s4 =	sadd.s32 $0x800, s22  }
0x488: {  	[tilespmem:s23], [sflag:$0x1] =	stream.linear.gather [spmem:s3], $0x80, $0x38;
	[tilespmem:$0x1A500] =	vst v63  }
0x489: {  	s29 =	sadd.s32 $0xC00, s22;
	s31 =	sadd.s32 $0x1000, s22;
	s2 =	sadd.s32 $0x1400, s22  }
0x48a: {  	[tilespmem:s24], [sflag:$0x1] =	stream.linear.gather [spmem:s4], $0x80, $0x38;
	[tilespmem:$0x1A500] =	vst v63  }
0x48b: {  	s20 =	sadd.s32 $0x3780, s18;
	s22 =	sadd.s32 $0x3B80, s18;
	s4 =	smul.u32 $0x6000, s28  }
0x48c: {  	[tilespmem:s26], [sflag:$0x1] =	stream.linear.gather [spmem:s29], $0x80, $0x38;
	[tilespmem:$0x1A500] =	vst v63  }
0x48d: {  	s3 =	sshll.u32 s25, $0x7;
	s23 =	sadd.s32 $0x2800, s18;
	s4 =	sshra.s32 s4, $0x2  }
0x48e: {  	(v2sf) =	vpush v0, $0x8;
	[tilespmem:s30], [sflag:$0x1] =	stream.linear.gather [spmem:s31], $0x80, $0x38;
	[tilespmem:$0x1A500] =	vst v63  }
0x48f: {  	s25 =	sadd.s32 $0x2C00, s18;
	s3 =	sand.u32 $0x380, s3;
	s4 =	sadd.s32 s4, s6  }
0x490: {  	[tilespmem:s5], [sflag:$0x1] =	stream.linear.gather [spmem:s2], $0x80, $0x38;
	[tilespmem:$0x1A500] =	vst v63  }
0x491: {  	s28 =	spop (v2sf);
	s26 =	sadd.s32 $0x3000, s18;
	s12 =	sadd.s32 s3, s4  }
0x492: {  	[tilespmem:s10], [sflag:$0x1] =	stream.linear.gather [spmem:s12], $0x80, $0x38;
	[tilespmem:$0x1A500] =	vst v63  }
0x493: {  	s29 =	sadd.s32 $0x3400, s18;
	s30 =	sshrl.u32 s28, $0x3;
	s3 =	sadd.s32 $0x400, s12  }
0x494: {  	[tilespmem:s13], [sflag:$0x1] =	stream.linear.gather [spmem:s3], $0x80, $0x38;
	[tilespmem:$0x1A500] =	vst v63  }
0x495: {  	s4 =	sadd.s32 $0x800, s12;
	s19 =	sadd.s32 $0xC00, s12;
	s21 =	sadd.s32 $0x1000, s12  }
0x496: {  	[tilespmem:s14], [sflag:$0x1] =	stream.linear.gather [spmem:s4], $0x80, $0x38;
	[tilespmem:$0x1A500] =	vst v63  }
0x497: {  	s2 =	sadd.s32 $0x1400, s12;
	s10 =	sadd.s32 $0x3800, s18;
	s4 =	smul.u32 $0x6000, s17  }
0x498: {  	[tilespmem:s16], [sflag:$0x1] =	stream.linear.gather [spmem:s19], $0x80, $0x38;
	[tilespmem:$0x1A500] =	vst v63  }
0x499: {  	s3 =	sshll.u32 s15, $0x7;
	s13 =	sadd.s32 $0x3C00, s18;
	s4 =	sshra.s32 s4, $0x2  }
0x49a: {  	[tilespmem:s20], [sflag:$0x1] =	stream.linear.gather [spmem:s21], $0x80, $0x38;
	[tilespmem:$0x1A500] =	vst v63  }
0x49b: {  	s3 =	sand.u32 $0x380, s3;
	s14 =	sadd.s32 $0x2880, s18;
	s4 =	sadd.s32 s4, s6  }
0x49c: {  	[tilespmem:s22], [sflag:$0x1] =	stream.linear.gather [spmem:s2], $0x80, $0x38;
	[tilespmem:$0x1A500] =	vst v63  }
0x49d: {  	s17 =	sadd.s32 $0x2C80, s18;
	s24 =	sadd.s32 s3, s4;
	s20 =	spop (v2sf)  }
0x49e: {  	[tilespmem:s23], [sflag:$0x1] =	stream.linear.gather [spmem:s24], $0x80, $0x38;
	[tilespmem:$0x1A500] =	vst v63  }
0x49f: {  	s19 =	sadd.s32 $0x3080, s18;
	s3 =	sadd.s32 $0x400, s24;
	s21 =	sshrl.u32 s20, $0x3  }
0x4a0: {  	(v2sf) =	vpush v0, $0x9;
	[tilespmem:s25], [sflag:$0x1] =	stream.linear.gather [spmem:s3], $0x80, $0x38;
	[tilespmem:$0x1A500] =	vst v63  }
0x4a1: {  	s4 =	sadd.s32 $0x800, s24;
	s31 =	sadd.s32 $0xC00, s24;
	s1 =	smul.u32 $0x6000, s21  }
0x4a2: {  	[tilespmem:s26], [sflag:$0x1] =	stream.linear.gather [spmem:s4], $0x80, $0x38;
	[tilespmem:$0x1A500] =	vst v63  }
0x4a3: {  	s12 =	sadd.s32 $0x1000, s24;
	s2 =	sadd.s32 $0x1400, s24;
	s4 =	smul.u32 $0x6000, s30  }
0x4a4: {  	[tilespmem:s29], [sflag:$0x1] =	stream.linear.gather [spmem:s31], $0x80, $0x38;
	[tilespmem:$0x1A500] =	vst v63  }
0x4a5: {  	s21 =	sadd.s32 $0x3D80, s18;
	s3 =	sshll.u32 s28, $0x7;
	s4 =	sshra.s32 s4, $0x2  }
0x4a6: {  	[tilespmem:s10], [sflag:$0x1] =	stream.linear.gather [spmem:s12], $0x80, $0x38;
	[tilespmem:$0x1A500] =	vst v63  }
0x4a7: {  	s1 =	sshra.s32 s1, $0x2;
	s3 =	sand.u32 $0x380, s3;
	s4 =	sadd.s32 s4, s6  }
0x4a8: {  	(v2sf) =	vpush v0, $0xA;
	[tilespmem:s13], [sflag:$0x1] =	stream.linear.gather [spmem:s2], $0x80, $0x38;
	[tilespmem:$0x1A500] =	vst v63  }
0x4a9: {  	s23 =	sadd.s32 $0x3480, s18;
	s1 =	sadd.s32 s1, s6;
	s15 =	sadd.s32 s3, s4  }
0x4aa: {  	[tilespmem:s14], [sflag:$0x1] =	stream.linear.gather [spmem:s15], $0x80, $0x38;
	[tilespmem:$0x1A500] =	vst v63  }
0x4ab: {  	s25 =	sadd.s32 $0x3880, s18;
	s28 =	sadd.s32 $0x3D00, s18;
	s16 =	sadd.s32 $0x400, s15  }
0x4ac: {  	[tilespmem:s17], [sflag:$0x1] =	stream.linear.gather [spmem:s16], $0x80, $0x38;
	[tilespmem:$0x1A500] =	vst v63  }
0x4ad: {  	s26 =	sadd.s32 $0x3C80, s18;
	s30 =	sadd.s32 $0x4100, s18;
	s4 =	sadd.s32 $0x800, s15  }
0x4ae: {  	[tilespmem:s19], [sflag:$0x1] =	stream.linear.gather [spmem:s4], $0x80, $0x38;
	[tilespmem:$0x1A500] =	vst v63  }
0x4af: {  	s29 =	spop (v2sf);
	s3 =	sshll.u32 s20, $0x7;
	s22 =	sadd.s32 $0xC00, s15  }
0x4b0: {  	[tilespmem:s23], [sflag:$0x1] =	stream.linear.gather [spmem:s22], $0x80, $0x38;
	[tilespmem:$0x1A500] =	vst v63  }
0x4b1: {  	s31 =	sshrl.u32 s29, $0x3;
	s24 =	sadd.s32 $0x1000, s15;
	s3 =	sand.u32 $0x380, s3  }
0x4b2: {  	[tilespmem:s25], [sflag:$0x1] =	stream.linear.gather [spmem:s24], $0x80, $0x38;
	[tilespmem:$0x1A500] =	vst v63  }
0x4b3: {  	s12 =	sadd.s32 $0x4500, s18;
	s2 =	sadd.s32 $0x1400, s15;
	s1 =	sadd.s32 s3, s1  }
0x4b4: {  	[tilespmem:s26], [sflag:$0x1] =	stream.linear.gather [spmem:s2], $0x80, $0x38;
	[tilespmem:$0x1A500] =	vst v63  }
0x4b5: {  	s3 =	sadd.s32 $0x400, s1;
	s10 =	sadd.s32 $0x800, s1;
	s13 =	sadd.s32 $0xC00, s1  }
0x4b6: {  	[tilespmem:s28], [sflag:$0x1] =	stream.linear.gather [spmem:s1], $0x80, $0x38;
	[tilespmem:$0x1A500] =	vst v63  }
0x4b7: {  	s14 =	sadd.s32 $0x4900, s18;
	s15 =	sadd.s32 $0x1000, s1;
	s17 =	spop (v2sf)  }
0x4b8: {  	(v2sf) =	vpush v0, $0xB;
	[tilespmem:s30], [sflag:$0x1] =	stream.linear.gather [spmem:s3], $0x80, $0x38;
	[tilespmem:$0x1A500] =	vst v63  }
0x4b9: {  	s16 =	sadd.s32 $0x4D00, s18;
	s20 =	sshrl.u32 s17, $0x3;
	s19 =	sadd.s32 $0x5100, s18  }
0x4ba: {  	[tilespmem:s12], [sflag:$0x1] =	stream.linear.gather [spmem:s10], $0x80, $0x38;
	[tilespmem:$0x1A500] =	vst v63  }
0x4bb: {  	s22 =	sshll.u32 s17, $0x7;
	s17 =	sadd.s32 $0x4600, s18;
	s3 =	smul.u32 $0x6000, s31  }
0x4bc: {  	[tilespmem:s14], [sflag:$0x1] =	stream.linear.gather [spmem:s13], $0x80, $0x38;
	[tilespmem:$0x1A500] =	vst v63  }
0x4bd: {  	s24 =	sadd.s32 $0x4180, s18;
	s2 =	sshll.u32 s29, $0x7;
	s3 =	sshra.s32 s3, $0x2  }
0x4be: {  	[tilespmem:s16], [sflag:$0x1] =	stream.linear.gather [spmem:s15], $0x80, $0x38;
	[tilespmem:$0x1A500] =	vst v63  }
0x4bf: {  	s2 =	sand.u32 $0x380, s2;
	s1 =	sadd.s32 $0x1400, s1;
	s3 =	sadd.s32 s3, s6  }
0x4c0: {  	(v2sf) =	vpush v0, $0xC;
	[tilespmem:s19], [sflag:$0x1] =	stream.linear.gather [spmem:s1], $0x80, $0x38;
	[tilespmem:$0x1A500] =	vst v63  }
0x4c1: {  	s26 =	sadd.s32 $0x4580, s18;
	s29 =	sadd.s32 $0x4980, s18;
	s2 =	sadd.s32 s2, s3  }
0x4c2: {  	[tilespmem:s21], [sflag:$0x1] =	stream.linear.gather [spmem:s2], $0x80, $0x38;
	[tilespmem:$0x1A500] =	vst v63  }
0x4c3: {  	s31 =	sadd.s32 $0x4D80, s18;
	s10 =	sadd.s32 $0x5180, s18;
	s23 =	sadd.s32 $0x400, s2  }
0x4c4: {  	[tilespmem:s24], [sflag:$0x1] =	stream.linear.gather [spmem:s23], $0x80, $0x38;
	[tilespmem:$0x1A500] =	vst v63  }
0x4c5: {  	s12 =	sadd.s32 $0x3E00, s18;
	s3 =	sand.u32 $0x380, s22;
	s25 =	sadd.s32 $0x800, s2  }
0x4c6: {  	[tilespmem:s26], [sflag:$0x1] =	stream.linear.gather [spmem:s25], $0x80, $0x38;
	[tilespmem:$0x1A500] =	vst v63  }
0x4c7: {  	s13 =	spop (v2sf);
	s28 =	sadd.s32 $0xC00, s2;
	s1 =	smul.u32 $0x6000, s20  }
0x4c8: {  	[tilespmem:s29], [sflag:$0x1] =	stream.linear.gather [spmem:s28], $0x80, $0x38;
	[tilespmem:$0x1A500] =	vst v63  }
0x4c9: {  	s14 =	sadd.s32 $0x4200, s18;
	s30 =	sadd.s32 $0x1000, s2;
	s1 =	sshra.s32 s1, $0x2  }
0x4ca: {  	[tilespmem:s31], [sflag:$0x1] =	stream.linear.gather [spmem:s30], $0x80, $0x38;
	[tilespmem:$0x1A500] =	vst v63  }
0x4cb: {  	s22 =	sadd.s32 $0x4E00, s18;
	s2 =	sadd.s32 $0x1400, s2;
	s1 =	sadd.s32 s1, s6  }
0x4cc: {  	[tilespmem:s10], [sflag:$0x1] =	stream.linear.gather [spmem:s2], $0x80, $0x38;
	[tilespmem:$0x1A500] =	vst v63  }
0x4cd: {  	s15 =	sshrl.u32 s13, $0x3;
	s20 =	sadd.s32 $0x4A00, s18;
	s1 =	sadd.s32 s3, s1  }
0x4ce: {  	[tilespmem:s12], [sflag:$0x1] =	stream.linear.gather [spmem:s1], $0x80, $0x38;
	[tilespmem:$0x1A500] =	vst v63  }
0x4cf: {  	s23 =	spop (v2sf);
	s24 =	sadd.s32 $0x5200, s18;
	s3 =	sadd.s32 $0x400, s1  }
0x4d0: {  	[tilespmem:s14], [sflag:$0x1] =	stream.linear.gather [spmem:s3], $0x80, $0x38;
	[tilespmem:$0x1A500] =	vst v63  }
0x4d1: {  	s16 =	sadd.s32 $0x800, s1;
	s19 =	sadd.s32 $0xC00, s1;
	s21 =	sadd.s32 $0x1000, s1  }
0x4d2: {  	(v2sf) =	vpush v0, $0xD;
	[tilespmem:s17], [sflag:$0x1] =	stream.linear.gather [spmem:s16], $0x80, $0x38;
	[tilespmem:$0x1A500] =	vst v63  }
0x4d3: {  	s25 =	sshrl.u32 s23, $0x3;
	s26 =	sadd.s32 $0x3E80, s18;
	s3 =	smul.u32 $0x6000, s15  }
0x4d4: {  	[tilespmem:s20], [sflag:$0x1] =	stream.linear.gather [spmem:s19], $0x80, $0x38;
	[tilespmem:$0x1A500] =	vst v63  }
0x4d5: {  	s28 =	sadd.s32 $0x4280, s18;
	s2 =	sshll.u32 s13, $0x7;
	s3 =	sshra.s32 s3, $0x2  }
0x4d6: {  	[tilespmem:s22], [sflag:$0x1] =	stream.linear.gather [spmem:s21], $0x80, $0x38;
	[tilespmem:$0x1A500] =	vst v63  }
0x4d7: {  	s2 =	sand.u32 $0x380, s2;
	s1 =	sadd.s32 $0x1400, s1;
	s3 =	sadd.s32 s3, s6  }
0x4d8: {  	[tilespmem:s24], [sflag:$0x1] =	stream.linear.gather [spmem:s1], $0x80, $0x38;
	[tilespmem:$0x1A500] =	vst v63  }
0x4d9: {  	s29 =	sshll.u32 s23, $0x7;
	s23 =	sadd.s32 $0x4B00, s18;
	s2 =	sadd.s32 s2, s3  }
0x4da: {  	(v2sf) =	vpush v0, $0xE;
	[tilespmem:s26], [sflag:$0x1] =	stream.linear.gather [spmem:s2], $0x80, $0x38;
	[tilespmem:$0x1A500] =	vst v63  }
0x4db: {  	s31 =	sadd.s32 $0x4680, s18;
	s10 =	sadd.s32 $0x4A80, s18;
	s3 =	sadd.s32 $0x400, s2  }
0x4dc: {  	[tilespmem:s28], [sflag:$0x1] =	stream.linear.gather [spmem:s3], $0x80, $0x38;
	[tilespmem:$0x1A500] =	vst v63  }
0x4dd: {  	s13 =	sadd.s32 $0x4E80, s18;
	s14 =	sadd.s32 $0x5280, s18;
	s30 =	sadd.s32 $0x800, s2  }
0x4de: {  	[tilespmem:s31], [sflag:$0x1] =	stream.linear.gather [spmem:s30], $0x80, $0x38;
	[tilespmem:$0x1A500] =	vst v63  }
0x4df: {  	s15 =	sadd.s32 $0x3F00, s18;
	s5 =	sadd.s32 $0xC00, s2;
	s1 =	smul.u32 $0x6000, s25  }
0x4e0: {  	[tilespmem:s10], [sflag:$0x1] =	stream.linear.gather [spmem:s5], $0x80, $0x38;
	[tilespmem:$0x1A500] =	vst v63  }
0x4e1: {  	s16 =	spop (v2sf);
	s12 =	sadd.s32 $0x1000, s2;
	s1 =	sshra.s32 s1, $0x2  }
0x4e2: {  	[tilespmem:s13], [sflag:$0x1] =	stream.linear.gather [spmem:s12], $0x80, $0x38;
	[tilespmem:$0x1A500] =	vst v63  }
0x4e3: {  	s2 =	sadd.s32 $0x1400, s2;
	s1 =	sadd.s32 s1, s6;
	s3 =	sand.u32 $0x380, s29  }
0x4e4: {  	[tilespmem:s14], [sflag:$0x1] =	stream.linear.gather [spmem:s2], $0x80, $0x38;
	[tilespmem:$0x1A500] =	vst v63  }
0x4e5: {  	s17 =	sadd.s32 $0x4300, s18;
	s19 =	sshrl.u32 s16, $0x3;
	s1 =	sadd.s32 s3, s1  }
0x4e6: {  	[tilespmem:s15], [sflag:$0x1] =	stream.linear.gather [spmem:s1], $0x80, $0x38;
	[tilespmem:$0x1A500] =	vst v63  }
0x4e7: {  	s21 =	sadd.s32 $0x4700, s18;
	s25 =	sadd.s32 $0x4F00, s18;
	s3 =	sadd.s32 $0x400, s1  }
0x4e8: {  	[tilespmem:s17], [sflag:$0x1] =	stream.linear.gather [spmem:s3], $0x80, $0x38;
	[tilespmem:$0x1A500] =	vst v63  }
0x4e9: {  	s26 =	spop (v2sf);
	s28 =	sadd.s32 $0x5300, s18;
	s20 =	sadd.s32 $0x800, s1  }
0x4ea: {  	[tilespmem:s21], [sflag:$0x1] =	stream.linear.gather [spmem:s20], $0x80, $0x38;
	[tilespmem:$0x1A500] =	vst v63  }
0x4eb: {  	s29 =	sshrl.u32 s26, $0x3;
	s22 =	sadd.s32 $0xC00, s1;
	s3 =	smul.u32 $0x6000, s19  }
0x4ec: {  	[tilespmem:s23], [sflag:$0x1] =	stream.linear.gather [spmem:s22], $0x80, $0x38;
	[tilespmem:$0x1A500] =	vst v63  }
0x4ed: {  	s24 =	sadd.s32 $0x1000, s1;
	s2 =	sshll.u32 s16, $0x7;
	s3 =	sshra.s32 s3, $0x2  }
0x4ee: {  	(v2sf) =	vpush v0, $0xF;
	[tilespmem:s25], [sflag:$0x1] =	stream.linear.gather [spmem:s24], $0x80, $0x38;
	[tilespmem:$0x1A500] =	vst v63  }
0x4ef: {  	s2 =	sand.u32 $0x380, s2;
	s1 =	sadd.s32 $0x1400, s1;
	s3 =	sadd.s32 s3, s6  }
0x4f0: {  	[tilespmem:s28], [sflag:$0x1] =	stream.linear.gather [spmem:s1], $0x80, $0x38;
	[tilespmem:$0x1A500] =	vst v63  }
0x4f1: {  	s30 =	sadd.s32 $0x3F80, s18;
	s31 =	sadd.s32 $0x4380, s18;
	s2 =	sadd.s32 s2, s3  }
0x4f2: {  	[tilespmem:s30], [sflag:$0x1] =	stream.linear.gather [spmem:s2], $0x80, $0x38;
	[tilespmem:$0x1A500] =	vst v63  }
0x4f3: {  	s10 =	sadd.s32 $0x4780, s18;
	s12 =	sshll.u32 s26, $0x7;
	s3 =	sadd.s32 $0x400, s2  }
0x4f4: {  	[tilespmem:s31], [sflag:$0x1] =	stream.linear.gather [spmem:s3], $0x80, $0x38;
	[tilespmem:$0x1A500] =	vst v63  }
0x4f5: {  	s14 =	sadd.s32 $0x4B80, s18;
	s16 =	sadd.s32 $0x4F80, s18;
	s5 =	sadd.s32 $0x800, s2  }
0x4f6: {  	[tilespmem:s10], [sflag:$0x1] =	stream.linear.gather [spmem:s5], $0x80, $0x38;
	[tilespmem:$0x1A500] =	vst v63  }
0x4f7: {  	s17 =	sadd.s32 $0x5380, s18;
	s13 =	sadd.s32 $0xC00, s2;
	s1 =	smul.u32 $0x6000, s29  }
0x4f8: {  	[tilespmem:s14], [sflag:$0x1] =	stream.linear.gather [spmem:s13], $0x80, $0x38;
	[tilespmem:$0x1A500] =	vst v63  }
0x4f9: {  	s19 =	sadd.s32 $0x4000, s18;
	s15 =	sadd.s32 $0x1000, s2;
	s1 =	sshra.s32 s1, $0x2  }
0x4fa: {  	[tilespmem:s16], [sflag:$0x1] =	stream.linear.gather [spmem:s15], $0x80, $0x38;
	[tilespmem:$0x1A500] =	vst v63  }
0x4fb: {  	s2 =	sadd.s32 $0x1400, s2;
	s1 =	sadd.s32 s1, s6;
	s3 =	sand.u32 $0x380, s12  }
0x4fc: {  	[tilespmem:s17], [sflag:$0x1] =	stream.linear.gather [spmem:s2], $0x80, $0x38;
	[tilespmem:$0x1A500] =	vst v63  }
0x4fd: {  	s21 =	sadd.s32 $0x4400, s18;
	s22 =	spop (v2sf);
	s1 =	sadd.s32 s3, s1  }
0x4fe: {  	[tilespmem:s19], [sflag:$0x1] =	stream.linear.gather [spmem:s1], $0x80, $0x38;
	[tilespmem:$0x1A500] =	vst v63  }
0x4ff: {  	s24 =	sadd.s32 $0x4800, s18;
	s25 =	sshrl.u32 s22, $0x3;
	s20 =	sadd.s32 $0x400, s1  }
0x500: {  	[tilespmem:s21], [sflag:$0x1] =	stream.linear.gather [spmem:s20], $0x80, $0x38;
	[tilespmem:$0x1A500] =	vst v63  }
0x501: {  	s28 =	sadd.s32 $0x4C00, s18;
	s30 =	sadd.s32 $0x5000, s18;
	s23 =	sadd.s32 $0x800, s1  }
0x502: {  	[tilespmem:s24], [sflag:$0x1] =	stream.linear.gather [spmem:s23], $0x80, $0x38;
	[tilespmem:$0x1A500] =	vst v63  }
0x503: {  	s31 =	sadd.s32 $0x5400, s18;
	s3 =	smul.u32 $0x6000, s25;
	s26 =	sadd.s32 $0xC00, s1  }
0x504: {  	[tilespmem:s28], [sflag:$0x1] =	stream.linear.gather [spmem:s26], $0x80, $0x38;
	[tilespmem:$0x1A500] =	vst v63  }
0x505: {  	s29 =	sadd.s32 $0x1000, s1;
	s3 =	sshra.s32 s3, $0x2;
	s2 =	sshll.u32 s22, $0x7  }
0x506: {  	[tilespmem:s30], [sflag:$0x1] =	stream.linear.gather [spmem:s29], $0x80, $0x38;
	[tilespmem:$0x1A500] =	vst v63  }
0x507: {  	s3 =	sadd.s32 s3, s6;
	s2 =	sand.u32 $0x380, s2;
	s1 =	sadd.s32 $0x1400, s1  }
0x508: {  	[tilespmem:s31], [sflag:$0x1] =	stream.linear.gather [spmem:s1], $0x80, $0x38;
	[tilespmem:$0x1A500] =	vst v63  }
0x509: {  	s4 =	sadd.s32 $0x4080, s18;
	s2 =	sadd.s32 s2, s3  }
0x50a: {  	[tilespmem:s4], [sflag:$0x1] =	stream.linear.gather [spmem:s2], $0x80, $0x38;
	[tilespmem:$0x1A500] =	vst v63  }
0x50b: {  	s10 =	sadd.s32 $0x4480, s18;
	s5 =	sadd.s32 $0x400, s2  }
0x50c: {  	[tilespmem:s10], [sflag:$0x1] =	stream.linear.gather [spmem:s5], $0x80, $0x38;
	[tilespmem:$0x1A500] =	vst v63  }
0x50d: {  	s13 =	sadd.s32 $0x4880, s18;
	s12 =	sadd.s32 $0x800, s2  }
0x50e: {  	[tilespmem:s13], [sflag:$0x1] =	stream.linear.gather [spmem:s12], $0x80, $0x38;
	[tilespmem:$0x1A500] =	vst v63  }
0x50f: {  	s15 =	sadd.s32 $0x4C80, s18;
	s14 =	sadd.s32 $0xC00, s2  }
0x510: {  	[tilespmem:s15], [sflag:$0x1] =	stream.linear.gather [spmem:s14], $0x80, $0x38;
	[tilespmem:$0x1A500] =	vst v63  }
0x511: {  	s17 =	sadd.s32 $0x5080, s18;
	s16 =	sadd.s32 $0x1000, s2  }
0x512: {  	[tilespmem:s17], [sflag:$0x1] =	stream.linear.gather [spmem:s16], $0x80, $0x38;
	[tilespmem:$0x1A500] =	vst v63  }
0x513: {  	s19 =	sadd.s32 $0x1400, s2;
	s20 =	sadd.s32 $0x5480, s18  }
0x514: {  	[tilespmem:s20], [sflag:$0x1] =	stream.linear.gather [spmem:s19], $0x80, $0x38;
	[tilespmem:$0x1A500] =	vst v63  }
0x515: {  	v63 =	vld [tilespmem:s11+$0x0];
	_ =	sdelay $0x4  }
0x516: {  	(v2sf) =	vpush v63, $0x0;
	_ =	sdelay $0x4  }
0x517: {  	(v2sf) =	vpush v63, $0x1;
	_ =	sdelay $0x9  }
0x518: {  	s23 =	sadd.s32 $0x5500, s18;
	s24 =	sadd.s32 $0x5900, s18;
	s21 =	spop (v2sf)  }
0x519: {  	s26 =	sadd.s32 $0x5D00, s18;
	s30 =	sadd.s32 $0x6100, s18;
	s22 =	sshrl.u32 s21, $0x3  }
0x51a: {  	s5 =	sadd.s32 $0x5F00, s18;
	s13 =	sadd.s32 $0x6900, s18;
	s2 =	smul.u32 $0x6000, s22  }
0x51b: {  	s14 =	sadd.s32 $0x5580, s18;
	s16 =	sadd.s32 $0x5980, s18;
	s17 =	sadd.s32 $0x5D80, s18;
	(v2sf) =	vpush v63, $0x2  }
0x51c: {  	s20 =	sadd.s32 $0x6180, s18;
	s1 =	sshll.u32 s21, $0x7;
	s2 =	sshra.s32 s2, $0x2  }
0x51d: {  	s28 =	spop (v2sf);
	s1 =	sand.u32 $0x380, s1;
	s2 =	sadd.s32 s2, s6  }
0x51e: {  	s11 =	sadd.s32 $0x6500, s18;
	s31 =	sshrl.u32 s28, $0x3;
	s1 =	sadd.s32 s1, s2  }
0x51f: {  	(v2sf) =	vpush v63, $0x3;
	[tilespmem:s23], [sflag:$0x1] =	stream.linear.gather [spmem:s1], $0x80, $0x38;
	[tilespmem:$0x1A500] =	vst v63  }
0x520: {  	s3 =	sshll.u32 s28, $0x7;
	s4 =	smul.u32 $0x6000, s31;
	s25 =	sadd.s32 $0x400, s1  }
0x521: {  	[tilespmem:s24], [sflag:$0x1] =	stream.linear.gather [spmem:s25], $0x80, $0x38;
	[tilespmem:$0x1A500] =	vst v63  }
0x522: {  	s3 =	sand.u32 $0x380, s3;
	s4 =	sshra.s32 s4, $0x2;
	s29 =	sadd.s32 $0x800, s1  }
0x523: {  	[tilespmem:s26], [sflag:$0x1] =	stream.linear.gather [spmem:s29], $0x80, $0x38;
	[tilespmem:$0x1A500] =	vst v63  }
0x524: {  	s4 =	sadd.s32 s4, s6;
	s10 =	sadd.s32 $0xC00, s1;
	s12 =	sadd.s32 $0x1000, s1  }
0x525: {  	[tilespmem:s30], [sflag:$0x1] =	stream.linear.gather [spmem:s10], $0x80, $0x38;
	[tilespmem:$0x1A500] =	vst v63  }
0x526: {  	s1 =	sadd.s32 $0x1400, s1;
	s15 =	sadd.s32 s3, s4;
	s23 =	sadd.s32 $0x6580, s18  }
0x527: {  	[tilespmem:s11], [sflag:$0x1] =	stream.linear.gather [spmem:s12], $0x80, $0x38;
	[tilespmem:$0x1A500] =	vst v63  }
0x528: {  	s3 =	sadd.s32 $0x400, s15;
	s4 =	sadd.s32 $0x800, s15;
	s22 =	sadd.s32 $0xC00, s15  }
0x529: {  	[tilespmem:s13], [sflag:$0x1] =	stream.linear.gather [spmem:s1], $0x80, $0x38;
	[tilespmem:$0x1A500] =	vst v63  }
0x52a: {  	s2 =	sadd.s32 $0x1400, s15;
	s24 =	sadd.s32 $0x1000, s15;
	s19 =	spop (v2sf);
	(v2sf) =	vpush v63, $0x4  }
0x52b: {  	[tilespmem:s14], [sflag:$0x1] =	stream.linear.gather [spmem:s15], $0x80, $0x38;
	[tilespmem:$0x1A500] =	vst v63  }
0x52c: {  	s25 =	sadd.s32 $0x6980, s18;
	s26 =	sadd.s32 $0x5600, s18;
	s29 =	sadd.s32 $0x5A00, s18  }
0x52d: {  	[tilespmem:s16], [sflag:$0x1] =	stream.linear.gather [spmem:s3], $0x80, $0x38;
	[tilespmem:$0x1A500] =	vst v63  }
0x52e: {  	s30 =	sadd.s32 $0x5E00, s18;
	s21 =	sshrl.u32 s19, $0x3;
	s31 =	spop (v2sf)  }
0x52f: {  	[tilespmem:s17], [sflag:$0x1] =	stream.linear.gather [spmem:s4], $0x80, $0x38;
	[tilespmem:$0x1A500] =	vst v63  }
0x530: {  	s10 =	sadd.s32 $0x6200, s18;
	s11 =	sshrl.u32 s31, $0x3;
	s4 =	smul.u32 $0x6000, s21  }
0x531: {  	[tilespmem:s20], [sflag:$0x1] =	stream.linear.gather [spmem:s22], $0x80, $0x38;
	[tilespmem:$0x1A500] =	vst v63  }
0x532: {  	(v2sf) =	vpush v63, $0x5;
	s13 =	sadd.s32 $0x6600, s18;
	s3 =	sshll.u32 s19, $0x7;
	s4 =	sshra.s32 s4, $0x2  }
0x533: {  	s15 =	sadd.s32 $0x6A00, s18;
	s3 =	sand.u32 $0x380, s3;
	s4 =	sadd.s32 s4, s6  }
0x534: {  	[tilespmem:s23], [sflag:$0x1] =	stream.linear.gather [spmem:s24], $0x80, $0x38;
	[tilespmem:$0x1A500] =	vst v63  }
0x535: {  	s16 =	sadd.s32 $0x5680, s18;
	s21 =	sadd.s32 $0x5E80, s18;
	s28 =	sadd.s32 s3, s4  }
0x536: {  	[tilespmem:s25], [sflag:$0x1] =	stream.linear.gather [spmem:s2], $0x80, $0x38;
	[tilespmem:$0x1A500] =	vst v63  }
0x537: {  	s20 =	sadd.s32 $0x5A80, s18;
	s23 =	sadd.s32 $0x6280, s18;
	s3 =	sadd.s32 $0x400, s28  }
0x538: {  	[tilespmem:s26], [sflag:$0x1] =	stream.linear.gather [spmem:s28], $0x80, $0x38;
	[tilespmem:$0x1A500] =	vst v63  }
0x539: {  	s4 =	sadd.s32 $0x800, s28;
	s12 =	sadd.s32 $0xC00, s28;
	s22 =	spop (v2sf)  }
0x53a: {  	[tilespmem:s29], [sflag:$0x1] =	stream.linear.gather [spmem:s3], $0x80, $0x38;
	[tilespmem:$0x1A500] =	vst v63  }
0x53b: {  	s14 =	sadd.s32 $0x1000, s28;
	s2 =	sadd.s32 $0x1400, s28;
	s24 =	sshrl.u32 s22, $0x3  }
0x53c: {  	[tilespmem:s30], [sflag:$0x1] =	stream.linear.gather [spmem:s4], $0x80, $0x38;
	[tilespmem:$0x1A500] =	vst v63  }
0x53d: {  	s26 =	sadd.s32 $0x6680, s18;
	s3 =	sshll.u32 s31, $0x7;
	s4 =	smul.u32 $0x6000, s11  }
0x53e: {  	(v2sf) =	vpush v63, $0x6;
	[tilespmem:s10], [sflag:$0x1] =	stream.linear.gather [spmem:s12], $0x80, $0x38;
	[tilespmem:$0x1A500] =	vst v63  }
0x53f: {  	s29 =	sadd.s32 $0x6A80, s18;
	s3 =	sand.u32 $0x380, s3;
	s4 =	sshra.s32 s4, $0x2  }
0x540: {  	[tilespmem:s13], [sflag:$0x1] =	stream.linear.gather [spmem:s14], $0x80, $0x38;
	[tilespmem:$0x1A500] =	vst v63  }
0x541: {  	s30 =	sadd.s32 $0x5700, s18;
	s10 =	spop (v2sf);
	s4 =	sadd.s32 s4, s6  }
0x542: {  	[tilespmem:s15], [sflag:$0x1] =	stream.linear.gather [spmem:s2], $0x80, $0x38;
	[tilespmem:$0x1A500] =	vst v63  }
0x543: {  	s11 =	sadd.s32 $0x6300, s18;
	s12 =	sshrl.u32 s10, $0x3;
	s17 =	sadd.s32 s3, s4  }
0x544: {  	[tilespmem:s16], [sflag:$0x1] =	stream.linear.gather [spmem:s17], $0x80, $0x38;
	[tilespmem:$0x1A500] =	vst v63  }
0x545: {  	s3 =	sshll.u32 s22, $0x7;
	s14 =	sadd.s32 $0x6700, s18;
	s19 =	sadd.s32 $0x400, s17  }
0x546: {  	[tilespmem:s20], [sflag:$0x1] =	stream.linear.gather [spmem:s19], $0x80, $0x38;
	[tilespmem:$0x1A500] =	vst v63  }
0x547: {  	s4 =	sadd.s32 $0x800, s17;
	s25 =	sadd.s32 $0xC00, s17;
	s28 =	sadd.s32 $0x1000, s17  }
0x548: {  	[tilespmem:s21], [sflag:$0x1] =	stream.linear.gather [spmem:s4], $0x80, $0x38;
	[tilespmem:$0x1A500] =	vst v63  }
0x549: {  	s3 =	sand.u32 $0x380, s3;
	s2 =	sadd.s32 $0x1400, s17;
	s4 =	smul.u32 $0x6000, s24  }
0x54a: {  	[tilespmem:s23], [sflag:$0x1] =	stream.linear.gather [spmem:s25], $0x80, $0x38;
	[tilespmem:$0x1A500] =	vst v63  }
0x54b: {  	s16 =	sadd.s32 $0x6B00, s18;
	s17 =	sadd.s32 $0x5780, s18;
	s4 =	sshra.s32 s4, $0x2  }
0x54c: {  	(v2sf) =	vpush v63, $0x7;
	[tilespmem:s26], [sflag:$0x1] =	stream.linear.gather [spmem:s28], $0x80, $0x38;
	[tilespmem:$0x1A500] =	vst v63  }
0x54d: {  	s20 =	sadd.s32 $0x5B80, s18;
	s22 =	spop (v2sf);
	s4 =	sadd.s32 s4, s6  }
0x54e: {  	[tilespmem:s29], [sflag:$0x1] =	stream.linear.gather [spmem:s2], $0x80, $0x38;
	[tilespmem:$0x1A500] =	vst v63  }
0x54f: {  	s21 =	sadd.s32 $0x5F80, s18;
	s24 =	sshrl.u32 s22, $0x3;
	s31 =	sadd.s32 s3, s4  }
0x550: {  	[tilespmem:s30], [sflag:$0x1] =	stream.linear.gather [spmem:s31], $0x80, $0x38;
	[tilespmem:$0x1A500] =	vst v63  }
0x551: {  	s23 =	sadd.s32 $0x6380, s18;
	s4 =	sadd.s32 $0x5B00, s18;
	s3 =	sadd.s32 $0x400, s31  }
0x552: {  	[tilespmem:s4], [sflag:$0x1] =	stream.linear.gather [spmem:s3], $0x80, $0x38;
	[tilespmem:$0x1A500] =	vst v63  }
0x553: {  	s26 =	sadd.s32 $0x6780, s18;
	s13 =	sadd.s32 $0xC00, s31;
	s4 =	sadd.s32 $0x800, s31  }
0x554: {  	[tilespmem:s5], [sflag:$0x1] =	stream.linear.gather [spmem:s4], $0x80, $0x38;
	[tilespmem:$0x1A500] =	vst v63  }
0x555: {  	s15 =	sadd.s32 $0x1000, s31;
	s2 =	sadd.s32 $0x1400, s31;
	s4 =	smul.u32 $0x6000, s12  }
0x556: {  	[tilespmem:s11], [sflag:$0x1] =	stream.linear.gather [spmem:s13], $0x80, $0x38;
	[tilespmem:$0x1A500] =	vst v63  }
0x557: {  	s29 =	sadd.s32 $0x6B80, s18;
	s3 =	sshll.u32 s10, $0x7;
	s4 =	sshra.s32 s4, $0x2  }
0x558: {  	(v2sf) =	vpush v63, $0x8;
	[tilespmem:s14], [sflag:$0x1] =	stream.linear.gather [spmem:s15], $0x80, $0x38;
	[tilespmem:$0x1A500] =	vst v63  }
0x559: {  	s30 =	sadd.s32 $0x5800, s18;
	s3 =	sand.u32 $0x380, s3;
	s4 =	sadd.s32 s4, s6  }
0x55a: {  	[tilespmem:s16], [sflag:$0x1] =	stream.linear.gather [spmem:s2], $0x80, $0x38;
	[tilespmem:$0x1A500] =	vst v63  }
0x55b: {  	s10 =	spop (v2sf);
	s5 =	sadd.s32 $0x6000, s18;
	s19 =	sadd.s32 s3, s4  }
0x55c: {  	[tilespmem:s17], [sflag:$0x1] =	stream.linear.gather [spmem:s19], $0x80, $0x38;
	[tilespmem:$0x1A500] =	vst v63  }
0x55d: {  	s12 =	sshrl.u32 s10, $0x3;
	s11 =	sadd.s32 $0x6400, s18;
	s3 =	sadd.s32 $0x400, s19  }
0x55e: {  	[tilespmem:s20], [sflag:$0x1] =	stream.linear.gather [spmem:s3], $0x80, $0x38;
	[tilespmem:$0x1A500] =	vst v63  }
0x55f: {  	s14 =	sadd.s32 $0x6800, s18;
	s4 =	sadd.s32 $0x800, s19;
	s25 =	sadd.s32 $0xC00, s19  }
0x560: {  	[tilespmem:s21], [sflag:$0x1] =	stream.linear.gather [spmem:s4], $0x80, $0x38;
	[tilespmem:$0x1A500] =	vst v63  }
0x561: {  	s28 =	sadd.s32 $0x1000, s19;
	s2 =	sadd.s32 $0x1400, s19;
	s4 =	smul.u32 $0x6000, s24  }
0x562: {  	[tilespmem:s23], [sflag:$0x1] =	stream.linear.gather [spmem:s25], $0x80, $0x38;
	[tilespmem:$0x1A500] =	vst v63  }
0x563: {  	s16 =	sadd.s32 $0x6C00, s18;
	s3 =	sshll.u32 s22, $0x7;
	s4 =	sshra.s32 s4, $0x2  }
0x564: {  	[tilespmem:s26], [sflag:$0x1] =	stream.linear.gather [spmem:s28], $0x80, $0x38;
	[tilespmem:$0x1A500] =	vst v63  }
0x565: {  	s17 =	sadd.s32 $0x5880, s18;
	s3 =	sand.u32 $0x380, s3;
	s4 =	sadd.s32 s4, s6  }
0x566: {  	(v2sf) =	vpush v63, $0x9;
	[tilespmem:s29], [sflag:$0x1] =	stream.linear.gather [spmem:s2], $0x80, $0x38;
	[tilespmem:$0x1A500] =	vst v63  }
0x567: {  	s22 =	sadd.s32 $0x6080, s18;
	s23 =	spop (v2sf);
	s31 =	sadd.s32 s3, s4  }
0x568: {  	[tilespmem:s30], [sflag:$0x1] =	stream.linear.gather [spmem:s31], $0x80, $0x38;
	[tilespmem:$0x1A500] =	vst v63  }
0x569: {  	s24 =	sshrl.u32 s23, $0x3;
	s4 =	sadd.s32 $0x5C00, s18;
	s3 =	sadd.s32 $0x400, s31  }
0x56a: {  	[tilespmem:s4], [sflag:$0x1] =	stream.linear.gather [spmem:s3], $0x80, $0x38;
	[tilespmem:$0x1A500] =	vst v63  }
0x56b: {  	s21 =	sadd.s32 $0x5C80, s18;
	s1 =	smul.u32 $0x6000, s24;
	s4 =	sadd.s32 $0x800, s31  }
0x56c: {  	[tilespmem:s5], [sflag:$0x1] =	stream.linear.gather [spmem:s4], $0x80, $0x38;
	[tilespmem:$0x1A500] =	vst v63  }
0x56d: {  	s26 =	sadd.s32 $0x6480, s18;
	s13 =	sadd.s32 $0xC00, s31;
	s4 =	smul.u32 $0x6000, s12  }
0x56e: {  	[tilespmem:s11], [sflag:$0x1] =	stream.linear.gather [spmem:s13], $0x80, $0x38;
	[tilespmem:$0x1A500] =	vst v63  }
0x56f: {  	s15 =	sadd.s32 $0x1000, s31;
	s3 =	sshll.u32 s10, $0x7;
	s4 =	sshra.s32 s4, $0x2  }
0x570: {  	(v2sf) =	vpush v63, $0xA;
	[tilespmem:s14], [sflag:$0x1] =	stream.linear.gather [spmem:s15], $0x80, $0x38;
	[tilespmem:$0x1A500] =	vst v63  }
0x571: {  	s2 =	sadd.s32 $0x1400, s31;
	s3 =	sand.u32 $0x380, s3;
	s4 =	sadd.s32 s4, s6  }
0x572: {  	[tilespmem:s16], [sflag:$0x1] =	stream.linear.gather [spmem:s2], $0x80, $0x38;
	[tilespmem:$0x1A500] =	vst v63  }
0x573: {  	s29 =	sadd.s32 $0x6880, s18;
	s1 =	sshra.s32 s1, $0x2;
	s19 =	sadd.s32 s3, s4  }
0x574: {  	[tilespmem:s17], [sflag:$0x1] =	stream.linear.gather [spmem:s19], $0x80, $0x38;
	[tilespmem:$0x1A500] =	vst v63  }
0x575: {  	s1 =	sadd.s32 s1, s6;
	s31 =	spop (v2sf);
	s20 =	sadd.s32 $0x400, s19  }
0x576: {  	[tilespmem:s21], [sflag:$0x1] =	stream.linear.gather [spmem:s20], $0x80, $0x38;
	[tilespmem:$0x1A500] =	vst v63  }
0x577: {  	s30 =	sadd.s32 $0x6C80, s18;
	s10 =	sshrl.u32 s31, $0x3;
	s4 =	sadd.s32 $0x800, s19  }
0x578: {  	[tilespmem:s22], [sflag:$0x1] =	stream.linear.gather [spmem:s4], $0x80, $0x38;
	[tilespmem:$0x1A500] =	vst v63  }
0x579: {  	s12 =	sshll.u32 s31, $0x7;
	s31 =	sadd.s32 $0x7980, s18;
	s25 =	sadd.s32 $0xC00, s19  }
0x57a: {  	(v2sf) =	vpush v63, $0xB;
	[tilespmem:s26], [sflag:$0x1] =	stream.linear.gather [spmem:s25], $0x80, $0x38;
	[tilespmem:$0x1A500] =	vst v63  }
0x57b: {  	s11 =	sadd.s32 $0x6D00, s18;
	s3 =	sshll.u32 s23, $0x7;
	s28 =	sadd.s32 $0x1000, s19  }
0x57c: {  	[tilespmem:s29], [sflag:$0x1] =	stream.linear.gather [spmem:s28], $0x80, $0x38;
	[tilespmem:$0x1A500] =	vst v63  }
0x57d: {  	s14 =	sadd.s32 $0x7100, s18;
	s3 =	sand.u32 $0x380, s3;
	s2 =	sadd.s32 $0x1400, s19  }
0x57e: {  	[tilespmem:s30], [sflag:$0x1] =	stream.linear.gather [spmem:s2], $0x80, $0x38;
	[tilespmem:$0x1A500] =	vst v63  }
0x57f: {  	s23 =	sadd.s32 $0x6D80, s18;
	s24 =	spop (v2sf);
	s1 =	sadd.s32 s3, s1  }
0x580: {  	[tilespmem:s11], [sflag:$0x1] =	stream.linear.gather [spmem:s1], $0x80, $0x38;
	[tilespmem:$0x1A500] =	vst v63  }
0x581: {  	s16 =	sadd.s32 $0x7500, s18;
	s3 =	sand.u32 $0x380, s12;
	s13 =	sadd.s32 $0x400, s1  }
0x582: {  	[tilespmem:s14], [sflag:$0x1] =	stream.linear.gather [spmem:s13], $0x80, $0x38;
	[tilespmem:$0x1A500] =	vst v63  }
0x583: {  	s15 =	sadd.s32 $0x800, s1;
	s17 =	sadd.s32 $0xC00, s1;
	s19 =	sadd.s32 $0x7900, s18  }
0x584: {  	[tilespmem:s16], [sflag:$0x1] =	stream.linear.gather [spmem:s15], $0x80, $0x38;
	[tilespmem:$0x1A500] =	vst v63  }
0x585: {  	s20 =	sadd.s32 $0x1000, s1;
	s21 =	sadd.s32 $0x7D00, s18;
	s2 =	smul.u32 $0x6000, s10  }
0x586: {  	[tilespmem:s19], [sflag:$0x1] =	stream.linear.gather [spmem:s17], $0x80, $0x38;
	[tilespmem:$0x1A500] =	vst v63  }
0x587: {  	s22 =	sadd.s32 $0x8100, s18;
	s4 =	sadd.s32 $0x6F80, s18;
	s2 =	sshra.s32 s2, $0x2  }
0x588: {  	[tilespmem:s21], [sflag:$0x1] =	stream.linear.gather [spmem:s20], $0x80, $0x38;
	[tilespmem:$0x1A500] =	vst v63  }
0x589: {  	s12 =	spop (v2sf);
	s1 =	sadd.s32 $0x1400, s1;
	s2 =	sadd.s32 s2, s6  }
0x58a: {  	[tilespmem:s22], [sflag:$0x1] =	stream.linear.gather [spmem:s1], $0x80, $0x38;
	[tilespmem:$0x1A500] =	vst v63  }
0x58b: {  	s25 =	sadd.s32 $0x7180, s18;
	s26 =	sshrl.u32 s24, $0x3;
	s2 =	sadd.s32 s3, s2  }
0x58c: {  	[tilespmem:s23], [sflag:$0x1] =	stream.linear.gather [spmem:s2], $0x80, $0x38;
	[tilespmem:$0x1A500] =	vst v63  }
0x58d: {  	s29 =	sadd.s32 $0x7580, s18;
	s11 =	sadd.s32 $0x7D80, s18;
	s3 =	sadd.s32 $0x400, s2  }
0x58e: {  	[tilespmem:s25], [sflag:$0x1] =	stream.linear.gather [spmem:s3], $0x80, $0x38;
	[tilespmem:$0x1A500] =	vst v63  }
0x58f: {  	s13 =	sadd.s32 $0x8180, s18;
	s14 =	sshrl.u32 s12, $0x3;
	s28 =	sadd.s32 $0x800, s2  }
0x590: {  	(v2sf) =	vpush v63, $0xC;
	[tilespmem:s29], [sflag:$0x1] =	stream.linear.gather [spmem:s28], $0x80, $0x38;
	[tilespmem:$0x1A500] =	vst v63  }
0x591: {  	s30 =	sadd.s32 $0xC00, s2;
	s10 =	sadd.s32 $0x1000, s2;
	s3 =	smul.u32 $0x6000, s26  }
0x592: {  	[tilespmem:s31], [sflag:$0x1] =	stream.linear.gather [spmem:s30], $0x80, $0x38;
	[tilespmem:$0x1A500] =	vst v63  }
0x593: {  	s15 =	sadd.s32 $0x6E00, s18;
	s1 =	sshll.u32 s24, $0x7;
	s3 =	sshra.s32 s3, $0x2  }
0x594: {  	[tilespmem:s11], [sflag:$0x1] =	stream.linear.gather [spmem:s10], $0x80, $0x38;
	[tilespmem:$0x1A500] =	vst v63  }
0x595: {  	s1 =	sand.u32 $0x380, s1;
	s2 =	sadd.s32 $0x1400, s2;
	s3 =	sadd.s32 s3, s6  }
0x596: {  	(v2sf) =	vpush v63, $0xD;
	[tilespmem:s13], [sflag:$0x1] =	stream.linear.gather [spmem:s2], $0x80, $0x38;
	[tilespmem:$0x1A500] =	vst v63  }
0x597: {  	s16 =	sshll.u32 s12, $0x7;
	s19 =	sadd.s32 $0x7200, s18;
	s1 =	sadd.s32 s1, s3  }
0x598: {  	[tilespmem:s15], [sflag:$0x1] =	stream.linear.gather [spmem:s1], $0x80, $0x38;
	[tilespmem:$0x1A500] =	vst v63  }
0x599: {  	s21 =	sadd.s32 $0x7600, s18;
	s23 =	sadd.s32 $0x7A00, s18;
	s17 =	sadd.s32 $0x400, s1  }
0x59a: {  	[tilespmem:s19], [sflag:$0x1] =	stream.linear.gather [spmem:s17], $0x80, $0x38;
	[tilespmem:$0x1A500] =	vst v63  }
0x59b: {  	s25 =	sadd.s32 $0x7E00, s18;
	s26 =	sadd.s32 $0x8200, s18;
	s20 =	sadd.s32 $0x800, s1  }
0x59c: {  	[tilespmem:s21], [sflag:$0x1] =	stream.linear.gather [spmem:s20], $0x80, $0x38;
	[tilespmem:$0x1A500] =	vst v63  }
0x59d: {  	s28 =	sadd.s32 $0x6E80, s18;
	s22 =	sadd.s32 $0xC00, s1;
	s2 =	smul.u32 $0x6000, s14  }
0x59e: {  	[tilespmem:s23], [sflag:$0x1] =	stream.linear.gather [spmem:s22], $0x80, $0x38;
	[tilespmem:$0x1A500] =	vst v63  }
0x59f: {  	s29 =	spop (v2sf);
	s24 =	sadd.s32 $0x1000, s1;
	s2 =	sshra.s32 s2, $0x2  }
0x5a0: {  	[tilespmem:s25], [sflag:$0x1] =	stream.linear.gather [spmem:s24], $0x80, $0x38;
	[tilespmem:$0x1A500] =	vst v63  }
0x5a1: {  	s3 =	sand.u32 $0x380, s16;
	s1 =	sadd.s32 $0x1400, s1;
	s2 =	sadd.s32 s2, s6  }
0x5a2: {  	[tilespmem:s26], [sflag:$0x1] =	stream.linear.gather [spmem:s1], $0x80, $0x38;
	[tilespmem:$0x1A500] =	vst v63  }
0x5a3: {  	s30 =	sadd.s32 $0x7280, s18;
	s31 =	sshrl.u32 s29, $0x3;
	s2 =	sadd.s32 s3, s2  }
0x5a4: {  	[tilespmem:s28], [sflag:$0x1] =	stream.linear.gather [spmem:s2], $0x80, $0x38;
	[tilespmem:$0x1A500] =	vst v63  }
0x5a5: {  	s16 =	spop (v2sf);
	s11 =	sadd.s32 $0x7680, s18;
	s3 =	sadd.s32 $0x400, s2  }
0x5a6: {  	[tilespmem:s30], [sflag:$0x1] =	stream.linear.gather [spmem:s3], $0x80, $0x38;
	[tilespmem:$0x1A500] =	vst v63  }
0x5a7: {  	s13 =	sadd.s32 $0x7A80, s18;
	s15 =	sadd.s32 $0x7E80, s18;
	s10 =	sadd.s32 $0x800, s2  }
0x5a8: {  	[tilespmem:s11], [sflag:$0x1] =	stream.linear.gather [spmem:s10], $0x80, $0x38;
	[tilespmem:$0x1A500] =	vst v63  }
0x5a9: {  	s17 =	sadd.s32 $0x8280, s18;
	s12 =	sadd.s32 $0xC00, s2;
	s3 =	smul.u32 $0x6000, s31  }
0x5aa: {  	[tilespmem:s13], [sflag:$0x1] =	stream.linear.gather [spmem:s12], $0x80, $0x38;
	[tilespmem:$0x1A500] =	vst v63  }
0x5ab: {  	s14 =	sadd.s32 $0x1000, s2;
	s1 =	sshll.u32 s29, $0x7;
	s3 =	sshra.s32 s3, $0x2  }
0x5ac: {  	(v2sf) =	vpush v63, $0xE;
	[tilespmem:s15], [sflag:$0x1] =	stream.linear.gather [spmem:s14], $0x80, $0x38;
	[tilespmem:$0x1A500] =	vst v63  }
0x5ad: {  	s1 =	sand.u32 $0x380, s1;
	s2 =	sadd.s32 $0x1400, s2;
	s3 =	sadd.s32 s3, s6  }
0x5ae: {  	[tilespmem:s17], [sflag:$0x1] =	stream.linear.gather [spmem:s2], $0x80, $0x38;
	[tilespmem:$0x1A500] =	vst v63  }
0x5af: {  	s19 =	sshrl.u32 s16, $0x3;
	s20 =	sadd.s32 $0x6F00, s18;
	s1 =	sadd.s32 s1, s3  }
0x5b0: {  	[tilespmem:s20], [sflag:$0x1] =	stream.linear.gather [spmem:s1], $0x80, $0x38;
	[tilespmem:$0x1A500] =	vst v63  }
0x5b1: {  	s21 =	sshll.u32 s16, $0x7;
	s23 =	sadd.s32 $0x7300, s18;
	s22 =	sadd.s32 $0x400, s1  }
0x5b2: {  	[tilespmem:s23], [sflag:$0x1] =	stream.linear.gather [spmem:s22], $0x80, $0x38;
	[tilespmem:$0x1A500] =	vst v63  }
0x5b3: {  	s25 =	sadd.s32 $0x7700, s18;
	s28 =	sadd.s32 $0x7B00, s18;
	s24 =	sadd.s32 $0x800, s1  }
0x5b4: {  	[tilespmem:s25], [sflag:$0x1] =	stream.linear.gather [spmem:s24], $0x80, $0x38;
	[tilespmem:$0x1A500] =	vst v63  }
0x5b5: {  	s30 =	sadd.s32 $0x7F00, s18;
	s26 =	sadd.s32 $0xC00, s1;
	s2 =	smul.u32 $0x6000, s19  }
0x5b6: {  	[tilespmem:s28], [sflag:$0x1] =	stream.linear.gather [spmem:s26], $0x80, $0x38;
	[tilespmem:$0x1A500] =	vst v63  }
0x5b7: {  	s31 =	sadd.s32 $0x8300, s18;
	s29 =	sadd.s32 $0x1000, s1;
	s2 =	sshra.s32 s2, $0x2  }
0x5b8: {  	[tilespmem:s30], [sflag:$0x1] =	stream.linear.gather [spmem:s29], $0x80, $0x38;
	[tilespmem:$0x1A500] =	vst v63  }
0x5b9: {  	s3 =	sand.u32 $0x380, s21;
	s1 =	sadd.s32 $0x1400, s1;
	s2 =	sadd.s32 s2, s6  }
0x5ba: {  	[tilespmem:s31], [sflag:$0x1] =	stream.linear.gather [spmem:s1], $0x80, $0x38;
	[tilespmem:$0x1A500] =	vst v63  }
0x5bb: {  	s16 =	sadd.s32 $0x7B80, s18;
	s11 =	spop (v2sf);
	s2 =	sadd.s32 s3, s2  }
0x5bc: {  	(v2sf) =	vpush v63, $0xF;
	[tilespmem:s4], [sflag:$0x1] =	stream.linear.gather [spmem:s2], $0x80, $0x38;
	[tilespmem:$0x1A500] =	vst v63  }
0x5bd: {  	s10 =	sadd.s32 $0x7380, s18;
	s13 =	sadd.s32 $0x7780, s18;
	s5 =	sadd.s32 $0x400, s2  }
0x5be: {  	[tilespmem:s10], [sflag:$0x1] =	stream.linear.gather [spmem:s5], $0x80, $0x38;
	[tilespmem:$0x1A500] =	vst v63  }
0x5bf: {  	s14 =	sshrl.u32 s11, $0x3;
	s19 =	sadd.s32 $0x7F80, s18;
	s12 =	sadd.s32 $0x800, s2  }
0x5c0: {  	[tilespmem:s13], [sflag:$0x1] =	stream.linear.gather [spmem:s12], $0x80, $0x38;
	[tilespmem:$0x1A500] =	vst v63  }
0x5c1: {  	s20 =	sadd.s32 $0x8380, s18;
	s3 =	smul.u32 $0x6000, s14;
	s15 =	sadd.s32 $0xC00, s2  }
0x5c2: {  	[tilespmem:s16], [sflag:$0x1] =	stream.linear.gather [spmem:s15], $0x80, $0x38;
	[tilespmem:$0x1A500] =	vst v63  }
0x5c3: {  	s17 =	sadd.s32 $0x1000, s2;
	s3 =	sshra.s32 s3, $0x2;
	s1 =	sshll.u32 s11, $0x7  }
0x5c4: {  	[tilespmem:s19], [sflag:$0x1] =	stream.linear.gather [spmem:s17], $0x80, $0x38;
	[tilespmem:$0x1A500] =	vst v63  }
0x5c5: {  	s3 =	sadd.s32 s3, s6;
	s1 =	sand.u32 $0x380, s1;
	s2 =	sadd.s32 $0x1400, s2  }
0x5c6: {  	[tilespmem:s20], [sflag:$0x1] =	stream.linear.gather [spmem:s2], $0x80, $0x38;
	[tilespmem:$0x1A500] =	vst v63  }
0x5c7: {  	s21 =	sadd.s32 $0x7000, s18;
	s1 =	sadd.s32 s1, s3  }
0x5c8: {  	[tilespmem:s21], [sflag:$0x1] =	stream.linear.gather [spmem:s1], $0x80, $0x38;
	[tilespmem:$0x1A500] =	vst v63  }
0x5c9: {  	s23 =	sadd.s32 $0x7400, s18;
	s25 =	sadd.s32 $0x7800, s18;
	s22 =	sadd.s32 $0x400, s1  }
0x5ca: {  	[tilespmem:s23], [sflag:$0x1] =	stream.linear.gather [spmem:s22], $0x80, $0x38;
	[tilespmem:$0x1A500] =	vst v63  }
0x5cb: {  	s28 =	sadd.s32 $0x7C00, s18;
	s29 =	spop (v2sf);
	s24 =	sadd.s32 $0x800, s1  }
0x5cc: {  	[tilespmem:s25], [sflag:$0x1] =	stream.linear.gather [spmem:s24], $0x80, $0x38;
	[tilespmem:$0x1A500] =	vst v63  }
0x5cd: {  	s31 =	sadd.s32 $0x8000, s18;
	s26 =	sadd.s32 $0xC00, s1;
	s5 =	sshrl.u32 s29, $0x3  }
0x5ce: {  	[tilespmem:s28], [sflag:$0x1] =	stream.linear.gather [spmem:s26], $0x80, $0x38;
	[tilespmem:$0x1A500] =	vst v63  }
0x5cf: {  	s11 =	sshll.u32 s29, $0x7;
	s30 =	sadd.s32 $0x1000, s1;
	s3 =	smul.u32 $0x6000, s5  }
0x5d0: {  	[tilespmem:s31], [sflag:$0x1] =	stream.linear.gather [spmem:s30], $0x80, $0x38;
	[tilespmem:$0x1A500] =	vst v63  }
0x5d1: {  	s10 =	sadd.s32 $0x8400, s18;
	s12 =	sshra.s32 s3, $0x2;
	s1 =	sadd.s32 $0x1400, s1  }
0x5d2: {  	[tilespmem:s10], [sflag:$0x1] =	stream.linear.gather [spmem:s1], $0x80, $0x38;
	[tilespmem:$0x1A500] =	vst v63  }
0x5d3: {  	s2 =	sadd.s32 s12, s6;
	s1 =	sand.u32 $0x380, s11  }
0x5d4: {  	s13 =	sadd.s32 $0x7080, s18;
	s1 =	sadd.s32 s1, s2  }
0x5d5: {  	[tilespmem:s13], [sflag:$0x1] =	stream.linear.gather [spmem:s1], $0x80, $0x38;
	[tilespmem:$0x1A500] =	vst v63  }
0x5d6: {  	s14 =	sadd.s32 $0x7480, s18;
	s2 =	sadd.s32 $0x400, s1  }
0x5d7: {  	[tilespmem:s14], [sflag:$0x1] =	stream.linear.gather [spmem:s2], $0x80, $0x38;
	[tilespmem:$0x1A500] =	vst v63  }
0x5d8: {  	s16 =	sadd.s32 $0x7880, s18;
	s15 =	sadd.s32 $0x800, s1  }
0x5d9: {  	[tilespmem:s16], [sflag:$0x1] =	stream.linear.gather [spmem:s15], $0x80, $0x38;
	[tilespmem:$0x1A500] =	vst v63  }
0x5da: {  	s19 =	sadd.s32 $0x7C80, s18;
	s17 =	sadd.s32 $0xC00, s1  }
0x5db: {  	[tilespmem:s19], [sflag:$0x1] =	stream.linear.gather [spmem:s17], $0x80, $0x38;
	[tilespmem:$0x1A500] =	vst v63  }
0x5dc: {  	s21 =	sadd.s32 $0x8080, s18;
	s20 =	sadd.s32 $0x1000, s1  }
0x5dd: {  	[tilespmem:s21], [sflag:$0x1] =	stream.linear.gather [spmem:s20], $0x80, $0x38;
	[tilespmem:$0x1A500] =	vst v63  }
0x5de: {  	s22 =	sadd.s32 $0x8480, s18;
	s23 =	simm.s32 $0x1;
	s1 =	sadd.s32 $0x1400, s1  }
0x5df: {  	[tilespmem:s22], [sflag:$0x1] =	stream.linear.gather [spmem:s1], $0x80, $0x38;
	[tilespmem:$0x1A500] =	vst v63  }
0x5e0: {  	_ =	swait.ge [sflag:s23], $0x300  }
0x5e1: {  	[sflag:s23] =	ssyncset.done $0x0  }
0x5e2: {  	[sflag:s23] =	ssyncadd.s32 $0xFFFFFD00  }
0x5e3: {  	_ =	swait.ge [sflag:s23], $0x300  }
0x5e4: {  	[sflag:s23] =	ssyncset.done $0x0  }
0x5e5: {  	[sflag:s23] =	ssyncadd.s32 $0xFFFFFD00  }
0x5e6: {  	_ =	swait.ge [sflag:s23], $0x300  }
0x5e7: {  	[sflag:s23] =	ssyncset.done $0x0  }
0x5e8: {  	[sflag:s23] =	ssyncadd.s32 $0xFFFFFD00  }
0x5e9: {  	_ =	swait.ge [sflag:s23], $0x300  }
0x5ea: {  	[sflag:s23] =	ssyncset.done $0x0  }
0x5eb: {  	[sflag:s23] =	ssyncadd.s32 $0xFFFFFD00  }
0x5ec: {  	_ =	swait.ge [sflag:s23], $0x300  }
0x5ed: {  	[sflag:s23] =	ssyncset.done $0x0  }
0x5ee: {  	[sflag:s23] =	ssyncadd.s32 $0xFFFFFD00  }
0x5ef: {  	_ =	swait.ge [sflag:s23], $0x300  }
0x5f0: {  	[sflag:s23] =	ssyncset.done $0x0  }
0x5f1: {  	[sflag:s23] =	ssyncadd.s32 $0xFFFFFD00  }
0x5f2: {  	_ =	swait.ge [sflag:s23], $0x300  }
0x5f3: {  	[sflag:s23] =	ssyncset.done $0x0  }
0x5f4: {  	[sflag:s23] =	ssyncadd.s32 $0xFFFFFD00  }
0x5f5: {  	_ =	swait.ge [sflag:s23], $0x300  }
0x5f6: {  	[sflag:s23] =	ssyncset.done $0x0  }
0x5f7: {  	[sflag:s23] =	ssyncadd.s32 $0xFFFFFD00  }
0x5f8: {  	_ =	swait.ge [sflag:s23], $0x300  }
0x5f9: {  	[sflag:s23] =	ssyncset.done $0x0  }
0x5fa: {  	[sflag:s23] =	ssyncadd.s32 $0xFFFFFD00  }
0x5fb: {  	_ =	swait.ge [sflag:s23], $0x300  }
0x5fc: {  	[sflag:s23] =	ssyncset.done $0x0  }
0x5fd: {  	[sflag:s23] =	ssyncadd.s32 $0xFFFFFD00  }
0x5fe: {  	_ =	swait.ge [sflag:s23], $0x300  }
0x5ff: {  	[sflag:s23] =	ssyncset.done $0x0  }
0x600: {  	[sflag:s23] =	ssyncadd.s32 $0xFFFFFD00  }
0x601: {  	_ =	swait.ge [sflag:s23], $0x300  }
0x602: {  	[sflag:s23] =	ssyncset.done $0x0  }
0x603: {  	[sflag:s23] =	ssyncadd.s32 $0xFFFFFD00  }
0x604: {  	_ =	swait.ge [sflag:s23], $0x300  }
0x605: {  	[sflag:s23] =	ssyncset.done $0x0  }
0x606: {  	[sflag:s23] =	ssyncadd.s32 $0xFFFFFD00  }
0x607: {  	_ =	swait.ge [sflag:s23], $0x300  }
0x608: {  	[sflag:s23] =	ssyncset.done $0x0  }
0x609: {  	[sflag:s23] =	ssyncadd.s32 $0xFFFFFD00  }
0x60a: {  	_ =	swait.ge [sflag:s23], $0x300  }
0x60b: {  	[sflag:s23] =	ssyncset.done $0x0  }
0x60c: {  	[sflag:s23] =	ssyncadd.s32 $0xFFFFFD00  }
0x60d: {  	_ =	swait.ge [sflag:s23], $0x300  }
0x60e: {  	[sflag:s23] =	ssyncset.done $0x0  }
0x60f: {  	[sflag:s23] =	ssyncadd.s32 $0xFFFFFD00  }
0x610: {  	_ =	swait.ge [sflag:s23], $0x300  }
0x611: {  	[sflag:s23] =	ssyncset.done $0x0  }
0x612: {  	[sflag:s23] =	ssyncadd.s32 $0xFFFFFD00  }
0x613: {  	_ =	swait.ge [sflag:s23], $0x300  }
0x614: {  	[sflag:s23] =	ssyncset.done $0x0  }
0x615: {  	[sflag:s23] =	ssyncadd.s32 $0xFFFFFD00  }
0x616: {  	_ =	swait.ge [sflag:s23], $0x300  }
0x617: {  	[sflag:s23] =	ssyncset.done $0x0  }
0x618: {  	[sflag:s23] =	ssyncadd.s32 $0xFFFFFD00  }
0x619: {  	_ =	swait.ge [sflag:s23], $0x300  }
0x61a: {  	[sflag:s23] =	ssyncset.done $0x0  }
0x61b: {  	[sflag:s23] =	ssyncadd.s32 $0xFFFFFD00  }
0x61c: {  	_ =	swait.ge [sflag:s23], $0x300  }
0x61d: {  	[sflag:s23] =	ssyncset.done $0x0  }
0x61e: {  	[sflag:s23] =	ssyncadd.s32 $0xFFFFFD00  }
0x61f: {  	_ =	swait.ge [sflag:s23], $0x300  }
0x620: {  	[sflag:s23] =	ssyncset.done $0x0  }
0x621: {  	[sflag:s23] =	ssyncadd.s32 $0xFFFFFD00  }
0x622: {  	_ =	swait.ge [sflag:s23], $0x300  }
0x623: {  	[sflag:s23] =	ssyncset.done $0x0  }
0x624: {  	[sflag:s23] =	ssyncadd.s32 $0xFFFFFD00  }
0x625: {  	_ =	swait.ge [sflag:s23], $0x300  }
0x626: {  	[sflag:s23] =	ssyncset.done $0x0  }
0x627: {  	[sflag:s23] =	ssyncadd.s32 $0xFFFFFD00  }
0x628: {  	_ =	swait.ge [sflag:s23], $0x300  }
0x629: {  	[sflag:s23] =	ssyncset.done $0x0  }
0x62a: {  	[sflag:s23] =	ssyncadd.s32 $0xFFFFFD00  }
0x62b: {  	_ =	swait.ge [sflag:s23], $0x300  }
0x62c: {  	[sflag:s23] =	ssyncset.done $0x0  }
0x62d: {  	[sflag:s23] =	ssyncadd.s32 $0xFFFFFD00  }
0x62e: {  	_ =	swait.ge [sflag:s23], $0x300  }
0x62f: {  	[sflag:s23] =	ssyncset.done $0x0  }
0x630: {  	[sflag:s23] =	ssyncadd.s32 $0xFFFFFD00  }
0x631: {  	_ =	swait.ge [sflag:s23], $0x300  }
0x632: {  	[sflag:s23] =	ssyncset.done $0x0  }
0x633: {  	[sflag:s23] =	ssyncadd.s32 $0xFFFFFD00  }
0x634: {  	_ =	swait.ge [sflag:s23], $0x300  }
0x635: {  	[sflag:s23] =	ssyncset.done $0x0  }
0x636: {  	[sflag:s23] =	ssyncadd.s32 $0xFFFFFD00  }
0x637: {  	_ =	swait.ge [sflag:s23], $0x300  }
0x638: {  	[sflag:s23] =	ssyncset.done $0x0  }
0x639: {  	[sflag:s23] =	ssyncadd.s32 $0xFFFFFD00  }
0x63a: {  	_ =	swait.ge [sflag:s23], $0x300  }
0x63b: {  	[sflag:s23] =	ssyncset.done $0x0  }
0x63c: {  	[sflag:s23] =	ssyncadd.s32 $0xFFFFFD00  }
0x63d: {  	_ =	swait.ge [sflag:s23], $0x300  }
0x63e: {  	[sflag:s23] =	ssyncset.done $0x0  }
0x63f: {  	s24 =	sadd.s32 $0x2, s8;
	s25 =	simm.s32 $0x2;
	[sflag:s23] =	ssyncadd.s32 $0xFFFFFD00  }
0x640: {  	[hbm4b:s9+s7] =	stream.linear.scatter [tilespmem:s0], [sflag:s24], $0x6000, $0x38;
	[tilespmem:$0x1A500] =	vst v63  }
0x641: {  	_ =	swait.ge [sflag:s25], $0x6000  }
0x642: {  	[sflag:s25] =	ssyncset.done $0x0  }
0x643: {  	s26 =	simm.s32 $0x3;
	[sflag:s25] =	ssyncadd.s32 $0xFFFFA000  }
0x644: {  	_ =	swait.ge [sflag:s26], $0x6000  }
0x645: {  	[sflag:s26] =	ssyncset.done $0x0  }
0x646: {  	s28 =	simm.s32 $0x4;
	[sflag:s26] =	ssyncadd.s32 $0xFFFFA000  }
0x647: {  	_ =	swait.ge [sflag:s28], $0x6000  }
0x648: {  	[sflag:s28] =	ssyncset.done $0x0  }
0x649: {  	s29 =	simm.s32 $0x5;
	[sflag:s28] =	ssyncadd.s32 $0xFFFFA000  }
0x64a: {  	_ =	swait.ge [sflag:s29], $0x6000  }
0x64b: {  	s30 =	sld [smem:$0x7F8]  }
0x64c: {  	s31 =	sld [smem:$0x7FB];
	_ =	sdelay $0x1  }
0x64d: {  	s2 =	sadd.s32 $0x1, s30  }
0x64e: {  	p1 =	sne.s32 s2, s31  }
.Ltmp1:
0x64f: {  	_ = 	snop;
	(pc) =	sbr.rel @p1 .LBB2_1-.Ltmp1, $3  }
0x650: {  	_ =	sdelay $0x1  }
0x651: {  	[sflag:s29] =	ssyncset.done $0x0  }
0x652: {  	[sflag:s29] =	ssyncadd.s32 $0xFFFFA000  }
0x653: {  	_ =	sfence.sel $0x180000  }
0x654: {  	[bflag:$0x0] =	sbarrier.arrive $0xFFFF  }
0x655: {  	_ =	strace $0x90000047  }
0x656: {  	[bflag:$0x2] =	sbarrier.arrive $0xFFFF  }
0x657: {  	s0 =	rddreg [dreg:$0x3]  }
0x658: {  	s0 =	sadd.s32 @!p0 $0x100000, s0  }
0x659: {  	[sflag:s0] =	ssyncadd.tile.s32 @!p0 $0x1;
	_ =	shalt  }
.Lfunc_end2:
_tile_overlayer_lowered:
.L_overlay_start_2:
0x65a: {  	(tag) =	ssettag $0x2  }
0x65b: {  	s0 =	rddreg [dreg:$0x0];
	s2 =	stileid.u32  }
0x65c: {  	s1 =	rddreg [dreg:$0x1];
	p0 =	sne.s32 s2, $0x0  }
0x65d: {  	s3 =	rddreg [dreg:$0x2];
	[bflag:$0x3] =	sbarrier.arrive $0xFFFF;
	s2 =	simm.s32 @!p0 $0x1C06  }
0x65e: {  	[timem:s3], [sflag:s2] =	dma.local @!p0 [hbm:s0], s1  }
0x65f: {  	s0 =	simm.s32 @!p0 $0x6  }
0x660: {  	_ =	swait.ge @!p0 [sflag:s0], s1  }
0x661: {  	s1 =	ssub.s32 @!p0 $0x0, s1;
	[sflag:s0] =	ssyncset.done @!p0 $0x0  }
0x662: {  	[sflag:s0] =	ssyncadd.s32 @!p0 s1  }
0x663: {  	[bflag:$0x3] =	sbarrier.arrive $0xFFFF  }
0x664: {  	_ =	shalt  }

// kernel: sparse-core-data-format-call.cloned.1.call-start
scs
called_computation_lowered:
.L_overlay_start_0:
0x0: {  	s2 =	sld [smem:$0x3FD9]  }
0x1: {  	s3 =	sld [smem:$0x3FFE];
	_ =	sdelay $0x1  }
0x2: {  	s1 =	srdreg.scid  }
0x3: {  	s0 =	sand.u32 $0x1, s1  }
0x4: {  	s18 =	sshll.u32 s0, $0xA;
	s2 =	sadd.s32 s3, s2  }
0x5: {  	s2 =	sadd.s32 s2, s18  }
0x6: {  	[smem:$0x3FC4] =	sst s2  }
0x7: {  	_ = 	snop  }
0x8: {  	s2 =	sld [smem:$0x3FD0];
	(tm) =	ssettm $0x1  }
0x9: {  	s19 =	sld [smem:$0x3FFB];
	_ =	sdelay $0x3  }
0xa: {  	_ =	strace s19  }
0xb: {  	s3 =	sld [smem:$0x3FFC];
	_ =	sdelay $0x3  }
0xc: {  	_ =	strace s3  }
0xd: {  	s3 =	sld [smem:$0x3FFD];
	_ =	sdelay $0x3  }
0xe: {  	_ =	strace s3  }
0xf: {  	_ =	strace $0x8FFFFFFF  }
0x10: {  	s20 =	sld [smem:$0x3FDB];
	_ =	sdelay $0x1  }
0x11: {  	s4 =	simm.s32 $_scs_section_size  }
0x12: {  	s5 =	simm.s32 $_size__tile_overlayer_lowered;
	s6 =	simm.s32 $_tile_overlayer_lowered  }
0x13: {  	s23 =	simm.s32 $0x1BFF;
	s22 =	sshll.u32 s6, $0x1;
	s3 =	sadd.s32 s4, s20  }
0x14: {  	s7 =	simm.s32 $0x0;
	s21 =	sshll.u32 s5, $0x1;
	s5 =	sadd.s32 s22, s3  }
0x15: {  	[timem:s7], [sflag:s23] =	dma.local [hbm:s5], s21  }
0x16: {  	_ =	swait.ge [sflag:s23], s21  }
0x17: {  	s4 =	ssub.s32 $0x0, s21;
	[sflag:s23] =	ssyncset.done $0x0  }
0x18: {  	[sflag:s23] =	ssyncadd.s32 s4;
	_ =	sdelay $0x1  }
0x19: {  	s24 =	simm.s32 $0x1B8B  }
0x1a: {  	_ =	swait.ge [sflag:s24], $0x1  }
0x1b: {  	[sflag:s24] =	ssyncset.done $0x0  }
0x1c: {  	s26 =	simm.s32 $0x1B8E;
	s25 =	sld [smem:$0x3FFE];
	[sflag:s24] =	ssyncadd.s32 $0xFFFFFFFF  }
0x1d: {  	s27 =	simm.s32 $execute0_lowered;
	[smem:$0x3FD2] =	sst s26  }
0x1e: {  	s5 =	sshll.u32 s27, $0x1;
	_ =	strace $0x80000049;
	[dreg:$0x1] =	wrdreg $0xFFFFFFFF  }
0x1f: {  	s28 =	simm.s32 $_size_execute0_lowered;
	s3 =	sadd.s32 s3, s5;
	[dreg:$0x0] =	wrdreg $0x0  }
0x20: {  	s5 =	sshll.u32 s28, $0x1;
	[dreg:$0x2] =	wrdreg s3  }
0x21: {  	[dreg:$0x3] =	wrdreg s5  }
0x22: {  	[dreg:$0x4] =	wrdreg $0xC0  }
0x23: {  	_ =	task [dreg:s7], $0x5FFFF  }
0x24: {  	[dreg:$0x1] =	wrdreg $0xFFFFFFFF  }
0x25: {  	[dreg:$0x0] =	wrdreg $0x60  }
0x26: {  	[dreg:$0x2] =	wrdreg s25  }
0x27: {  	[dreg:$0x3] =	wrdreg s2  }
0x28: {  	[dreg:$0x4] =	wrdreg $0x9  }
0x29: {  	_ =	task.clear_ibuf [dreg:s7], $0x5FFFF;
	_ =	strace $0x90000049  }
0x2a: {  	s29 =	simm.s32 $0x9;
	_ =	strace $0x8000004B  }
0x2b: {  	_ =	swait.ge [sflag:s29], $0x1  }
0x2c: {  	[sflag:s29] =	ssyncadd.s32 $0xFFFFFFFF  }
0x2d: {  	_ =	strace $0x9000004B  }
0x2e: {  	_ =	sfence  }
0x2f: {  	s30 =	sld [smem:$0x0];
	_ =	sdelay $0x2  }
0x30: {  	s31 =	sshll.u32 s1, $0xD;
	s1 =	sshrl.u32 s1, $0x2  }
0x31: {  	s3 =	sand.u32 $0x4000, s31;
	s1 =	sadd.s32 s1, s30  }
0x32: {  	s0 =	sor.u32 s3, s0;
	s1 =	sshll.u32 s1, $0x11  }
0x33: {  	s0 =	sor.u32 s1, s0  }
0x34: {  	s0 =	sadd.s32 $0x8F2B, s0  }
0x35: {  	[sflag:s0] =	ssyncadd.remote.s32 $0x1  }
0x36: {  	_ =	sfence.sel $0xFFFF  }
0x37: {  	[dreg:$0x0] =	wrdreg $0xFFFFFFFF;
	(pc) =	sbr.abs _section_cstart, $3  }
0x38: {  	[dreg:$0x1] =	wrdreg $0xFFFFFFFF  }
0x39: {  	_ =	task.clear_ibuf [dreg:s7], $0x2FFFF;
	_ =	strace $0x9FFFFFFF  }
0x3a: {  	(tm) =	ssettm $0x7FFFFFFF  }
0x3b: {  	_ =	shalt  }
tec
execute0_lowered:
.L_overlay_start_1:
0x0: {  	(tag) =	ssettag $0x1  }
0x1: {  	s0 =	srdreg.scid  }
0x2: {  	s1 =	sshll.u32 s0, $0x4  }
0x3: {  	s6 =	rddreg [dreg:$0x0];
	s0 =	stileid.u32;
	s1 =	sand.u32 $0x10, s1  }
0x4: {  	s3 =	rddreg [dreg:$0x1];
	s1 =	sor.u32 s0, s1  }
0x5: {  	s5 =	simm.s32 $0x1;
	s31 =	simm.s32 $0x2;
	s2 =	sshll.u32 s1, $0x7  }
0x6: {  	s15 =	simm.s32 $0x0;
	s8 =	simm.s32 $0x1800;
	s4 =	ssub.s32 $0x1000, s2  }
0x7: {  	s9 =	simm.s32 $0x0;
	s14 =	simm.s32 $0x0;
	s30 =	sand.u32 $0xF80, s4  }
0x8: {  	s16 =	simm.s32 $0x0;
	s10 =	simm.s32 $0x0;
	p0 =	sne.s32 s30, $0x0  }
.Ltmp0:
0x9: {  	s7 =	sshrl.u32 s4, $0xC;
	s5 =	simm.s32 @!p0 $0x0;
	(pc) =	sbr.rel .LBB1_1-.Ltmp0, $4  }
0xa: {  	s11 =	simm.s32 $0x0;
	s1 =	rddreg [dreg:$0x2];
	s5 =	sadd.s32 s5, s7  }
0xb: {  	_ =	strace $0x8000004A;
	s4 =	simm.s32 $0x1;
	s5 =	smul.u32 $0x12C, s5  }
0xc: {  	s13 =	simm.s32 $0x0;
	s6 =	sadd.s32 $0xC00, s6;
	[sflag:s4] =	ssyncpa.u1 $0x0  }
0xd: {  	s12 =	smov.u32 s2;
	[sflag:s31] =	ssyncpa.u1 $0x0;
	s7 =	sor.u32 $0x1, s5  }
.LBB1_4:
0xe: {  	_ =	sdelay $0x2  }
0xf: {  	s20 =	sshrl.u32 s16, $0x3  }
0x10: {  	[tilespmem:v0+s19+$0xFFFFFFD0 ss:$0x1] =	vst.idx.msk $0xffff, v7;
	s21 =	sshll.u32 s15, $0x3;
	s20 =	smul.u32 $0x1800, s20  }
0x11: {  	v56 =	vld.idx.msk [tilespmem:v1+s18+$0x0 ss:$0x1], $0xffff;
	[tilespmem:v0+s19+$0xFFFFFFE0 ss:$0x1] =	vst.idx.msk $0xffff, v5;
	s27 =	sshll.u32 s16, $0x7;
	s21 =	sand.u32 $0xFFFFFC00, s21  }
0x12: {  	v57 =	vld.idx.msk [tilespmem:v1+s18+$0xFFFFFF90 ss:$0x1], $0xffff;
	[tilespmem:v0+s19+$0xFFFFFFF0 ss:$0x1] =	vst.idx.msk $0xffff, v4;
	s16 =	sand.u32 $0x380, s27;
	s20 =	sadd.s32 s20, s21  }
0x13: {  	v58 =	vld.idx.msk [tilespmem:v1+s18+$0xFFFFFFA0 ss:$0x1], $0xffff;
	[tilespmem:v0+s19+$0x0 ss:$0x1] =	vst.idx.msk $0xffff, v2;
	s28 =	sand.u32 $0x7F, s15;
	s16 =	sor.u32 s16, s20  }
0x14: {  	v59 =	vld.idx.msk [tilespmem:v1+s18+$0xFFFFFFB0 ss:$0x1], $0xffff;
	[tilespmem:v0+s19+$0x10 ss:$0x1] =	vst.idx.msk $0xffff, v3;
	s15 =	sor.u32 s28, s16  }
0x15: {  	v60 =	vld.idx.msk [tilespmem:v1+s18+$0xFFFFFFC0 ss:$0x1], $0xffff;
	[tilespmem:v0+s19+$0x20 ss:$0x1] =	vst.idx.msk $0xffff, v6;
	s29 =	smulhi.u32 $0xAAAAAAAB, s15  }
0x16: {  	v61 =	vld.idx.msk [tilespmem:v1+s18+$0xFFFFFFD0 ss:$0x1], $0xffff;
	[tilespmem:v0+s18+$0x30 ss:$0x1] =	vst.idx.msk $0xffff, v56;
	s16 =	smulhi.u32 $0xAAAAAAAB, s16  }
0x17: {  	v62 =	vld.idx.msk [tilespmem:v1+s18+$0xFFFFFFE0 ss:$0x1], $0xffff;
	[tilespmem:v0+s18+$0xFFFFFFC0 ss:$0x1] =	vst.idx.msk $0xffff, v57;
	s19 =	sshrl.u32 s29, $0x9  }
0x18: {  	v63 =	vld.idx.msk [tilespmem:v1+s18+$0xFFFFFFF0 ss:$0x1], $0xffff;
	[tilespmem:v0+s18+$0xFFFFFFD0 ss:$0x1] =	vst.idx.msk $0xffff, v58;
	s16 =	sshrl.u32 s16, $0x9;
	s19 =	smul.u32 $0x300, s19  }
0x19: {  	s14 =	smul.u32 $0x60000, s14;
	[tilespmem:v0+s18+$0xFFFFFFE0 ss:$0x1] =	vst.idx.msk $0xffff, v59;
	s16 =	sand.u32 $0xFFF, s16  }
0x1a: {  	[tilespmem:v0+s18+$0xFFFFFFF0 ss:$0x1] =	vst.idx.msk $0xffff, v60;
	s16 =	smul.u32 $0x60, s16;
	s15 =	ssub.s32 s15, s19  }
0x1b: {  	s14 =	sadd.s32 s3, s14;
	[tilespmem:v0+s18+$0x0 ss:$0x1] =	vst.idx.msk $0xffff, v61;
	s19 =	sand.u32 $0x7, s15  }
0x1c: {  	[tilespmem:v0+s18+$0x10 ss:$0x1] =	vst.idx.msk $0xffff, v62;
	s14 =	sadd.s32 s16, s14;
	s15 =	sshrl.u32 s15, $0x3;
	s30 =	sshll.u32 s19, $0x12  }
0x1d: {  	[tilespmem:v0+s18+$0x20 ss:$0x1] =	vst.idx.msk $0xffff, v63;
	s14 =	sadd.s32 s15, s14;
	s31 =	sor.u32 $0x400, s30  }
0x1e: {  	[hbm4b:s14+s31] =	stream.strided.scatter [tilespmem:s17], [sflag:$0x2], $0x4000, s8, s31, $0x38;
	[tilespmem:$0x10000] =	vst v63  }
.LBB1_5:
0x1f: {  	s17 =	sadd.s32 $0x80, s10  }
0x20: {  	s14 =	simm.s32 $0x1;
	p1 =	sgt.s32 s17, $0x2FF  }
0x21: {  	s14 =	simm.s32 @!p1 $0x0  }
0x22: {  	s18 =	sadd.s32 s14, s11  }
0x23: {  	s20 =	smov.u32 s12;
	s14 =	sadd.s32 $0x1000, s12;
	p2 =	sgt.s32 s18, $0x31  }
0x24: {  	s20 =	smov.u32 @p2 s14  }
0x25: {  	s17 =	simm.s32 @p1 $0x0;
	p1 =	sgt.s32 s20, $0xFFF  }
0x26: {  	p0 =	slt.u32 s13, $0x2;
	s20 =	smov.u32 @p1 s2;
	p1 =	sne.s32 s13, s7  }
.Ltmp1:
0x27: {  	s19 =	simm.s32 @!p0 $0x2;
	(pc) =	sbr.rel @!p1 .LBB1_6-.Ltmp1, $4  }
0x28: {  	s15 =	smov.u32 s10;
	s16 =	smov.u32 s12;
	_ =	swait.ge @!p0 [sflag:s19], $0x4000  }
0x29: {  	s9 =	sadd.s32 $0x4000, s9;
	[sflag:s19] =	ssyncset.done @!p0 $0x0;
	s10 =	smov.u32 s17  }
0x2a: {  	[sflag:s19] =	ssyncadd.s32 @!p0 $0xFFFFC000;
	s18 =	simm.s32 @p2 $0x0;
	s14 =	smov.u32 s11  }
0x2b: {  	s11 =	smov.u32 s18;
	s13 =	sadd.s32 $0x1, s13;
	s12 =	smov.u32 s20  }
.LBB1_1:
0x2c: {  	p0 =	sge.u32 s13, s5  }
0x2d: {  	s17 =	sshrl.u32 @!p0 s11, $0x3  }
0x2e: {  	s18 =	sshll.u32 @!p0 s10, $0x3;
	s17 =	smul.u32 @!p0 $0x1800, s17  }
0x2f: {  	s19 =	sshll.u32 @!p0 s11, $0x7;
	s18 =	sand.u32 @!p0 $0xFFFFFC00, s18  }
0x30: {  	s17 =	sadd.s32 @!p0 s17, s18;
	s18 =	sand.u32 @!p0 $0x380, s19  }
0x31: {  	s17 =	sor.u32 @!p0 s18, s17  }
0x32: {  	s18 =	sand.u32 @!p0 $0x7F, s10;
	s19 =	smulhi.u32 @!p0 $0xAAAAAAAB, s17  }
0x33: {  	s17 =	sor.u32 @!p0 s18, s17  }
0x34: {  	s18 =	smulhi.u32 @!p0 $0xAAAAAAAB, s17;
	s19 =	sshrl.u32 @!p0 s19, $0x9  }
0x35: {  	s20 =	smulhi.u32 @!p0 $0x4924925, s19;
	_ =	sdelay $0x1  }
0x36: {  	s18 =	sshrl.u32 @!p0 s18, $0x9;
	s20 =	smul.u32 @!p0 $0x38, s20  }
0x37: {  	s31 =	sadd.s32 $0xFFFFFFFF, s13;
	s18 =	smul.u32 @!p0 $0x300, s18  }
0x38: {  	s21 =	sxor.u32 @!p0 $0xFFFFFFFF, s13;
	s19 =	ssub.s32 @!p0 s19, s20;
	s20 =	smul.u32 @!p0 $0x1500, s12  }
0x39: {  	s21 =	sshll.u32 @!p0 s21, $0xE;
	s17 =	ssub.s32 @!p0 s17, s18;
	s18 =	smul.u32 @!p0 $0x60, s19  }
0x3a: {  	s19 =	sand.u32 @!p0 $0x4000, s21;
	s21 =	sand.u32 @!p0 $0x7, s17;
	s20 =	sadd.s32 @!p0 s6, s20  }
0x3b: {  	s17 =	sshrl.u32 @!p0 s17, $0x3;
	s18 =	sadd.s32 @!p0 s18, s20;
	s20 =	sshll.u32 @!p0 s21, $0x12  }
0x3c: {  	s17 =	sadd.s32 @!p0 s17, s18;
	s18 =	sor.u32 @!p0 $0x80, s20;
	s20 =	simm.s32 @!p0 $0xA800  }
0x3d: {  	[tilespmem:s19], [sflag:$0x1] =	stream.strided.gather @!p0 [hbm4b:s17+s18], $0x4000, s20, s18, $0x38;
	[tilespmem:$0x10000] =	vst v63  }
0x3e: {  	p0 =	sge.u32 s31, s5  }
.Ltmp2:
0x3f: {  	_ = 	snop;
	(pc) =	sbr.rel @p0 .LBB1_5-.Ltmp2, $1  }
0x40: {  	_ =	sdelay $0x3  }
0x41: {  	s17 =	sand.u32 $0x4000, s9  }
0x42: {  	s18 =	sor.u32 $0x70, s17  }
0x43: {  	v1 =	vmov s18;
	_ =	sdelay $0x1  }
0x44: {  	_ =	swait.ge [sflag:s4], $0x4000  }
0x45: {  	[sflag:s4] =	ssyncset.done $0x0  }
0x46: {  	s19 =	simm.s32 $0x0;
	[sflag:s4] =	ssyncadd.s32 $0xFFFFC000  }
0x47: {  	s17 =	sor.u32 $0x8040, s17;
	v6 =	vld.idx.msk [tilespmem:v1+s19+$0x0 ss:$0x1], $0xffff  }
0x48: {  	v0 =	vmov s17;
	v8 =	vld.idx.msk [tilespmem:v1+s19+$0xFFFFFF90 ss:$0x1], $0xffff  }
0x49: {  	v7 =	vld.idx.msk [tilespmem:v1+s19+$0xFFFFFFA0 ss:$0x1], $0xffff  }
0x4a: {  	v5 =	vld.idx.msk [tilespmem:v1+s19+$0xFFFFFFB0 ss:$0x1], $0xffff  }
0x4b: {  	v4 =	vld.idx.msk [tilespmem:v1+s19+$0xFFFFFFC0 ss:$0x1], $0xffff  }
0x4c: {  	s31 =	sshll.u32 s13, $0xE;
	v2 =	vld.idx.msk [tilespmem:v1+s19+$0xFFFFFFD0 ss:$0x1], $0xffff  }
0x4d: {  	s17 =	sand.u32 $0x4000, s31;
	v3 =	vld.idx.msk [tilespmem:v1+s19+$0xFFFFFFE0 ss:$0x1], $0xffff;
	[tilespmem:v0+s19+$0x30 ss:$0x1] =	vst.idx.msk $0xffff, v6  }
0x4e: {  	s20 =	simm.s32 $0x400;
	s18 =	simm.s32 $0x80;
	s17 =	sor.u32 $0x8000, s17;
	[tilespmem:v0+s19+$0xFFFFFFC0 ss:$0x1] =	vst.idx.msk $0xffff, v8;
	v6 =	vld.idx.msk [tilespmem:v1+s19+$0xFFFFFFF0 ss:$0x1], $0xffff  }
.LBB1_3:
0x4f: {  	p0 =	sne.s32 s20, $0xFE00;
	v8 =	vld.idx.msk [tilespmem:v1+s18+$0x0 ss:$0x1], $0xffff;
	[tilespmem:v0+s19+$0xFFFFFFD0 ss:$0x1] =	vst.idx.msk $0xffff, v7  }
0x50: {  	v9 =	vld.idx.msk [tilespmem:v1+s18+$0xFFFFFF90 ss:$0x1], $0xffff;
	[tilespmem:v0+s19+$0xFFFFFFE0 ss:$0x1] =	vst.idx.msk $0xffff, v5  }
0x51: {  	v7 =	vld.idx.msk [tilespmem:v1+s18+$0xFFFFFFA0 ss:$0x1], $0xffff;
	[tilespmem:v0+s19+$0xFFFFFFF0 ss:$0x1] =	vst.idx.msk $0xffff, v4  }
.Ltmp3:
0x52: {  	v5 =	vld.idx.msk [tilespmem:v1+s18+$0xFFFFFFB0 ss:$0x1], $0xffff;
	[tilespmem:v0+s19+$0x0 ss:$0x1] =	vst.idx.msk $0xffff, v2;
	(pc) =	sbr.rel @p0 .LBB1_3-.Ltmp3, $4  }
0x53: {  	v4 =	vld.idx.msk [tilespmem:v1+s18+$0xFFFFFFC0 ss:$0x1], $0xffff;
	[tilespmem:v0+s19+$0x10 ss:$0x1] =	vst.idx.msk $0xffff, v3  }
0x54: {  	v2 =	vld.idx.msk [tilespmem:v1+s18+$0xFFFFFFD0 ss:$0x1], $0xffff;
	[tilespmem:v0+s19+$0x20 ss:$0x1] =	vst.idx.msk $0xffff, v6;
	s19 =	smov.u32 s18  }
0x55: {  	v3 =	vld.idx.msk [tilespmem:v1+s19+$0xFFFFFFE0 ss:$0x1], $0xffff;
	[tilespmem:v0+s19+$0x30 ss:$0x1] =	vst.idx.msk $0xffff, v8  }
0x56: {  	s18 =	sshra.s32 s20, $0x2;
	s20 =	sadd.s32 $0x200, s20;
	[tilespmem:v0+s19+$0xFFFFFFC0 ss:$0x1] =	vst.idx.msk $0xffff, v9;
	v6 =	vld.idx.msk [tilespmem:v1+s19+$0xFFFFFFF0 ss:$0x1], $0xffff  }
.Ltmp4:
0x57: {  	_ = 	snop;
	(pc) =	sbr.rel .LBB1_4-.Ltmp4, $1  }
0x58: {  	_ =	sdelay $0x3  }
.LBB1_6:
0x59: {  	_ =	sfence.sel $0x180000  }
0x5a: {  	s2 =	simm.s32 $0x1;
	[bflag:$0x0] =	sbarrier.arrive $0xFFFF  }
0x5b: {  	s31 =	simm.s32 $0x2;
	[sflag:s2] =	ssyncpa.u1 $0x1  }
0x5c: {  	[sflag:s31] =	ssyncpa.u1 $0x1  }
0x5d: {  	p0 =	sne.s32 s0, $0x0;
	_ =	strace $0x9000004A  }
0x5e: {  	s0 =	sadd.s32 @!p0 $0x100000, s1;
	[bflag:$0x2] =	sbarrier.arrive $0xFFFF  }
0x5f: {  	[sflag:s0] =	ssyncadd.tile.s32 @!p0 $0x1;
	_ =	shalt  }
.Lfunc_end1:
_tile_overlayer_lowered:
.L_overlay_start_2:
0x60: {  	(tag) =	ssettag $0x2  }
0x61: {  	s0 =	rddreg [dreg:$0x0];
	s2 =	stileid.u32  }
0x62: {  	s1 =	rddreg [dreg:$0x1];
	p0 =	sne.s32 s2, $0x0  }
0x63: {  	s3 =	rddreg [dreg:$0x2];
	[bflag:$0x3] =	sbarrier.arrive $0xFFFF;
	s2 =	simm.s32 @!p0 $0x1C01  }
0x64: {  	[timem:s3], [sflag:s2] =	dma.local @!p0 [hbm:s0], s1  }
0x65: {  	s0 =	simm.s32 @!p0 $0x1  }
0x66: {  	_ =	swait.ge @!p0 [sflag:s0], s1  }
0x67: {  	s1 =	ssub.s32 @!p0 $0x0, s1;
	[sflag:s0] =	ssyncset.done @!p0 $0x0  }
0x68: {  	[sflag:s0] =	ssyncadd.s32 @!p0 s1  }
0x69: {  	[bflag:$0x3] =	sbarrier.arrive $0xFFFF  }
0x6a: {  	_ =	shalt  }

</sc_bundles>
